<compile_context>
chip_gen: v7x
topology: tpu7x:2x2x1
jax: 0.10.2.dev20260603
libtpu: 0.0.44.dev20260713+nightly
codegen_flags: <defaults>
</compile_context>

<pallas_src>
import functools

import jax
import jax.numpy as jnp
from jax import lax
from jax.experimental import pallas as pl
from jax.experimental.pallas import tpu as pltpu
from jax.experimental.pallas import tpu_sc as plsc

NC = 2
NS = 16
L = 16


def _xw_body(x_ref, w_ref, o_ref):
    o_ref[0] = jnp.dot(x_ref[...], w_ref[0], preferred_element_type=jnp.float32)


def _combine_body(p_ref, xws_ref, b_ref, o_ref):
    o_ref[...] = p_ref[0] + p_ref[1] + xws_ref[0] + b_ref[...]


def _make_deg_call(E, N, R):
    RN = R * N
    KB = 80
    NSUB = 25
    KG = NSUB * KB
    EA = E // NS
    DT = 11
    DZ = RN // DT
    assert E % (NS * KG) == 0 and RN % DT == 0
    assert DZ % KG == 0 and DZ % 8 == 0

    mesh = plsc.VectorSubcoreMesh(
        core_axis_name="c", subcore_axis_name="s",
        num_cores=NC, num_subcores=NS)

    @functools.partial(
        pl.kernel, mesh=mesh,
        compiler_params=pltpu.CompilerParams(needs_layout_passes=False),
        out_type=jax.ShapeDtypeStruct((NC * RN,), jnp.float32),
        scratch_types=[
            pltpu.VMEM((KG,), jnp.int32),
            pltpu.VMEM((KG,), jnp.int32),
            pltpu.VMEM((NSUB, KB), jnp.int32),
            pltpu.VMEM((KG,), jnp.float32),
            pltpu.VMEM((KB,), jnp.float32),
            pltpu.VMEM_SHARED((RN,), jnp.float32),
            pltpu.SemaphoreType.DMA,
            pltpu.SemaphoreType.DMA,
            pltpu.SemaphoreType.DMA,
        ],
    )
    def deg_call(src_hbm, et_hbm, out_hbm,
                 srcE, etE, gidx2d, zsrc, onesb, deg_sp, sg0, sg1, semA):
        c = lax.axis_index("c")
        s = lax.axis_index("s")
        wid = c * NS + s
        zeros = jnp.zeros((L,), jnp.float32)
        ones = jnp.ones((L,), jnp.float32)
        for k in range(KG // L):
            zsrc[pl.ds(k * L, L)] = zeros
        for k in range(KB // L):
            onesb[pl.ds(k * L, L)] = ones

        @pl.when(s < DT)
        def _zero_deg():
            for i in range(DZ // KG):
                pltpu.sync_copy(zsrc, deg_sp.at[pl.ds(s * DZ + i * KG, KG)])

        plsc.subcore_barrier()

        def group_a(gi, _):
            base = s * EA + gi * KG
            e1 = pltpu.async_copy(src_hbm.at[pl.ds(base, KG)], srcE, sg0)
            e2 = pltpu.async_copy(et_hbm.at[pl.ds(base, KG)], etE, sg1)
            e1.wait()
            e2.wait()
            def idx_outer(jj, _):
                def inner(tt, _):
                    sl = pl.ds(jj * KB + tt * L, L)
                    gidx2d[jj, pl.ds(tt * L, L)] = etE[sl] * N + srcE[sl]
                    return 0
                lax.fori_loop(0, KB // L, inner, 0, unroll=KB // L)
                return 0
            lax.fori_loop(0, NSUB, idx_outer, 0)
            def scat(b, _):
                descs = [pltpu.async_copy(onesb,
                                          deg_sp.at[gidx2d.at[b * 5 + u]],
                                          semA, add=True)
                         for u in range(5)]
                for d in descs:
                    d.wait()
                return 0
            lax.fori_loop(0, NSUB // 5, scat, 0)
            return 0
        lax.fori_loop(0, EA // KG, group_a, 0)

        plsc.subcore_barrier()

        @pl.when(s < DT)
        def _copy_out():
            for i in range(DZ // KG):
                pltpu.sync_copy(deg_sp.at[pl.ds(s * DZ + i * KG, KG)], zsrc)
                pltpu.sync_copy(
                    zsrc, out_hbm.at[pl.ds(c * RN + s * DZ + i * KG, KG)])

    return deg_call


def _make_sc_call(E, N, R, D):
    RN = R * N
    NW = NC * NS
    EP = E // NW
    KB = 80
    NSUB = 25
    KG = NSUB * KB
    ZR = 40
    CT = 10
    RPT = N // CT
    assert E % (NW * KG) == 0
    assert N % CT == 0 and RPT % ZR == 0 and RPT % 8 == 0
    assert D % L == 0 and KB % L == 0 and KB % 8 == 0

    mesh = plsc.VectorSubcoreMesh(
        core_axis_name="c", subcore_axis_name="s",
        num_cores=NC, num_subcores=NS)

    @functools.partial(
        pl.kernel, mesh=mesh,
        compiler_params=pltpu.CompilerParams(needs_layout_passes=False),
        out_type=jax.ShapeDtypeStruct((NC, N, D), jnp.float32),
        scratch_types=[
            pltpu.VMEM((KG,), jnp.int32),
            pltpu.VMEM((KG,), jnp.int32),
            pltpu.VMEM((KG,), jnp.int32),
            pltpu.VMEM((NSUB, KB), jnp.int32),
            pltpu.VMEM((NSUB, KB), jnp.int32),
            pltpu.VMEM((KG,), jnp.int32),
            pltpu.VMEM((KG,), jnp.float32),
            pltpu.VMEM((KB, D), jnp.float32),
            pltpu.VMEM((KB, D), jnp.float32),
            pltpu.VMEM((ZR, D), jnp.float32),
            pltpu.VMEM_SHARED((N, D), jnp.float32),
            pltpu.SemaphoreType.DMA,
            pltpu.SemaphoreType.DMA,
            pltpu.SemaphoreType.DMA,
            pltpu.SemaphoreType.DMA,
            pltpu.SemaphoreType.DMA,
        ],
    )
    def sc_call(src_hbm, dst_hbm, et_hbm, xw_hbm, deg_hbm, out_hbm,
                srcE, dstE, etE, sidx2d, gidx2d, fridx, dvals,
                rows0, rows1, zbuf, acc,
                semD, sg0, sg1, ss0, ss1):
        c = lax.axis_index("c")
        s = lax.axis_index("s")
        wid = c * NS + s
        zeros = jnp.zeros((L,), jnp.float32)

        for rr in range(ZR):
            for k in range(D // L):
                zbuf[rr, pl.ds(k * L, L)] = zeros

        @pl.when(s < CT)
        def _zero_acc():
            for i in range(RPT // ZR):
                pltpu.sync_copy(zbuf, acc.at[pl.ds(s * RPT + i * ZR, ZR)])

        plsc.subcore_barrier()

        def group_b(g, _):
            base = wid * EP + g * KG
            e1 = pltpu.async_copy(src_hbm.at[pl.ds(base, KG)], srcE, sg0)
            e2 = pltpu.async_copy(dst_hbm.at[pl.ds(base, KG)], dstE, sg1)
            e3 = pltpu.async_copy(et_hbm.at[pl.ds(base, KG)], etE, semD)
            e1.wait()
            e2.wait()
            e3.wait()
            def idx_outer(jj, _):
                def idx_loop(tt, _):
                    sl = pl.ds(jj * KB + tt * L, L)
                    sl2 = pl.ds(tt * L, L)
                    s16 = srcE[sl]
                    e16 = etE[sl]
                    sidx2d[jj, sl2] = s16
                    gidx2d[jj, sl2] = e16 * N + dstE[sl]
                    fridx[sl] = c * RN + e16 * N + s16
                    return 0
                lax.fori_loop(0, KB // L, idx_loop, 0, unroll=KB // L)
                return 0
            lax.fori_loop(0, NSUB, idx_outer, 0)

            pltpu.async_copy(xw_hbm.at[gidx2d.at[0]], rows0, sg0)
            pltpu.async_copy(xw_hbm.at[gidx2d.at[1]], rows1, sg1)

            def dgat(b, _):
                dd = [pltpu.async_copy(
                        deg_hbm.at[fridx.at[pl.ds((b * 5 + u) * KB, KB)]],
                        dvals.at[pl.ds((b * 5 + u) * KB, KB)], semD)
                      for u in range(5)]
                for d in dd:
                    d.wait()
                return 0
            lax.fori_loop(0, NSUB // 5, dgat, 0)
            def inv_loop(t, _):
                sl = pl.ds(t * L, L)
                dvals[sl] = 1.0 / dvals[sl]
                return 0
            lax.fori_loop(0, KG // L, inv_loop, 0, unroll=5)

            def do_sub(jj, buf, sgk, ssk, refill=True):
                pltpu.make_async_copy(xw_hbm.at[gidx2d.at[jj]],
                                      buf, sgk).wait()
                def scale(i, _):
                    bv = plsc.load_gather(
                        dvals, [jnp.full((L,), jj * KB, jnp.int32) + i])
                    for sub in range(D // L):
                        sl = pl.ds(sub * L, L)
                        buf[i, sl] = buf[i, sl] * bv
                    return 0
                lax.fori_loop(0, KB, scale, 0, unroll=2)
                pltpu.async_copy(buf, acc.at[sidx2d.at[jj]],
                                 ssk, add=True).wait()
                if refill:
                    @pl.when(jj + 2 < NSUB)
                    def _refill():
                        pltpu.async_copy(xw_hbm.at[gidx2d.at[jj + 2]],
                                         buf, sgk)

            def pair(p, _):
                do_sub(p * 2, rows0, sg0, ss0)
                do_sub(p * 2 + 1, rows1, sg1, ss1)
                return 0
            lax.fori_loop(0, NSUB // 2, pair, 0)
            do_sub(NSUB - 1, rows0, sg0, ss0, refill=False)
            return 0
        lax.fori_loop(0, EP // KG, group_b, 0)

        plsc.subcore_barrier()

        @pl.when(s < CT)
        def _copy_out():
            pltpu.sync_copy(acc.at[pl.ds(s * RPT, RPT)],
                            out_hbm.at[c, pl.ds(s * RPT, RPT)])

    return sc_call


def kernel(x, r, edge_index, edge_type, weights, bias):
    N, D_IN = x.shape
    R, _, D_OUT = weights.shape
    E = edge_type.shape[0]
    BN = 2000

    deg_call = _make_deg_call(E, N, R)
    degs = deg_call(edge_index[0], edge_type)

    xw = pl.pallas_call(
        _xw_body,
        grid=(R, N // BN),
        in_specs=[
            pl.BlockSpec((BN, D_IN), lambda rr, nb: (nb, 0)),
            pl.BlockSpec((1, D_IN, D_OUT), lambda rr, nb: (rr, 0, 0)),
        ],
        out_specs=pl.BlockSpec((1, BN, D_OUT), lambda rr, nb: (rr, nb, 0)),
        out_shape=jax.ShapeDtypeStruct((R, N, D_OUT), jnp.float32),
    )(x, weights)

    sc_call = _make_sc_call(E, N, R, D_OUT)
    partials = sc_call(edge_index[0], edge_index[1], edge_type,
                       xw.reshape(R * N, D_OUT), degs)

    out = pl.pallas_call(
        _combine_body,
        grid=(N // BN,),
        in_specs=[
            pl.BlockSpec((NC, BN, D_OUT), lambda nb: (0, nb, 0)),
            pl.BlockSpec((1, BN, D_OUT), lambda nb: (R - 1, nb, 0)),
            pl.BlockSpec((1, D_OUT), lambda nb: (0, 0)),
        ],
        out_specs=pl.BlockSpec((BN, D_OUT), lambda nb: (nb, 0)),
        out_shape=jax.ShapeDtypeStruct((N, D_OUT), jnp.float32),
    )(partials, xw, bias.reshape(1, D_OUT))

    return (out, r)

# --- scband reference (transcript-rebuilt; emitter-appended) ---
"""Pipeline reference for scband-torch-rgcn-layer-188978561158 (READ-ONLY COPY).

The authoritative reference and input builder live on the scoring server;
editing this copy changes nothing except your own understanding.
"""

import jax, jax.numpy as jnp
import numpy as np

N = 10000        # num_entities
R_ORIG = 5       # dataset.num_relations()
R = 2 * R_ORIG + 1   # num_relations incl. inverse + self-loop relation
E = 320000       # number of edges (already includes inverse edges)
D_IN = 128
D_OUT = 128


def setup_inputs(seed: int = 0) -> dict:
    key = jax.random.key(seed)
    k1, k2, k3, k4, k5 = jax.random.split(key, 5)
    x = jax.random.normal(k1, (N, D_IN), dtype=jnp.float32)
    r = jax.random.normal(k2, (R, D_IN), dtype=jnp.float32)
    edge_index = jax.random.randint(k3, (2, E), 0, N, dtype=jnp.int32)
    edge_type = jax.random.randint(k4, (E,), 0, R - 1, dtype=jnp.int32)
    # learned params: unrestrained per-relation weights + bias (weight_decomposition='None')
    weights = jax.random.normal(k5, (R, D_IN, D_OUT), dtype=jnp.float32) * 0.1
    bias = jnp.zeros((D_OUT,), dtype=jnp.float32)
    return {"x": x, "r": r, "edge_index": edge_index, "edge_type": edge_type,
            "weights": weights, "bias": bias}


def reference(x, r, edge_index, edge_type, weights, bias):
    # _add_self_edge with self_edge_dropout=0.0 -> keep all self edges
    self_idx = jnp.arange(N, dtype=edge_index.dtype)
    ei = jnp.concatenate([edge_index, jnp.stack([self_idx, self_idx])], axis=1)
    et = jnp.concatenate([edge_type, jnp.full((N,), R - 1, dtype=edge_type.dtype)], axis=0)
    # _stack_adj_matrices (vertical stacking): row index offset by relation
    fr = et * N + ei[0, :]
    to = ei[1, :]
    # _sum_sparse: per-row normalization of the stacked adjacency
    vals = jnp.ones(fr.shape[0], dtype=jnp.float32)
    row_sums = jax.ops.segment_sum(vals, fr, num_segments=R * N)
    sums = row_sums[fr]
    vals = vals / sums
    # AX = spmm(adj, x): gather x rows by src (to) and scatter-add into stacked rows (fr)
    AX = jnp.zeros((R * N, D_IN), dtype=x.dtype).at[fr].add(vals[:, None] * x[to])
    AX = AX.reshape(R, N, D_IN)
    out = jnp.einsum('rio,rni->no', weights, AX)
    out = out + bias
    return (out, r)

if __name__ == "__main__":
    import jax
    _d = setup_inputs()
    print(jax.jit(kernel)(*tuple(_d.values())))

</pallas_src>

<mosaic_0001>
#map = affine_map<(d0, d1) -> (0)>
module attributes {stable_mosaic.version = 14 : i64} {
  func.func @deg_call(%arg0: i32, %arg1: i32, %arg2: memref<320000xi32, #tpu.memory_space<hbm>>, %arg3: memref<320000xi32, #tpu.memory_space<hbm>>, %arg4: memref<220000xf32, #tpu.memory_space<hbm>>, %arg5: memref<2000xi32, #tpu.memory_space<vmem>>, %arg6: memref<2000xi32, #tpu.memory_space<vmem>>, %arg7: memref<25x80xi32, #tpu.memory_space<vmem>>, %arg8: memref<2000xf32, #tpu.memory_space<vmem>>, %arg9: memref<80xf32, #tpu.memory_space<vmem>>, %arg10: memref<110000xf32, #tpu.memory_space<vmem_shared>>, %arg11: memref<!tpu.dma_semaphore, #tpu.memory_space<semaphore_mem>>, %arg12: memref<!tpu.dma_semaphore, #tpu.memory_space<semaphore_mem>>, %arg13: memref<!tpu.dma_semaphore, #tpu.memory_space<semaphore_mem>>) attributes {dimension_semantics = [#tpu.dimension_semantics<core_parallel>, #tpu.dimension_semantics<subcore_parallel>], iteration_bounds = array<i64: 2, 16>, scalar_prefetch = 0 : i64, scratch_operands = 9 : i64, tpu.core_type = #tpu.core_type<sc_vector_subcore>, window_params = [{transform_indices = #map}, {transform_indices = #map}, {transform_indices = #map}]} {
    %mul3A = arith.constant 16 : i32
    %mul3A_0 = arith.muli %arg0, %mul3A : i32
    %add3A = arith.addi %mul3A_0, %arg1 : i32
    %broadcast_in_dim3A = arith.constant 0.000000e+00 : f32
    %broadcast_in_dim3A_1 = vector.broadcast %broadcast_in_dim3A : f32 to vector<16xf32>
    %broadcast_in_dim3A_2 = arith.constant 1.000000e+00 : f32
    %broadcast_in_dim3A_3 = vector.broadcast %broadcast_in_dim3A_2 : f32 to vector<16xf32>
    %swap3A = arith.constant 0 : index
    %swap3A_4 = tpu.vector_load %arg8[%swap3A] {strides = array<i32>} : memref<2000xf32, #tpu.memory_space<vmem>>, vector<16xf32>,
    tpu.vector_store %arg8[%swap3A], %broadcast_in_dim3A_1 {strides = array<i32>} : memref<2000xf32, #tpu.memory_space<vmem>>, vector<16xf32>,
    %swap3A_5 = arith.constant 16 : index
    %swap3A_6 = tpu.vector_load %arg8[%swap3A_5] {strides = array<i32>} : memref<2000xf32, #tpu.memory_space<vmem>>, vector<16xf32>,
    tpu.vector_store %arg8[%swap3A_5], %broadcast_in_dim3A_1 {strides = array<i32>} : memref<2000xf32, #tpu.memory_space<vmem>>, vector<16xf32>,
    %swap3A_7 = arith.constant 32 : index
    %swap3A_8 = tpu.vector_load %arg8[%swap3A_7] {strides = array<i32>} : memref<2000xf32, #tpu.memory_space<vmem>>, vector<16xf32>,
    tpu.vector_store %arg8[%swap3A_7], %broadcast_in_dim3A_1 {strides = array<i32>} : memref<2000xf32, #tpu.memory_space<vmem>>, vector<16xf32>,
    %swap3A_9 = arith.constant 48 : index
    %swap3A_10 = tpu.vector_load %arg8[%swap3A_9] {strides = array<i32>} : memref<2000xf32, #tpu.memory_space<vmem>>, vector<16xf32>,
    tpu.vector_store %arg8[%swap3A_9], %broadcast_in_dim3A_1 {strides = array<i32>} : memref<2000xf32, #tpu.memory_space<vmem>>, vector<16xf32>,
    %swap3A_11 = arith.constant 64 : index
    %swap3A_12 = tpu.vector_load %arg8[%swap3A_11] {strides = array<i32>} : memref<2000xf32, #tpu.memory_space<vmem>>, vector<16xf32>,
    tpu.vector_store %arg8[%swap3A_11], %broadcast_in_dim3A_1 {strides = array<i32>} : memref<2000xf32, #tpu.memory_space<vmem>>, vector<16xf32>,
    %swap3A_13 = arith.constant 80 : index
    %swap3A_14 = tpu.vector_load %arg8[%swap3A_13] {strides = array<i32>} : memref<2000xf32, #tpu.memory_space<vmem>>, vector<16xf32>,
    tpu.vector_store %arg8[%swap3A_13], %broadcast_in_dim3A_1 {strides = array<i32>} : memref<2000xf32, #tpu.memory_space<vmem>>, vector<16xf32>,
    %swap3A_15 = arith.constant 96 : index
    %swap3A_16 = tpu.vector_load %arg8[%swap3A_15] {strides = array<i32>} : memref<2000xf32, #tpu.memory_space<vmem>>, vector<16xf32>,
    tpu.vector_store %arg8[%swap3A_15], %broadcast_in_dim3A_1 {strides = array<i32>} : memref<2000xf32, #tpu.memory_space<vmem>>, vector<16xf32>,
    %swap3A_17 = arith.constant 112 : index
    %swap3A_18 = tpu.vector_load %arg8[%swap3A_17] {strides = array<i32>} : memref<2000xf32, #tpu.memory_space<vmem>>, vector<16xf32>,
    tpu.vector_store %arg8[%swap3A_17], %broadcast_in_dim3A_1 {strides = array<i32>} : memref<2000xf32, #tpu.memory_space<vmem>>, vector<16xf32>,
    %swap3A_19 = arith.constant 128 : index
    %swap3A_20 = tpu.vector_load %arg8[%swap3A_19] {strides = array<i32>} : memref<2000xf32, #tpu.memory_space<vmem>>, vector<16xf32>,
    tpu.vector_store %arg8[%swap3A_19], %broadcast_in_dim3A_1 {strides = array<i32>} : memref<2000xf32, #tpu.memory_space<vmem>>, vector<16xf32>,
    %swap3A_21 = arith.constant 144 : index
    %swap3A_22 = tpu.vector_load %arg8[%swap3A_21] {strides = array<i32>} : memref<2000xf32, #tpu.memory_space<vmem>>, vector<16xf32>,
    tpu.vector_store %arg8[%swap3A_21], %broadcast_in_dim3A_1 {strides = array<i32>} : memref<2000xf32, #tpu.memory_space<vmem>>, vector<16xf32>,
    %swap3A_23 = arith.constant 160 : index
    %swap3A_24 = tpu.vector_load %arg8[%swap3A_23] {strides = array<i32>} : memref<2000xf32, #tpu.memory_space<vmem>>, vector<16xf32>,
    tpu.vector_store %arg8[%swap3A_23], %broadcast_in_dim3A_1 {strides = array<i32>} : memref<2000xf32, #tpu.memory_space<vmem>>, vector<16xf32>,
    %swap3A_25 = arith.constant 176 : index
    %swap3A_26 = tpu.vector_load %arg8[%swap3A_25] {strides = array<i32>} : memref<2000xf32, #tpu.memory_space<vmem>>, vector<16xf32>,
    tpu.vector_store %arg8[%swap3A_25], %broadcast_in_dim3A_1 {strides = array<i32>} : memref<2000xf32, #tpu.memory_space<vmem>>, vector<16xf32>,
    %swap3A_27 = arith.constant 192 : index
    %swap3A_28 = tpu.vector_load %arg8[%swap3A_27] {strides = array<i32>} : memref<2000xf32, #tpu.memory_space<vmem>>, vector<16xf32>,
    tpu.vector_store %arg8[%swap3A_27], %broadcast_in_dim3A_1 {strides = array<i32>} : memref<2000xf32, #tpu.memory_space<vmem>>, vector<16xf32>,
    %swap3A_29 = arith.constant 208 : index
    %swap3A_30 = tpu.vector_load %arg8[%swap3A_29] {strides = array<i32>} : memref<2000xf32, #tpu.memory_space<vmem>>, vector<16xf32>,
    tpu.vector_store %arg8[%swap3A_29], %broadcast_in_dim3A_1 {strides = array<i32>} : memref<2000xf32, #tpu.memory_space<vmem>>, vector<16xf32>,
    %swap3A_31 = arith.constant 224 : index
    %swap3A_32 = tpu.vector_load %arg8[%swap3A_31] {strides = array<i32>} : memref<2000xf32, #tpu.memory_space<vmem>>, vector<16xf32>,
    tpu.vector_store %arg8[%swap3A_31], %broadcast_in_dim3A_1 {strides = array<i32>} : memref<2000xf32, #tpu.memory_space<vmem>>, vector<16xf32>,
    %swap3A_33 = arith.constant 240 : index
    %swap3A_34 = tpu.vector_load %arg8[%swap3A_33] {strides = array<i32>} : memref<2000xf32, #tpu.memory_space<vmem>>, vector<16xf32>,
    tpu.vector_store %arg8[%swap3A_33], %broadcast_in_dim3A_1 {strides = array<i32>} : memref<2000xf32, #tpu.memory_space<vmem>>, vector<16xf32>,
    %swap3A_35 = arith.constant 256 : index
    %swap3A_36 = tpu.vector_load %arg8[%swap3A_35] {strides = array<i32>} : memref<2000xf32, #tpu.memory_space<vmem>>, vector<16xf32>,
    tpu.vector_store %arg8[%swap3A_35], %broadcast_in_dim3A_1 {strides = array<i32>} : memref<2000xf32, #tpu.memory_space<vmem>>, vector<16xf32>,
    %swap3A_37 = arith.constant 272 : index
    %swap3A_38 = tpu.vector_load %arg8[%swap3A_37] {strides = array<i32>} : memref<2000xf32, #tpu.memory_space<vmem>>, vector<16xf32>,
    tpu.vector_store %arg8[%swap3A_37], %broadcast_in_dim3A_1 {strides = array<i32>} : memref<2000xf32, #tpu.memory_space<vmem>>, vector<16xf32>,
    %swap3A_39 = arith.constant 288 : index
    %swap3A_40 = tpu.vector_load %arg8[%swap3A_39] {strides = array<i32>} : memref<2000xf32, #tpu.memory_space<vmem>>, vector<16xf32>,
    tpu.vector_store %arg8[%swap3A_39], %broadcast_in_dim3A_1 {strides = array<i32>} : memref<2000xf32, #tpu.memory_space<vmem>>, vector<16xf32>,
    %swap3A_41 = arith.constant 304 : index
    %swap3A_42 = tpu.vector_load %arg8[%swap3A_41] {strides = array<i32>} : memref<2000xf32, #tpu.memory_space<vmem>>, vector<16xf32>,
    tpu.vector_store %arg8[%swap3A_41], %broadcast_in_dim3A_1 {strides = array<i32>} : memref<2000xf32, #tpu.memory_space<vmem>>, vector<16xf32>,
    %swap3A_43 = arith.constant 320 : index
    %swap3A_44 = tpu.vector_load %arg8[%swap3A_43] {strides = array<i32>} : memref<2000xf32, #tpu.memory_space<vmem>>, vector<16xf32>,
    tpu.vector_store %arg8[%swap3A_43], %broadcast_in_dim3A_1 {strides = array<i32>} : memref<2000xf32, #tpu.memory_space<vmem>>, vector<16xf32>,
    %swap3A_45 = arith.constant 336 : index
    %swap3A_46 = tpu.vector_load %arg8[%swap3A_45] {strides = array<i32>} : memref<2000xf32, #tpu.memory_space<vmem>>, vector<16xf32>,
    tpu.vector_store %arg8[%swap3A_45], %broadcast_in_dim3A_1 {strides = array<i32>} : memref<2000xf32, #tpu.memory_space<vmem>>, vector<16xf32>,
    %swap3A_47 = arith.constant 352 : index
    %swap3A_48 = tpu.vector_load %arg8[%swap3A_47] {strides = array<i32>} : memref<2000xf32, #tpu.memory_space<vmem>>, vector<16xf32>,
    tpu.vector_store %arg8[%swap3A_47], %broadcast_in_dim3A_1 {strides = array<i32>} : memref<2000xf32, #tpu.memory_space<vmem>>, vector<16xf32>,
    %swap3A_49 = arith.constant 368 : index
    %swap3A_50 = tpu.vector_load %arg8[%swap3A_49] {strides = array<i32>} : memref<2000xf32, #tpu.memory_space<vmem>>, vector<16xf32>,
    tpu.vector_store %arg8[%swap3A_49], %broadcast_in_dim3A_1 {strides = array<i32>} : memref<2000xf32, #tpu.memory_space<vmem>>, vector<16xf32>,
    %swap3A_51 = arith.constant 384 : index
    %swap3A_52 = tpu.vector_load %arg8[%swap3A_51] {strides = array<i32>} : memref<2000xf32, #tpu.memory_space<vmem>>, vector<16xf32>,
    tpu.vector_store %arg8[%swap3A_51], %broadcast_in_dim3A_1 {strides = array<i32>} : memref<2000xf32, #tpu.memory_space<vmem>>, vector<16xf32>,
    %swap3A_53 = arith.constant 400 : index
    %swap3A_54 = tpu.vector_load %arg8[%swap3A_53] {strides = array<i32>} : memref<2000xf32, #tpu.memory_space<vmem>>, vector<16xf32>,
    tpu.vector_store %arg8[%swap3A_53], %broadcast_in_dim3A_1 {strides = array<i32>} : memref<2000xf32, #tpu.memory_space<vmem>>, vector<16xf32>,
    %swap3A_55 = arith.constant 416 : index
    %swap3A_56 = tpu.vector_load %arg8[%swap3A_55] {strides = array<i32>} : memref<2000xf32, #tpu.memory_space<vmem>>, vector<16xf32>,
    tpu.vector_store %arg8[%swap3A_55], %broadcast_in_dim3A_1 {strides = array<i32>} : memref<2000xf32, #tpu.memory_space<vmem>>, vector<16xf32>,
    %swap3A_57 = arith.constant 432 : index
    %swap3A_58 = tpu.vector_load %arg8[%swap3A_57] {strides = array<i32>} : memref<2000xf32, #tpu.memory_space<vmem>>, vector<16xf32>,
    tpu.vector_store %arg8[%swap3A_57], %broadcast_in_dim3A_1 {strides = array<i32>} : memref<2000xf32, #tpu.memory_space<vmem>>, vector<16xf32>,
    %swap3A_59 = arith.constant 448 : index
    %swap3A_60 = tpu.vector_load %arg8[%swap3A_59] {strides = array<i32>} : memref<2000xf32, #tpu.memory_space<vmem>>, vector<16xf32>,
    tpu.vector_store %arg8[%swap3A_59], %broadcast_in_dim3A_1 {strides = array<i32>} : memref<2000xf32, #tpu.memory_space<vmem>>, vector<16xf32>,
    %swap3A_61 = arith.constant 464 : index
    %swap3A_62 = tpu.vector_load %arg8[%swap3A_61] {strides = array<i32>} : memref<2000xf32, #tpu.memory_space<vmem>>, vector<16xf32>,
    tpu.vector_store %arg8[%swap3A_61], %broadcast_in_dim3A_1 {strides = array<i32>} : memref<2000xf32, #tpu.memory_space<vmem>>, vector<16xf32>,
    %swap3A_63 = arith.constant 480 : index
    %swap3A_64 = tpu.vector_load %arg8[%swap3A_63] {strides = array<i32>} : memref<2000xf32, #tpu.memory_space<vmem>>, vector<16xf32>,
    tpu.vector_store %arg8[%swap3A_63], %broadcast_in_dim3A_1 {strides = array<i32>} : memref<2000xf32, #tpu.memory_space<vmem>>, vector<16xf32>,
    %swap3A_65 = arith.constant 496 : index
    %swap3A_66 = tpu.vector_load %arg8[%swap3A_65] {strides = array<i32>} : memref<2000xf32, #tpu.memory_space<vmem>>, vector<16xf32>,
    tpu.vector_store %arg8[%swap3A_65], %broadcast_in_dim3A_1 {strides = array<i32>} : memref<2000xf32, #tpu.memory_space<vmem>>, vector<16xf32>,
    %swap3A_67 = arith.constant 512 : index
    %swap3A_68 = tpu.vector_load %arg8[%swap3A_67] {strides = array<i32>} : memref<2000xf32, #tpu.memory_space<vmem>>, vector<16xf32>,
    tpu.vector_store %arg8[%swap3A_67], %broadcast_in_dim3A_1 {strides = array<i32>} : memref<2000xf32, #tpu.memory_space<vmem>>, vector<16xf32>,
    %swap3A_69 = arith.constant 528 : index
    %swap3A_70 = tpu.vector_load %arg8[%swap3A_69] {strides = array<i32>} : memref<2000xf32, #tpu.memory_space<vmem>>, vector<16xf32>,
    tpu.vector_store %arg8[%swap3A_69], %broadcast_in_dim3A_1 {strides = array<i32>} : memref<2000xf32, #tpu.memory_space<vmem>>, vector<16xf32>,
    %swap3A_71 = arith.constant 544 : index
    %swap3A_72 = tpu.vector_load %arg8[%swap3A_71] {strides = array<i32>} : memref<2000xf32, #tpu.memory_space<vmem>>, vector<16xf32>,
    tpu.vector_store %arg8[%swap3A_71], %broadcast_in_dim3A_1 {strides = array<i32>} : memref<2000xf32, #tpu.memory_space<vmem>>, vector<16xf32>,
    %swap3A_73 = arith.constant 560 : index
    %swap3A_74 = tpu.vector_load %arg8[%swap3A_73] {strides = array<i32>} : memref<2000xf32, #tpu.memory_space<vmem>>, vector<16xf32>,
    tpu.vector_store %arg8[%swap3A_73], %broadcast_in_dim3A_1 {strides = array<i32>} : memref<2000xf32, #tpu.memory_space<vmem>>, vector<16xf32>,
    %swap3A_75 = arith.constant 576 : index
    %swap3A_76 = tpu.vector_load %arg8[%swap3A_75] {strides = array<i32>} : memref<2000xf32, #tpu.memory_space<vmem>>, vector<16xf32>,
    tpu.vector_store %arg8[%swap3A_75], %broadcast_in_dim3A_1 {strides = array<i32>} : memref<2000xf32, #tpu.memory_space<vmem>>, vector<16xf32>,
    %swap3A_77 = arith.constant 592 : index
    %swap3A_78 = tpu.vector_load %arg8[%swap3A_77] {strides = array<i32>} : memref<2000xf32, #tpu.memory_space<vmem>>, vector<16xf32>,
    tpu.vector_store %arg8[%swap3A_77], %broadcast_in_dim3A_1 {strides = array<i32>} : memref<2000xf32, #tpu.memory_space<vmem>>, vector<16xf32>,
    %swap3A_79 = arith.constant 608 : index
    %swap3A_80 = tpu.vector_load %arg8[%swap3A_79] {strides = array<i32>} : memref<2000xf32, #tpu.memory_space<vmem>>, vector<16xf32>,
    tpu.vector_store %arg8[%swap3A_79], %broadcast_in_dim3A_1 {strides = array<i32>} : memref<2000xf32, #tpu.memory_space<vmem>>, vector<16xf32>,
    %swap3A_81 = arith.constant 624 : index
    %swap3A_82 = tpu.vector_load %arg8[%swap3A_81] {strides = array<i32>} : memref<2000xf32, #tpu.memory_space<vmem>>, vector<16xf32>,
    tpu.vector_store %arg8[%swap3A_81], %broadcast_in_dim3A_1 {strides = array<i32>} : memref<2000xf32, #tpu.memory_space<vmem>>, vector<16xf32>,
    %swap3A_83 = arith.constant 640 : index
    %swap3A_84 = tpu.vector_load %arg8[%swap3A_83] {strides = array<i32>} : memref<2000xf32, #tpu.memory_space<vmem>>, vector<16xf32>,
    tpu.vector_store %arg8[%swap3A_83], %broadcast_in_dim3A_1 {strides = array<i32>} : memref<2000xf32, #tpu.memory_space<vmem>>, vector<16xf32>,
    %swap3A_85 = arith.constant 656 : index
    %swap3A_86 = tpu.vector_load %arg8[%swap3A_85] {strides = array<i32>} : memref<2000xf32, #tpu.memory_space<vmem>>, vector<16xf32>,
    tpu.vector_store %arg8[%swap3A_85], %broadcast_in_dim3A_1 {strides = array<i32>} : memref<2000xf32, #tpu.memory_space<vmem>>, vector<16xf32>,
    %swap3A_87 = arith.constant 672 : index
    %swap3A_88 = tpu.vector_load %arg8[%swap3A_87] {strides = array<i32>} : memref<2000xf32, #tpu.memory_space<vmem>>, vector<16xf32>,
    tpu.vector_store %arg8[%swap3A_87], %broadcast_in_dim3A_1 {strides = array<i32>} : memref<2000xf32, #tpu.memory_space<vmem>>, vector<16xf32>,
    %swap3A_89 = arith.constant 688 : index
    %swap3A_90 = tpu.vector_load %arg8[%swap3A_89] {strides = array<i32>} : memref<2000xf32, #tpu.memory_space<vmem>>, vector<16xf32>,
    tpu.vector_store %arg8[%swap3A_89], %broadcast_in_dim3A_1 {strides = array<i32>} : memref<2000xf32, #tpu.memory_space<vmem>>, vector<16xf32>,
    %swap3A_91 = arith.constant 704 : index
    %swap3A_92 = tpu.vector_load %arg8[%swap3A_91] {strides = array<i32>} : memref<2000xf32, #tpu.memory_space<vmem>>, vector<16xf32>,
    tpu.vector_store %arg8[%swap3A_91], %broadcast_in_dim3A_1 {strides = array<i32>} : memref<2000xf32, #tpu.memory_space<vmem>>, vector<16xf32>,
    %swap3A_93 = arith.constant 720 : index
    %swap3A_94 = tpu.vector_load %arg8[%swap3A_93] {strides = array<i32>} : memref<2000xf32, #tpu.memory_space<vmem>>, vector<16xf32>,
    tpu.vector_store %arg8[%swap3A_93], %broadcast_in_dim3A_1 {strides = array<i32>} : memref<2000xf32, #tpu.memory_space<vmem>>, vector<16xf32>,
    %swap3A_95 = arith.constant 736 : index
    %swap3A_96 = tpu.vector_load %arg8[%swap3A_95] {strides = array<i32>} : memref<2000xf32, #tpu.memory_space<vmem>>, vector<16xf32>,
    tpu.vector_store %arg8[%swap3A_95], %broadcast_in_dim3A_1 {strides = array<i32>} : memref<2000xf32, #tpu.memory_space<vmem>>, vector<16xf32>,
    %swap3A_97 = arith.constant 752 : index
    %swap3A_98 = tpu.vector_load %arg8[%swap3A_97] {strides = array<i32>} : memref<2000xf32, #tpu.memory_space<vmem>>, vector<16xf32>,
    tpu.vector_store %arg8[%swap3A_97], %broadcast_in_dim3A_1 {strides = array<i32>} : memref<2000xf32, #tpu.memory_space<vmem>>, vector<16xf32>,
    %swap3A_99 = arith.constant 768 : index
    %swap3A_100 = tpu.vector_load %arg8[%swap3A_99] {strides = array<i32>} : memref<2000xf32, #tpu.memory_space<vmem>>, vector<16xf32>,
    tpu.vector_store %arg8[%swap3A_99], %broadcast_in_dim3A_1 {strides = array<i32>} : memref<2000xf32, #tpu.memory_space<vmem>>, vector<16xf32>,
    %swap3A_101 = arith.constant 784 : index
    %swap3A_102 = tpu.vector_load %arg8[%swap3A_101] {strides = array<i32>} : memref<2000xf32, #tpu.memory_space<vmem>>, vector<16xf32>,
    tpu.vector_store %arg8[%swap3A_101], %broadcast_in_dim3A_1 {strides = array<i32>} : memref<2000xf32, #tpu.memory_space<vmem>>, vector<16xf32>,
    %swap3A_103 = arith.constant 800 : index
    %swap3A_104 = tpu.vector_load %arg8[%swap3A_103] {strides = array<i32>} : memref<2000xf32, #tpu.memory_space<vmem>>, vector<16xf32>,
    tpu.vector_store %arg8[%swap3A_103], %broadcast_in_dim3A_1 {strides = array<i32>} : memref<2000xf32, #tpu.memory_space<vmem>>, vector<16xf32>,
    %swap3A_105 = arith.constant 816 : index
    %swap3A_106 = tpu.vector_load %arg8[%swap3A_105] {strides = array<i32>} : memref<2000xf32, #tpu.memory_space<vmem>>, vector<16xf32>,
    tpu.vector_store %arg8[%swap3A_105], %broadcast_in_dim3A_1 {strides = array<i32>} : memref<2000xf32, #tpu.memory_space<vmem>>, vector<16xf32>,
    %swap3A_107 = arith.constant 832 : index
    %swap3A_108 = tpu.vector_load %arg8[%swap3A_107] {strides = array<i32>} : memref<2000xf32, #tpu.memory_space<vmem>>, vector<16xf32>,
    tpu.vector_store %arg8[%swap3A_107], %broadcast_in_dim3A_1 {strides = array<i32>} : memref<2000xf32, #tpu.memory_space<vmem>>, vector<16xf32>,
    %swap3A_109 = arith.constant 848 : index
    %swap3A_110 = tpu.vector_load %arg8[%swap3A_109] {strides = array<i32>} : memref<2000xf32, #tpu.memory_space<vmem>>, vector<16xf32>,
    tpu.vector_store %arg8[%swap3A_109], %broadcast_in_dim3A_1 {strides = array<i32>} : memref<2000xf32, #tpu.memory_space<vmem>>, vector<16xf32>,
    %swap3A_111 = arith.constant 864 : index
    %swap3A_112 = tpu.vector_load %arg8[%swap3A_111] {strides = array<i32>} : memref<2000xf32, #tpu.memory_space<vmem>>, vector<16xf32>,
    tpu.vector_store %arg8[%swap3A_111], %broadcast_in_dim3A_1 {strides = array<i32>} : memref<2000xf32, #tpu.memory_space<vmem>>, vector<16xf32>,
    %swap3A_113 = arith.constant 880 : index
    %swap3A_114 = tpu.vector_load %arg8[%swap3A_113] {strides = array<i32>} : memref<2000xf32, #tpu.memory_space<vmem>>, vector<16xf32>,
    tpu.vector_store %arg8[%swap3A_113], %broadcast_in_dim3A_1 {strides = array<i32>} : memref<2000xf32, #tpu.memory_space<vmem>>, vector<16xf32>,
    %swap3A_115 = arith.constant 896 : index
    %swap3A_116 = tpu.vector_load %arg8[%swap3A_115] {strides = array<i32>} : memref<2000xf32, #tpu.memory_space<vmem>>, vector<16xf32>,
    tpu.vector_store %arg8[%swap3A_115], %broadcast_in_dim3A_1 {strides = array<i32>} : memref<2000xf32, #tpu.memory_space<vmem>>, vector<16xf32>,
    %swap3A_117 = arith.constant 912 : index
    %swap3A_118 = tpu.vector_load %arg8[%swap3A_117] {strides = array<i32>} : memref<2000xf32, #tpu.memory_space<vmem>>, vector<16xf32>,
    tpu.vector_store %arg8[%swap3A_117], %broadcast_in_dim3A_1 {strides = array<i32>} : memref<2000xf32, #tpu.memory_space<vmem>>, vector<16xf32>,
    %swap3A_119 = arith.constant 928 : index
    %swap3A_120 = tpu.vector_load %arg8[%swap3A_119] {strides = array<i32>} : memref<2000xf32, #tpu.memory_space<vmem>>, vector<16xf32>,
    tpu.vector_store %arg8[%swap3A_119], %broadcast_in_dim3A_1 {strides = array<i32>} : memref<2000xf32, #tpu.memory_space<vmem>>, vector<16xf32>,
    %swap3A_121 = arith.constant 944 : index
    %swap3A_122 = tpu.vector_load %arg8[%swap3A_121] {strides = array<i32>} : memref<2000xf32, #tpu.memory_space<vmem>>, vector<16xf32>,
    tpu.vector_store %arg8[%swap3A_121], %broadcast_in_dim3A_1 {strides = array<i32>} : memref<2000xf32, #tpu.memory_space<vmem>>, vector<16xf32>,
    %swap3A_123 = arith.constant 960 : index
    %swap3A_124 = tpu.vector_load %arg8[%swap3A_123] {strides = array<i32>} : memref<2000xf32, #tpu.memory_space<vmem>>, vector<16xf32>,
    tpu.vector_store %arg8[%swap3A_123], %broadcast_in_dim3A_1 {strides = array<i32>} : memref<2000xf32, #tpu.memory_space<vmem>>, vector<16xf32>,
    %swap3A_125 = arith.constant 976 : index
    %swap3A_126 = tpu.vector_load %arg8[%swap3A_125] {strides = array<i32>} : memref<2000xf32, #tpu.memory_space<vmem>>, vector<16xf32>,
    tpu.vector_store %arg8[%swap3A_125], %broadcast_in_dim3A_1 {strides = array<i32>} : memref<2000xf32, #tpu.memory_space<vmem>>, vector<16xf32>,
    %swap3A_127 = arith.constant 992 : index
    %swap3A_128 = tpu.vector_load %arg8[%swap3A_127] {strides = array<i32>} : memref<2000xf32, #tpu.memory_space<vmem>>, vector<16xf32>,
    tpu.vector_store %arg8[%swap3A_127], %broadcast_in_dim3A_1 {strides = array<i32>} : memref<2000xf32, #tpu.memory_space<vmem>>, vector<16xf32>,
    %swap3A_129 = arith.constant 1008 : index
    %swap3A_130 = tpu.vector_load %arg8[%swap3A_129] {strides = array<i32>} : memref<2000xf32, #tpu.memory_space<vmem>>, vector<16xf32>,
    tpu.vector_store %arg8[%swap3A_129], %broadcast_in_dim3A_1 {strides = array<i32>} : memref<2000xf32, #tpu.memory_space<vmem>>, vector<16xf32>,
    %swap3A_131 = arith.constant 1024 : index
    %swap3A_132 = tpu.vector_load %arg8[%swap3A_131] {strides = array<i32>} : memref<2000xf32, #tpu.memory_space<vmem>>, vector<16xf32>,
    tpu.vector_store %arg8[%swap3A_131], %broadcast_in_dim3A_1 {strides = array<i32>} : memref<2000xf32, #tpu.memory_space<vmem>>, vector<16xf32>,
    %swap3A_133 = arith.constant 1040 : index
    %swap3A_134 = tpu.vector_load %arg8[%swap3A_133] {strides = array<i32>} : memref<2000xf32, #tpu.memory_space<vmem>>, vector<16xf32>,
    tpu.vector_store %arg8[%swap3A_133], %broadcast_in_dim3A_1 {strides = array<i32>} : memref<2000xf32, #tpu.memory_space<vmem>>, vector<16xf32>,
    %swap3A_135 = arith.constant 1056 : index
    %swap3A_136 = tpu.vector_load %arg8[%swap3A_135] {strides = array<i32>} : memref<2000xf32, #tpu.memory_space<vmem>>, vector<16xf32>,
    tpu.vector_store %arg8[%swap3A_135], %broadcast_in_dim3A_1 {strides = array<i32>} : memref<2000xf32, #tpu.memory_space<vmem>>, vector<16xf32>,
    %swap3A_137 = arith.constant 1072 : index
    %swap3A_138 = tpu.vector_load %arg8[%swap3A_137] {strides = array<i32>} : memref<2000xf32, #tpu.memory_space<vmem>>, vector<16xf32>,
    tpu.vector_store %arg8[%swap3A_137], %broadcast_in_dim3A_1 {strides = array<i32>} : memref<2000xf32, #tpu.memory_space<vmem>>, vector<16xf32>,
    %swap3A_139 = arith.constant 1088 : index
    %swap3A_140 = tpu.vector_load %arg8[%swap3A_139] {strides = array<i32>} : memref<2000xf32, #tpu.memory_space<vmem>>, vector<16xf32>,
    tpu.vector_store %arg8[%swap3A_139], %broadcast_in_dim3A_1 {strides = array<i32>} : memref<2000xf32, #tpu.memory_space<vmem>>, vector<16xf32>,
    %swap3A_141 = arith.constant 1104 : index
    %swap3A_142 = tpu.vector_load %arg8[%swap3A_141] {strides = array<i32>} : memref<2000xf32, #tpu.memory_space<vmem>>, vector<16xf32>,
    tpu.vector_store %arg8[%swap3A_141], %broadcast_in_dim3A_1 {strides = array<i32>} : memref<2000xf32, #tpu.memory_space<vmem>>, vector<16xf32>,
    %swap3A_143 = arith.constant 1120 : index
    %swap3A_144 = tpu.vector_load %arg8[%swap3A_143] {strides = array<i32>} : memref<2000xf32, #tpu.memory_space<vmem>>, vector<16xf32>,
    tpu.vector_store %arg8[%swap3A_143], %broadcast_in_dim3A_1 {strides = array<i32>} : memref<2000xf32, #tpu.memory_space<vmem>>, vector<16xf32>,
    %swap3A_145 = arith.constant 1136 : index
    %swap3A_146 = tpu.vector_load %arg8[%swap3A_145] {strides = array<i32>} : memref<2000xf32, #tpu.memory_space<vmem>>, vector<16xf32>,
    tpu.vector_store %arg8[%swap3A_145], %broadcast_in_dim3A_1 {strides = array<i32>} : memref<2000xf32, #tpu.memory_space<vmem>>, vector<16xf32>,
    %swap3A_147 = arith.constant 1152 : index
    %swap3A_148 = tpu.vector_load %arg8[%swap3A_147] {strides = array<i32>} : memref<2000xf32, #tpu.memory_space<vmem>>, vector<16xf32>,
    tpu.vector_store %arg8[%swap3A_147], %broadcast_in_dim3A_1 {strides = array<i32>} : memref<2000xf32, #tpu.memory_space<vmem>>, vector<16xf32>,
    %swap3A_149 = arith.constant 1168 : index
    %swap3A_150 = tpu.vector_load %arg8[%swap3A_149] {strides = array<i32>} : memref<2000xf32, #tpu.memory_space<vmem>>, vector<16xf32>,
    tpu.vector_store %arg8[%swap3A_149], %broadcast_in_dim3A_1 {strides = array<i32>} : memref<2000xf32, #tpu.memory_space<vmem>>, vector<16xf32>,
    %swap3A_151 = arith.constant 1184 : index
    %swap3A_152 = tpu.vector_load %arg8[%swap3A_151] {strides = array<i32>} : memref<2000xf32, #tpu.memory_space<vmem>>, vector<16xf32>,
    tpu.vector_store %arg8[%swap3A_151], %broadcast_in_dim3A_1 {strides = array<i32>} : memref<2000xf32, #tpu.memory_space<vmem>>, vector<16xf32>,
    %swap3A_153 = arith.constant 1200 : index
    %swap3A_154 = tpu.vector_load %arg8[%swap3A_153] {strides = array<i32>} : memref<2000xf32, #tpu.memory_space<vmem>>, vector<16xf32>,
    tpu.vector_store %arg8[%swap3A_153], %broadcast_in_dim3A_1 {strides = array<i32>} : memref<2000xf32, #tpu.memory_space<vmem>>, vector<16xf32>,
    %swap3A_155 = arith.constant 1216 : index
    %swap3A_156 = tpu.vector_load %arg8[%swap3A_155] {strides = array<i32>} : memref<2000xf32, #tpu.memory_space<vmem>>, vector<16xf32>,
    tpu.vector_store %arg8[%swap3A_155], %broadcast_in_dim3A_1 {strides = array<i32>} : memref<2000xf32, #tpu.memory_space<vmem>>, vector<16xf32>,
    %swap3A_157 = arith.constant 1232 : index
    %swap3A_158 = tpu.vector_load %arg8[%swap3A_157] {strides = array<i32>} : memref<2000xf32, #tpu.memory_space<vmem>>, vector<16xf32>,
    tpu.vector_store %arg8[%swap3A_157], %broadcast_in_dim3A_1 {strides = array<i32>} : memref<2000xf32, #tpu.memory_space<vmem>>, vector<16xf32>,
    %swap3A_159 = arith.constant 1248 : index
    %swap3A_160 = tpu.vector_load %arg8[%swap3A_159] {strides = array<i32>} : memref<2000xf32, #tpu.memory_space<vmem>>, vector<16xf32>,
    tpu.vector_store %arg8[%swap3A_159], %broadcast_in_dim3A_1 {strides = array<i32>} : memref<2000xf32, #tpu.memory_space<vmem>>, vector<16xf32>,
    %swap3A_161 = arith.constant 1264 : index
    %swap3A_162 = tpu.vector_load %arg8[%swap3A_161] {strides = array<i32>} : memref<2000xf32, #tpu.memory_space<vmem>>, vector<16xf32>,
    tpu.vector_store %arg8[%swap3A_161], %broadcast_in_dim3A_1 {strides = array<i32>} : memref<2000xf32, #tpu.memory_space<vmem>>, vector<16xf32>,
    %swap3A_163 = arith.constant 1280 : index
    %swap3A_164 = tpu.vector_load %arg8[%swap3A_163] {strides = array<i32>} : memref<2000xf32, #tpu.memory_space<vmem>>, vector<16xf32>,
    tpu.vector_store %arg8[%swap3A_163], %broadcast_in_dim3A_1 {strides = array<i32>} : memref<2000xf32, #tpu.memory_space<vmem>>, vector<16xf32>,
    %swap3A_165 = arith.constant 1296 : index
    %swap3A_166 = tpu.vector_load %arg8[%swap3A_165] {strides = array<i32>} : memref<2000xf32, #tpu.memory_space<vmem>>, vector<16xf32>,
    tpu.vector_store %arg8[%swap3A_165], %broadcast_in_dim3A_1 {strides = array<i32>} : memref<2000xf32, #tpu.memory_space<vmem>>, vector<16xf32>,
    %swap3A_167 = arith.constant 1312 : index
    %swap3A_168 = tpu.vector_load %arg8[%swap3A_167] {strides = array<i32>} : memref<2000xf32, #tpu.memory_space<vmem>>, vector<16xf32>,
    tpu.vector_store %arg8[%swap3A_167], %broadcast_in_dim3A_1 {strides = array<i32>} : memref<2000xf32, #tpu.memory_space<vmem>>, vector<16xf32>,
    %swap3A_169 = arith.constant 1328 : index
    %swap3A_170 = tpu.vector_load %arg8[%swap3A_169] {strides = array<i32>} : memref<2000xf32, #tpu.memory_space<vmem>>, vector<16xf32>,
    tpu.vector_store %arg8[%swap3A_169], %broadcast_in_dim3A_1 {strides = array<i32>} : memref<2000xf32, #tpu.memory_space<vmem>>, vector<16xf32>,
    %swap3A_171 = arith.constant 1344 : index
    %swap3A_172 = tpu.vector_load %arg8[%swap3A_171] {strides = array<i32>} : memref<2000xf32, #tpu.memory_space<vmem>>, vector<16xf32>,
    tpu.vector_store %arg8[%swap3A_171], %broadcast_in_dim3A_1 {strides = array<i32>} : memref<2000xf32, #tpu.memory_space<vmem>>, vector<16xf32>,
    %swap3A_173 = arith.constant 1360 : index
    %swap3A_174 = tpu.vector_load %arg8[%swap3A_173] {strides = array<i32>} : memref<2000xf32, #tpu.memory_space<vmem>>, vector<16xf32>,
    tpu.vector_store %arg8[%swap3A_173], %broadcast_in_dim3A_1 {strides = array<i32>} : memref<2000xf32, #tpu.memory_space<vmem>>, vector<16xf32>,
    %swap3A_175 = arith.constant 1376 : index
    %swap3A_176 = tpu.vector_load %arg8[%swap3A_175] {strides = array<i32>} : memref<2000xf32, #tpu.memory_space<vmem>>, vector<16xf32>,
    tpu.vector_store %arg8[%swap3A_175], %broadcast_in_dim3A_1 {strides = array<i32>} : memref<2000xf32, #tpu.memory_space<vmem>>, vector<16xf32>,
    %swap3A_177 = arith.constant 1392 : index
    %swap3A_178 = tpu.vector_load %arg8[%swap3A_177] {strides = array<i32>} : memref<2000xf32, #tpu.memory_space<vmem>>, vector<16xf32>,
    tpu.vector_store %arg8[%swap3A_177], %broadcast_in_dim3A_1 {strides = array<i32>} : memref<2000xf32, #tpu.memory_space<vmem>>, vector<16xf32>,
    %swap3A_179 = arith.constant 1408 : index
    %swap3A_180 = tpu.vector_load %arg8[%swap3A_179] {strides = array<i32>} : memref<2000xf32, #tpu.memory_space<vmem>>, vector<16xf32>,
    tpu.vector_store %arg8[%swap3A_179], %broadcast_in_dim3A_1 {strides = array<i32>} : memref<2000xf32, #tpu.memory_space<vmem>>, vector<16xf32>,
    %swap3A_181 = arith.constant 1424 : index
    %swap3A_182 = tpu.vector_load %arg8[%swap3A_181] {strides = array<i32>} : memref<2000xf32, #tpu.memory_space<vmem>>, vector<16xf32>,
    tpu.vector_store %arg8[%swap3A_181], %broadcast_in_dim3A_1 {strides = array<i32>} : memref<2000xf32, #tpu.memory_space<vmem>>, vector<16xf32>,
    %swap3A_183 = arith.constant 1440 : index
    %swap3A_184 = tpu.vector_load %arg8[%swap3A_183] {strides = array<i32>} : memref<2000xf32, #tpu.memory_space<vmem>>, vector<16xf32>,
    tpu.vector_store %arg8[%swap3A_183], %broadcast_in_dim3A_1 {strides = array<i32>} : memref<2000xf32, #tpu.memory_space<vmem>>, vector<16xf32>,
    %swap3A_185 = arith.constant 1456 : index
    %swap3A_186 = tpu.vector_load %arg8[%swap3A_185] {strides = array<i32>} : memref<2000xf32, #tpu.memory_space<vmem>>, vector<16xf32>,
    tpu.vector_store %arg8[%swap3A_185], %broadcast_in_dim3A_1 {strides = array<i32>} : memref<2000xf32, #tpu.memory_space<vmem>>, vector<16xf32>,
    %swap3A_187 = arith.constant 1472 : index
    %swap3A_188 = tpu.vector_load %arg8[%swap3A_187] {strides = array<i32>} : memref<2000xf32, #tpu.memory_space<vmem>>, vector<16xf32>,
    tpu.vector_store %arg8[%swap3A_187], %broadcast_in_dim3A_1 {strides = array<i32>} : memref<2000xf32, #tpu.memory_space<vmem>>, vector<16xf32>,
    %swap3A_189 = arith.constant 1488 : index
    %swap3A_190 = tpu.vector_load %arg8[%swap3A_189] {strides = array<i32>} : memref<2000xf32, #tpu.memory_space<vmem>>, vector<16xf32>,
    tpu.vector_store %arg8[%swap3A_189], %broadcast_in_dim3A_1 {strides = array<i32>} : memref<2000xf32, #tpu.memory_space<vmem>>, vector<16xf32>,
    %swap3A_191 = arith.constant 1504 : index
    %swap3A_192 = tpu.vector_load %arg8[%swap3A_191] {strides = array<i32>} : memref<2000xf32, #tpu.memory_space<vmem>>, vector<16xf32>,
    tpu.vector_store %arg8[%swap3A_191], %broadcast_in_dim3A_1 {strides = array<i32>} : memref<2000xf32, #tpu.memory_space<vmem>>, vector<16xf32>,
    %swap3A_193 = arith.constant 1520 : index
    %swap3A_194 = tpu.vector_load %arg8[%swap3A_193] {strides = array<i32>} : memref<2000xf32, #tpu.memory_space<vmem>>, vector<16xf32>,
    tpu.vector_store %arg8[%swap3A_193], %broadcast_in_dim3A_1 {strides = array<i32>} : memref<2000xf32, #tpu.memory_space<vmem>>, vector<16xf32>,
    %swap3A_195 = arith.constant 1536 : index
    %swap3A_196 = tpu.vector_load %arg8[%swap3A_195] {strides = array<i32>} : memref<2000xf32, #tpu.memory_space<vmem>>, vector<16xf32>,
    tpu.vector_store %arg8[%swap3A_195], %broadcast_in_dim3A_1 {strides = array<i32>} : memref<2000xf32, #tpu.memory_space<vmem>>, vector<16xf32>,
    %swap3A_197 = arith.constant 1552 : index
    %swap3A_198 = tpu.vector_load %arg8[%swap3A_197] {strides = array<i32>} : memref<2000xf32, #tpu.memory_space<vmem>>, vector<16xf32>,
    tpu.vector_store %arg8[%swap3A_197], %broadcast_in_dim3A_1 {strides = array<i32>} : memref<2000xf32, #tpu.memory_space<vmem>>, vector<16xf32>,
    %swap3A_199 = arith.constant 1568 : index
    %swap3A_200 = tpu.vector_load %arg8[%swap3A_199] {strides = array<i32>} : memref<2000xf32, #tpu.memory_space<vmem>>, vector<16xf32>,
    tpu.vector_store %arg8[%swap3A_199], %broadcast_in_dim3A_1 {strides = array<i32>} : memref<2000xf32, #tpu.memory_space<vmem>>, vector<16xf32>,
    %swap3A_201 = arith.constant 1584 : index
    %swap3A_202 = tpu.vector_load %arg8[%swap3A_201] {strides = array<i32>} : memref<2000xf32, #tpu.memory_space<vmem>>, vector<16xf32>,
    tpu.vector_store %arg8[%swap3A_201], %broadcast_in_dim3A_1 {strides = array<i32>} : memref<2000xf32, #tpu.memory_space<vmem>>, vector<16xf32>,
    %swap3A_203 = arith.constant 1600 : index
    %swap3A_204 = tpu.vector_load %arg8[%swap3A_203] {strides = array<i32>} : memref<2000xf32, #tpu.memory_space<vmem>>, vector<16xf32>,
    tpu.vector_store %arg8[%swap3A_203], %broadcast_in_dim3A_1 {strides = array<i32>} : memref<2000xf32, #tpu.memory_space<vmem>>, vector<16xf32>,
    %swap3A_205 = arith.constant 1616 : index
    %swap3A_206 = tpu.vector_load %arg8[%swap3A_205] {strides = array<i32>} : memref<2000xf32, #tpu.memory_space<vmem>>, vector<16xf32>,
    tpu.vector_store %arg8[%swap3A_205], %broadcast_in_dim3A_1 {strides = array<i32>} : memref<2000xf32, #tpu.memory_space<vmem>>, vector<16xf32>,
    %swap3A_207 = arith.constant 1632 : index
    %swap3A_208 = tpu.vector_load %arg8[%swap3A_207] {strides = array<i32>} : memref<2000xf32, #tpu.memory_space<vmem>>, vector<16xf32>,
    tpu.vector_store %arg8[%swap3A_207], %broadcast_in_dim3A_1 {strides = array<i32>} : memref<2000xf32, #tpu.memory_space<vmem>>, vector<16xf32>,
    %swap3A_209 = arith.constant 1648 : index
    %swap3A_210 = tpu.vector_load %arg8[%swap3A_209] {strides = array<i32>} : memref<2000xf32, #tpu.memory_space<vmem>>, vector<16xf32>,
    tpu.vector_store %arg8[%swap3A_209], %broadcast_in_dim3A_1 {strides = array<i32>} : memref<2000xf32, #tpu.memory_space<vmem>>, vector<16xf32>,
    %swap3A_211 = arith.constant 1664 : index
    %swap3A_212 = tpu.vector_load %arg8[%swap3A_211] {strides = array<i32>} : memref<2000xf32, #tpu.memory_space<vmem>>, vector<16xf32>,
    tpu.vector_store %arg8[%swap3A_211], %broadcast_in_dim3A_1 {strides = array<i32>} : memref<2000xf32, #tpu.memory_space<vmem>>, vector<16xf32>,
    %swap3A_213 = arith.constant 1680 : index
    %swap3A_214 = tpu.vector_load %arg8[%swap3A_213] {strides = array<i32>} : memref<2000xf32, #tpu.memory_space<vmem>>, vector<16xf32>,
    tpu.vector_store %arg8[%swap3A_213], %broadcast_in_dim3A_1 {strides = array<i32>} : memref<2000xf32, #tpu.memory_space<vmem>>, vector<16xf32>,
    %swap3A_215 = arith.constant 1696 : index
    %swap3A_216 = tpu.vector_load %arg8[%swap3A_215] {strides = array<i32>} : memref<2000xf32, #tpu.memory_space<vmem>>, vector<16xf32>,
    tpu.vector_store %arg8[%swap3A_215], %broadcast_in_dim3A_1 {strides = array<i32>} : memref<2000xf32, #tpu.memory_space<vmem>>, vector<16xf32>,
    %swap3A_217 = arith.constant 1712 : index
    %swap3A_218 = tpu.vector_load %arg8[%swap3A_217] {strides = array<i32>} : memref<2000xf32, #tpu.memory_space<vmem>>, vector<16xf32>,
    tpu.vector_store %arg8[%swap3A_217], %broadcast_in_dim3A_1 {strides = array<i32>} : memref<2000xf32, #tpu.memory_space<vmem>>, vector<16xf32>,
    %swap3A_219 = arith.constant 1728 : index
    %swap3A_220 = tpu.vector_load %arg8[%swap3A_219] {strides = array<i32>} : memref<2000xf32, #tpu.memory_space<vmem>>, vector<16xf32>,
    tpu.vector_store %arg8[%swap3A_219], %broadcast_in_dim3A_1 {strides = array<i32>} : memref<2000xf32, #tpu.memory_space<vmem>>, vector<16xf32>,
    %swap3A_221 = arith.constant 1744 : index
    %swap3A_222 = tpu.vector_load %arg8[%swap3A_221] {strides = array<i32>} : memref<2000xf32, #tpu.memory_space<vmem>>, vector<16xf32>,
    tpu.vector_store %arg8[%swap3A_221], %broadcast_in_dim3A_1 {strides = array<i32>} : memref<2000xf32, #tpu.memory_space<vmem>>, vector<16xf32>,
    %swap3A_223 = arith.constant 1760 : index
    %swap3A_224 = tpu.vector_load %arg8[%swap3A_223] {strides = array<i32>} : memref<2000xf32, #tpu.memory_space<vmem>>, vector<16xf32>,
    tpu.vector_store %arg8[%swap3A_223], %broadcast_in_dim3A_1 {strides = array<i32>} : memref<2000xf32, #tpu.memory_space<vmem>>, vector<16xf32>,
    %swap3A_225 = arith.constant 1776 : index
    %swap3A_226 = tpu.vector_load %arg8[%swap3A_225] {strides = array<i32>} : memref<2000xf32, #tpu.memory_space<vmem>>, vector<16xf32>,
    tpu.vector_store %arg8[%swap3A_225], %broadcast_in_dim3A_1 {strides = array<i32>} : memref<2000xf32, #tpu.memory_space<vmem>>, vector<16xf32>,
    %swap3A_227 = arith.constant 1792 : index
    %swap3A_228 = tpu.vector_load %arg8[%swap3A_227] {strides = array<i32>} : memref<2000xf32, #tpu.memory_space<vmem>>, vector<16xf32>,
    tpu.vector_store %arg8[%swap3A_227], %broadcast_in_dim3A_1 {strides = array<i32>} : memref<2000xf32, #tpu.memory_space<vmem>>, vector<16xf32>,
    %swap3A_229 = arith.constant 1808 : index
    %swap3A_230 = tpu.vector_load %arg8[%swap3A_229] {strides = array<i32>} : memref<2000xf32, #tpu.memory_space<vmem>>, vector<16xf32>,
    tpu.vector_store %arg8[%swap3A_229], %broadcast_in_dim3A_1 {strides = array<i32>} : memref<2000xf32, #tpu.memory_space<vmem>>, vector<16xf32>,
    %swap3A_231 = arith.constant 1824 : index
    %swap3A_232 = tpu.vector_load %arg8[%swap3A_231] {strides = array<i32>} : memref<2000xf32, #tpu.memory_space<vmem>>, vector<16xf32>,
    tpu.vector_store %arg8[%swap3A_231], %broadcast_in_dim3A_1 {strides = array<i32>} : memref<2000xf32, #tpu.memory_space<vmem>>, vector<16xf32>,
    %swap3A_233 = arith.constant 1840 : index
    %swap3A_234 = tpu.vector_load %arg8[%swap3A_233] {strides = array<i32>} : memref<2000xf32, #tpu.memory_space<vmem>>, vector<16xf32>,
    tpu.vector_store %arg8[%swap3A_233], %broadcast_in_dim3A_1 {strides = array<i32>} : memref<2000xf32, #tpu.memory_space<vmem>>, vector<16xf32>,
    %swap3A_235 = arith.constant 1856 : index
    %swap3A_236 = tpu.vector_load %arg8[%swap3A_235] {strides = array<i32>} : memref<2000xf32, #tpu.memory_space<vmem>>, vector<16xf32>,
    tpu.vector_store %arg8[%swap3A_235], %broadcast_in_dim3A_1 {strides = array<i32>} : memref<2000xf32, #tpu.memory_space<vmem>>, vector<16xf32>,
    %swap3A_237 = arith.constant 1872 : index
    %swap3A_238 = tpu.vector_load %arg8[%swap3A_237] {strides = array<i32>} : memref<2000xf32, #tpu.memory_space<vmem>>, vector<16xf32>,
    tpu.vector_store %arg8[%swap3A_237], %broadcast_in_dim3A_1 {strides = array<i32>} : memref<2000xf32, #tpu.memory_space<vmem>>, vector<16xf32>,
    %swap3A_239 = arith.constant 1888 : index
    %swap3A_240 = tpu.vector_load %arg8[%swap3A_239] {strides = array<i32>} : memref<2000xf32, #tpu.memory_space<vmem>>, vector<16xf32>,
    tpu.vector_store %arg8[%swap3A_239], %broadcast_in_dim3A_1 {strides = array<i32>} : memref<2000xf32, #tpu.memory_space<vmem>>, vector<16xf32>,
    %swap3A_241 = arith.constant 1904 : index
    %swap3A_242 = tpu.vector_load %arg8[%swap3A_241] {strides = array<i32>} : memref<2000xf32, #tpu.memory_space<vmem>>, vector<16xf32>,
    tpu.vector_store %arg8[%swap3A_241], %broadcast_in_dim3A_1 {strides = array<i32>} : memref<2000xf32, #tpu.memory_space<vmem>>, vector<16xf32>,
    %swap3A_243 = arith.constant 1920 : index
    %swap3A_244 = tpu.vector_load %arg8[%swap3A_243] {strides = array<i32>} : memref<2000xf32, #tpu.memory_space<vmem>>, vector<16xf32>,
    tpu.vector_store %arg8[%swap3A_243], %broadcast_in_dim3A_1 {strides = array<i32>} : memref<2000xf32, #tpu.memory_space<vmem>>, vector<16xf32>,
    %swap3A_245 = arith.constant 1936 : index
    %swap3A_246 = tpu.vector_load %arg8[%swap3A_245] {strides = array<i32>} : memref<2000xf32, #tpu.memory_space<vmem>>, vector<16xf32>,
    tpu.vector_store %arg8[%swap3A_245], %broadcast_in_dim3A_1 {strides = array<i32>} : memref<2000xf32, #tpu.memory_space<vmem>>, vector<16xf32>,
    %swap3A_247 = arith.constant 1952 : index
    %swap3A_248 = tpu.vector_load %arg8[%swap3A_247] {strides = array<i32>} : memref<2000xf32, #tpu.memory_space<vmem>>, vector<16xf32>,
    tpu.vector_store %arg8[%swap3A_247], %broadcast_in_dim3A_1 {strides = array<i32>} : memref<2000xf32, #tpu.memory_space<vmem>>, vector<16xf32>,
    %swap3A_249 = arith.constant 1968 : index
    %swap3A_250 = tpu.vector_load %arg8[%swap3A_249] {strides = array<i32>} : memref<2000xf32, #tpu.memory_space<vmem>>, vector<16xf32>,
    tpu.vector_store %arg8[%swap3A_249], %broadcast_in_dim3A_1 {strides = array<i32>} : memref<2000xf32, #tpu.memory_space<vmem>>, vector<16xf32>,
    %swap3A_251 = arith.constant 1984 : index
    %swap3A_252 = tpu.vector_load %arg8[%swap3A_251] {strides = array<i32>} : memref<2000xf32, #tpu.memory_space<vmem>>, vector<16xf32>,
    tpu.vector_store %arg8[%swap3A_251], %broadcast_in_dim3A_1 {strides = array<i32>} : memref<2000xf32, #tpu.memory_space<vmem>>, vector<16xf32>,
    %swap3A_253 = arith.constant 0 : index
    %swap3A_254 = tpu.vector_load %arg9[%swap3A_253] {strides = array<i32>} : memref<80xf32, #tpu.memory_space<vmem>>, vector<16xf32>,
    tpu.vector_store %arg9[%swap3A_253], %broadcast_in_dim3A_3 {strides = array<i32>} : memref<80xf32, #tpu.memory_space<vmem>>, vector<16xf32>,
    %swap3A_255 = arith.constant 16 : index
    %swap3A_256 = tpu.vector_load %arg9[%swap3A_255] {strides = array<i32>} : memref<80xf32, #tpu.memory_space<vmem>>, vector<16xf32>,
    tpu.vector_store %arg9[%swap3A_255], %broadcast_in_dim3A_3 {strides = array<i32>} : memref<80xf32, #tpu.memory_space<vmem>>, vector<16xf32>,
    %swap3A_257 = arith.constant 32 : index
    %swap3A_258 = tpu.vector_load %arg9[%swap3A_257] {strides = array<i32>} : memref<80xf32, #tpu.memory_space<vmem>>, vector<16xf32>,
    tpu.vector_store %arg9[%swap3A_257], %broadcast_in_dim3A_3 {strides = array<i32>} : memref<80xf32, #tpu.memory_space<vmem>>, vector<16xf32>,
    %swap3A_259 = arith.constant 48 : index
    %swap3A_260 = tpu.vector_load %arg9[%swap3A_259] {strides = array<i32>} : memref<80xf32, #tpu.memory_space<vmem>>, vector<16xf32>,
    tpu.vector_store %arg9[%swap3A_259], %broadcast_in_dim3A_3 {strides = array<i32>} : memref<80xf32, #tpu.memory_space<vmem>>, vector<16xf32>,
    %swap3A_261 = arith.constant 64 : index
    %swap3A_262 = tpu.vector_load %arg9[%swap3A_261] {strides = array<i32>} : memref<80xf32, #tpu.memory_space<vmem>>, vector<16xf32>,
    tpu.vector_store %arg9[%swap3A_261], %broadcast_in_dim3A_3 {strides = array<i32>} : memref<80xf32, #tpu.memory_space<vmem>>, vector<16xf32>,
    %lt3A = arith.constant 11 : i32
    %lt3A_263 = arith.cmpi slt, %arg1, %lt3A : i32
    %convert_element_type3A = arith.extui %lt3A_263 : i1 to i32
    %cond3A = arith.constant 0 : i32
    %cond3A_264 = arith.cmpi ne, %convert_element_type3A, %cond3A : i32
    scf.if %cond3A_264 {
      %mul3A_277 = arith.constant 10000 : i32
      %mul3A_278 = arith.muli %arg1, %mul3A_277 : i32
      %add3A_279 = arith.constant 0 : i32
      %add3A_280 = arith.addi %mul3A_278, %add3A_279 : i32
      "tpu.region"() ({
        %run_scoped3A = tpu.sem_alloc : memref<!tpu.dma_semaphore, #tpu.memory_space<semaphore_mem>>
        %dma_start3A = tpu.memref_slice %arg10[%add3A_280] : memref<110000xf32, #tpu.memory_space<vmem_shared>> -> memref<2000xf32, #tpu.memory_space<vmem_shared>>
        %dma_start3A_297 = tpu.memref_slice %arg10[%add3A_280] : memref<110000xf32, #tpu.memory_space<vmem_shared>> -> memref<2000xf32, #tpu.memory_space<vmem_shared>>
        tpu.enqueue_dma source(%arg8 : memref<2000xf32, #tpu.memory_space<vmem>>) target(%dma_start3A_297 : memref<2000xf32, #tpu.memory_space<vmem_shared>>) target_semaphore(%run_scoped3A : memref<!tpu.dma_semaphore, #tpu.memory_space<semaphore_mem>>)
        %dma_wait3A = tpu.memref_slice %arg10[%add3A_280] : memref<110000xf32, #tpu.memory_space<vmem_shared>> -> memref<2000xf32, #tpu.memory_space<vmem_shared>>
        %dma_wait3A_298 = tpu.memref_slice %arg10[%add3A_280] : memref<110000xf32, #tpu.memory_space<vmem_shared>> -> memref<2000xf32, #tpu.memory_space<vmem_shared>>
        tpu.wait_dma2 semaphore(%run_scoped3A : memref<!tpu.dma_semaphore, #tpu.memory_space<semaphore_mem>>) src(%arg8 : memref<2000xf32, #tpu.memory_space<vmem>>) dst(%dma_wait3A_298 : memref<2000xf32, #tpu.memory_space<vmem_shared>>)
        tpu.yield
      }) : () -> ()
      %mul3A_281 = arith.constant 10000 : i32
      %mul3A_282 = arith.muli %arg1, %mul3A_281 : i32
      %add3A_283 = arith.constant 2000 : i32
      %add3A_284 = arith.addi %mul3A_282, %add3A_283 : i32
      "tpu.region"() ({
        %run_scoped3A = tpu.sem_alloc : memref<!tpu.dma_semaphore, #tpu.memory_space<semaphore_mem>>
        %dma_start3A = tpu.memref_slice %arg10[%add3A_284] : memref<110000xf32, #tpu.memory_space<vmem_shared>> -> memref<2000xf32, #tpu.memory_space<vmem_shared>>
        %dma_start3A_297 = tpu.memref_slice %arg10[%add3A_284] : memref<110000xf32, #tpu.memory_space<vmem_shared>> -> memref<2000xf32, #tpu.memory_space<vmem_shared>>
        tpu.enqueue_dma source(%arg8 : memref<2000xf32, #tpu.memory_space<vmem>>) target(%dma_start3A_297 : memref<2000xf32, #tpu.memory_space<vmem_shared>>) target_semaphore(%run_scoped3A : memref<!tpu.dma_semaphore, #tpu.memory_space<semaphore_mem>>)
        %dma_wait3A = tpu.memref_slice %arg10[%add3A_284] : memref<110000xf32, #tpu.memory_space<vmem_shared>> -> memref<2000xf32, #tpu.memory_space<vmem_shared>>
        %dma_wait3A_298 = tpu.memref_slice %arg10[%add3A_284] : memref<110000xf32, #tpu.memory_space<vmem_shared>> -> memref<2000xf32, #tpu.memory_space<vmem_shared>>
        tpu.wait_dma2 semaphore(%run_scoped3A : memref<!tpu.dma_semaphore, #tpu.memory_space<semaphore_mem>>) src(%arg8 : memref<2000xf32, #tpu.memory_space<vmem>>) dst(%dma_wait3A_298 : memref<2000xf32, #tpu.memory_space<vmem_shared>>)
        tpu.yield
      }) : () -> ()
      %mul3A_285 = arith.constant 10000 : i32
      %mul3A_286 = arith.muli %arg1, %mul3A_285 : i32
      %add3A_287 = arith.constant 4000 : i32
      %add3A_288 = arith.addi %mul3A_286, %add3A_287 : i32
      "tpu.region"() ({
        %run_scoped3A = tpu.sem_alloc : memref<!tpu.dma_semaphore, #tpu.memory_space<semaphore_mem>>
        %dma_start3A = tpu.memref_slice %arg10[%add3A_288] : memref<110000xf32, #tpu.memory_space<vmem_shared>> -> memref<2000xf32, #tpu.memory_space<vmem_shared>>
        %dma_start3A_297 = tpu.memref_slice %arg10[%add3A_288] : memref<110000xf32, #tpu.memory_space<vmem_shared>> -> memref<2000xf32, #tpu.memory_space<vmem_shared>>
        tpu.enqueue_dma source(%arg8 : memref<2000xf32, #tpu.memory_space<vmem>>) target(%dma_start3A_297 : memref<2000xf32, #tpu.memory_space<vmem_shared>>) target_semaphore(%run_scoped3A : memref<!tpu.dma_semaphore, #tpu.memory_space<semaphore_mem>>)
        %dma_wait3A = tpu.memref_slice %arg10[%add3A_288] : memref<110000xf32, #tpu.memory_space<vmem_shared>> -> memref<2000xf32, #tpu.memory_space<vmem_shared>>
        %dma_wait3A_298 = tpu.memref_slice %arg10[%add3A_288] : memref<110000xf32, #tpu.memory_space<vmem_shared>> -> memref<2000xf32, #tpu.memory_space<vmem_shared>>
        tpu.wait_dma2 semaphore(%run_scoped3A : memref<!tpu.dma_semaphore, #tpu.memory_space<semaphore_mem>>) src(%arg8 : memref<2000xf32, #tpu.memory_space<vmem>>) dst(%dma_wait3A_298 : memref<2000xf32, #tpu.memory_space<vmem_shared>>)
        tpu.yield
      }) : () -> ()
      %mul3A_289 = arith.constant 10000 : i32
      %mul3A_290 = arith.muli %arg1, %mul3A_289 : i32
      %add3A_291 = arith.constant 6000 : i32
      %add3A_292 = arith.addi %mul3A_290, %add3A_291 : i32
      "tpu.region"() ({
        %run_scoped3A = tpu.sem_alloc : memref<!tpu.dma_semaphore, #tpu.memory_space<semaphore_mem>>
        %dma_start3A = tpu.memref_slice %arg10[%add3A_292] : memref<110000xf32, #tpu.memory_space<vmem_shared>> -> memref<2000xf32, #tpu.memory_space<vmem_shared>>
        %dma_start3A_297 = tpu.memref_slice %arg10[%add3A_292] : memref<110000xf32, #tpu.memory_space<vmem_shared>> -> memref<2000xf32, #tpu.memory_space<vmem_shared>>
        tpu.enqueue_dma source(%arg8 : memref<2000xf32, #tpu.memory_space<vmem>>) target(%dma_start3A_297 : memref<2000xf32, #tpu.memory_space<vmem_shared>>) target_semaphore(%run_scoped3A : memref<!tpu.dma_semaphore, #tpu.memory_space<semaphore_mem>>)
        %dma_wait3A = tpu.memref_slice %arg10[%add3A_292] : memref<110000xf32, #tpu.memory_space<vmem_shared>> -> memref<2000xf32, #tpu.memory_space<vmem_shared>>
        %dma_wait3A_298 = tpu.memref_slice %arg10[%add3A_292] : memref<110000xf32, #tpu.memory_space<vmem_shared>> -> memref<2000xf32, #tpu.memory_space<vmem_shared>>
        tpu.wait_dma2 semaphore(%run_scoped3A : memref<!tpu.dma_semaphore, #tpu.memory_space<semaphore_mem>>) src(%arg8 : memref<2000xf32, #tpu.memory_space<vmem>>) dst(%dma_wait3A_298 : memref<2000xf32, #tpu.memory_space<vmem_shared>>)
        tpu.yield
      }) : () -> ()
      %mul3A_293 = arith.constant 10000 : i32
      %mul3A_294 = arith.muli %arg1, %mul3A_293 : i32
      %add3A_295 = arith.constant 8000 : i32
      %add3A_296 = arith.addi %mul3A_294, %add3A_295 : i32
      "tpu.region"() ({
        %run_scoped3A = tpu.sem_alloc : memref<!tpu.dma_semaphore, #tpu.memory_space<semaphore_mem>>
        %dma_start3A = tpu.memref_slice %arg10[%add3A_296] : memref<110000xf32, #tpu.memory_space<vmem_shared>> -> memref<2000xf32, #tpu.memory_space<vmem_shared>>
        %dma_start3A_297 = tpu.memref_slice %arg10[%add3A_296] : memref<110000xf32, #tpu.memory_space<vmem_shared>> -> memref<2000xf32, #tpu.memory_space<vmem_shared>>
        tpu.enqueue_dma source(%arg8 : memref<2000xf32, #tpu.memory_space<vmem>>) target(%dma_start3A_297 : memref<2000xf32, #tpu.memory_space<vmem_shared>>) target_semaphore(%run_scoped3A : memref<!tpu.dma_semaphore, #tpu.memory_space<semaphore_mem>>)
        %dma_wait3A = tpu.memref_slice %arg10[%add3A_296] : memref<110000xf32, #tpu.memory_space<vmem_shared>> -> memref<2000xf32, #tpu.memory_space<vmem_shared>>
        %dma_wait3A_298 = tpu.memref_slice %arg10[%add3A_296] : memref<110000xf32, #tpu.memory_space<vmem_shared>> -> memref<2000xf32, #tpu.memory_space<vmem_shared>>
        tpu.wait_dma2 semaphore(%run_scoped3A : memref<!tpu.dma_semaphore, #tpu.memory_space<semaphore_mem>>) src(%arg8 : memref<2000xf32, #tpu.memory_space<vmem>>) dst(%dma_wait3A_298 : memref<2000xf32, #tpu.memory_space<vmem_shared>>)
        tpu.yield
      }) : () -> ()
    } else {
    }
    %barrier3A = arith.constant 0 : index
    tpu.barrier barrier_id(%barrier3A)
    %scan3A = arith.constant 0 : i32
    %scan3A_265 = arith.constant 0 : i32
    %scan3A_266 = arith.constant 10 : i32
    %scan3A_267 = arith.addi %scan3A_265, %scan3A_266 : i32
    %scan3A_268 = arith.constant 1 : i32
    %scan3A_269 = scf.for %scan3A_277 = %scan3A_265 to %scan3A_267 step %scan3A_268 iter_args(%scan3A_278 = %scan3A) -> (i32)  : i32 {
      %mul3A_279 = arith.constant 20000 : i32
      %mul3A_280 = arith.muli %arg1, %mul3A_279 : i32
      %mul3A_281 = arith.constant 2000 : i32
      %mul3A_282 = arith.muli %scan3A_277, %mul3A_281 : i32
      %add3A_283 = arith.addi %mul3A_280, %mul3A_282 : i32
      %dma_start3A = tpu.memref_slice %arg2[%add3A_283] : memref<320000xi32, #tpu.memory_space<hbm>> -> memref<2000xi32, #tpu.memory_space<hbm>>
      %dma_start3A_284 = tpu.memref_slice %arg2[%add3A_283] : memref<320000xi32, #tpu.memory_space<hbm>> -> memref<2000xi32, #tpu.memory_space<hbm>>
      tpu.enqueue_dma source(%dma_start3A_284 : memref<2000xi32, #tpu.memory_space<hbm>>) target(%arg5 : memref<2000xi32, #tpu.memory_space<vmem>>) target_semaphore(%arg11 : memref<!tpu.dma_semaphore, #tpu.memory_space<semaphore_mem>>)
      %dma_start3A_285 = tpu.memref_slice %arg3[%add3A_283] : memref<320000xi32, #tpu.memory_space<hbm>> -> memref<2000xi32, #tpu.memory_space<hbm>>
      %dma_start3A_286 = tpu.memref_slice %arg3[%add3A_283] : memref<320000xi32, #tpu.memory_space<hbm>> -> memref<2000xi32, #tpu.memory_space<hbm>>
      tpu.enqueue_dma source(%dma_start3A_286 : memref<2000xi32, #tpu.memory_space<hbm>>) target(%arg6 : memref<2000xi32, #tpu.memory_space<vmem>>) target_semaphore(%arg12 : memref<!tpu.dma_semaphore, #tpu.memory_space<semaphore_mem>>)
      %dma_wait3A = tpu.memref_slice %arg2[%add3A_283] : memref<320000xi32, #tpu.memory_space<hbm>> -> memref<2000xi32, #tpu.memory_space<hbm>>
      %dma_wait3A_287 = tpu.memref_slice %arg2[%add3A_283] : memref<320000xi32, #tpu.memory_space<hbm>> -> memref<2000xi32, #tpu.memory_space<hbm>>
      tpu.wait_dma2 semaphore(%arg11 : memref<!tpu.dma_semaphore, #tpu.memory_space<semaphore_mem>>) src(%dma_wait3A_287 : memref<2000xi32, #tpu.memory_space<hbm>>) dst(%arg5 : memref<2000xi32, #tpu.memory_space<vmem>>)
      %dma_wait3A_288 = tpu.memref_slice %arg3[%add3A_283] : memref<320000xi32, #tpu.memory_space<hbm>> -> memref<2000xi32, #tpu.memory_space<hbm>>
      %dma_wait3A_289 = tpu.memref_slice %arg3[%add3A_283] : memref<320000xi32, #tpu.memory_space<hbm>> -> memref<2000xi32, #tpu.memory_space<hbm>>
      tpu.wait_dma2 semaphore(%arg12 : memref<!tpu.dma_semaphore, #tpu.memory_space<semaphore_mem>>) src(%dma_wait3A_289 : memref<2000xi32, #tpu.memory_space<hbm>>) dst(%arg6 : memref<2000xi32, #tpu.memory_space<vmem>>)
      %scan3A_290 = arith.constant 0 : i32
      %scan3A_291 = arith.constant 0 : i32
      %scan3A_292 = arith.constant 25 : i32
      %scan3A_293 = arith.addi %scan3A_291, %scan3A_292 : i32
      %scan3A_294 = arith.constant 1 : i32
      %scan3A_295 = scf.for %scan3A_305 = %scan3A_291 to %scan3A_293 step %scan3A_294 iter_args(%scan3A_306 = %scan3A_290) -> (i32)  : i32 {
        %scan3A_307 = arith.constant 0 : i32
        %scan3A_308 = arith.constant 0 : i32
        %mul3A_309 = arith.constant 80 : i32
        %mul3A_310 = arith.muli %scan3A_305, %mul3A_309 : i32
        %mul3A_311 = arith.constant 16 : i32
        %mul3A_312 = arith.muli %scan3A_308, %mul3A_311 : i32
        %add3A_313 = arith.addi %mul3A_310, %mul3A_312 : i32
        %get3A = arith.index_cast %add3A_313 : i32 to index
        %get3A_314 = tpu.vector_load %arg6[%get3A] {strides = array<i32>} : memref<2000xi32, #tpu.memory_space<vmem>>, vector<16xi32>,
        %mul3A_315 = arith.constant 10000 : i32
        %mul3A_316 = vector.broadcast %mul3A_315 : i32 to vector<16xi32>
        %mul3A_317 = arith.muli %get3A_314, %mul3A_316 : vector<16xi32>
        %get3A_318 = arith.index_cast %add3A_313 : i32 to index
        %get3A_319 = tpu.vector_load %arg5[%get3A_318] {strides = array<i32>} : memref<2000xi32, #tpu.memory_space<vmem>>, vector<16xi32>,
        %add3A_320 = arith.addi %mul3A_317, %get3A_319 : vector<16xi32>
        %mul3A_321 = arith.constant 16 : i32
        %mul3A_322 = arith.muli %scan3A_308, %mul3A_321 : i32
        %swap3A_323 = arith.index_cast %scan3A_305 : i32 to index
        %swap3A_324 = arith.index_cast %mul3A_322 : i32 to index
        %swap3A_325 = tpu.vector_load %arg7[%swap3A_323, %swap3A_324] {strides = array<i32>} : memref<25x80xi32, #tpu.memory_space<vmem>>, vector<16xi32>,
        tpu.vector_store %arg7[%swap3A_323, %swap3A_324], %add3A_320 {strides = array<i32>} : memref<25x80xi32, #tpu.memory_space<vmem>>, vector<16xi32>,
        %scan3A_326 = arith.constant 0 : i32
        %scan3A_327 = arith.constant 1 : i32
        %mul3A_328 = arith.constant 80 : i32
        %mul3A_329 = arith.muli %scan3A_305, %mul3A_328 : i32
        %mul3A_330 = arith.constant 16 : i32
        %mul3A_331 = arith.muli %scan3A_327, %mul3A_330 : i32
        %add3A_332 = arith.addi %mul3A_329, %mul3A_331 : i32
        %get3A_333 = arith.index_cast %add3A_332 : i32 to index
        %get3A_334 = tpu.vector_load %arg6[%get3A_333] {strides = array<i32>} : memref<2000xi32, #tpu.memory_space<vmem>>, vector<16xi32>,
        %mul3A_335 = arith.constant 10000 : i32
        %mul3A_336 = vector.broadcast %mul3A_335 : i32 to vector<16xi32>
        %mul3A_337 = arith.muli %get3A_334, %mul3A_336 : vector<16xi32>
        %get3A_338 = arith.index_cast %add3A_332 : i32 to index
        %get3A_339 = tpu.vector_load %arg5[%get3A_338] {strides = array<i32>} : memref<2000xi32, #tpu.memory_space<vmem>>, vector<16xi32>,
        %add3A_340 = arith.addi %mul3A_337, %get3A_339 : vector<16xi32>
        %mul3A_341 = arith.constant 16 : i32
        %mul3A_342 = arith.muli %scan3A_327, %mul3A_341 : i32
        %swap3A_343 = arith.index_cast %scan3A_305 : i32 to index
        %swap3A_344 = arith.index_cast %mul3A_342 : i32 to index
        %swap3A_345 = tpu.vector_load %arg7[%swap3A_343, %swap3A_344] {strides = array<i32>} : memref<25x80xi32, #tpu.memory_space<vmem>>, vector<16xi32>,
        tpu.vector_store %arg7[%swap3A_343, %swap3A_344], %add3A_340 {strides = array<i32>} : memref<25x80xi32, #tpu.memory_space<vmem>>, vector<16xi32>,
        %scan3A_346 = arith.constant 0 : i32
        %scan3A_347 = arith.constant 2 : i32
        %mul3A_348 = arith.constant 80 : i32
        %mul3A_349 = arith.muli %scan3A_305, %mul3A_348 : i32
        %mul3A_350 = arith.constant 16 : i32
        %mul3A_351 = arith.muli %scan3A_347, %mul3A_350 : i32
        %add3A_352 = arith.addi %mul3A_349, %mul3A_351 : i32
        %get3A_353 = arith.index_cast %add3A_352 : i32 to index
        %get3A_354 = tpu.vector_load %arg6[%get3A_353] {strides = array<i32>} : memref<2000xi32, #tpu.memory_space<vmem>>, vector<16xi32>,
        %mul3A_355 = arith.constant 10000 : i32
        %mul3A_356 = vector.broadcast %mul3A_355 : i32 to vector<16xi32>
        %mul3A_357 = arith.muli %get3A_354, %mul3A_356 : vector<16xi32>
        %get3A_358 = arith.index_cast %add3A_352 : i32 to index
        %get3A_359 = tpu.vector_load %arg5[%get3A_358] {strides = array<i32>} : memref<2000xi32, #tpu.memory_space<vmem>>, vector<16xi32>,
        %add3A_360 = arith.addi %mul3A_357, %get3A_359 : vector<16xi32>
        %mul3A_361 = arith.constant 16 : i32
        %mul3A_362 = arith.muli %scan3A_347, %mul3A_361 : i32
        %swap3A_363 = arith.index_cast %scan3A_305 : i32 to index
        %swap3A_364 = arith.index_cast %mul3A_362 : i32 to index
        %swap3A_365 = tpu.vector_load %arg7[%swap3A_363, %swap3A_364] {strides = array<i32>} : memref<25x80xi32, #tpu.memory_space<vmem>>, vector<16xi32>,
        tpu.vector_store %arg7[%swap3A_363, %swap3A_364], %add3A_360 {strides = array<i32>} : memref<25x80xi32, #tpu.memory_space<vmem>>, vector<16xi32>,
        %scan3A_366 = arith.constant 0 : i32
        %scan3A_367 = arith.constant 3 : i32
        %mul3A_368 = arith.constant 80 : i32
        %mul3A_369 = arith.muli %scan3A_305, %mul3A_368 : i32
        %mul3A_370 = arith.constant 16 : i32
        %mul3A_371 = arith.muli %scan3A_367, %mul3A_370 : i32
        %add3A_372 = arith.addi %mul3A_369, %mul3A_371 : i32
        %get3A_373 = arith.index_cast %add3A_372 : i32 to index
        %get3A_374 = tpu.vector_load %arg6[%get3A_373] {strides = array<i32>} : memref<2000xi32, #tpu.memory_space<vmem>>, vector<16xi32>,
        %mul3A_375 = arith.constant 10000 : i32
        %mul3A_376 = vector.broadcast %mul3A_375 : i32 to vector<16xi32>
        %mul3A_377 = arith.muli %get3A_374, %mul3A_376 : vector<16xi32>
        %get3A_378 = arith.index_cast %add3A_372 : i32 to index
        %get3A_379 = tpu.vector_load %arg5[%get3A_378] {strides = array<i32>} : memref<2000xi32, #tpu.memory_space<vmem>>, vector<16xi32>,
        %add3A_380 = arith.addi %mul3A_377, %get3A_379 : vector<16xi32>
        %mul3A_381 = arith.constant 16 : i32
        %mul3A_382 = arith.muli %scan3A_367, %mul3A_381 : i32
        %swap3A_383 = arith.index_cast %scan3A_305 : i32 to index
        %swap3A_384 = arith.index_cast %mul3A_382 : i32 to index
        %swap3A_385 = tpu.vector_load %arg7[%swap3A_383, %swap3A_384] {strides = array<i32>} : memref<25x80xi32, #tpu.memory_space<vmem>>, vector<16xi32>,
        tpu.vector_store %arg7[%swap3A_383, %swap3A_384], %add3A_380 {strides = array<i32>} : memref<25x80xi32, #tpu.memory_space<vmem>>, vector<16xi32>,
        %scan3A_386 = arith.constant 0 : i32
        %scan3A_387 = arith.constant 4 : i32
        %mul3A_388 = arith.constant 80 : i32
        %mul3A_389 = arith.muli %scan3A_305, %mul3A_388 : i32
        %mul3A_390 = arith.constant 16 : i32
        %mul3A_391 = arith.muli %scan3A_387, %mul3A_390 : i32
        %add3A_392 = arith.addi %mul3A_389, %mul3A_391 : i32
        %get3A_393 = arith.index_cast %add3A_392 : i32 to index
        %get3A_394 = tpu.vector_load %arg6[%get3A_393] {strides = array<i32>} : memref<2000xi32, #tpu.memory_space<vmem>>, vector<16xi32>,
        %mul3A_395 = arith.constant 10000 : i32
        %mul3A_396 = vector.broadcast %mul3A_395 : i32 to vector<16xi32>
        %mul3A_397 = arith.muli %get3A_394, %mul3A_396 : vector<16xi32>
        %get3A_398 = arith.index_cast %add3A_392 : i32 to index
        %get3A_399 = tpu.vector_load %arg5[%get3A_398] {strides = array<i32>} : memref<2000xi32, #tpu.memory_space<vmem>>, vector<16xi32>,
        %add3A_400 = arith.addi %mul3A_397, %get3A_399 : vector<16xi32>
        %mul3A_401 = arith.constant 16 : i32
        %mul3A_402 = arith.muli %scan3A_387, %mul3A_401 : i32
        %swap3A_403 = arith.index_cast %scan3A_305 : i32 to index
        %swap3A_404 = arith.index_cast %mul3A_402 : i32 to index
        %swap3A_405 = tpu.vector_load %arg7[%swap3A_403, %swap3A_404] {strides = array<i32>} : memref<25x80xi32, #tpu.memory_space<vmem>>, vector<16xi32>,
        tpu.vector_store %arg7[%swap3A_403, %swap3A_404], %add3A_400 {strides = array<i32>} : memref<25x80xi32, #tpu.memory_space<vmem>>, vector<16xi32>,
        %scan3A_406 = arith.constant 0 : i32
        %scan3A_407 = arith.constant 5 : i32
        %scan3A_408 = arith.constant 0 : i32
        scf.yield %scan3A_408 : i32
      }
      %scan3A_296 = arith.constant 25 : i32
      %scan3A_297 = arith.constant 0 : i32
      %scan3A_298 = arith.constant 0 : i32
      %scan3A_299 = arith.constant 5 : i32
      %scan3A_300 = arith.addi %scan3A_298, %scan3A_299 : i32
      %scan3A_301 = arith.constant 1 : i32
      %scan3A_302 = scf.for %scan3A_305 = %scan3A_298 to %scan3A_300 step %scan3A_301 iter_args(%scan3A_306 = %scan3A_297) -> (i32)  : i32 {
        %mul3A_307 = arith.constant 5 : i32
        %mul3A_308 = arith.muli %scan3A_305, %mul3A_307 : i32
        %add3A_309 = arith.constant 0 : i32
        %add3A_310 = arith.addi %mul3A_308, %add3A_309 : i32
        %dma_start3A_311 = arith.constant 0 : i32
        %dma_start3A_312 = tpu.memref_slice %arg7[%add3A_310, %dma_start3A_311] : memref<25x80xi32, #tpu.memory_space<vmem>> -> memref<1x80xi32, #tpu.memory_space<vmem>>
        %dma_start3A_313 = tpu.memref_squeeze %dma_start3A_312 : memref<1x80xi32, #tpu.memory_space<vmem>> -> memref<80xi32, #tpu.memory_space<vmem>>
        %dma_start3A_314 = arith.constant 0 : i32
        %dma_start3A_315 = tpu.memref_slice %arg10[%dma_start3A_314] : memref<110000xf32, #tpu.memory_space<vmem_shared>> -> memref<110000xf32, #tpu.memory_space<vmem_shared>>
        tpu.enqueue_indirect_dma source(%arg9 : memref<80xf32, #tpu.memory_space<vmem>>) target(%dma_start3A_315 : memref<110000xf32, #tpu.memory_space<vmem_shared>>) offsets(%dma_start3A_313 : memref<80xi32, #tpu.memory_space<vmem>>) semaphore(%arg13 : memref<!tpu.dma_semaphore, #tpu.memory_space<semaphore_mem>>) {add = true}
        %mul3A_316 = arith.constant 5 : i32
        %mul3A_317 = arith.muli %scan3A_305, %mul3A_316 : i32
        %add3A_318 = arith.constant 1 : i32
        %add3A_319 = arith.addi %mul3A_317, %add3A_318 : i32
        %dma_start3A_320 = arith.constant 0 : i32
        %dma_start3A_321 = tpu.memref_slice %arg7[%add3A_319, %dma_start3A_320] : memref<25x80xi32, #tpu.memory_space<vmem>> -> memref<1x80xi32, #tpu.memory_space<vmem>>
        %dma_start3A_322 = tpu.memref_squeeze %dma_start3A_321 : memref<1x80xi32, #tpu.memory_space<vmem>> -> memref<80xi32, #tpu.memory_space<vmem>>
        %dma_start3A_323 = arith.constant 0 : i32
        %dma_start3A_324 = tpu.memref_slice %arg10[%dma_start3A_323] : memref<110000xf32, #tpu.memory_space<vmem_shared>> -> memref<110000xf32, #tpu.memory_space<vmem_shared>>
        tpu.enqueue_indirect_dma source(%arg9 : memref<80xf32, #tpu.memory_space<vmem>>) target(%dma_start3A_324 : memref<110000xf32, #tpu.memory_space<vmem_shared>>) offsets(%dma_start3A_322 : memref<80xi32, #tpu.memory_space<vmem>>) semaphore(%arg13 : memref<!tpu.dma_semaphore, #tpu.memory_space<semaphore_mem>>) {add = true}
        %mul3A_325 = arith.constant 5 : i32
        %mul3A_326 = arith.muli %scan3A_305, %mul3A_325 : i32
        %add3A_327 = arith.constant 2 : i32
        %add3A_328 = arith.addi %mul3A_326, %add3A_327 : i32
        %dma_start3A_329 = arith.constant 0 : i32
        %dma_start3A_330 = tpu.memref_slice %arg7[%add3A_328, %dma_start3A_329] : memref<25x80xi32, #tpu.memory_space<vmem>> -> memref<1x80xi32, #tpu.memory_space<vmem>>
        %dma_start3A_331 = tpu.memref_squeeze %dma_start3A_330 : memref<1x80xi32, #tpu.memory_space<vmem>> -> memref<80xi32, #tpu.memory_space<vmem>>
        %dma_start3A_332 = arith.constant 0 : i32
        %dma_start3A_333 = tpu.memref_slice %arg10[%dma_start3A_332] : memref<110000xf32, #tpu.memory_space<vmem_shared>> -> memref<110000xf32, #tpu.memory_space<vmem_shared>>
        tpu.enqueue_indirect_dma source(%arg9 : memref<80xf32, #tpu.memory_space<vmem>>) target(%dma_start3A_333 : memref<110000xf32, #tpu.memory_space<vmem_shared>>) offsets(%dma_start3A_331 : memref<80xi32, #tpu.memory_space<vmem>>) semaphore(%arg13 : memref<!tpu.dma_semaphore, #tpu.memory_space<semaphore_mem>>) {add = true}
        %mul3A_334 = arith.constant 5 : i32
        %mul3A_335 = arith.muli %scan3A_305, %mul3A_334 : i32
        %add3A_336 = arith.constant 3 : i32
        %add3A_337 = arith.addi %mul3A_335, %add3A_336 : i32
        %dma_start3A_338 = arith.constant 0 : i32
        %dma_start3A_339 = tpu.memref_slice %arg7[%add3A_337, %dma_start3A_338] : memref<25x80xi32, #tpu.memory_space<vmem>> -> memref<1x80xi32, #tpu.memory_space<vmem>>
        %dma_start3A_340 = tpu.memref_squeeze %dma_start3A_339 : memref<1x80xi32, #tpu.memory_space<vmem>> -> memref<80xi32, #tpu.memory_space<vmem>>
        %dma_start3A_341 = arith.constant 0 : i32
        %dma_start3A_342 = tpu.memref_slice %arg10[%dma_start3A_341] : memref<110000xf32, #tpu.memory_space<vmem_shared>> -> memref<110000xf32, #tpu.memory_space<vmem_shared>>
        tpu.enqueue_indirect_dma source(%arg9 : memref<80xf32, #tpu.memory_space<vmem>>) target(%dma_start3A_342 : memref<110000xf32, #tpu.memory_space<vmem_shared>>) offsets(%dma_start3A_340 : memref<80xi32, #tpu.memory_space<vmem>>) semaphore(%arg13 : memref<!tpu.dma_semaphore, #tpu.memory_space<semaphore_mem>>) {add = true}
        %mul3A_343 = arith.constant 5 : i32
        %mul3A_344 = arith.muli %scan3A_305, %mul3A_343 : i32
        %add3A_345 = arith.constant 4 : i32
        %add3A_346 = arith.addi %mul3A_344, %add3A_345 : i32
        %dma_start3A_347 = arith.constant 0 : i32
        %dma_start3A_348 = tpu.memref_slice %arg7[%add3A_346, %dma_start3A_347] : memref<25x80xi32, #tpu.memory_space<vmem>> -> memref<1x80xi32, #tpu.memory_space<vmem>>
        %dma_start3A_349 = tpu.memref_squeeze %dma_start3A_348 : memref<1x80xi32, #tpu.memory_space<vmem>> -> memref<80xi32, #tpu.memory_space<vmem>>
        %dma_start3A_350 = arith.constant 0 : i32
        %dma_start3A_351 = tpu.memref_slice %arg10[%dma_start3A_350] : memref<110000xf32, #tpu.memory_space<vmem_shared>> -> memref<110000xf32, #tpu.memory_space<vmem_shared>>
        tpu.enqueue_indirect_dma source(%arg9 : memref<80xf32, #tpu.memory_space<vmem>>) target(%dma_start3A_351 : memref<110000xf32, #tpu.memory_space<vmem_shared>>) offsets(%dma_start3A_349 : memref<80xi32, #tpu.memory_space<vmem>>) semaphore(%arg13 : memref<!tpu.dma_semaphore, #tpu.memory_space<semaphore_mem>>) {add = true}
        %dma_wait3A_352 = arith.constant 0 : i32
        %dma_wait3A_353 = tpu.memref_slice %arg7[%add3A_310, %dma_wait3A_352] : memref<25x80xi32, #tpu.memory_space<vmem>> -> memref<1x80xi32, #tpu.memory_space<vmem>>
        %dma_wait3A_354 = tpu.memref_squeeze %dma_wait3A_353 : memref<1x80xi32, #tpu.memory_space<vmem>> -> memref<80xi32, #tpu.memory_space<vmem>>
        %dma_wait3A_355 = arith.constant 0 : i32
        %dma_wait3A_356 = tpu.memref_slice %arg10[%dma_wait3A_355] : memref<110000xf32, #tpu.memory_space<vmem_shared>> -> memref<110000xf32, #tpu.memory_space<vmem_shared>>
        tpu.wait_indirect_dma semaphore(%arg13 : memref<!tpu.dma_semaphore, #tpu.memory_space<semaphore_mem>>) src(%arg9 : memref<80xf32, #tpu.memory_space<vmem>>) dst(%dma_wait3A_356 : memref<110000xf32, #tpu.memory_space<vmem_shared>>)
        %dma_wait3A_357 = arith.constant 0 : i32
        %dma_wait3A_358 = tpu.memref_slice %arg7[%add3A_319, %dma_wait3A_357] : memref<25x80xi32, #tpu.memory_space<vmem>> -> memref<1x80xi32, #tpu.memory_space<vmem>>
        %dma_wait3A_359 = tpu.memref_squeeze %dma_wait3A_358 : memref<1x80xi32, #tpu.memory_space<vmem>> -> memref<80xi32, #tpu.memory_space<vmem>>
        %dma_wait3A_360 = arith.constant 0 : i32
        %dma_wait3A_361 = tpu.memref_slice %arg10[%dma_wait3A_360] : memref<110000xf32, #tpu.memory_space<vmem_shared>> -> memref<110000xf32, #tpu.memory_space<vmem_shared>>
        tpu.wait_indirect_dma semaphore(%arg13 : memref<!tpu.dma_semaphore, #tpu.memory_space<semaphore_mem>>) src(%arg9 : memref<80xf32, #tpu.memory_space<vmem>>) dst(%dma_wait3A_361 : memref<110000xf32, #tpu.memory_space<vmem_shared>>)
        %dma_wait3A_362 = arith.constant 0 : i32
        %dma_wait3A_363 = tpu.memref_slice %arg7[%add3A_328, %dma_wait3A_362] : memref<25x80xi32, #tpu.memory_space<vmem>> -> memref<1x80xi32, #tpu.memory_space<vmem>>
        %dma_wait3A_364 = tpu.memref_squeeze %dma_wait3A_363 : memref<1x80xi32, #tpu.memory_space<vmem>> -> memref<80xi32, #tpu.memory_space<vmem>>
        %dma_wait3A_365 = arith.constant 0 : i32
        %dma_wait3A_366 = tpu.memref_slice %arg10[%dma_wait3A_365] : memref<110000xf32, #tpu.memory_space<vmem_shared>> -> memref<110000xf32, #tpu.memory_space<vmem_shared>>
        tpu.wait_indirect_dma semaphore(%arg13 : memref<!tpu.dma_semaphore, #tpu.memory_space<semaphore_mem>>) src(%arg9 : memref<80xf32, #tpu.memory_space<vmem>>) dst(%dma_wait3A_366 : memref<110000xf32, #tpu.memory_space<vmem_shared>>)
        %dma_wait3A_367 = arith.constant 0 : i32
        %dma_wait3A_368 = tpu.memref_slice %arg7[%add3A_337, %dma_wait3A_367] : memref<25x80xi32, #tpu.memory_space<vmem>> -> memref<1x80xi32, #tpu.memory_space<vmem>>
        %dma_wait3A_369 = tpu.memref_squeeze %dma_wait3A_368 : memref<1x80xi32, #tpu.memory_space<vmem>> -> memref<80xi32, #tpu.memory_space<vmem>>
        %dma_wait3A_370 = arith.constant 0 : i32
        %dma_wait3A_371 = tpu.memref_slice %arg10[%dma_wait3A_370] : memref<110000xf32, #tpu.memory_space<vmem_shared>> -> memref<110000xf32, #tpu.memory_space<vmem_shared>>
        tpu.wait_indirect_dma semaphore(%arg13 : memref<!tpu.dma_semaphore, #tpu.memory_space<semaphore_mem>>) src(%arg9 : memref<80xf32, #tpu.memory_space<vmem>>) dst(%dma_wait3A_371 : memref<110000xf32, #tpu.memory_space<vmem_shared>>)
        %dma_wait3A_372 = arith.constant 0 : i32
        %dma_wait3A_373 = tpu.memref_slice %arg7[%add3A_346, %dma_wait3A_372] : memref<25x80xi32, #tpu.memory_space<vmem>> -> memref<1x80xi32, #tpu.memory_space<vmem>>
        %dma_wait3A_374 = tpu.memref_squeeze %dma_wait3A_373 : memref<1x80xi32, #tpu.memory_space<vmem>> -> memref<80xi32, #tpu.memory_space<vmem>>
        %dma_wait3A_375 = arith.constant 0 : i32
        %dma_wait3A_376 = tpu.memref_slice %arg10[%dma_wait3A_375] : memref<110000xf32, #tpu.memory_space<vmem_shared>> -> memref<110000xf32, #tpu.memory_space<vmem_shared>>
        tpu.wait_indirect_dma semaphore(%arg13 : memref<!tpu.dma_semaphore, #tpu.memory_space<semaphore_mem>>) src(%arg9 : memref<80xf32, #tpu.memory_space<vmem>>) dst(%dma_wait3A_376 : memref<110000xf32, #tpu.memory_space<vmem_shared>>)
        %scan3A_377 = arith.constant 0 : i32
        scf.yield %scan3A_377 : i32
      }
      %scan3A_303 = arith.constant 5 : i32
      %scan3A_304 = arith.constant 0 : i32
      scf.yield %scan3A_304 : i32
    }
    %scan3A_270 = arith.constant 10 : i32
    %barrier3A_271 = arith.constant 0 : index
    tpu.barrier barrier_id(%barrier3A_271)
    %lt3A_272 = arith.constant 11 : i32
    %lt3A_273 = arith.cmpi slt, %arg1, %lt3A_272 : i32
    %convert_element_type3A_274 = arith.extui %lt3A_273 : i1 to i32
    %cond3A_275 = arith.constant 0 : i32
    %cond3A_276 = arith.cmpi ne, %convert_element_type3A_274, %cond3A_275 : i32
    scf.if %cond3A_276 {
      %mul3A_277 = arith.constant 10000 : i32
      %mul3A_278 = arith.muli %arg1, %mul3A_277 : i32
      %add3A_279 = arith.constant 0 : i32
      %add3A_280 = arith.addi %mul3A_278, %add3A_279 : i32
      "tpu.region"() ({
        %run_scoped3A = tpu.sem_alloc : memref<!tpu.dma_semaphore, #tpu.memory_space<semaphore_mem>>
        %dma_start3A = tpu.memref_slice %arg10[%add3A_280] : memref<110000xf32, #tpu.memory_space<vmem_shared>> -> memref<2000xf32, #tpu.memory_space<vmem_shared>>
        %dma_start3A_332 = tpu.memref_slice %arg10[%add3A_280] : memref<110000xf32, #tpu.memory_space<vmem_shared>> -> memref<2000xf32, #tpu.memory_space<vmem_shared>>
        tpu.enqueue_dma source(%dma_start3A_332 : memref<2000xf32, #tpu.memory_space<vmem_shared>>) target(%arg8 : memref<2000xf32, #tpu.memory_space<vmem>>) target_semaphore(%run_scoped3A : memref<!tpu.dma_semaphore, #tpu.memory_space<semaphore_mem>>)
        %dma_wait3A = tpu.memref_slice %arg10[%add3A_280] : memref<110000xf32, #tpu.memory_space<vmem_shared>> -> memref<2000xf32, #tpu.memory_space<vmem_shared>>
        %dma_wait3A_333 = tpu.memref_slice %arg10[%add3A_280] : memref<110000xf32, #tpu.memory_space<vmem_shared>> -> memref<2000xf32, #tpu.memory_space<vmem_shared>>
        tpu.wait_dma2 semaphore(%run_scoped3A : memref<!tpu.dma_semaphore, #tpu.memory_space<semaphore_mem>>) src(%dma_wait3A_333 : memref<2000xf32, #tpu.memory_space<vmem_shared>>) dst(%arg8 : memref<2000xf32, #tpu.memory_space<vmem>>)
        tpu.yield
      }) : () -> ()
      %mul3A_281 = arith.constant 110000 : i32
      %mul3A_282 = arith.muli %arg0, %mul3A_281 : i32
      %mul3A_283 = arith.constant 10000 : i32
      %mul3A_284 = arith.muli %arg1, %mul3A_283 : i32
      %add3A_285 = arith.addi %mul3A_282, %mul3A_284 : i32
      %add3A_286 = arith.constant 0 : i32
      %add3A_287 = arith.addi %add3A_285, %add3A_286 : i32
      "tpu.region"() ({
        %run_scoped3A = tpu.sem_alloc : memref<!tpu.dma_semaphore, #tpu.memory_space<semaphore_mem>>
        %dma_start3A = tpu.memref_slice %arg4[%add3A_287] : memref<220000xf32, #tpu.memory_space<hbm>> -> memref<2000xf32, #tpu.memory_space<hbm>>
        %dma_start3A_332 = tpu.memref_slice %arg4[%add3A_287] : memref<220000xf32, #tpu.memory_space<hbm>> -> memref<2000xf32, #tpu.memory_space<hbm>>
        tpu.enqueue_dma source(%arg8 : memref<2000xf32, #tpu.memory_space<vmem>>) target(%dma_start3A_332 : memref<2000xf32, #tpu.memory_space<hbm>>) target_semaphore(%run_scoped3A : memref<!tpu.dma_semaphore, #tpu.memory_space<semaphore_mem>>)
        %dma_wait3A = tpu.memref_slice %arg4[%add3A_287] : memref<220000xf32, #tpu.memory_space<hbm>> -> memref<2000xf32, #tpu.memory_space<hbm>>
        %dma_wait3A_333 = tpu.memref_slice %arg4[%add3A_287] : memref<220000xf32, #tpu.memory_space<hbm>> -> memref<2000xf32, #tpu.memory_space<hbm>>
        tpu.wait_dma2 semaphore(%run_scoped3A : memref<!tpu.dma_semaphore, #tpu.memory_space<semaphore_mem>>) src(%arg8 : memref<2000xf32, #tpu.memory_space<vmem>>) dst(%dma_wait3A_333 : memref<2000xf32, #tpu.memory_space<hbm>>)
        tpu.yield
      }) : () -> ()
      %mul3A_288 = arith.constant 10000 : i32
      %mul3A_289 = arith.muli %arg1, %mul3A_288 : i32
      %add3A_290 = arith.constant 2000 : i32
      %add3A_291 = arith.addi %mul3A_289, %add3A_290 : i32
      "tpu.region"() ({
        %run_scoped3A = tpu.sem_alloc : memref<!tpu.dma_semaphore, #tpu.memory_space<semaphore_mem>>
        %dma_start3A = tpu.memref_slice %arg10[%add3A_291] : memref<110000xf32, #tpu.memory_space<vmem_shared>> -> memref<2000xf32, #tpu.memory_space<vmem_shared>>
        %dma_start3A_332 = tpu.memref_slice %arg10[%add3A_291] : memref<110000xf32, #tpu.memory_space<vmem_shared>> -> memref<2000xf32, #tpu.memory_space<vmem_shared>>
        tpu.enqueue_dma source(%dma_start3A_332 : memref<2000xf32, #tpu.memory_space<vmem_shared>>) target(%arg8 : memref<2000xf32, #tpu.memory_space<vmem>>) target_semaphore(%run_scoped3A : memref<!tpu.dma_semaphore, #tpu.memory_space<semaphore_mem>>)
        %dma_wait3A = tpu.memref_slice %arg10[%add3A_291] : memref<110000xf32, #tpu.memory_space<vmem_shared>> -> memref<2000xf32, #tpu.memory_space<vmem_shared>>
        %dma_wait3A_333 = tpu.memref_slice %arg10[%add3A_291] : memref<110000xf32, #tpu.memory_space<vmem_shared>> -> memref<2000xf32, #tpu.memory_space<vmem_shared>>
        tpu.wait_dma2 semaphore(%run_scoped3A : memref<!tpu.dma_semaphore, #tpu.memory_space<semaphore_mem>>) src(%dma_wait3A_333 : memref<2000xf32, #tpu.memory_space<vmem_shared>>) dst(%arg8 : memref<2000xf32, #tpu.memory_space<vmem>>)
        tpu.yield
      }) : () -> ()
      %mul3A_292 = arith.constant 110000 : i32
      %mul3A_293 = arith.muli %arg0, %mul3A_292 : i32
      %mul3A_294 = arith.constant 10000 : i32
      %mul3A_295 = arith.muli %arg1, %mul3A_294 : i32
      %add3A_296 = arith.addi %mul3A_293, %mul3A_295 : i32
      %add3A_297 = arith.constant 2000 : i32
      %add3A_298 = arith.addi %add3A_296, %add3A_297 : i32
      "tpu.region"() ({
        %run_scoped3A = tpu.sem_alloc : memref<!tpu.dma_semaphore, #tpu.memory_space<semaphore_mem>>
        %dma_start3A = tpu.memref_slice %arg4[%add3A_298] : memref<220000xf32, #tpu.memory_space<hbm>> -> memref<2000xf32, #tpu.memory_space<hbm>>
        %dma_start3A_332 = tpu.memref_slice %arg4[%add3A_298] : memref<220000xf32, #tpu.memory_space<hbm>> -> memref<2000xf32, #tpu.memory_space<hbm>>
        tpu.enqueue_dma source(%arg8 : memref<2000xf32, #tpu.memory_space<vmem>>) target(%dma_start3A_332 : memref<2000xf32, #tpu.memory_space<hbm>>) target_semaphore(%run_scoped3A : memref<!tpu.dma_semaphore, #tpu.memory_space<semaphore_mem>>)
        %dma_wait3A = tpu.memref_slice %arg4[%add3A_298] : memref<220000xf32, #tpu.memory_space<hbm>> -> memref<2000xf32, #tpu.memory_space<hbm>>
        %dma_wait3A_333 = tpu.memref_slice %arg4[%add3A_298] : memref<220000xf32, #tpu.memory_space<hbm>> -> memref<2000xf32, #tpu.memory_space<hbm>>
        tpu.wait_dma2 semaphore(%run_scoped3A : memref<!tpu.dma_semaphore, #tpu.memory_space<semaphore_mem>>) src(%arg8 : memref<2000xf32, #tpu.memory_space<vmem>>) dst(%dma_wait3A_333 : memref<2000xf32, #tpu.memory_space<hbm>>)
        tpu.yield
      }) : () -> ()
      %mul3A_299 = arith.constant 10000 : i32
      %mul3A_300 = arith.muli %arg1, %mul3A_299 : i32
      %add3A_301 = arith.constant 4000 : i32
      %add3A_302 = arith.addi %mul3A_300, %add3A_301 : i32
      "tpu.region"() ({
        %run_scoped3A = tpu.sem_alloc : memref<!tpu.dma_semaphore, #tpu.memory_space<semaphore_mem>>
        %dma_start3A = tpu.memref_slice %arg10[%add3A_302] : memref<110000xf32, #tpu.memory_space<vmem_shared>> -> memref<2000xf32, #tpu.memory_space<vmem_shared>>
        %dma_start3A_332 = tpu.memref_slice %arg10[%add3A_302] : memref<110000xf32, #tpu.memory_space<vmem_shared>> -> memref<2000xf32, #tpu.memory_space<vmem_shared>>
        tpu.enqueue_dma source(%dma_start3A_332 : memref<2000xf32, #tpu.memory_space<vmem_shared>>) target(%arg8 : memref<2000xf32, #tpu.memory_space<vmem>>) target_semaphore(%run_scoped3A : memref<!tpu.dma_semaphore, #tpu.memory_space<semaphore_mem>>)
        %dma_wait3A = tpu.memref_slice %arg10[%add3A_302] : memref<110000xf32, #tpu.memory_space<vmem_shared>> -> memref<2000xf32, #tpu.memory_space<vmem_shared>>
        %dma_wait3A_333 = tpu.memref_slice %arg10[%add3A_302] : memref<110000xf32, #tpu.memory_space<vmem_shared>> -> memref<2000xf32, #tpu.memory_space<vmem_shared>>
        tpu.wait_dma2 semaphore(%run_scoped3A : memref<!tpu.dma_semaphore, #tpu.memory_space<semaphore_mem>>) src(%dma_wait3A_333 : memref<2000xf32, #tpu.memory_space<vmem_shared>>) dst(%arg8 : memref<2000xf32, #tpu.memory_space<vmem>>)
        tpu.yield
      }) : () -> ()
      %mul3A_303 = arith.constant 110000 : i32
      %mul3A_304 = arith.muli %arg0, %mul3A_303 : i32
      %mul3A_305 = arith.constant 10000 : i32
      %mul3A_306 = arith.muli %arg1, %mul3A_305 : i32
      %add3A_307 = arith.addi %mul3A_304, %mul3A_306 : i32
      %add3A_308 = arith.constant 4000 : i32
      %add3A_309 = arith.addi %add3A_307, %add3A_308 : i32
      "tpu.region"() ({
        %run_scoped3A = tpu.sem_alloc : memref<!tpu.dma_semaphore, #tpu.memory_space<semaphore_mem>>
        %dma_start3A = tpu.memref_slice %arg4[%add3A_309] : memref<220000xf32, #tpu.memory_space<hbm>> -> memref<2000xf32, #tpu.memory_space<hbm>>
        %dma_start3A_332 = tpu.memref_slice %arg4[%add3A_309] : memref<220000xf32, #tpu.memory_space<hbm>> -> memref<2000xf32, #tpu.memory_space<hbm>>
        tpu.enqueue_dma source(%arg8 : memref<2000xf32, #tpu.memory_space<vmem>>) target(%dma_start3A_332 : memref<2000xf32, #tpu.memory_space<hbm>>) target_semaphore(%run_scoped3A : memref<!tpu.dma_semaphore, #tpu.memory_space<semaphore_mem>>)
        %dma_wait3A = tpu.memref_slice %arg4[%add3A_309] : memref<220000xf32, #tpu.memory_space<hbm>> -> memref<2000xf32, #tpu.memory_space<hbm>>
        %dma_wait3A_333 = tpu.memref_slice %arg4[%add3A_309] : memref<220000xf32, #tpu.memory_space<hbm>> -> memref<2000xf32, #tpu.memory_space<hbm>>
        tpu.wait_dma2 semaphore(%run_scoped3A : memref<!tpu.dma_semaphore, #tpu.memory_space<semaphore_mem>>) src(%arg8 : memref<2000xf32, #tpu.memory_space<vmem>>) dst(%dma_wait3A_333 : memref<2000xf32, #tpu.memory_space<hbm>>)
        tpu.yield
      }) : () -> ()
      %mul3A_310 = arith.constant 10000 : i32
      %mul3A_311 = arith.muli %arg1, %mul3A_310 : i32
      %add3A_312 = arith.constant 6000 : i32
      %add3A_313 = arith.addi %mul3A_311, %add3A_312 : i32
      "tpu.region"() ({
        %run_scoped3A = tpu.sem_alloc : memref<!tpu.dma_semaphore, #tpu.memory_space<semaphore_mem>>
        %dma_start3A = tpu.memref_slice %arg10[%add3A_313] : memref<110000xf32, #tpu.memory_space<vmem_shared>> -> memref<2000xf32, #tpu.memory_space<vmem_shared>>
        %dma_start3A_332 = tpu.memref_slice %arg10[%add3A_313] : memref<110000xf32, #tpu.memory_space<vmem_shared>> -> memref<2000xf32, #tpu.memory_space<vmem_shared>>
        tpu.enqueue_dma source(%dma_start3A_332 : memref<2000xf32, #tpu.memory_space<vmem_shared>>) target(%arg8 : memref<2000xf32, #tpu.memory_space<vmem>>) target_semaphore(%run_scoped3A : memref<!tpu.dma_semaphore, #tpu.memory_space<semaphore_mem>>)
        %dma_wait3A = tpu.memref_slice %arg10[%add3A_313] : memref<110000xf32, #tpu.memory_space<vmem_shared>> -> memref<2000xf32, #tpu.memory_space<vmem_shared>>
        %dma_wait3A_333 = tpu.memref_slice %arg10[%add3A_313] : memref<110000xf32, #tpu.memory_space<vmem_shared>> -> memref<2000xf32, #tpu.memory_space<vmem_shared>>
        tpu.wait_dma2 semaphore(%run_scoped3A : memref<!tpu.dma_semaphore, #tpu.memory_space<semaphore_mem>>) src(%dma_wait3A_333 : memref<2000xf32, #tpu.memory_space<vmem_shared>>) dst(%arg8 : memref<2000xf32, #tpu.memory_space<vmem>>)
        tpu.yield
      }) : () -> ()
      %mul3A_314 = arith.constant 110000 : i32
      %mul3A_315 = arith.muli %arg0, %mul3A_314 : i32
      %mul3A_316 = arith.constant 10000 : i32
      %mul3A_317 = arith.muli %arg1, %mul3A_316 : i32
      %add3A_318 = arith.addi %mul3A_315, %mul3A_317 : i32
      %add3A_319 = arith.constant 6000 : i32
      %add3A_320 = arith.addi %add3A_318, %add3A_319 : i32
      "tpu.region"() ({
        %run_scoped3A = tpu.sem_alloc : memref<!tpu.dma_semaphore, #tpu.memory_space<semaphore_mem>>
        %dma_start3A = tpu.memref_slice %arg4[%add3A_320] : memref<220000xf32, #tpu.memory_space<hbm>> -> memref<2000xf32, #tpu.memory_space<hbm>>
        %dma_start3A_332 = tpu.memref_slice %arg4[%add3A_320] : memref<220000xf32, #tpu.memory_space<hbm>> -> memref<2000xf32, #tpu.memory_space<hbm>>
        tpu.enqueue_dma source(%arg8 : memref<2000xf32, #tpu.memory_space<vmem>>) target(%dma_start3A_332 : memref<2000xf32, #tpu.memory_space<hbm>>) target_semaphore(%run_scoped3A : memref<!tpu.dma_semaphore, #tpu.memory_space<semaphore_mem>>)
        %dma_wait3A = tpu.memref_slice %arg4[%add3A_320] : memref<220000xf32, #tpu.memory_space<hbm>> -> memref<2000xf32, #tpu.memory_space<hbm>>
        %dma_wait3A_333 = tpu.memref_slice %arg4[%add3A_320] : memref<220000xf32, #tpu.memory_space<hbm>> -> memref<2000xf32, #tpu.memory_space<hbm>>
        tpu.wait_dma2 semaphore(%run_scoped3A : memref<!tpu.dma_semaphore, #tpu.memory_space<semaphore_mem>>) src(%arg8 : memref<2000xf32, #tpu.memory_space<vmem>>) dst(%dma_wait3A_333 : memref<2000xf32, #tpu.memory_space<hbm>>)
        tpu.yield
      }) : () -> ()
      %mul3A_321 = arith.constant 10000 : i32
      %mul3A_322 = arith.muli %arg1, %mul3A_321 : i32
      %add3A_323 = arith.constant 8000 : i32
      %add3A_324 = arith.addi %mul3A_322, %add3A_323 : i32
      "tpu.region"() ({
        %run_scoped3A = tpu.sem_alloc : memref<!tpu.dma_semaphore, #tpu.memory_space<semaphore_mem>>
        %dma_start3A = tpu.memref_slice %arg10[%add3A_324] : memref<110000xf32, #tpu.memory_space<vmem_shared>> -> memref<2000xf32, #tpu.memory_space<vmem_shared>>
        %dma_start3A_332 = tpu.memref_slice %arg10[%add3A_324] : memref<110000xf32, #tpu.memory_space<vmem_shared>> -> memref<2000xf32, #tpu.memory_space<vmem_shared>>
        tpu.enqueue_dma source(%dma_start3A_332 : memref<2000xf32, #tpu.memory_space<vmem_shared>>) target(%arg8 : memref<2000xf32, #tpu.memory_space<vmem>>) target_semaphore(%run_scoped3A : memref<!tpu.dma_semaphore, #tpu.memory_space<semaphore_mem>>)
        %dma_wait3A = tpu.memref_slice %arg10[%add3A_324] : memref<110000xf32, #tpu.memory_space<vmem_shared>> -> memref<2000xf32, #tpu.memory_space<vmem_shared>>
        %dma_wait3A_333 = tpu.memref_slice %arg10[%add3A_324] : memref<110000xf32, #tpu.memory_space<vmem_shared>> -> memref<2000xf32, #tpu.memory_space<vmem_shared>>
        tpu.wait_dma2 semaphore(%run_scoped3A : memref<!tpu.dma_semaphore, #tpu.memory_space<semaphore_mem>>) src(%dma_wait3A_333 : memref<2000xf32, #tpu.memory_space<vmem_shared>>) dst(%arg8 : memref<2000xf32, #tpu.memory_space<vmem>>)
        tpu.yield
      }) : () -> ()
      %mul3A_325 = arith.constant 110000 : i32
      %mul3A_326 = arith.muli %arg0, %mul3A_325 : i32
      %mul3A_327 = arith.constant 10000 : i32
      %mul3A_328 = arith.muli %arg1, %mul3A_327 : i32
      %add3A_329 = arith.addi %mul3A_326, %mul3A_328 : i32
      %add3A_330 = arith.constant 8000 : i32
      %add3A_331 = arith.addi %add3A_329, %add3A_330 : i32
      "tpu.region"() ({
        %run_scoped3A = tpu.sem_alloc : memref<!tpu.dma_semaphore, #tpu.memory_space<semaphore_mem>>
        %dma_start3A = tpu.memref_slice %arg4[%add3A_331] : memref<220000xf32, #tpu.memory_space<hbm>> -> memref<2000xf32, #tpu.memory_space<hbm>>
        %dma_start3A_332 = tpu.memref_slice %arg4[%add3A_331] : memref<220000xf32, #tpu.memory_space<hbm>> -> memref<2000xf32, #tpu.memory_space<hbm>>
        tpu.enqueue_dma source(%arg8 : memref<2000xf32, #tpu.memory_space<vmem>>) target(%dma_start3A_332 : memref<2000xf32, #tpu.memory_space<hbm>>) target_semaphore(%run_scoped3A : memref<!tpu.dma_semaphore, #tpu.memory_space<semaphore_mem>>)
        %dma_wait3A = tpu.memref_slice %arg4[%add3A_331] : memref<220000xf32, #tpu.memory_space<hbm>> -> memref<2000xf32, #tpu.memory_space<hbm>>
        %dma_wait3A_333 = tpu.memref_slice %arg4[%add3A_331] : memref<220000xf32, #tpu.memory_space<hbm>> -> memref<2000xf32, #tpu.memory_space<hbm>>
        tpu.wait_dma2 semaphore(%run_scoped3A : memref<!tpu.dma_semaphore, #tpu.memory_space<semaphore_mem>>) src(%arg8 : memref<2000xf32, #tpu.memory_space<vmem>>) dst(%dma_wait3A_333 : memref<2000xf32, #tpu.memory_space<hbm>>)
        tpu.yield
      }) : () -> ()
    } else {
    }
    return
  }
}

#map = affine_map<(d0, d1) -> (0)>
#map1 = affine_map<(d0, d1) -> (0, 0)>
#map2 = affine_map<(d0, d1) -> (0, 0, 0)>
module attributes {stable_mosaic.version = 14 : i64} {
  func.func @sc_call(%arg0: i32, %arg1: i32, %arg2: memref<320000xi32, #tpu.memory_space<hbm>>, %arg3: memref<320000xi32, #tpu.memory_space<hbm>>, %arg4: memref<320000xi32, #tpu.memory_space<hbm>>, %arg5: memref<110000x128xf32, #tpu.memory_space<hbm>>, %arg6: memref<220000xf32, #tpu.memory_space<hbm>>, %arg7: memref<2x10000x128xf32, #tpu.memory_space<hbm>>, %arg8: memref<2000xi32, #tpu.memory_space<vmem>>, %arg9: memref<2000xi32, #tpu.memory_space<vmem>>, %arg10: memref<2000xi32, #tpu.memory_space<vmem>>, %arg11: memref<25x80xi32, #tpu.memory_space<vmem>>, %arg12: memref<25x80xi32, #tpu.memory_space<vmem>>, %arg13: memref<2000xi32, #tpu.memory_space<vmem>>, %arg14: memref<2000xf32, #tpu.memory_space<vmem>>, %arg15: memref<80x128xf32, #tpu.memory_space<vmem>>, %arg16: memref<80x128xf32, #tpu.memory_space<vmem>>, %arg17: memref<40x128xf32, #tpu.memory_space<vmem>>, %arg18: memref<10000x128xf32, #tpu.memory_space<vmem_shared>>, %arg19: memref<!tpu.dma_semaphore, #tpu.memory_space<semaphore_mem>>, %arg20: memref<!tpu.dma_semaphore, #tpu.memory_space<semaphore_mem>>, %arg21: memref<!tpu.dma_semaphore, #tpu.memory_space<semaphore_mem>>, %arg22: memref<!tpu.dma_semaphore, #tpu.memory_space<semaphore_mem>>, %arg23: memref<!tpu.dma_semaphore, #tpu.memory_space<semaphore_mem>>) attributes {dimension_semantics = [#tpu.dimension_semantics<core_parallel>, #tpu.dimension_semantics<subcore_parallel>], iteration_bounds = array<i64: 2, 16>, scalar_prefetch = 0 : i64, scratch_operands = 16 : i64, tpu.core_type = #tpu.core_type<sc_vector_subcore>, window_params = [{transform_indices = #map}, {transform_indices = #map}, {transform_indices = #map}, {transform_indices = #map1}, {transform_indices = #map}, {transform_indices = #map2}]} {
    %mul3A = arith.constant 16 : i32
    %mul3A_0 = arith.muli %arg0, %mul3A : i32
    %add3A = arith.addi %mul3A_0, %arg1 : i32
    %broadcast_in_dim3A = arith.constant 0.000000e+00 : f32
    %broadcast_in_dim3A_1 = vector.broadcast %broadcast_in_dim3A : f32 to vector<16xf32>
    %swap3A = arith.constant 0 : i32
    %swap3A_2 = arith.index_cast %swap3A : i32 to index
    %swap3A_3 = arith.constant 0 : index
    %swap3A_4 = tpu.vector_load %arg17[%swap3A_2, %swap3A_3] {strides = array<i32>} : memref<40x128xf32, #tpu.memory_space<vmem>>, vector<16xf32>,
    tpu.vector_store %arg17[%swap3A_2, %swap3A_3], %broadcast_in_dim3A_1 {strides = array<i32>} : memref<40x128xf32, #tpu.memory_space<vmem>>, vector<16xf32>,
    %swap3A_5 = arith.constant 0 : i32
    %swap3A_6 = arith.index_cast %swap3A_5 : i32 to index
    %swap3A_7 = arith.constant 16 : index
    %swap3A_8 = tpu.vector_load %arg17[%swap3A_6, %swap3A_7] {strides = array<i32>} : memref<40x128xf32, #tpu.memory_space<vmem>>, vector<16xf32>,
    tpu.vector_store %arg17[%swap3A_6, %swap3A_7], %broadcast_in_dim3A_1 {strides = array<i32>} : memref<40x128xf32, #tpu.memory_space<vmem>>, vector<16xf32>,
    %swap3A_9 = arith.constant 0 : i32
    %swap3A_10 = arith.index_cast %swap3A_9 : i32 to index
    %swap3A_11 = arith.constant 32 : index
    %swap3A_12 = tpu.vector_load %arg17[%swap3A_10, %swap3A_11] {strides = array<i32>} : memref<40x128xf32, #tpu.memory_space<vmem>>, vector<16xf32>,
    tpu.vector_store %arg17[%swap3A_10, %swap3A_11], %broadcast_in_dim3A_1 {strides = array<i32>} : memref<40x128xf32, #tpu.memory_space<vmem>>, vector<16xf32>,
    %swap3A_13 = arith.constant 0 : i32
    %swap3A_14 = arith.index_cast %swap3A_13 : i32 to index
    %swap3A_15 = arith.constant 48 : index
    %swap3A_16 = tpu.vector_load %arg17[%swap3A_14, %swap3A_15] {strides = array<i32>} : memref<40x128xf32, #tpu.memory_space<vmem>>, vector<16xf32>,
    tpu.vector_store %arg17[%swap3A_14, %swap3A_15], %broadcast_in_dim3A_1 {strides = array<i32>} : memref<40x128xf32, #tpu.memory_space<vmem>>, vector<16xf32>,
    %swap3A_17 = arith.constant 0 : i32
    %swap3A_18 = arith.index_cast %swap3A_17 : i32 to index
    %swap3A_19 = arith.constant 64 : index
    %swap3A_20 = tpu.vector_load %arg17[%swap3A_18, %swap3A_19] {strides = array<i32>} : memref<40x128xf32, #tpu.memory_space<vmem>>, vector<16xf32>,
    tpu.vector_store %arg17[%swap3A_18, %swap3A_19], %broadcast_in_dim3A_1 {strides = array<i32>} : memref<40x128xf32, #tpu.memory_space<vmem>>, vector<16xf32>,
    %swap3A_21 = arith.constant 0 : i32
    %swap3A_22 = arith.index_cast %swap3A_21 : i32 to index
    %swap3A_23 = arith.constant 80 : index
    %swap3A_24 = tpu.vector_load %arg17[%swap3A_22, %swap3A_23] {strides = array<i32>} : memref<40x128xf32, #tpu.memory_space<vmem>>, vector<16xf32>,
    tpu.vector_store %arg17[%swap3A_22, %swap3A_23], %broadcast_in_dim3A_1 {strides = array<i32>} : memref<40x128xf32, #tpu.memory_space<vmem>>, vector<16xf32>,
    %swap3A_25 = arith.constant 0 : i32
    %swap3A_26 = arith.index_cast %swap3A_25 : i32 to index
    %swap3A_27 = arith.constant 96 : index
    %swap3A_28 = tpu.vector_load %arg17[%swap3A_26, %swap3A_27] {strides = array<i32>} : memref<40x128xf32, #tpu.memory_space<vmem>>, vector<16xf32>,
    tpu.vector_store %arg17[%swap3A_26, %swap3A_27], %broadcast_in_dim3A_1 {strides = array<i32>} : memref<40x128xf32, #tpu.memory_space<vmem>>, vector<16xf32>,
    %swap3A_29 = arith.constant 0 : i32
    %swap3A_30 = arith.index_cast %swap3A_29 : i32 to index
    %swap3A_31 = arith.constant 112 : index
    %swap3A_32 = tpu.vector_load %arg17[%swap3A_30, %swap3A_31] {strides = array<i32>} : memref<40x128xf32, #tpu.memory_space<vmem>>, vector<16xf32>,
    tpu.vector_store %arg17[%swap3A_30, %swap3A_31], %broadcast_in_dim3A_1 {strides = array<i32>} : memref<40x128xf32, #tpu.memory_space<vmem>>, vector<16xf32>,
    %swap3A_33 = arith.constant 1 : i32
    %swap3A_34 = arith.index_cast %swap3A_33 : i32 to index
    %swap3A_35 = arith.constant 0 : index
    %swap3A_36 = tpu.vector_load %arg17[%swap3A_34, %swap3A_35] {strides = array<i32>} : memref<40x128xf32, #tpu.memory_space<vmem>>, vector<16xf32>,
    tpu.vector_store %arg17[%swap3A_34, %swap3A_35], %broadcast_in_dim3A_1 {strides = array<i32>} : memref<40x128xf32, #tpu.memory_space<vmem>>, vector<16xf32>,
    %swap3A_37 = arith.constant 1 : i32
    %swap3A_38 = arith.index_cast %swap3A_37 : i32 to index
    %swap3A_39 = arith.constant 16 : index
    %swap3A_40 = tpu.vector_load %arg17[%swap3A_38, %swap3A_39] {strides = array<i32>} : memref<40x128xf32, #tpu.memory_space<vmem>>, vector<16xf32>,
    tpu.vector_store %arg17[%swap3A_38, %swap3A_39], %broadcast_in_dim3A_1 {strides = array<i32>} : memref<40x128xf32, #tpu.memory_space<vmem>>, vector<16xf32>,
    %swap3A_41 = arith.constant 1 : i32
    %swap3A_42 = arith.index_cast %swap3A_41 : i32 to index
    %swap3A_43 = arith.constant 32 : index
    %swap3A_44 = tpu.vector_load %arg17[%swap3A_42, %swap3A_43] {strides = array<i32>} : memref<40x128xf32, #tpu.memory_space<vmem>>, vector<16xf32>,
    tpu.vector_store %arg17[%swap3A_42, %swap3A_43], %broadcast_in_dim3A_1 {strides = array<i32>} : memref<40x128xf32, #tpu.memory_space<vmem>>, vector<16xf32>,
    %swap3A_45 = arith.constant 1 : i32
    %swap3A_46 = arith.index_cast %swap3A_45 : i32 to index
    %swap3A_47 = arith.constant 48 : index
    %swap3A_48 = tpu.vector_load %arg17[%swap3A_46, %swap3A_47] {strides = array<i32>} : memref<40x128xf32, #tpu.memory_space<vmem>>, vector<16xf32>,
    tpu.vector_store %arg17[%swap3A_46, %swap3A_47], %broadcast_in_dim3A_1 {strides = array<i32>} : memref<40x128xf32, #tpu.memory_space<vmem>>, vector<16xf32>,
    %swap3A_49 = arith.constant 1 : i32
    %swap3A_50 = arith.index_cast %swap3A_49 : i32 to index
    %swap3A_51 = arith.constant 64 : index
    %swap3A_52 = tpu.vector_load %arg17[%swap3A_50, %swap3A_51] {strides = array<i32>} : memref<40x128xf32, #tpu.memory_space<vmem>>, vector<16xf32>,
    tpu.vector_store %arg17[%swap3A_50, %swap3A_51], %broadcast_in_dim3A_1 {strides = array<i32>} : memref<40x128xf32, #tpu.memory_space<vmem>>, vector<16xf32>,
    %swap3A_53 = arith.constant 1 : i32
    %swap3A_54 = arith.index_cast %swap3A_53 : i32 to index
    %swap3A_55 = arith.constant 80 : index
    %swap3A_56 = tpu.vector_load %arg17[%swap3A_54, %swap3A_55] {strides = array<i32>} : memref<40x128xf32, #tpu.memory_space<vmem>>, vector<16xf32>,
    tpu.vector_store %arg17[%swap3A_54, %swap3A_55], %broadcast_in_dim3A_1 {strides = array<i32>} : memref<40x128xf32, #tpu.memory_space<vmem>>, vector<16xf32>,
    %swap3A_57 = arith.constant 1 : i32
    %swap3A_58 = arith.index_cast %swap3A_57 : i32 to index
    %swap3A_59 = arith.constant 96 : index
    %swap3A_60 = tpu.vector_load %arg17[%swap3A_58, %swap3A_59] {strides = array<i32>} : memref<40x128xf32, #tpu.memory_space<vmem>>, vector<16xf32>,
    tpu.vector_store %arg17[%swap3A_58, %swap3A_59], %broadcast_in_dim3A_1 {strides = array<i32>} : memref<40x128xf32, #tpu.memory_space<vmem>>, vector<16xf32>,
    %swap3A_61 = arith.constant 1 : i32
    %swap3A_62 = arith.index_cast %swap3A_61 : i32 to index
    %swap3A_63 = arith.constant 112 : index
    %swap3A_64 = tpu.vector_load %arg17[%swap3A_62, %swap3A_63] {strides = array<i32>} : memref<40x128xf32, #tpu.memory_space<vmem>>, vector<16xf32>,
    tpu.vector_store %arg17[%swap3A_62, %swap3A_63], %broadcast_in_dim3A_1 {strides = array<i32>} : memref<40x128xf32, #tpu.memory_space<vmem>>, vector<16xf32>,
    %swap3A_65 = arith.constant 2 : i32
    %swap3A_66 = arith.index_cast %swap3A_65 : i32 to index
    %swap3A_67 = arith.constant 0 : index
    %swap3A_68 = tpu.vector_load %arg17[%swap3A_66, %swap3A_67] {strides = array<i32>} : memref<40x128xf32, #tpu.memory_space<vmem>>, vector<16xf32>,
    tpu.vector_store %arg17[%swap3A_66, %swap3A_67], %broadcast_in_dim3A_1 {strides = array<i32>} : memref<40x128xf32, #tpu.memory_space<vmem>>, vector<16xf32>,
    %swap3A_69 = arith.constant 2 : i32
    %swap3A_70 = arith.index_cast %swap3A_69 : i32 to index
    %swap3A_71 = arith.constant 16 : index
    %swap3A_72 = tpu.vector_load %arg17[%swap3A_70, %swap3A_71] {strides = array<i32>} : memref<40x128xf32, #tpu.memory_space<vmem>>, vector<16xf32>,
    tpu.vector_store %arg17[%swap3A_70, %swap3A_71], %broadcast_in_dim3A_1 {strides = array<i32>} : memref<40x128xf32, #tpu.memory_space<vmem>>, vector<16xf32>,
    %swap3A_73 = arith.constant 2 : i32
    %swap3A_74 = arith.index_cast %swap3A_73 : i32 to index
    %swap3A_75 = arith.constant 32 : index
    %swap3A_76 = tpu.vector_load %arg17[%swap3A_74, %swap3A_75] {strides = array<i32>} : memref<40x128xf32, #tpu.memory_space<vmem>>, vector<16xf32>,
    tpu.vector_store %arg17[%swap3A_74, %swap3A_75], %broadcast_in_dim3A_1 {strides = array<i32>} : memref<40x128xf32, #tpu.memory_space<vmem>>, vector<16xf32>,
    %swap3A_77 = arith.constant 2 : i32
    %swap3A_78 = arith.index_cast %swap3A_77 : i32 to index
    %swap3A_79 = arith.constant 48 : index
    %swap3A_80 = tpu.vector_load %arg17[%swap3A_78, %swap3A_79] {strides = array<i32>} : memref<40x128xf32, #tpu.memory_space<vmem>>, vector<16xf32>,
    tpu.vector_store %arg17[%swap3A_78, %swap3A_79], %broadcast_in_dim3A_1 {strides = array<i32>} : memref<40x128xf32, #tpu.memory_space<vmem>>, vector<16xf32>,
    %swap3A_81 = arith.constant 2 : i32
    %swap3A_82 = arith.index_cast %swap3A_81 : i32 to index
    %swap3A_83 = arith.constant 64 : index
    %swap3A_84 = tpu.vector_load %arg17[%swap3A_82, %swap3A_83] {strides = array<i32>} : memref<40x128xf32, #tpu.memory_space<vmem>>, vector<16xf32>,
    tpu.vector_store %arg17[%swap3A_82, %swap3A_83], %broadcast_in_dim3A_1 {strides = array<i32>} : memref<40x128xf32, #tpu.memory_space<vmem>>, vector<16xf32>,
    %swap3A_85 = arith.constant 2 : i32
    %swap3A_86 = arith.index_cast %swap3A_85 : i32 to index
    %swap3A_87 = arith.constant 80 : index
    %swap3A_88 = tpu.vector_load %arg17[%swap3A_86, %swap3A_87] {strides = array<i32>} : memref<40x128xf32, #tpu.memory_space<vmem>>, vector<16xf32>,
    tpu.vector_store %arg17[%swap3A_86, %swap3A_87], %broadcast_in_dim3A_1 {strides = array<i32>} : memref<40x128xf32, #tpu.memory_space<vmem>>, vector<16xf32>,
    %swap3A_89 = arith.constant 2 : i32
    %swap3A_90 = arith.index_cast %swap3A_89 : i32 to index
    %swap3A_91 = arith.constant 96 : index
    %swap3A_92 = tpu.vector_load %arg17[%swap3A_90, %swap3A_91] {strides = array<i32>} : memref<40x128xf32, #tpu.memory_space<vmem>>, vector<16xf32>,
    tpu.vector_store %arg17[%swap3A_90, %swap3A_91], %broadcast_in_dim3A_1 {strides = array<i32>} : memref<40x128xf32, #tpu.memory_space<vmem>>, vector<16xf32>,
    %swap3A_93 = arith.constant 2 : i32
    %swap3A_94 = arith.index_cast %swap3A_93 : i32 to index
    %swap3A_95 = arith.constant 112 : index
    %swap3A_96 = tpu.vector_load %arg17[%swap3A_94, %swap3A_95] {strides = array<i32>} : memref<40x128xf32, #tpu.memory_space<vmem>>, vector<16xf32>,
    tpu.vector_store %arg17[%swap3A_94, %swap3A_95], %broadcast_in_dim3A_1 {strides = array<i32>} : memref<40x128xf32, #tpu.memory_space<vmem>>, vector<16xf32>,
    %swap3A_97 = arith.constant 3 : i32
    %swap3A_98 = arith.index_cast %swap3A_97 : i32 to index
    %swap3A_99 = arith.constant 0 : index
    %swap3A_100 = tpu.vector_load %arg17[%swap3A_98, %swap3A_99] {strides = array<i32>} : memref<40x128xf32, #tpu.memory_space<vmem>>, vector<16xf32>,
    tpu.vector_store %arg17[%swap3A_98, %swap3A_99], %broadcast_in_dim3A_1 {strides = array<i32>} : memref<40x128xf32, #tpu.memory_space<vmem>>, vector<16xf32>,
    %swap3A_101 = arith.constant 3 : i32
    %swap3A_102 = arith.index_cast %swap3A_101 : i32 to index
    %swap3A_103 = arith.constant 16 : index
    %swap3A_104 = tpu.vector_load %arg17[%swap3A_102, %swap3A_103] {strides = array<i32>} : memref<40x128xf32, #tpu.memory_space<vmem>>, vector<16xf32>,
    tpu.vector_store %arg17[%swap3A_102, %swap3A_103], %broadcast_in_dim3A_1 {strides = array<i32>} : memref<40x128xf32, #tpu.memory_space<vmem>>, vector<16xf32>,
    %swap3A_105 = arith.constant 3 : i32
    %swap3A_106 = arith.index_cast %swap3A_105 : i32 to index
    %swap3A_107 = arith.constant 32 : index
    %swap3A_108 = tpu.vector_load %arg17[%swap3A_106, %swap3A_107] {strides = array<i32>} : memref<40x128xf32, #tpu.memory_space<vmem>>, vector<16xf32>,
    tpu.vector_store %arg17[%swap3A_106, %swap3A_107], %broadcast_in_dim3A_1 {strides = array<i32>} : memref<40x128xf32, #tpu.memory_space<vmem>>, vector<16xf32>,
    %swap3A_109 = arith.constant 3 : i32
    %swap3A_110 = arith.index_cast %swap3A_109 : i32 to index
    %swap3A_111 = arith.constant 48 : index
    %swap3A_112 = tpu.vector_load %arg17[%swap3A_110, %swap3A_111] {strides = array<i32>} : memref<40x128xf32, #tpu.memory_space<vmem>>, vector<16xf32>,
    tpu.vector_store %arg17[%swap3A_110, %swap3A_111], %broadcast_in_dim3A_1 {strides = array<i32>} : memref<40x128xf32, #tpu.memory_space<vmem>>, vector<16xf32>,
    %swap3A_113 = arith.constant 3 : i32
    %swap3A_114 = arith.index_cast %swap3A_113 : i32 to index
    %swap3A_115 = arith.constant 64 : index
    %swap3A_116 = tpu.vector_load %arg17[%swap3A_114, %swap3A_115] {strides = array<i32>} : memref<40x128xf32, #tpu.memory_space<vmem>>, vector<16xf32>,
    tpu.vector_store %arg17[%swap3A_114, %swap3A_115], %broadcast_in_dim3A_1 {strides = array<i32>} : memref<40x128xf32, #tpu.memory_space<vmem>>, vector<16xf32>,
    %swap3A_117 = arith.constant 3 : i32
    %swap3A_118 = arith.index_cast %swap3A_117 : i32 to index
    %swap3A_119 = arith.constant 80 : index
    %swap3A_120 = tpu.vector_load %arg17[%swap3A_118, %swap3A_119] {strides = array<i32>} : memref<40x128xf32, #tpu.memory_space<vmem>>, vector<16xf32>,
    tpu.vector_store %arg17[%swap3A_118, %swap3A_119], %broadcast_in_dim3A_1 {strides = array<i32>} : memref<40x128xf32, #tpu.memory_space<vmem>>, vector<16xf32>,
    %swap3A_121 = arith.constant 3 : i32
    %swap3A_122 = arith.index_cast %swap3A_121 : i32 to index
    %swap3A_123 = arith.constant 96 : index
    %swap3A_124 = tpu.vector_load %arg17[%swap3A_122, %swap3A_123] {strides = array<i32>} : memref<40x128xf32, #tpu.memory_space<vmem>>, vector<16xf32>,
    tpu.vector_store %arg17[%swap3A_122, %swap3A_123], %broadcast_in_dim3A_1 {strides = array<i32>} : memref<40x128xf32, #tpu.memory_space<vmem>>, vector<16xf32>,
    %swap3A_125 = arith.constant 3 : i32
    %swap3A_126 = arith.index_cast %swap3A_125 : i32 to index
    %swap3A_127 = arith.constant 112 : index
    %swap3A_128 = tpu.vector_load %arg17[%swap3A_126, %swap3A_127] {strides = array<i32>} : memref<40x128xf32, #tpu.memory_space<vmem>>, vector<16xf32>,
    tpu.vector_store %arg17[%swap3A_126, %swap3A_127], %broadcast_in_dim3A_1 {strides = array<i32>} : memref<40x128xf32, #tpu.memory_space<vmem>>, vector<16xf32>,
    %swap3A_129 = arith.constant 4 : i32
    %swap3A_130 = arith.index_cast %swap3A_129 : i32 to index
    %swap3A_131 = arith.constant 0 : index
    %swap3A_132 = tpu.vector_load %arg17[%swap3A_130, %swap3A_131] {strides = array<i32>} : memref<40x128xf32, #tpu.memory_space<vmem>>, vector<16xf32>,
    tpu.vector_store %arg17[%swap3A_130, %swap3A_131], %broadcast_in_dim3A_1 {strides = array<i32>} : memref<40x128xf32, #tpu.memory_space<vmem>>, vector<16xf32>,
    %swap3A_133 = arith.constant 4 : i32
    %swap3A_134 = arith.index_cast %swap3A_133 : i32 to index
    %swap3A_135 = arith.constant 16 : index
    %swap3A_136 = tpu.vector_load %arg17[%swap3A_134, %swap3A_135] {strides = array<i32>} : memref<40x128xf32, #tpu.memory_space<vmem>>, vector<16xf32>,
    tpu.vector_store %arg17[%swap3A_134, %swap3A_135], %broadcast_in_dim3A_1 {strides = array<i32>} : memref<40x128xf32, #tpu.memory_space<vmem>>, vector<16xf32>,
    %swap3A_137 = arith.constant 4 : i32
    %swap3A_138 = arith.index_cast %swap3A_137 : i32 to index
    %swap3A_139 = arith.constant 32 : index
    %swap3A_140 = tpu.vector_load %arg17[%swap3A_138, %swap3A_139] {strides = array<i32>} : memref<40x128xf32, #tpu.memory_space<vmem>>, vector<16xf32>,
    tpu.vector_store %arg17[%swap3A_138, %swap3A_139], %broadcast_in_dim3A_1 {strides = array<i32>} : memref<40x128xf32, #tpu.memory_space<vmem>>, vector<16xf32>,
    %swap3A_141 = arith.constant 4 : i32
    %swap3A_142 = arith.index_cast %swap3A_141 : i32 to index
    %swap3A_143 = arith.constant 48 : index
    %swap3A_144 = tpu.vector_load %arg17[%swap3A_142, %swap3A_143] {strides = array<i32>} : memref<40x128xf32, #tpu.memory_space<vmem>>, vector<16xf32>,
    tpu.vector_store %arg17[%swap3A_142, %swap3A_143], %broadcast_in_dim3A_1 {strides = array<i32>} : memref<40x128xf32, #tpu.memory_space<vmem>>, vector<16xf32>,
    %swap3A_145 = arith.constant 4 : i32
    %swap3A_146 = arith.index_cast %swap3A_145 : i32 to index
    %swap3A_147 = arith.constant 64 : index
    %swap3A_148 = tpu.vector_load %arg17[%swap3A_146, %swap3A_147] {strides = array<i32>} : memref<40x128xf32, #tpu.memory_space<vmem>>, vector<16xf32>,
    tpu.vector_store %arg17[%swap3A_146, %swap3A_147], %broadcast_in_dim3A_1 {strides = array<i32>} : memref<40x128xf32, #tpu.memory_space<vmem>>, vector<16xf32>,
    %swap3A_149 = arith.constant 4 : i32
    %swap3A_150 = arith.index_cast %swap3A_149 : i32 to index
    %swap3A_151 = arith.constant 80 : index
    %swap3A_152 = tpu.vector_load %arg17[%swap3A_150, %swap3A_151] {strides = array<i32>} : memref<40x128xf32, #tpu.memory_space<vmem>>, vector<16xf32>,
    tpu.vector_store %arg17[%swap3A_150, %swap3A_151], %broadcast_in_dim3A_1 {strides = array<i32>} : memref<40x128xf32, #tpu.memory_space<vmem>>, vector<16xf32>,
    %swap3A_153 = arith.constant 4 : i32
    %swap3A_154 = arith.index_cast %swap3A_153 : i32 to index
    %swap3A_155 = arith.constant 96 : index
    %swap3A_156 = tpu.vector_load %arg17[%swap3A_154, %swap3A_155] {strides = array<i32>} : memref<40x128xf32, #tpu.memory_space<vmem>>, vector<16xf32>,
    tpu.vector_store %arg17[%swap3A_154, %swap3A_155], %broadcast_in_dim3A_1 {strides = array<i32>} : memref<40x128xf32, #tpu.memory_space<vmem>>, vector<16xf32>,
    %swap3A_157 = arith.constant 4 : i32
    %swap3A_158 = arith.index_cast %swap3A_157 : i32 to index
    %swap3A_159 = arith.constant 112 : index
    %swap3A_160 = tpu.vector_load %arg17[%swap3A_158, %swap3A_159] {strides = array<i32>} : memref<40x128xf32, #tpu.memory_space<vmem>>, vector<16xf32>,
    tpu.vector_store %arg17[%swap3A_158, %swap3A_159], %broadcast_in_dim3A_1 {strides = array<i32>} : memref<40x128xf32, #tpu.memory_space<vmem>>, vector<16xf32>,
    %swap3A_161 = arith.constant 5 : i32
    %swap3A_162 = arith.index_cast %swap3A_161 : i32 to index
    %swap3A_163 = arith.constant 0 : index
    %swap3A_164 = tpu.vector_load %arg17[%swap3A_162, %swap3A_163] {strides = array<i32>} : memref<40x128xf32, #tpu.memory_space<vmem>>, vector<16xf32>,
    tpu.vector_store %arg17[%swap3A_162, %swap3A_163], %broadcast_in_dim3A_1 {strides = array<i32>} : memref<40x128xf32, #tpu.memory_space<vmem>>, vector<16xf32>,
    %swap3A_165 = arith.constant 5 : i32
    %swap3A_166 = arith.index_cast %swap3A_165 : i32 to index
    %swap3A_167 = arith.constant 16 : index
    %swap3A_168 = tpu.vector_load %arg17[%swap3A_166, %swap3A_167] {strides = array<i32>} : memref<40x128xf32, #tpu.memory_space<vmem>>, vector<16xf32>,
    tpu.vector_store %arg17[%swap3A_166, %swap3A_167], %broadcast_in_dim3A_1 {strides = array<i32>} : memref<40x128xf32, #tpu.memory_space<vmem>>, vector<16xf32>,
    %swap3A_169 = arith.constant 5 : i32
    %swap3A_170 = arith.index_cast %swap3A_169 : i32 to index
    %swap3A_171 = arith.constant 32 : index
    %swap3A_172 = tpu.vector_load %arg17[%swap3A_170, %swap3A_171] {strides = array<i32>} : memref<40x128xf32, #tpu.memory_space<vmem>>, vector<16xf32>,
    tpu.vector_store %arg17[%swap3A_170, %swap3A_171], %broadcast_in_dim3A_1 {strides = array<i32>} : memref<40x128xf32, #tpu.memory_space<vmem>>, vector<16xf32>,
    %swap3A_173 = arith.constant 5 : i32
    %swap3A_174 = arith.index_cast %swap3A_173 : i32 to index
    %swap3A_175 = arith.constant 48 : index
    %swap3A_176 = tpu.vector_load %arg17[%swap3A_174, %swap3A_175] {strides = array<i32>} : memref<40x128xf32, #tpu.memory_space<vmem>>, vector<16xf32>,
    tpu.vector_store %arg17[%swap3A_174, %swap3A_175], %broadcast_in_dim3A_1 {strides = array<i32>} : memref<40x128xf32, #tpu.memory_space<vmem>>, vector<16xf32>,
    %swap3A_177 = arith.constant 5 : i32
    %swap3A_178 = arith.index_cast %swap3A_177 : i32 to index
    %swap3A_179 = arith.constant 64 : index
    %swap3A_180 = tpu.vector_load %arg17[%swap3A_178, %swap3A_179] {strides = array<i32>} : memref<40x128xf32, #tpu.memory_space<vmem>>, vector<16xf32>,
    tpu.vector_store %arg17[%swap3A_178, %swap3A_179], %broadcast_in_dim3A_1 {strides = array<i32>} : memref<40x128xf32, #tpu.memory_space<vmem>>, vector<16xf32>,
    %swap3A_181 = arith.constant 5 : i32
    %swap3A_182 = arith.index_cast %swap3A_181 : i32 to index
    %swap3A_183 = arith.constant 80 : index
    %swap3A_184 = tpu.vector_load %arg17[%swap3A_182, %swap3A_183] {strides = array<i32>} : memref<40x128xf32, #tpu.memory_space<vmem>>, vector<16xf32>,
    tpu.vector_store %arg17[%swap3A_182, %swap3A_183], %broadcast_in_dim3A_1 {strides = array<i32>} : memref<40x128xf32, #tpu.memory_space<vmem>>, vector<16xf32>,
    %swap3A_185 = arith.constant 5 : i32
    %swap3A_186 = arith.index_cast %swap3A_185 : i32 to index
    %swap3A_187 = arith.constant 96 : index
    %swap3A_188 = tpu.vector_load %arg17[%swap3A_186, %swap3A_187] {strides = array<i32>} : memref<40x128xf32, #tpu.memory_space<vmem>>, vector<16xf32>,
    tpu.vector_store %arg17[%swap3A_186, %swap3A_187], %broadcast_in_dim3A_1 {strides = array<i32>} : memref<40x128xf32, #tpu.memory_space<vmem>>, vector<16xf32>,
    %swap3A_189 = arith.constant 5 : i32
    %swap3A_190 = arith.index_cast %swap3A_189 : i32 to index
    %swap3A_191 = arith.constant 112 : index
    %swap3A_192 = tpu.vector_load %arg17[%swap3A_190, %swap3A_191] {strides = array<i32>} : memref<40x128xf32, #tpu.memory_space<vmem>>, vector<16xf32>,
    tpu.vector_store %arg17[%swap3A_190, %swap3A_191], %broadcast_in_dim3A_1 {strides = array<i32>} : memref<40x128xf32, #tpu.memory_space<vmem>>, vector<16xf32>,
    %swap3A_193 = arith.constant 6 : i32
    %swap3A_194 = arith.index_cast %swap3A_193 : i32 to index
    %swap3A_195 = arith.constant 0 : index
    %swap3A_196 = tpu.vector_load %arg17[%swap3A_194, %swap3A_195] {strides = array<i32>} : memref<40x128xf32, #tpu.memory_space<vmem>>, vector<16xf32>,
    tpu.vector_store %arg17[%swap3A_194, %swap3A_195], %broadcast_in_dim3A_1 {strides = array<i32>} : memref<40x128xf32, #tpu.memory_space<vmem>>, vector<16xf32>,
    %swap3A_197 = arith.constant 6 : i32
    %swap3A_198 = arith.index_cast %swap3A_197 : i32 to index
    %swap3A_199 = arith.constant 16 : index
    %swap3A_200 = tpu.vector_load %arg17[%swap3A_198, %swap3A_199] {strides = array<i32>} : memref<40x128xf32, #tpu.memory_space<vmem>>, vector<16xf32>,
    tpu.vector_store %arg17[%swap3A_198, %swap3A_199], %broadcast_in_dim3A_1 {strides = array<i32>} : memref<40x128xf32, #tpu.memory_space<vmem>>, vector<16xf32>,
    %swap3A_201 = arith.constant 6 : i32
    %swap3A_202 = arith.index_cast %swap3A_201 : i32 to index
    %swap3A_203 = arith.constant 32 : index
    %swap3A_204 = tpu.vector_load %arg17[%swap3A_202, %swap3A_203] {strides = array<i32>} : memref<40x128xf32, #tpu.memory_space<vmem>>, vector<16xf32>,
    tpu.vector_store %arg17[%swap3A_202, %swap3A_203], %broadcast_in_dim3A_1 {strides = array<i32>} : memref<40x128xf32, #tpu.memory_space<vmem>>, vector<16xf32>,
    %swap3A_205 = arith.constant 6 : i32
    %swap3A_206 = arith.index_cast %swap3A_205 : i32 to index
    %swap3A_207 = arith.constant 48 : index
    %swap3A_208 = tpu.vector_load %arg17[%swap3A_206, %swap3A_207] {strides = array<i32>} : memref<40x128xf32, #tpu.memory_space<vmem>>, vector<16xf32>,
    tpu.vector_store %arg17[%swap3A_206, %swap3A_207], %broadcast_in_dim3A_1 {strides = array<i32>} : memref<40x128xf32, #tpu.memory_space<vmem>>, vector<16xf32>,
    %swap3A_209 = arith.constant 6 : i32
    %swap3A_210 = arith.index_cast %swap3A_209 : i32 to index
    %swap3A_211 = arith.constant 64 : index
    %swap3A_212 = tpu.vector_load %arg17[%swap3A_210, %swap3A_211] {strides = array<i32>} : memref<40x128xf32, #tpu.memory_space<vmem>>, vector<16xf32>,
    tpu.vector_store %arg17[%swap3A_210, %swap3A_211], %broadcast_in_dim3A_1 {strides = array<i32>} : memref<40x128xf32, #tpu.memory_space<vmem>>, vector<16xf32>,
    %swap3A_213 = arith.constant 6 : i32
    %swap3A_214 = arith.index_cast %swap3A_213 : i32 to index
    %swap3A_215 = arith.constant 80 : index
    %swap3A_216 = tpu.vector_load %arg17[%swap3A_214, %swap3A_215] {strides = array<i32>} : memref<40x128xf32, #tpu.memory_space<vmem>>, vector<16xf32>,
    tpu.vector_store %arg17[%swap3A_214, %swap3A_215], %broadcast_in_dim3A_1 {strides = array<i32>} : memref<40x128xf32, #tpu.memory_space<vmem>>, vector<16xf32>,
    %swap3A_217 = arith.constant 6 : i32
    %swap3A_218 = arith.index_cast %swap3A_217 : i32 to index
    %swap3A_219 = arith.constant 96 : index
    %swap3A_220 = tpu.vector_load %arg17[%swap3A_218, %swap3A_219] {strides = array<i32>} : memref<40x128xf32, #tpu.memory_space<vmem>>, vector<16xf32>,
    tpu.vector_store %arg17[%swap3A_218, %swap3A_219], %broadcast_in_dim3A_1 {strides = array<i32>} : memref<40x128xf32, #tpu.memory_space<vmem>>, vector<16xf32>,
    %swap3A_221 = arith.constant 6 : i32
    %swap3A_222 = arith.index_cast %swap3A_221 : i32 to index
    %swap3A_223 = arith.constant 112 : index
    %swap3A_224 = tpu.vector_load %arg17[%swap3A_222, %swap3A_223] {strides = array<i32>} : memref<40x128xf32, #tpu.memory_space<vmem>>, vector<16xf32>,
    tpu.vector_store %arg17[%swap3A_222, %swap3A_223], %broadcast_in_dim3A_1 {strides = array<i32>} : memref<40x128xf32, #tpu.memory_space<vmem>>, vector<16xf32>,
    %swap3A_225 = arith.constant 7 : i32
    %swap3A_226 = arith.index_cast %swap3A_225 : i32 to index
    %swap3A_227 = arith.constant 0 : index
    %swap3A_228 = tpu.vector_load %arg17[%swap3A_226, %swap3A_227] {strides = array<i32>} : memref<40x128xf32, #tpu.memory_space<vmem>>, vector<16xf32>,
    tpu.vector_store %arg17[%swap3A_226, %swap3A_227], %broadcast_in_dim3A_1 {strides = array<i32>} : memref<40x128xf32, #tpu.memory_space<vmem>>, vector<16xf32>,
    %swap3A_229 = arith.constant 7 : i32
    %swap3A_230 = arith.index_cast %swap3A_229 : i32 to index
    %swap3A_231 = arith.constant 16 : index
    %swap3A_232 = tpu.vector_load %arg17[%swap3A_230, %swap3A_231] {strides = array<i32>} : memref<40x128xf32, #tpu.memory_space<vmem>>, vector<16xf32>,
    tpu.vector_store %arg17[%swap3A_230, %swap3A_231], %broadcast_in_dim3A_1 {strides = array<i32>} : memref<40x128xf32, #tpu.memory_space<vmem>>, vector<16xf32>,
    %swap3A_233 = arith.constant 7 : i32
    %swap3A_234 = arith.index_cast %swap3A_233 : i32 to index
    %swap3A_235 = arith.constant 32 : index
    %swap3A_236 = tpu.vector_load %arg17[%swap3A_234, %swap3A_235] {strides = array<i32>} : memref<40x128xf32, #tpu.memory_space<vmem>>, vector<16xf32>,
    tpu.vector_store %arg17[%swap3A_234, %swap3A_235], %broadcast_in_dim3A_1 {strides = array<i32>} : memref<40x128xf32, #tpu.memory_space<vmem>>, vector<16xf32>,
    %swap3A_237 = arith.constant 7 : i32
    %swap3A_238 = arith.index_cast %swap3A_237 : i32 to index
    %swap3A_239 = arith.constant 48 : index
    %swap3A_240 = tpu.vector_load %arg17[%swap3A_238, %swap3A_239] {strides = array<i32>} : memref<40x128xf32, #tpu.memory_space<vmem>>, vector<16xf32>,
    tpu.vector_store %arg17[%swap3A_238, %swap3A_239], %broadcast_in_dim3A_1 {strides = array<i32>} : memref<40x128xf32, #tpu.memory_space<vmem>>, vector<16xf32>,
    %swap3A_241 = arith.constant 7 : i32
    %swap3A_242 = arith.index_cast %swap3A_241 : i32 to index
    %swap3A_243 = arith.constant 64 : index
    %swap3A_244 = tpu.vector_load %arg17[%swap3A_242, %swap3A_243] {strides = array<i32>} : memref<40x128xf32, #tpu.memory_space<vmem>>, vector<16xf32>,
    tpu.vector_store %arg17[%swap3A_242, %swap3A_243], %broadcast_in_dim3A_1 {strides = array<i32>} : memref<40x128xf32, #tpu.memory_space<vmem>>, vector<16xf32>,
    %swap3A_245 = arith.constant 7 : i32
    %swap3A_246 = arith.index_cast %swap3A_245 : i32 to index
    %swap3A_247 = arith.constant 80 : index
    %swap3A_248 = tpu.vector_load %arg17[%swap3A_246, %swap3A_247] {strides = array<i32>} : memref<40x128xf32, #tpu.memory_space<vmem>>, vector<16xf32>,
    tpu.vector_store %arg17[%swap3A_246, %swap3A_247], %broadcast_in_dim3A_1 {strides = array<i32>} : memref<40x128xf32, #tpu.memory_space<vmem>>, vector<16xf32>,
    %swap3A_249 = arith.constant 7 : i32
    %swap3A_250 = arith.index_cast %swap3A_249 : i32 to index
    %swap3A_251 = arith.constant 96 : index
    %swap3A_252 = tpu.vector_load %arg17[%swap3A_250, %swap3A_251] {strides = array<i32>} : memref<40x128xf32, #tpu.memory_space<vmem>>, vector<16xf32>,
    tpu.vector_store %arg17[%swap3A_250, %swap3A_251], %broadcast_in_dim3A_1 {strides = array<i32>} : memref<40x128xf32, #tpu.memory_space<vmem>>, vector<16xf32>,
    %swap3A_253 = arith.constant 7 : i32
    %swap3A_254 = arith.index_cast %swap3A_253 : i32 to index
    %swap3A_255 = arith.constant 112 : index
    %swap3A_256 = tpu.vector_load %arg17[%swap3A_254, %swap3A_255] {strides = array<i32>} : memref<40x128xf32, #tpu.memory_space<vmem>>, vector<16xf32>,
    tpu.vector_store %arg17[%swap3A_254, %swap3A_255], %broadcast_in_dim3A_1 {strides = array<i32>} : memref<40x128xf32, #tpu.memory_space<vmem>>, vector<16xf32>,
    %swap3A_257 = arith.constant 8 : i32
    %swap3A_258 = arith.index_cast %swap3A_257 : i32 to index
    %swap3A_259 = arith.constant 0 : index
    %swap3A_260 = tpu.vector_load %arg17[%swap3A_258, %swap3A_259] {strides = array<i32>} : memref<40x128xf32, #tpu.memory_space<vmem>>, vector<16xf32>,
    tpu.vector_store %arg17[%swap3A_258, %swap3A_259], %broadcast_in_dim3A_1 {strides = array<i32>} : memref<40x128xf32, #tpu.memory_space<vmem>>, vector<16xf32>,
    %swap3A_261 = arith.constant 8 : i32
    %swap3A_262 = arith.index_cast %swap3A_261 : i32 to index
    %swap3A_263 = arith.constant 16 : index
    %swap3A_264 = tpu.vector_load %arg17[%swap3A_262, %swap3A_263] {strides = array<i32>} : memref<40x128xf32, #tpu.memory_space<vmem>>, vector<16xf32>,
    tpu.vector_store %arg17[%swap3A_262, %swap3A_263], %broadcast_in_dim3A_1 {strides = array<i32>} : memref<40x128xf32, #tpu.memory_space<vmem>>, vector<16xf32>,
    %swap3A_265 = arith.constant 8 : i32
    %swap3A_266 = arith.index_cast %swap3A_265 : i32 to index
    %swap3A_267 = arith.constant 32 : index
    %swap3A_268 = tpu.vector_load %arg17[%swap3A_266, %swap3A_267] {strides = array<i32>} : memref<40x128xf32, #tpu.memory_space<vmem>>, vector<16xf32>,
    tpu.vector_store %arg17[%swap3A_266, %swap3A_267], %broadcast_in_dim3A_1 {strides = array<i32>} : memref<40x128xf32, #tpu.memory_space<vmem>>, vector<16xf32>,
    %swap3A_269 = arith.constant 8 : i32
    %swap3A_270 = arith.index_cast %swap3A_269 : i32 to index
    %swap3A_271 = arith.constant 48 : index
    %swap3A_272 = tpu.vector_load %arg17[%swap3A_270, %swap3A_271] {strides = array<i32>} : memref<40x128xf32, #tpu.memory_space<vmem>>, vector<16xf32>,
    tpu.vector_store %arg17[%swap3A_270, %swap3A_271], %broadcast_in_dim3A_1 {strides = array<i32>} : memref<40x128xf32, #tpu.memory_space<vmem>>, vector<16xf32>,
    %swap3A_273 = arith.constant 8 : i32
    %swap3A_274 = arith.index_cast %swap3A_273 : i32 to index
    %swap3A_275 = arith.constant 64 : index
    %swap3A_276 = tpu.vector_load %arg17[%swap3A_274, %swap3A_275] {strides = array<i32>} : memref<40x128xf32, #tpu.memory_space<vmem>>, vector<16xf32>,
    tpu.vector_store %arg17[%swap3A_274, %swap3A_275], %broadcast_in_dim3A_1 {strides = array<i32>} : memref<40x128xf32, #tpu.memory_space<vmem>>, vector<16xf32>,
    %swap3A_277 = arith.constant 8 : i32
    %swap3A_278 = arith.index_cast %swap3A_277 : i32 to index
    %swap3A_279 = arith.constant 80 : index
    %swap3A_280 = tpu.vector_load %arg17[%swap3A_278, %swap3A_279] {strides = array<i32>} : memref<40x128xf32, #tpu.memory_space<vmem>>, vector<16xf32>,
    tpu.vector_store %arg17[%swap3A_278, %swap3A_279], %broadcast_in_dim3A_1 {strides = array<i32>} : memref<40x128xf32, #tpu.memory_space<vmem>>, vector<16xf32>,
    %swap3A_281 = arith.constant 8 : i32
    %swap3A_282 = arith.index_cast %swap3A_281 : i32 to index
    %swap3A_283 = arith.constant 96 : index
    %swap3A_284 = tpu.vector_load %arg17[%swap3A_282, %swap3A_283] {strides = array<i32>} : memref<40x128xf32, #tpu.memory_space<vmem>>, vector<16xf32>,
    tpu.vector_store %arg17[%swap3A_282, %swap3A_283], %broadcast_in_dim3A_1 {strides = array<i32>} : memref<40x128xf32, #tpu.memory_space<vmem>>, vector<16xf32>,
    %swap3A_285 = arith.constant 8 : i32
    %swap3A_286 = arith.index_cast %swap3A_285 : i32 to index
    %swap3A_287 = arith.constant 112 : index
    %swap3A_288 = tpu.vector_load %arg17[%swap3A_286, %swap3A_287] {strides = array<i32>} : memref<40x128xf32, #tpu.memory_space<vmem>>, vector<16xf32>,
    tpu.vector_store %arg17[%swap3A_286, %swap3A_287], %broadcast_in_dim3A_1 {strides = array<i32>} : memref<40x128xf32, #tpu.memory_space<vmem>>, vector<16xf32>,
    %swap3A_289 = arith.constant 9 : i32
    %swap3A_290 = arith.index_cast %swap3A_289 : i32 to index
    %swap3A_291 = arith.constant 0 : index
    %swap3A_292 = tpu.vector_load %arg17[%swap3A_290, %swap3A_291] {strides = array<i32>} : memref<40x128xf32, #tpu.memory_space<vmem>>, vector<16xf32>,
    tpu.vector_store %arg17[%swap3A_290, %swap3A_291], %broadcast_in_dim3A_1 {strides = array<i32>} : memref<40x128xf32, #tpu.memory_space<vmem>>, vector<16xf32>,
    %swap3A_293 = arith.constant 9 : i32
    %swap3A_294 = arith.index_cast %swap3A_293 : i32 to index
    %swap3A_295 = arith.constant 16 : index
    %swap3A_296 = tpu.vector_load %arg17[%swap3A_294, %swap3A_295] {strides = array<i32>} : memref<40x128xf32, #tpu.memory_space<vmem>>, vector<16xf32>,
    tpu.vector_store %arg17[%swap3A_294, %swap3A_295], %broadcast_in_dim3A_1 {strides = array<i32>} : memref<40x128xf32, #tpu.memory_space<vmem>>, vector<16xf32>,
    %swap3A_297 = arith.constant 9 : i32
    %swap3A_298 = arith.index_cast %swap3A_297 : i32 to index
    %swap3A_299 = arith.constant 32 : index
    %swap3A_300 = tpu.vector_load %arg17[%swap3A_298, %swap3A_299] {strides = array<i32>} : memref<40x128xf32, #tpu.memory_space<vmem>>, vector<16xf32>,
    tpu.vector_store %arg17[%swap3A_298, %swap3A_299], %broadcast_in_dim3A_1 {strides = array<i32>} : memref<40x128xf32, #tpu.memory_space<vmem>>, vector<16xf32>,
    %swap3A_301 = arith.constant 9 : i32
    %swap3A_302 = arith.index_cast %swap3A_301 : i32 to index
    %swap3A_303 = arith.constant 48 : index
    %swap3A_304 = tpu.vector_load %arg17[%swap3A_302, %swap3A_303] {strides = array<i32>} : memref<40x128xf32, #tpu.memory_space<vmem>>, vector<16xf32>,
    tpu.vector_store %arg17[%swap3A_302, %swap3A_303], %broadcast_in_dim3A_1 {strides = array<i32>} : memref<40x128xf32, #tpu.memory_space<vmem>>, vector<16xf32>,
    %swap3A_305 = arith.constant 9 : i32
    %swap3A_306 = arith.index_cast %swap3A_305 : i32 to index
    %swap3A_307 = arith.constant 64 : index
    %swap3A_308 = tpu.vector_load %arg17[%swap3A_306, %swap3A_307] {strides = array<i32>} : memref<40x128xf32, #tpu.memory_space<vmem>>, vector<16xf32>,
    tpu.vector_store %arg17[%swap3A_306, %swap3A_307], %broadcast_in_dim3A_1 {strides = array<i32>} : memref<40x128xf32, #tpu.memory_space<vmem>>, vector<16xf32>,
    %swap3A_309 = arith.constant 9 : i32
    %swap3A_310 = arith.index_cast %swap3A_309 : i32 to index
    %swap3A_311 = arith.constant 80 : index
    %swap3A_312 = tpu.vector_load %arg17[%swap3A_310, %swap3A_311] {strides = array<i32>} : memref<40x128xf32, #tpu.memory_space<vmem>>, vector<16xf32>,
    tpu.vector_store %arg17[%swap3A_310, %swap3A_311], %broadcast_in_dim3A_1 {strides = array<i32>} : memref<40x128xf32, #tpu.memory_space<vmem>>, vector<16xf32>,
    %swap3A_313 = arith.constant 9 : i32
    %swap3A_314 = arith.index_cast %swap3A_313 : i32 to index
    %swap3A_315 = arith.constant 96 : index
    %swap3A_316 = tpu.vector_load %arg17[%swap3A_314, %swap3A_315] {strides = array<i32>} : memref<40x128xf32, #tpu.memory_space<vmem>>, vector<16xf32>,
    tpu.vector_store %arg17[%swap3A_314, %swap3A_315], %broadcast_in_dim3A_1 {strides = array<i32>} : memref<40x128xf32, #tpu.memory_space<vmem>>, vector<16xf32>,
    %swap3A_317 = arith.constant 9 : i32
    %swap3A_318 = arith.index_cast %swap3A_317 : i32 to index
    %swap3A_319 = arith.constant 112 : index
    %swap3A_320 = tpu.vector_load %arg17[%swap3A_318, %swap3A_319] {strides = array<i32>} : memref<40x128xf32, #tpu.memory_space<vmem>>, vector<16xf32>,
    tpu.vector_store %arg17[%swap3A_318, %swap3A_319], %broadcast_in_dim3A_1 {strides = array<i32>} : memref<40x128xf32, #tpu.memory_space<vmem>>, vector<16xf32>,
    %swap3A_321 = arith.constant 10 : i32
    %swap3A_322 = arith.index_cast %swap3A_321 : i32 to index
    %swap3A_323 = arith.constant 0 : index
    %swap3A_324 = tpu.vector_load %arg17[%swap3A_322, %swap3A_323] {strides = array<i32>} : memref<40x128xf32, #tpu.memory_space<vmem>>, vector<16xf32>,
    tpu.vector_store %arg17[%swap3A_322, %swap3A_323], %broadcast_in_dim3A_1 {strides = array<i32>} : memref<40x128xf32, #tpu.memory_space<vmem>>, vector<16xf32>,
    %swap3A_325 = arith.constant 10 : i32
    %swap3A_326 = arith.index_cast %swap3A_325 : i32 to index
    %swap3A_327 = arith.constant 16 : index
    %swap3A_328 = tpu.vector_load %arg17[%swap3A_326, %swap3A_327] {strides = array<i32>} : memref<40x128xf32, #tpu.memory_space<vmem>>, vector<16xf32>,
    tpu.vector_store %arg17[%swap3A_326, %swap3A_327], %broadcast_in_dim3A_1 {strides = array<i32>} : memref<40x128xf32, #tpu.memory_space<vmem>>, vector<16xf32>,
    %swap3A_329 = arith.constant 10 : i32
    %swap3A_330 = arith.index_cast %swap3A_329 : i32 to index
    %swap3A_331 = arith.constant 32 : index
    %swap3A_332 = tpu.vector_load %arg17[%swap3A_330, %swap3A_331] {strides = array<i32>} : memref<40x128xf32, #tpu.memory_space<vmem>>, vector<16xf32>,
    tpu.vector_store %arg17[%swap3A_330, %swap3A_331], %broadcast_in_dim3A_1 {strides = array<i32>} : memref<40x128xf32, #tpu.memory_space<vmem>>, vector<16xf32>,
    %swap3A_333 = arith.constant 10 : i32
    %swap3A_334 = arith.index_cast %swap3A_333 : i32 to index
    %swap3A_335 = arith.constant 48 : index
    %swap3A_336 = tpu.vector_load %arg17[%swap3A_334, %swap3A_335] {strides = array<i32>} : memref<40x128xf32, #tpu.memory_space<vmem>>, vector<16xf32>,
    tpu.vector_store %arg17[%swap3A_334, %swap3A_335], %broadcast_in_dim3A_1 {strides = array<i32>} : memref<40x128xf32, #tpu.memory_space<vmem>>, vector<16xf32>,
    %swap3A_337 = arith.constant 10 : i32
    %swap3A_338 = arith.index_cast %swap3A_337 : i32 to index
    %swap3A_339 = arith.constant 64 : index
    %swap3A_340 = tpu.vector_load %arg17[%swap3A_338, %swap3A_339] {strides = array<i32>} : memref<40x128xf32, #tpu.memory_space<vmem>>, vector<16xf32>,
    tpu.vector_store %arg17[%swap3A_338, %swap3A_339], %broadcast_in_dim3A_1 {strides = array<i32>} : memref<40x128xf32, #tpu.memory_space<vmem>>, vector<16xf32>,
    %swap3A_341 = arith.constant 10 : i32
    %swap3A_342 = arith.index_cast %swap3A_341 : i32 to index
    %swap3A_343 = arith.constant 80 : index
    %swap3A_344 = tpu.vector_load %arg17[%swap3A_342, %swap3A_343] {strides = array<i32>} : memref<40x128xf32, #tpu.memory_space<vmem>>, vector<16xf32>,
    tpu.vector_store %arg17[%swap3A_342, %swap3A_343], %broadcast_in_dim3A_1 {strides = array<i32>} : memref<40x128xf32, #tpu.memory_space<vmem>>, vector<16xf32>,
    %swap3A_345 = arith.constant 10 : i32
    %swap3A_346 = arith.index_cast %swap3A_345 : i32 to index
    %swap3A_347 = arith.constant 96 : index
    %swap3A_348 = tpu.vector_load %arg17[%swap3A_346, %swap3A_347] {strides = array<i32>} : memref<40x128xf32, #tpu.memory_space<vmem>>, vector<16xf32>,
    tpu.vector_store %arg17[%swap3A_346, %swap3A_347], %broadcast_in_dim3A_1 {strides = array<i32>} : memref<40x128xf32, #tpu.memory_space<vmem>>, vector<16xf32>,
    %swap3A_349 = arith.constant 10 : i32
    %swap3A_350 = arith.index_cast %swap3A_349 : i32 to index
    %swap3A_351 = arith.constant 112 : index
    %swap3A_352 = tpu.vector_load %arg17[%swap3A_350, %swap3A_351] {strides = array<i32>} : memref<40x128xf32, #tpu.memory_space<vmem>>, vector<16xf32>,
    tpu.vector_store %arg17[%swap3A_350, %swap3A_351], %broadcast_in_dim3A_1 {strides = array<i32>} : memref<40x128xf32, #tpu.memory_space<vmem>>, vector<16xf32>,
    %swap3A_353 = arith.constant 11 : i32
    %swap3A_354 = arith.index_cast %swap3A_353 : i32 to index
    %swap3A_355 = arith.constant 0 : index
    %swap3A_356 = tpu.vector_load %arg17[%swap3A_354, %swap3A_355] {strides = array<i32>} : memref<40x128xf32, #tpu.memory_space<vmem>>, vector<16xf32>,
    tpu.vector_store %arg17[%swap3A_354, %swap3A_355], %broadcast_in_dim3A_1 {strides = array<i32>} : memref<40x128xf32, #tpu.memory_space<vmem>>, vector<16xf32>,
    %swap3A_357 = arith.constant 11 : i32
    %swap3A_358 = arith.index_cast %swap3A_357 : i32 to index
    %swap3A_359 = arith.constant 16 : index
    %swap3A_360 = tpu.vector_load %arg17[%swap3A_358, %swap3A_359] {strides = array<i32>} : memref<40x128xf32, #tpu.memory_space<vmem>>, vector<16xf32>,
    tpu.vector_store %arg17[%swap3A_358, %swap3A_359], %broadcast_in_dim3A_1 {strides = array<i32>} : memref<40x128xf32, #tpu.memory_space<vmem>>, vector<16xf32>,
    %swap3A_361 = arith.constant 11 : i32
    %swap3A_362 = arith.index_cast %swap3A_361 : i32 to index
    %swap3A_363 = arith.constant 32 : index
    %swap3A_364 = tpu.vector_load %arg17[%swap3A_362, %swap3A_363] {strides = array<i32>} : memref<40x128xf32, #tpu.memory_space<vmem>>, vector<16xf32>,
    tpu.vector_store %arg17[%swap3A_362, %swap3A_363], %broadcast_in_dim3A_1 {strides = array<i32>} : memref<40x128xf32, #tpu.memory_space<vmem>>, vector<16xf32>,
    %swap3A_365 = arith.constant 11 : i32
    %swap3A_366 = arith.index_cast %swap3A_365 : i32 to index
    %swap3A_367 = arith.constant 48 : index
    %swap3A_368 = tpu.vector_load %arg17[%swap3A_366, %swap3A_367] {strides = array<i32>} : memref<40x128xf32, #tpu.memory_space<vmem>>, vector<16xf32>,
    tpu.vector_store %arg17[%swap3A_366, %swap3A_367], %broadcast_in_dim3A_1 {strides = array<i32>} : memref<40x128xf32, #tpu.memory_space<vmem>>, vector<16xf32>,
    %swap3A_369 = arith.constant 11 : i32
    %swap3A_370 = arith.index_cast %swap3A_369 : i32 to index
    %swap3A_371 = arith.constant 64 : index
    %swap3A_372 = tpu.vector_load %arg17[%swap3A_370, %swap3A_371] {strides = array<i32>} : memref<40x128xf32, #tpu.memory_space<vmem>>, vector<16xf32>,
    tpu.vector_store %arg17[%swap3A_370, %swap3A_371], %broadcast_in_dim3A_1 {strides = array<i32>} : memref<40x128xf32, #tpu.memory_space<vmem>>, vector<16xf32>,
    %swap3A_373 = arith.constant 11 : i32
    %swap3A_374 = arith.index_cast %swap3A_373 : i32 to index
    %swap3A_375 = arith.constant 80 : index
    %swap3A_376 = tpu.vector_load %arg17[%swap3A_374, %swap3A_375] {strides = array<i32>} : memref<40x128xf32, #tpu.memory_space<vmem>>, vector<16xf32>,
    tpu.vector_store %arg17[%swap3A_374, %swap3A_375], %broadcast_in_dim3A_1 {strides = array<i32>} : memref<40x128xf32, #tpu.memory_space<vmem>>, vector<16xf32>,
    %swap3A_377 = arith.constant 11 : i32
    %swap3A_378 = arith.index_cast %swap3A_377 : i32 to index
    %swap3A_379 = arith.constant 96 : index
    %swap3A_380 = tpu.vector_load %arg17[%swap3A_378, %swap3A_379] {strides = array<i32>} : memref<40x128xf32, #tpu.memory_space<vmem>>, vector<16xf32>,
    tpu.vector_store %arg17[%swap3A_378, %swap3A_379], %broadcast_in_dim3A_1 {strides = array<i32>} : memref<40x128xf32, #tpu.memory_space<vmem>>, vector<16xf32>,
    %swap3A_381 = arith.constant 11 : i32
    %swap3A_382 = arith.index_cast %swap3A_381 : i32 to index
    %swap3A_383 = arith.constant 112 : index
    %swap3A_384 = tpu.vector_load %arg17[%swap3A_382, %swap3A_383] {strides = array<i32>} : memref<40x128xf32, #tpu.memory_space<vmem>>, vector<16xf32>,
    tpu.vector_store %arg17[%swap3A_382, %swap3A_383], %broadcast_in_dim3A_1 {strides = array<i32>} : memref<40x128xf32, #tpu.memory_space<vmem>>, vector<16xf32>,
    %swap3A_385 = arith.constant 12 : i32
    %swap3A_386 = arith.index_cast %swap3A_385 : i32 to index
    %swap3A_387 = arith.constant 0 : index
    %swap3A_388 = tpu.vector_load %arg17[%swap3A_386, %swap3A_387] {strides = array<i32>} : memref<40x128xf32, #tpu.memory_space<vmem>>, vector<16xf32>,
    tpu.vector_store %arg17[%swap3A_386, %swap3A_387], %broadcast_in_dim3A_1 {strides = array<i32>} : memref<40x128xf32, #tpu.memory_space<vmem>>, vector<16xf32>,
    %swap3A_389 = arith.constant 12 : i32
    %swap3A_390 = arith.index_cast %swap3A_389 : i32 to index
    %swap3A_391 = arith.constant 16 : index
    %swap3A_392 = tpu.vector_load %arg17[%swap3A_390, %swap3A_391] {strides = array<i32>} : memref<40x128xf32, #tpu.memory_space<vmem>>, vector<16xf32>,
    tpu.vector_store %arg17[%swap3A_390, %swap3A_391], %broadcast_in_dim3A_1 {strides = array<i32>} : memref<40x128xf32, #tpu.memory_space<vmem>>, vector<16xf32>,
    %swap3A_393 = arith.constant 12 : i32
    %swap3A_394 = arith.index_cast %swap3A_393 : i32 to index
    %swap3A_395 = arith.constant 32 : index
    %swap3A_396 = tpu.vector_load %arg17[%swap3A_394, %swap3A_395] {strides = array<i32>} : memref<40x128xf32, #tpu.memory_space<vmem>>, vector<16xf32>,
    tpu.vector_store %arg17[%swap3A_394, %swap3A_395], %broadcast_in_dim3A_1 {strides = array<i32>} : memref<40x128xf32, #tpu.memory_space<vmem>>, vector<16xf32>,
    %swap3A_397 = arith.constant 12 : i32
    %swap3A_398 = arith.index_cast %swap3A_397 : i32 to index
    %swap3A_399 = arith.constant 48 : index
    %swap3A_400 = tpu.vector_load %arg17[%swap3A_398, %swap3A_399] {strides = array<i32>} : memref<40x128xf32, #tpu.memory_space<vmem>>, vector<16xf32>,
    tpu.vector_store %arg17[%swap3A_398, %swap3A_399], %broadcast_in_dim3A_1 {strides = array<i32>} : memref<40x128xf32, #tpu.memory_space<vmem>>, vector<16xf32>,
    %swap3A_401 = arith.constant 12 : i32
    %swap3A_402 = arith.index_cast %swap3A_401 : i32 to index
    %swap3A_403 = arith.constant 64 : index
    %swap3A_404 = tpu.vector_load %arg17[%swap3A_402, %swap3A_403] {strides = array<i32>} : memref<40x128xf32, #tpu.memory_space<vmem>>, vector<16xf32>,
    tpu.vector_store %arg17[%swap3A_402, %swap3A_403], %broadcast_in_dim3A_1 {strides = array<i32>} : memref<40x128xf32, #tpu.memory_space<vmem>>, vector<16xf32>,
    %swap3A_405 = arith.constant 12 : i32
    %swap3A_406 = arith.index_cast %swap3A_405 : i32 to index
    %swap3A_407 = arith.constant 80 : index
    %swap3A_408 = tpu.vector_load %arg17[%swap3A_406, %swap3A_407] {strides = array<i32>} : memref<40x128xf32, #tpu.memory_space<vmem>>, vector<16xf32>,
    tpu.vector_store %arg17[%swap3A_406, %swap3A_407], %broadcast_in_dim3A_1 {strides = array<i32>} : memref<40x128xf32, #tpu.memory_space<vmem>>, vector<16xf32>,
    %swap3A_409 = arith.constant 12 : i32
    %swap3A_410 = arith.index_cast %swap3A_409 : i32 to index
    %swap3A_411 = arith.constant 96 : index
    %swap3A_412 = tpu.vector_load %arg17[%swap3A_410, %swap3A_411] {strides = array<i32>} : memref<40x128xf32, #tpu.memory_space<vmem>>, vector<16xf32>,
    tpu.vector_store %arg17[%swap3A_410, %swap3A_411], %broadcast_in_dim3A_1 {strides = array<i32>} : memref<40x128xf32, #tpu.memory_space<vmem>>, vector<16xf32>,
    %swap3A_413 = arith.constant 12 : i32
    %swap3A_414 = arith.index_cast %swap3A_413 : i32 to index
    %swap3A_415 = arith.constant 112 : index
    %swap3A_416 = tpu.vector_load %arg17[%swap3A_414, %swap3A_415] {strides = array<i32>} : memref<40x128xf32, #tpu.memory_space<vmem>>, vector<16xf32>,
    tpu.vector_store %arg17[%swap3A_414, %swap3A_415], %broadcast_in_dim3A_1 {strides = array<i32>} : memref<40x128xf32, #tpu.memory_space<vmem>>, vector<16xf32>,
    %swap3A_417 = arith.constant 13 : i32
    %swap3A_418 = arith.index_cast %swap3A_417 : i32 to index
    %swap3A_419 = arith.constant 0 : index
    %swap3A_420 = tpu.vector_load %arg17[%swap3A_418, %swap3A_419] {strides = array<i32>} : memref<40x128xf32, #tpu.memory_space<vmem>>, vector<16xf32>,
    tpu.vector_store %arg17[%swap3A_418, %swap3A_419], %broadcast_in_dim3A_1 {strides = array<i32>} : memref<40x128xf32, #tpu.memory_space<vmem>>, vector<16xf32>,
    %swap3A_421 = arith.constant 13 : i32
    %swap3A_422 = arith.index_cast %swap3A_421 : i32 to index
    %swap3A_423 = arith.constant 16 : index
    %swap3A_424 = tpu.vector_load %arg17[%swap3A_422, %swap3A_423] {strides = array<i32>} : memref<40x128xf32, #tpu.memory_space<vmem>>, vector<16xf32>,
    tpu.vector_store %arg17[%swap3A_422, %swap3A_423], %broadcast_in_dim3A_1 {strides = array<i32>} : memref<40x128xf32, #tpu.memory_space<vmem>>, vector<16xf32>,
    %swap3A_425 = arith.constant 13 : i32
    %swap3A_426 = arith.index_cast %swap3A_425 : i32 to index
    %swap3A_427 = arith.constant 32 : index
    %swap3A_428 = tpu.vector_load %arg17[%swap3A_426, %swap3A_427] {strides = array<i32>} : memref<40x128xf32, #tpu.memory_space<vmem>>, vector<16xf32>,
    tpu.vector_store %arg17[%swap3A_426, %swap3A_427], %broadcast_in_dim3A_1 {strides = array<i32>} : memref<40x128xf32, #tpu.memory_space<vmem>>, vector<16xf32>,
    %swap3A_429 = arith.constant 13 : i32
    %swap3A_430 = arith.index_cast %swap3A_429 : i32 to index
    %swap3A_431 = arith.constant 48 : index
    %swap3A_432 = tpu.vector_load %arg17[%swap3A_430, %swap3A_431] {strides = array<i32>} : memref<40x128xf32, #tpu.memory_space<vmem>>, vector<16xf32>,
    tpu.vector_store %arg17[%swap3A_430, %swap3A_431], %broadcast_in_dim3A_1 {strides = array<i32>} : memref<40x128xf32, #tpu.memory_space<vmem>>, vector<16xf32>,
    %swap3A_433 = arith.constant 13 : i32
    %swap3A_434 = arith.index_cast %swap3A_433 : i32 to index
    %swap3A_435 = arith.constant 64 : index
    %swap3A_436 = tpu.vector_load %arg17[%swap3A_434, %swap3A_435] {strides = array<i32>} : memref<40x128xf32, #tpu.memory_space<vmem>>, vector<16xf32>,
    tpu.vector_store %arg17[%swap3A_434, %swap3A_435], %broadcast_in_dim3A_1 {strides = array<i32>} : memref<40x128xf32, #tpu.memory_space<vmem>>, vector<16xf32>,
    %swap3A_437 = arith.constant 13 : i32
    %swap3A_438 = arith.index_cast %swap3A_437 : i32 to index
    %swap3A_439 = arith.constant 80 : index
    %swap3A_440 = tpu.vector_load %arg17[%swap3A_438, %swap3A_439] {strides = array<i32>} : memref<40x128xf32, #tpu.memory_space<vmem>>, vector<16xf32>,
    tpu.vector_store %arg17[%swap3A_438, %swap3A_439], %broadcast_in_dim3A_1 {strides = array<i32>} : memref<40x128xf32, #tpu.memory_space<vmem>>, vector<16xf32>,
    %swap3A_441 = arith.constant 13 : i32
    %swap3A_442 = arith.index_cast %swap3A_441 : i32 to index
    %swap3A_443 = arith.constant 96 : index
    %swap3A_444 = tpu.vector_load %arg17[%swap3A_442, %swap3A_443] {strides = array<i32>} : memref<40x128xf32, #tpu.memory_space<vmem>>, vector<16xf32>,
    tpu.vector_store %arg17[%swap3A_442, %swap3A_443], %broadcast_in_dim3A_1 {strides = array<i32>} : memref<40x128xf32, #tpu.memory_space<vmem>>, vector<16xf32>,
    %swap3A_445 = arith.constant 13 : i32
    %swap3A_446 = arith.index_cast %swap3A_445 : i32 to index
    %swap3A_447 = arith.constant 112 : index
    %swap3A_448 = tpu.vector_load %arg17[%swap3A_446, %swap3A_447] {strides = array<i32>} : memref<40x128xf32, #tpu.memory_space<vmem>>, vector<16xf32>,
    tpu.vector_store %arg17[%swap3A_446, %swap3A_447], %broadcast_in_dim3A_1 {strides = array<i32>} : memref<40x128xf32, #tpu.memory_space<vmem>>, vector<16xf32>,
    %swap3A_449 = arith.constant 14 : i32
    %swap3A_450 = arith.index_cast %swap3A_449 : i32 to index
    %swap3A_451 = arith.constant 0 : index
    %swap3A_452 = tpu.vector_load %arg17[%swap3A_450, %swap3A_451] {strides = array<i32>} : memref<40x128xf32, #tpu.memory_space<vmem>>, vector<16xf32>,
    tpu.vector_store %arg17[%swap3A_450, %swap3A_451], %broadcast_in_dim3A_1 {strides = array<i32>} : memref<40x128xf32, #tpu.memory_space<vmem>>, vector<16xf32>,
    %swap3A_453 = arith.constant 14 : i32
    %swap3A_454 = arith.index_cast %swap3A_453 : i32 to index
    %swap3A_455 = arith.constant 16 : index
    %swap3A_456 = tpu.vector_load %arg17[%swap3A_454, %swap3A_455] {strides = array<i32>} : memref<40x128xf32, #tpu.memory_space<vmem>>, vector<16xf32>,
    tpu.vector_store %arg17[%swap3A_454, %swap3A_455], %broadcast_in_dim3A_1 {strides = array<i32>} : memref<40x128xf32, #tpu.memory_space<vmem>>, vector<16xf32>,
    %swap3A_457 = arith.constant 14 : i32
    %swap3A_458 = arith.index_cast %swap3A_457 : i32 to index
    %swap3A_459 = arith.constant 32 : index
    %swap3A_460 = tpu.vector_load %arg17[%swap3A_458, %swap3A_459] {strides = array<i32>} : memref<40x128xf32, #tpu.memory_space<vmem>>, vector<16xf32>,
    tpu.vector_store %arg17[%swap3A_458, %swap3A_459], %broadcast_in_dim3A_1 {strides = array<i32>} : memref<40x128xf32, #tpu.memory_space<vmem>>, vector<16xf32>,
    %swap3A_461 = arith.constant 14 : i32
    %swap3A_462 = arith.index_cast %swap3A_461 : i32 to index
    %swap3A_463 = arith.constant 48 : index
    %swap3A_464 = tpu.vector_load %arg17[%swap3A_462, %swap3A_463] {strides = array<i32>} : memref<40x128xf32, #tpu.memory_space<vmem>>, vector<16xf32>,
    tpu.vector_store %arg17[%swap3A_462, %swap3A_463], %broadcast_in_dim3A_1 {strides = array<i32>} : memref<40x128xf32, #tpu.memory_space<vmem>>, vector<16xf32>,
    %swap3A_465 = arith.constant 14 : i32
    %swap3A_466 = arith.index_cast %swap3A_465 : i32 to index
    %swap3A_467 = arith.constant 64 : index
    %swap3A_468 = tpu.vector_load %arg17[%swap3A_466, %swap3A_467] {strides = array<i32>} : memref<40x128xf32, #tpu.memory_space<vmem>>, vector<16xf32>,
    tpu.vector_store %arg17[%swap3A_466, %swap3A_467], %broadcast_in_dim3A_1 {strides = array<i32>} : memref<40x128xf32, #tpu.memory_space<vmem>>, vector<16xf32>,
    %swap3A_469 = arith.constant 14 : i32
    %swap3A_470 = arith.index_cast %swap3A_469 : i32 to index
    %swap3A_471 = arith.constant 80 : index
    %swap3A_472 = tpu.vector_load %arg17[%swap3A_470, %swap3A_471] {strides = array<i32>} : memref<40x128xf32, #tpu.memory_space<vmem>>, vector<16xf32>,
    tpu.vector_store %arg17[%swap3A_470, %swap3A_471], %broadcast_in_dim3A_1 {strides = array<i32>} : memref<40x128xf32, #tpu.memory_space<vmem>>, vector<16xf32>,
    %swap3A_473 = arith.constant 14 : i32
    %swap3A_474 = arith.index_cast %swap3A_473 : i32 to index
    %swap3A_475 = arith.constant 96 : index
    %swap3A_476 = tpu.vector_load %arg17[%swap3A_474, %swap3A_475] {strides = array<i32>} : memref<40x128xf32, #tpu.memory_space<vmem>>, vector<16xf32>,
    tpu.vector_store %arg17[%swap3A_474, %swap3A_475], %broadcast_in_dim3A_1 {strides = array<i32>} : memref<40x128xf32, #tpu.memory_space<vmem>>, vector<16xf32>,
    %swap3A_477 = arith.constant 14 : i32
    %swap3A_478 = arith.index_cast %swap3A_477 : i32 to index
    %swap3A_479 = arith.constant 112 : index
    %swap3A_480 = tpu.vector_load %arg17[%swap3A_478, %swap3A_479] {strides = array<i32>} : memref<40x128xf32, #tpu.memory_space<vmem>>, vector<16xf32>,
    tpu.vector_store %arg17[%swap3A_478, %swap3A_479], %broadcast_in_dim3A_1 {strides = array<i32>} : memref<40x128xf32, #tpu.memory_space<vmem>>, vector<16xf32>,
    %swap3A_481 = arith.constant 15 : i32
    %swap3A_482 = arith.index_cast %swap3A_481 : i32 to index
    %swap3A_483 = arith.constant 0 : index
    %swap3A_484 = tpu.vector_load %arg17[%swap3A_482, %swap3A_483] {strides = array<i32>} : memref<40x128xf32, #tpu.memory_space<vmem>>, vector<16xf32>,
    tpu.vector_store %arg17[%swap3A_482, %swap3A_483], %broadcast_in_dim3A_1 {strides = array<i32>} : memref<40x128xf32, #tpu.memory_space<vmem>>, vector<16xf32>,
    %swap3A_485 = arith.constant 15 : i32
    %swap3A_486 = arith.index_cast %swap3A_485 : i32 to index
    %swap3A_487 = arith.constant 16 : index
    %swap3A_488 = tpu.vector_load %arg17[%swap3A_486, %swap3A_487] {strides = array<i32>} : memref<40x128xf32, #tpu.memory_space<vmem>>, vector<16xf32>,
    tpu.vector_store %arg17[%swap3A_486, %swap3A_487], %broadcast_in_dim3A_1 {strides = array<i32>} : memref<40x128xf32, #tpu.memory_space<vmem>>, vector<16xf32>,
    %swap3A_489 = arith.constant 15 : i32
    %swap3A_490 = arith.index_cast %swap3A_489 : i32 to index
    %swap3A_491 = arith.constant 32 : index
    %swap3A_492 = tpu.vector_load %arg17[%swap3A_490, %swap3A_491] {strides = array<i32>} : memref<40x128xf32, #tpu.memory_space<vmem>>, vector<16xf32>,
    tpu.vector_store %arg17[%swap3A_490, %swap3A_491], %broadcast_in_dim3A_1 {strides = array<i32>} : memref<40x128xf32, #tpu.memory_space<vmem>>, vector<16xf32>,
    %swap3A_493 = arith.constant 15 : i32
    %swap3A_494 = arith.index_cast %swap3A_493 : i32 to index
    %swap3A_495 = arith.constant 48 : index
    %swap3A_496 = tpu.vector_load %arg17[%swap3A_494, %swap3A_495] {strides = array<i32>} : memref<40x128xf32, #tpu.memory_space<vmem>>, vector<16xf32>,
    tpu.vector_store %arg17[%swap3A_494, %swap3A_495], %broadcast_in_dim3A_1 {strides = array<i32>} : memref<40x128xf32, #tpu.memory_space<vmem>>, vector<16xf32>,
    %swap3A_497 = arith.constant 15 : i32
    %swap3A_498 = arith.index_cast %swap3A_497 : i32 to index
    %swap3A_499 = arith.constant 64 : index
    %swap3A_500 = tpu.vector_load %arg17[%swap3A_498, %swap3A_499] {strides = array<i32>} : memref<40x128xf32, #tpu.memory_space<vmem>>, vector<16xf32>,
    tpu.vector_store %arg17[%swap3A_498, %swap3A_499], %broadcast_in_dim3A_1 {strides = array<i32>} : memref<40x128xf32, #tpu.memory_space<vmem>>, vector<16xf32>,
    %swap3A_501 = arith.constant 15 : i32
    %swap3A_502 = arith.index_cast %swap3A_501 : i32 to index
    %swap3A_503 = arith.constant 80 : index
    %swap3A_504 = tpu.vector_load %arg17[%swap3A_502, %swap3A_503] {strides = array<i32>} : memref<40x128xf32, #tpu.memory_space<vmem>>, vector<16xf32>,
    tpu.vector_store %arg17[%swap3A_502, %swap3A_503], %broadcast_in_dim3A_1 {strides = array<i32>} : memref<40x128xf32, #tpu.memory_space<vmem>>, vector<16xf32>,
    %swap3A_505 = arith.constant 15 : i32
    %swap3A_506 = arith.index_cast %swap3A_505 : i32 to index
    %swap3A_507 = arith.constant 96 : index
    %swap3A_508 = tpu.vector_load %arg17[%swap3A_506, %swap3A_507] {strides = array<i32>} : memref<40x128xf32, #tpu.memory_space<vmem>>, vector<16xf32>,
    tpu.vector_store %arg17[%swap3A_506, %swap3A_507], %broadcast_in_dim3A_1 {strides = array<i32>} : memref<40x128xf32, #tpu.memory_space<vmem>>, vector<16xf32>,
    %swap3A_509 = arith.constant 15 : i32
    %swap3A_510 = arith.index_cast %swap3A_509 : i32 to index
    %swap3A_511 = arith.constant 112 : index
    %swap3A_512 = tpu.vector_load %arg17[%swap3A_510, %swap3A_511] {strides = array<i32>} : memref<40x128xf32, #tpu.memory_space<vmem>>, vector<16xf32>,
    tpu.vector_store %arg17[%swap3A_510, %swap3A_511], %broadcast_in_dim3A_1 {strides = array<i32>} : memref<40x128xf32, #tpu.memory_space<vmem>>, vector<16xf32>,
    %swap3A_513 = arith.constant 16 : i32
    %swap3A_514 = arith.index_cast %swap3A_513 : i32 to index
    %swap3A_515 = arith.constant 0 : index
    %swap3A_516 = tpu.vector_load %arg17[%swap3A_514, %swap3A_515] {strides = array<i32>} : memref<40x128xf32, #tpu.memory_space<vmem>>, vector<16xf32>,
    tpu.vector_store %arg17[%swap3A_514, %swap3A_515], %broadcast_in_dim3A_1 {strides = array<i32>} : memref<40x128xf32, #tpu.memory_space<vmem>>, vector<16xf32>,
    %swap3A_517 = arith.constant 16 : i32
    %swap3A_518 = arith.index_cast %swap3A_517 : i32 to index
    %swap3A_519 = arith.constant 16 : index
    %swap3A_520 = tpu.vector_load %arg17[%swap3A_518, %swap3A_519] {strides = array<i32>} : memref<40x128xf32, #tpu.memory_space<vmem>>, vector<16xf32>,
    tpu.vector_store %arg17[%swap3A_518, %swap3A_519], %broadcast_in_dim3A_1 {strides = array<i32>} : memref<40x128xf32, #tpu.memory_space<vmem>>, vector<16xf32>,
    %swap3A_521 = arith.constant 16 : i32
    %swap3A_522 = arith.index_cast %swap3A_521 : i32 to index
    %swap3A_523 = arith.constant 32 : index
    %swap3A_524 = tpu.vector_load %arg17[%swap3A_522, %swap3A_523] {strides = array<i32>} : memref<40x128xf32, #tpu.memory_space<vmem>>, vector<16xf32>,
    tpu.vector_store %arg17[%swap3A_522, %swap3A_523], %broadcast_in_dim3A_1 {strides = array<i32>} : memref<40x128xf32, #tpu.memory_space<vmem>>, vector<16xf32>,
    %swap3A_525 = arith.constant 16 : i32
    %swap3A_526 = arith.index_cast %swap3A_525 : i32 to index
    %swap3A_527 = arith.constant 48 : index
    %swap3A_528 = tpu.vector_load %arg17[%swap3A_526, %swap3A_527] {strides = array<i32>} : memref<40x128xf32, #tpu.memory_space<vmem>>, vector<16xf32>,
    tpu.vector_store %arg17[%swap3A_526, %swap3A_527], %broadcast_in_dim3A_1 {strides = array<i32>} : memref<40x128xf32, #tpu.memory_space<vmem>>, vector<16xf32>,
    %swap3A_529 = arith.constant 16 : i32
    %swap3A_530 = arith.index_cast %swap3A_529 : i32 to index
    %swap3A_531 = arith.constant 64 : index
    %swap3A_532 = tpu.vector_load %arg17[%swap3A_530, %swap3A_531] {strides = array<i32>} : memref<40x128xf32, #tpu.memory_space<vmem>>, vector<16xf32>,
    tpu.vector_store %arg17[%swap3A_530, %swap3A_531], %broadcast_in_dim3A_1 {strides = array<i32>} : memref<40x128xf32, #tpu.memory_space<vmem>>, vector<16xf32>,
    %swap3A_533 = arith.constant 16 : i32
    %swap3A_534 = arith.index_cast %swap3A_533 : i32 to index
    %swap3A_535 = arith.constant 80 : index
    %swap3A_536 = tpu.vector_load %arg17[%swap3A_534, %swap3A_535] {strides = array<i32>} : memref<40x128xf32, #tpu.memory_space<vmem>>, vector<16xf32>,
    tpu.vector_store %arg17[%swap3A_534, %swap3A_535], %broadcast_in_dim3A_1 {strides = array<i32>} : memref<40x128xf32, #tpu.memory_space<vmem>>, vector<16xf32>,
    %swap3A_537 = arith.constant 16 : i32
    %swap3A_538 = arith.index_cast %swap3A_537 : i32 to index
    %swap3A_539 = arith.constant 96 : index
    %swap3A_540 = tpu.vector_load %arg17[%swap3A_538, %swap3A_539] {strides = array<i32>} : memref<40x128xf32, #tpu.memory_space<vmem>>, vector<16xf32>,
    tpu.vector_store %arg17[%swap3A_538, %swap3A_539], %broadcast_in_dim3A_1 {strides = array<i32>} : memref<40x128xf32, #tpu.memory_space<vmem>>, vector<16xf32>,
    %swap3A_541 = arith.constant 16 : i32
    %swap3A_542 = arith.index_cast %swap3A_541 : i32 to index
    %swap3A_543 = arith.constant 112 : index
    %swap3A_544 = tpu.vector_load %arg17[%swap3A_542, %swap3A_543] {strides = array<i32>} : memref<40x128xf32, #tpu.memory_space<vmem>>, vector<16xf32>,
    tpu.vector_store %arg17[%swap3A_542, %swap3A_543], %broadcast_in_dim3A_1 {strides = array<i32>} : memref<40x128xf32, #tpu.memory_space<vmem>>, vector<16xf32>,
    %swap3A_545 = arith.constant 17 : i32
    %swap3A_546 = arith.index_cast %swap3A_545 : i32 to index
    %swap3A_547 = arith.constant 0 : index
    %swap3A_548 = tpu.vector_load %arg17[%swap3A_546, %swap3A_547] {strides = array<i32>} : memref<40x128xf32, #tpu.memory_space<vmem>>, vector<16xf32>,
    tpu.vector_store %arg17[%swap3A_546, %swap3A_547], %broadcast_in_dim3A_1 {strides = array<i32>} : memref<40x128xf32, #tpu.memory_space<vmem>>, vector<16xf32>,
    %swap3A_549 = arith.constant 17 : i32
    %swap3A_550 = arith.index_cast %swap3A_549 : i32 to index
    %swap3A_551 = arith.constant 16 : index
    %swap3A_552 = tpu.vector_load %arg17[%swap3A_550, %swap3A_551] {strides = array<i32>} : memref<40x128xf32, #tpu.memory_space<vmem>>, vector<16xf32>,
    tpu.vector_store %arg17[%swap3A_550, %swap3A_551], %broadcast_in_dim3A_1 {strides = array<i32>} : memref<40x128xf32, #tpu.memory_space<vmem>>, vector<16xf32>,
    %swap3A_553 = arith.constant 17 : i32
    %swap3A_554 = arith.index_cast %swap3A_553 : i32 to index
    %swap3A_555 = arith.constant 32 : index
    %swap3A_556 = tpu.vector_load %arg17[%swap3A_554, %swap3A_555] {strides = array<i32>} : memref<40x128xf32, #tpu.memory_space<vmem>>, vector<16xf32>,
    tpu.vector_store %arg17[%swap3A_554, %swap3A_555], %broadcast_in_dim3A_1 {strides = array<i32>} : memref<40x128xf32, #tpu.memory_space<vmem>>, vector<16xf32>,
    %swap3A_557 = arith.constant 17 : i32
    %swap3A_558 = arith.index_cast %swap3A_557 : i32 to index
    %swap3A_559 = arith.constant 48 : index
    %swap3A_560 = tpu.vector_load %arg17[%swap3A_558, %swap3A_559] {strides = array<i32>} : memref<40x128xf32, #tpu.memory_space<vmem>>, vector<16xf32>,
    tpu.vector_store %arg17[%swap3A_558, %swap3A_559], %broadcast_in_dim3A_1 {strides = array<i32>} : memref<40x128xf32, #tpu.memory_space<vmem>>, vector<16xf32>,
    %swap3A_561 = arith.constant 17 : i32
    %swap3A_562 = arith.index_cast %swap3A_561 : i32 to index
    %swap3A_563 = arith.constant 64 : index
    %swap3A_564 = tpu.vector_load %arg17[%swap3A_562, %swap3A_563] {strides = array<i32>} : memref<40x128xf32, #tpu.memory_space<vmem>>, vector<16xf32>,
    tpu.vector_store %arg17[%swap3A_562, %swap3A_563], %broadcast_in_dim3A_1 {strides = array<i32>} : memref<40x128xf32, #tpu.memory_space<vmem>>, vector<16xf32>,
    %swap3A_565 = arith.constant 17 : i32
    %swap3A_566 = arith.index_cast %swap3A_565 : i32 to index
    %swap3A_567 = arith.constant 80 : index
    %swap3A_568 = tpu.vector_load %arg17[%swap3A_566, %swap3A_567] {strides = array<i32>} : memref<40x128xf32, #tpu.memory_space<vmem>>, vector<16xf32>,
    tpu.vector_store %arg17[%swap3A_566, %swap3A_567], %broadcast_in_dim3A_1 {strides = array<i32>} : memref<40x128xf32, #tpu.memory_space<vmem>>, vector<16xf32>,
    %swap3A_569 = arith.constant 17 : i32
    %swap3A_570 = arith.index_cast %swap3A_569 : i32 to index
    %swap3A_571 = arith.constant 96 : index
    %swap3A_572 = tpu.vector_load %arg17[%swap3A_570, %swap3A_571] {strides = array<i32>} : memref<40x128xf32, #tpu.memory_space<vmem>>, vector<16xf32>,
    tpu.vector_store %arg17[%swap3A_570, %swap3A_571], %broadcast_in_dim3A_1 {strides = array<i32>} : memref<40x128xf32, #tpu.memory_space<vmem>>, vector<16xf32>,
    %swap3A_573 = arith.constant 17 : i32
    %swap3A_574 = arith.index_cast %swap3A_573 : i32 to index
    %swap3A_575 = arith.constant 112 : index
    %swap3A_576 = tpu.vector_load %arg17[%swap3A_574, %swap3A_575] {strides = array<i32>} : memref<40x128xf32, #tpu.memory_space<vmem>>, vector<16xf32>,
    tpu.vector_store %arg17[%swap3A_574, %swap3A_575], %broadcast_in_dim3A_1 {strides = array<i32>} : memref<40x128xf32, #tpu.memory_space<vmem>>, vector<16xf32>,
    %swap3A_577 = arith.constant 18 : i32
    %swap3A_578 = arith.index_cast %swap3A_577 : i32 to index
    %swap3A_579 = arith.constant 0 : index
    %swap3A_580 = tpu.vector_load %arg17[%swap3A_578, %swap3A_579] {strides = array<i32>} : memref<40x128xf32, #tpu.memory_space<vmem>>, vector<16xf32>,
    tpu.vector_store %arg17[%swap3A_578, %swap3A_579], %broadcast_in_dim3A_1 {strides = array<i32>} : memref<40x128xf32, #tpu.memory_space<vmem>>, vector<16xf32>,
    %swap3A_581 = arith.constant 18 : i32
    %swap3A_582 = arith.index_cast %swap3A_581 : i32 to index
    %swap3A_583 = arith.constant 16 : index
    %swap3A_584 = tpu.vector_load %arg17[%swap3A_582, %swap3A_583] {strides = array<i32>} : memref<40x128xf32, #tpu.memory_space<vmem>>, vector<16xf32>,
    tpu.vector_store %arg17[%swap3A_582, %swap3A_583], %broadcast_in_dim3A_1 {strides = array<i32>} : memref<40x128xf32, #tpu.memory_space<vmem>>, vector<16xf32>,
    %swap3A_585 = arith.constant 18 : i32
    %swap3A_586 = arith.index_cast %swap3A_585 : i32 to index
    %swap3A_587 = arith.constant 32 : index
    %swap3A_588 = tpu.vector_load %arg17[%swap3A_586, %swap3A_587] {strides = array<i32>} : memref<40x128xf32, #tpu.memory_space<vmem>>, vector<16xf32>,
    tpu.vector_store %arg17[%swap3A_586, %swap3A_587], %broadcast_in_dim3A_1 {strides = array<i32>} : memref<40x128xf32, #tpu.memory_space<vmem>>, vector<16xf32>,
    %swap3A_589 = arith.constant 18 : i32
    %swap3A_590 = arith.index_cast %swap3A_589 : i32 to index
    %swap3A_591 = arith.constant 48 : index
    %swap3A_592 = tpu.vector_load %arg17[%swap3A_590, %swap3A_591] {strides = array<i32>} : memref<40x128xf32, #tpu.memory_space<vmem>>, vector<16xf32>,
    tpu.vector_store %arg17[%swap3A_590, %swap3A_591], %broadcast_in_dim3A_1 {strides = array<i32>} : memref<40x128xf32, #tpu.memory_space<vmem>>, vector<16xf32>,
    %swap3A_593 = arith.constant 18 : i32
    %swap3A_594 = arith.index_cast %swap3A_593 : i32 to index
    %swap3A_595 = arith.constant 64 : index
    %swap3A_596 = tpu.vector_load %arg17[%swap3A_594, %swap3A_595] {strides = array<i32>} : memref<40x128xf32, #tpu.memory_space<vmem>>, vector<16xf32>,
    tpu.vector_store %arg17[%swap3A_594, %swap3A_595], %broadcast_in_dim3A_1 {strides = array<i32>} : memref<40x128xf32, #tpu.memory_space<vmem>>, vector<16xf32>,
    %swap3A_597 = arith.constant 18 : i32
    %swap3A_598 = arith.index_cast %swap3A_597 : i32 to index
    %swap3A_599 = arith.constant 80 : index
    %swap3A_600 = tpu.vector_load %arg17[%swap3A_598, %swap3A_599] {strides = array<i32>} : memref<40x128xf32, #tpu.memory_space<vmem>>, vector<16xf32>,
    tpu.vector_store %arg17[%swap3A_598, %swap3A_599], %broadcast_in_dim3A_1 {strides = array<i32>} : memref<40x128xf32, #tpu.memory_space<vmem>>, vector<16xf32>,
    %swap3A_601 = arith.constant 18 : i32
    %swap3A_602 = arith.index_cast %swap3A_601 : i32 to index
    %swap3A_603 = arith.constant 96 : index
    %swap3A_604 = tpu.vector_load %arg17[%swap3A_602, %swap3A_603] {strides = array<i32>} : memref<40x128xf32, #tpu.memory_space<vmem>>, vector<16xf32>,
    tpu.vector_store %arg17[%swap3A_602, %swap3A_603], %broadcast_in_dim3A_1 {strides = array<i32>} : memref<40x128xf32, #tpu.memory_space<vmem>>, vector<16xf32>,
    %swap3A_605 = arith.constant 18 : i32
    %swap3A_606 = arith.index_cast %swap3A_605 : i32 to index
    %swap3A_607 = arith.constant 112 : index
    %swap3A_608 = tpu.vector_load %arg17[%swap3A_606, %swap3A_607] {strides = array<i32>} : memref<40x128xf32, #tpu.memory_space<vmem>>, vector<16xf32>,
    tpu.vector_store %arg17[%swap3A_606, %swap3A_607], %broadcast_in_dim3A_1 {strides = array<i32>} : memref<40x128xf32, #tpu.memory_space<vmem>>, vector<16xf32>,
    %swap3A_609 = arith.constant 19 : i32
    %swap3A_610 = arith.index_cast %swap3A_609 : i32 to index
    %swap3A_611 = arith.constant 0 : index
    %swap3A_612 = tpu.vector_load %arg17[%swap3A_610, %swap3A_611] {strides = array<i32>} : memref<40x128xf32, #tpu.memory_space<vmem>>, vector<16xf32>,
    tpu.vector_store %arg17[%swap3A_610, %swap3A_611], %broadcast_in_dim3A_1 {strides = array<i32>} : memref<40x128xf32, #tpu.memory_space<vmem>>, vector<16xf32>,
    %swap3A_613 = arith.constant 19 : i32
    %swap3A_614 = arith.index_cast %swap3A_613 : i32 to index
    %swap3A_615 = arith.constant 16 : index
    %swap3A_616 = tpu.vector_load %arg17[%swap3A_614, %swap3A_615] {strides = array<i32>} : memref<40x128xf32, #tpu.memory_space<vmem>>, vector<16xf32>,
    tpu.vector_store %arg17[%swap3A_614, %swap3A_615], %broadcast_in_dim3A_1 {strides = array<i32>} : memref<40x128xf32, #tpu.memory_space<vmem>>, vector<16xf32>,
    %swap3A_617 = arith.constant 19 : i32
    %swap3A_618 = arith.index_cast %swap3A_617 : i32 to index
    %swap3A_619 = arith.constant 32 : index
    %swap3A_620 = tpu.vector_load %arg17[%swap3A_618, %swap3A_619] {strides = array<i32>} : memref<40x128xf32, #tpu.memory_space<vmem>>, vector<16xf32>,
    tpu.vector_store %arg17[%swap3A_618, %swap3A_619], %broadcast_in_dim3A_1 {strides = array<i32>} : memref<40x128xf32, #tpu.memory_space<vmem>>, vector<16xf32>,
    %swap3A_621 = arith.constant 19 : i32
    %swap3A_622 = arith.index_cast %swap3A_621 : i32 to index
    %swap3A_623 = arith.constant 48 : index
    %swap3A_624 = tpu.vector_load %arg17[%swap3A_622, %swap3A_623] {strides = array<i32>} : memref<40x128xf32, #tpu.memory_space<vmem>>, vector<16xf32>,
    tpu.vector_store %arg17[%swap3A_622, %swap3A_623], %broadcast_in_dim3A_1 {strides = array<i32>} : memref<40x128xf32, #tpu.memory_space<vmem>>, vector<16xf32>,
    %swap3A_625 = arith.constant 19 : i32
    %swap3A_626 = arith.index_cast %swap3A_625 : i32 to index
    %swap3A_627 = arith.constant 64 : index
    %swap3A_628 = tpu.vector_load %arg17[%swap3A_626, %swap3A_627] {strides = array<i32>} : memref<40x128xf32, #tpu.memory_space<vmem>>, vector<16xf32>,
    tpu.vector_store %arg17[%swap3A_626, %swap3A_627], %broadcast_in_dim3A_1 {strides = array<i32>} : memref<40x128xf32, #tpu.memory_space<vmem>>, vector<16xf32>,
    %swap3A_629 = arith.constant 19 : i32
    %swap3A_630 = arith.index_cast %swap3A_629 : i32 to index
    %swap3A_631 = arith.constant 80 : index
    %swap3A_632 = tpu.vector_load %arg17[%swap3A_630, %swap3A_631] {strides = array<i32>} : memref<40x128xf32, #tpu.memory_space<vmem>>, vector<16xf32>,
    tpu.vector_store %arg17[%swap3A_630, %swap3A_631], %broadcast_in_dim3A_1 {strides = array<i32>} : memref<40x128xf32, #tpu.memory_space<vmem>>, vector<16xf32>,
    %swap3A_633 = arith.constant 19 : i32
    %swap3A_634 = arith.index_cast %swap3A_633 : i32 to index
    %swap3A_635 = arith.constant 96 : index
    %swap3A_636 = tpu.vector_load %arg17[%swap3A_634, %swap3A_635] {strides = array<i32>} : memref<40x128xf32, #tpu.memory_space<vmem>>, vector<16xf32>,
    tpu.vector_store %arg17[%swap3A_634, %swap3A_635], %broadcast_in_dim3A_1 {strides = array<i32>} : memref<40x128xf32, #tpu.memory_space<vmem>>, vector<16xf32>,
    %swap3A_637 = arith.constant 19 : i32
    %swap3A_638 = arith.index_cast %swap3A_637 : i32 to index
    %swap3A_639 = arith.constant 112 : index
    %swap3A_640 = tpu.vector_load %arg17[%swap3A_638, %swap3A_639] {strides = array<i32>} : memref<40x128xf32, #tpu.memory_space<vmem>>, vector<16xf32>,
    tpu.vector_store %arg17[%swap3A_638, %swap3A_639], %broadcast_in_dim3A_1 {strides = array<i32>} : memref<40x128xf32, #tpu.memory_space<vmem>>, vector<16xf32>,
    %swap3A_641 = arith.constant 20 : i32
    %swap3A_642 = arith.index_cast %swap3A_641 : i32 to index
    %swap3A_643 = arith.constant 0 : index
    %swap3A_644 = tpu.vector_load %arg17[%swap3A_642, %swap3A_643] {strides = array<i32>} : memref<40x128xf32, #tpu.memory_space<vmem>>, vector<16xf32>,
    tpu.vector_store %arg17[%swap3A_642, %swap3A_643], %broadcast_in_dim3A_1 {strides = array<i32>} : memref<40x128xf32, #tpu.memory_space<vmem>>, vector<16xf32>,
    %swap3A_645 = arith.constant 20 : i32
    %swap3A_646 = arith.index_cast %swap3A_645 : i32 to index
    %swap3A_647 = arith.constant 16 : index
    %swap3A_648 = tpu.vector_load %arg17[%swap3A_646, %swap3A_647] {strides = array<i32>} : memref<40x128xf32, #tpu.memory_space<vmem>>, vector<16xf32>,
    tpu.vector_store %arg17[%swap3A_646, %swap3A_647], %broadcast_in_dim3A_1 {strides = array<i32>} : memref<40x128xf32, #tpu.memory_space<vmem>>, vector<16xf32>,
    %swap3A_649 = arith.constant 20 : i32
    %swap3A_650 = arith.index_cast %swap3A_649 : i32 to index
    %swap3A_651 = arith.constant 32 : index
    %swap3A_652 = tpu.vector_load %arg17[%swap3A_650, %swap3A_651] {strides = array<i32>} : memref<40x128xf32, #tpu.memory_space<vmem>>, vector<16xf32>,
    tpu.vector_store %arg17[%swap3A_650, %swap3A_651], %broadcast_in_dim3A_1 {strides = array<i32>} : memref<40x128xf32, #tpu.memory_space<vmem>>, vector<16xf32>,
    %swap3A_653 = arith.constant 20 : i32
    %swap3A_654 = arith.index_cast %swap3A_653 : i32 to index
    %swap3A_655 = arith.constant 48 : index
    %swap3A_656 = tpu.vector_load %arg17[%swap3A_654, %swap3A_655] {strides = array<i32>} : memref<40x128xf32, #tpu.memory_space<vmem>>, vector<16xf32>,
    tpu.vector_store %arg17[%swap3A_654, %swap3A_655], %broadcast_in_dim3A_1 {strides = array<i32>} : memref<40x128xf32, #tpu.memory_space<vmem>>, vector<16xf32>,
    %swap3A_657 = arith.constant 20 : i32
    %swap3A_658 = arith.index_cast %swap3A_657 : i32 to index
    %swap3A_659 = arith.constant 64 : index
    %swap3A_660 = tpu.vector_load %arg17[%swap3A_658, %swap3A_659] {strides = array<i32>} : memref<40x128xf32, #tpu.memory_space<vmem>>, vector<16xf32>,
    tpu.vector_store %arg17[%swap3A_658, %swap3A_659], %broadcast_in_dim3A_1 {strides = array<i32>} : memref<40x128xf32, #tpu.memory_space<vmem>>, vector<16xf32>,
    %swap3A_661 = arith.constant 20 : i32
    %swap3A_662 = arith.index_cast %swap3A_661 : i32 to index
    %swap3A_663 = arith.constant 80 : index
    %swap3A_664 = tpu.vector_load %arg17[%swap3A_662, %swap3A_663] {strides = array<i32>} : memref<40x128xf32, #tpu.memory_space<vmem>>, vector<16xf32>,
    tpu.vector_store %arg17[%swap3A_662, %swap3A_663], %broadcast_in_dim3A_1 {strides = array<i32>} : memref<40x128xf32, #tpu.memory_space<vmem>>, vector<16xf32>,
    %swap3A_665 = arith.constant 20 : i32
    %swap3A_666 = arith.index_cast %swap3A_665 : i32 to index
    %swap3A_667 = arith.constant 96 : index
    %swap3A_668 = tpu.vector_load %arg17[%swap3A_666, %swap3A_667] {strides = array<i32>} : memref<40x128xf32, #tpu.memory_space<vmem>>, vector<16xf32>,
    tpu.vector_store %arg17[%swap3A_666, %swap3A_667], %broadcast_in_dim3A_1 {strides = array<i32>} : memref<40x128xf32, #tpu.memory_space<vmem>>, vector<16xf32>,
    %swap3A_669 = arith.constant 20 : i32
    %swap3A_670 = arith.index_cast %swap3A_669 : i32 to index
    %swap3A_671 = arith.constant 112 : index
    %swap3A_672 = tpu.vector_load %arg17[%swap3A_670, %swap3A_671] {strides = array<i32>} : memref<40x128xf32, #tpu.memory_space<vmem>>, vector<16xf32>,
    tpu.vector_store %arg17[%swap3A_670, %swap3A_671], %broadcast_in_dim3A_1 {strides = array<i32>} : memref<40x128xf32, #tpu.memory_space<vmem>>, vector<16xf32>,
    %swap3A_673 = arith.constant 21 : i32
    %swap3A_674 = arith.index_cast %swap3A_673 : i32 to index
    %swap3A_675 = arith.constant 0 : index
    %swap3A_676 = tpu.vector_load %arg17[%swap3A_674, %swap3A_675] {strides = array<i32>} : memref<40x128xf32, #tpu.memory_space<vmem>>, vector<16xf32>,
    tpu.vector_store %arg17[%swap3A_674, %swap3A_675], %broadcast_in_dim3A_1 {strides = array<i32>} : memref<40x128xf32, #tpu.memory_space<vmem>>, vector<16xf32>,
    %swap3A_677 = arith.constant 21 : i32
    %swap3A_678 = arith.index_cast %swap3A_677 : i32 to index
    %swap3A_679 = arith.constant 16 : index
    %swap3A_680 = tpu.vector_load %arg17[%swap3A_678, %swap3A_679] {strides = array<i32>} : memref<40x128xf32, #tpu.memory_space<vmem>>, vector<16xf32>,
    tpu.vector_store %arg17[%swap3A_678, %swap3A_679], %broadcast_in_dim3A_1 {strides = array<i32>} : memref<40x128xf32, #tpu.memory_space<vmem>>, vector<16xf32>,
    %swap3A_681 = arith.constant 21 : i32
    %swap3A_682 = arith.index_cast %swap3A_681 : i32 to index
    %swap3A_683 = arith.constant 32 : index
    %swap3A_684 = tpu.vector_load %arg17[%swap3A_682, %swap3A_683] {strides = array<i32>} : memref<40x128xf32, #tpu.memory_space<vmem>>, vector<16xf32>,
    tpu.vector_store %arg17[%swap3A_682, %swap3A_683], %broadcast_in_dim3A_1 {strides = array<i32>} : memref<40x128xf32, #tpu.memory_space<vmem>>, vector<16xf32>,
    %swap3A_685 = arith.constant 21 : i32
    %swap3A_686 = arith.index_cast %swap3A_685 : i32 to index
    %swap3A_687 = arith.constant 48 : index
    %swap3A_688 = tpu.vector_load %arg17[%swap3A_686, %swap3A_687] {strides = array<i32>} : memref<40x128xf32, #tpu.memory_space<vmem>>, vector<16xf32>,
    tpu.vector_store %arg17[%swap3A_686, %swap3A_687], %broadcast_in_dim3A_1 {strides = array<i32>} : memref<40x128xf32, #tpu.memory_space<vmem>>, vector<16xf32>,
    %swap3A_689 = arith.constant 21 : i32
    %swap3A_690 = arith.index_cast %swap3A_689 : i32 to index
    %swap3A_691 = arith.constant 64 : index
    %swap3A_692 = tpu.vector_load %arg17[%swap3A_690, %swap3A_691] {strides = array<i32>} : memref<40x128xf32, #tpu.memory_space<vmem>>, vector<16xf32>,
    tpu.vector_store %arg17[%swap3A_690, %swap3A_691], %broadcast_in_dim3A_1 {strides = array<i32>} : memref<40x128xf32, #tpu.memory_space<vmem>>, vector<16xf32>,
    %swap3A_693 = arith.constant 21 : i32
    %swap3A_694 = arith.index_cast %swap3A_693 : i32 to index
    %swap3A_695 = arith.constant 80 : index
    %swap3A_696 = tpu.vector_load %arg17[%swap3A_694, %swap3A_695] {strides = array<i32>} : memref<40x128xf32, #tpu.memory_space<vmem>>, vector<16xf32>,
    tpu.vector_store %arg17[%swap3A_694, %swap3A_695], %broadcast_in_dim3A_1 {strides = array<i32>} : memref<40x128xf32, #tpu.memory_space<vmem>>, vector<16xf32>,
    %swap3A_697 = arith.constant 21 : i32
    %swap3A_698 = arith.index_cast %swap3A_697 : i32 to index
    %swap3A_699 = arith.constant 96 : index
    %swap3A_700 = tpu.vector_load %arg17[%swap3A_698, %swap3A_699] {strides = array<i32>} : memref<40x128xf32, #tpu.memory_space<vmem>>, vector<16xf32>,
    tpu.vector_store %arg17[%swap3A_698, %swap3A_699], %broadcast_in_dim3A_1 {strides = array<i32>} : memref<40x128xf32, #tpu.memory_space<vmem>>, vector<16xf32>,
    %swap3A_701 = arith.constant 21 : i32
    %swap3A_702 = arith.index_cast %swap3A_701 : i32 to index
    %swap3A_703 = arith.constant 112 : index
    %swap3A_704 = tpu.vector_load %arg17[%swap3A_702, %swap3A_703] {strides = array<i32>} : memref<40x128xf32, #tpu.memory_space<vmem>>, vector<16xf32>,
    tpu.vector_store %arg17[%swap3A_702, %swap3A_703], %broadcast_in_dim3A_1 {strides = array<i32>} : memref<40x128xf32, #tpu.memory_space<vmem>>, vector<16xf32>,
    %swap3A_705 = arith.constant 22 : i32
    %swap3A_706 = arith.index_cast %swap3A_705 : i32 to index
    %swap3A_707 = arith.constant 0 : index
    %swap3A_708 = tpu.vector_load %arg17[%swap3A_706, %swap3A_707] {strides = array<i32>} : memref<40x128xf32, #tpu.memory_space<vmem>>, vector<16xf32>,
    tpu.vector_store %arg17[%swap3A_706, %swap3A_707], %broadcast_in_dim3A_1 {strides = array<i32>} : memref<40x128xf32, #tpu.memory_space<vmem>>, vector<16xf32>,
    %swap3A_709 = arith.constant 22 : i32
    %swap3A_710 = arith.index_cast %swap3A_709 : i32 to index
    %swap3A_711 = arith.constant 16 : index
    %swap3A_712 = tpu.vector_load %arg17[%swap3A_710, %swap3A_711] {strides = array<i32>} : memref<40x128xf32, #tpu.memory_space<vmem>>, vector<16xf32>,
    tpu.vector_store %arg17[%swap3A_710, %swap3A_711], %broadcast_in_dim3A_1 {strides = array<i32>} : memref<40x128xf32, #tpu.memory_space<vmem>>, vector<16xf32>,
    %swap3A_713 = arith.constant 22 : i32
    %swap3A_714 = arith.index_cast %swap3A_713 : i32 to index
    %swap3A_715 = arith.constant 32 : index
    %swap3A_716 = tpu.vector_load %arg17[%swap3A_714, %swap3A_715] {strides = array<i32>} : memref<40x128xf32, #tpu.memory_space<vmem>>, vector<16xf32>,
    tpu.vector_store %arg17[%swap3A_714, %swap3A_715], %broadcast_in_dim3A_1 {strides = array<i32>} : memref<40x128xf32, #tpu.memory_space<vmem>>, vector<16xf32>,
    %swap3A_717 = arith.constant 22 : i32
    %swap3A_718 = arith.index_cast %swap3A_717 : i32 to index
    %swap3A_719 = arith.constant 48 : index
    %swap3A_720 = tpu.vector_load %arg17[%swap3A_718, %swap3A_719] {strides = array<i32>} : memref<40x128xf32, #tpu.memory_space<vmem>>, vector<16xf32>,
    tpu.vector_store %arg17[%swap3A_718, %swap3A_719], %broadcast_in_dim3A_1 {strides = array<i32>} : memref<40x128xf32, #tpu.memory_space<vmem>>, vector<16xf32>,
    %swap3A_721 = arith.constant 22 : i32
    %swap3A_722 = arith.index_cast %swap3A_721 : i32 to index
    %swap3A_723 = arith.constant 64 : index
    %swap3A_724 = tpu.vector_load %arg17[%swap3A_722, %swap3A_723] {strides = array<i32>} : memref<40x128xf32, #tpu.memory_space<vmem>>, vector<16xf32>,
    tpu.vector_store %arg17[%swap3A_722, %swap3A_723], %broadcast_in_dim3A_1 {strides = array<i32>} : memref<40x128xf32, #tpu.memory_space<vmem>>, vector<16xf32>,
    %swap3A_725 = arith.constant 22 : i32
    %swap3A_726 = arith.index_cast %swap3A_725 : i32 to index
    %swap3A_727 = arith.constant 80 : index
    %swap3A_728 = tpu.vector_load %arg17[%swap3A_726, %swap3A_727] {strides = array<i32>} : memref<40x128xf32, #tpu.memory_space<vmem>>, vector<16xf32>,
    tpu.vector_store %arg17[%swap3A_726, %swap3A_727], %broadcast_in_dim3A_1 {strides = array<i32>} : memref<40x128xf32, #tpu.memory_space<vmem>>, vector<16xf32>,
    %swap3A_729 = arith.constant 22 : i32
    %swap3A_730 = arith.index_cast %swap3A_729 : i32 to index
    %swap3A_731 = arith.constant 96 : index
    %swap3A_732 = tpu.vector_load %arg17[%swap3A_730, %swap3A_731] {strides = array<i32>} : memref<40x128xf32, #tpu.memory_space<vmem>>, vector<16xf32>,
    tpu.vector_store %arg17[%swap3A_730, %swap3A_731], %broadcast_in_dim3A_1 {strides = array<i32>} : memref<40x128xf32, #tpu.memory_space<vmem>>, vector<16xf32>,
    %swap3A_733 = arith.constant 22 : i32
    %swap3A_734 = arith.index_cast %swap3A_733 : i32 to index
    %swap3A_735 = arith.constant 112 : index
    %swap3A_736 = tpu.vector_load %arg17[%swap3A_734, %swap3A_735] {strides = array<i32>} : memref<40x128xf32, #tpu.memory_space<vmem>>, vector<16xf32>,
    tpu.vector_store %arg17[%swap3A_734, %swap3A_735], %broadcast_in_dim3A_1 {strides = array<i32>} : memref<40x128xf32, #tpu.memory_space<vmem>>, vector<16xf32>,
    %swap3A_737 = arith.constant 23 : i32
    %swap3A_738 = arith.index_cast %swap3A_737 : i32 to index
    %swap3A_739 = arith.constant 0 : index
    %swap3A_740 = tpu.vector_load %arg17[%swap3A_738, %swap3A_739] {strides = array<i32>} : memref<40x128xf32, #tpu.memory_space<vmem>>, vector<16xf32>,
    tpu.vector_store %arg17[%swap3A_738, %swap3A_739], %broadcast_in_dim3A_1 {strides = array<i32>} : memref<40x128xf32, #tpu.memory_space<vmem>>, vector<16xf32>,
    %swap3A_741 = arith.constant 23 : i32
    %swap3A_742 = arith.index_cast %swap3A_741 : i32 to index
    %swap3A_743 = arith.constant 16 : index
    %swap3A_744 = tpu.vector_load %arg17[%swap3A_742, %swap3A_743] {strides = array<i32>} : memref<40x128xf32, #tpu.memory_space<vmem>>, vector<16xf32>,
    tpu.vector_store %arg17[%swap3A_742, %swap3A_743], %broadcast_in_dim3A_1 {strides = array<i32>} : memref<40x128xf32, #tpu.memory_space<vmem>>, vector<16xf32>,
    %swap3A_745 = arith.constant 23 : i32
    %swap3A_746 = arith.index_cast %swap3A_745 : i32 to index
    %swap3A_747 = arith.constant 32 : index
    %swap3A_748 = tpu.vector_load %arg17[%swap3A_746, %swap3A_747] {strides = array<i32>} : memref<40x128xf32, #tpu.memory_space<vmem>>, vector<16xf32>,
    tpu.vector_store %arg17[%swap3A_746, %swap3A_747], %broadcast_in_dim3A_1 {strides = array<i32>} : memref<40x128xf32, #tpu.memory_space<vmem>>, vector<16xf32>,
    %swap3A_749 = arith.constant 23 : i32
    %swap3A_750 = arith.index_cast %swap3A_749 : i32 to index
    %swap3A_751 = arith.constant 48 : index
    %swap3A_752 = tpu.vector_load %arg17[%swap3A_750, %swap3A_751] {strides = array<i32>} : memref<40x128xf32, #tpu.memory_space<vmem>>, vector<16xf32>,
    tpu.vector_store %arg17[%swap3A_750, %swap3A_751], %broadcast_in_dim3A_1 {strides = array<i32>} : memref<40x128xf32, #tpu.memory_space<vmem>>, vector<16xf32>,
    %swap3A_753 = arith.constant 23 : i32
    %swap3A_754 = arith.index_cast %swap3A_753 : i32 to index
    %swap3A_755 = arith.constant 64 : index
    %swap3A_756 = tpu.vector_load %arg17[%swap3A_754, %swap3A_755] {strides = array<i32>} : memref<40x128xf32, #tpu.memory_space<vmem>>, vector<16xf32>,
    tpu.vector_store %arg17[%swap3A_754, %swap3A_755], %broadcast_in_dim3A_1 {strides = array<i32>} : memref<40x128xf32, #tpu.memory_space<vmem>>, vector<16xf32>,
    %swap3A_757 = arith.constant 23 : i32
    %swap3A_758 = arith.index_cast %swap3A_757 : i32 to index
    %swap3A_759 = arith.constant 80 : index
    %swap3A_760 = tpu.vector_load %arg17[%swap3A_758, %swap3A_759] {strides = array<i32>} : memref<40x128xf32, #tpu.memory_space<vmem>>, vector<16xf32>,
    tpu.vector_store %arg17[%swap3A_758, %swap3A_759], %broadcast_in_dim3A_1 {strides = array<i32>} : memref<40x128xf32, #tpu.memory_space<vmem>>, vector<16xf32>,
    %swap3A_761 = arith.constant 23 : i32
    %swap3A_762 = arith.index_cast %swap3A_761 : i32 to index
    %swap3A_763 = arith.constant 96 : index
    %swap3A_764 = tpu.vector_load %arg17[%swap3A_762, %swap3A_763] {strides = array<i32>} : memref<40x128xf32, #tpu.memory_space<vmem>>, vector<16xf32>,
    tpu.vector_store %arg17[%swap3A_762, %swap3A_763], %broadcast_in_dim3A_1 {strides = array<i32>} : memref<40x128xf32, #tpu.memory_space<vmem>>, vector<16xf32>,
    %swap3A_765 = arith.constant 23 : i32
    %swap3A_766 = arith.index_cast %swap3A_765 : i32 to index
    %swap3A_767 = arith.constant 112 : index
    %swap3A_768 = tpu.vector_load %arg17[%swap3A_766, %swap3A_767] {strides = array<i32>} : memref<40x128xf32, #tpu.memory_space<vmem>>, vector<16xf32>,
    tpu.vector_store %arg17[%swap3A_766, %swap3A_767], %broadcast_in_dim3A_1 {strides = array<i32>} : memref<40x128xf32, #tpu.memory_space<vmem>>, vector<16xf32>,
    %swap3A_769 = arith.constant 24 : i32
    %swap3A_770 = arith.index_cast %swap3A_769 : i32 to index
    %swap3A_771 = arith.constant 0 : index
    %swap3A_772 = tpu.vector_load %arg17[%swap3A_770, %swap3A_771] {strides = array<i32>} : memref<40x128xf32, #tpu.memory_space<vmem>>, vector<16xf32>,
    tpu.vector_store %arg17[%swap3A_770, %swap3A_771], %broadcast_in_dim3A_1 {strides = array<i32>} : memref<40x128xf32, #tpu.memory_space<vmem>>, vector<16xf32>,
    %swap3A_773 = arith.constant 24 : i32
    %swap3A_774 = arith.index_cast %swap3A_773 : i32 to index
    %swap3A_775 = arith.constant 16 : index
    %swap3A_776 = tpu.vector_load %arg17[%swap3A_774, %swap3A_775] {strides = array<i32>} : memref<40x128xf32, #tpu.memory_space<vmem>>, vector<16xf32>,
    tpu.vector_store %arg17[%swap3A_774, %swap3A_775], %broadcast_in_dim3A_1 {strides = array<i32>} : memref<40x128xf32, #tpu.memory_space<vmem>>, vector<16xf32>,
    %swap3A_777 = arith.constant 24 : i32
    %swap3A_778 = arith.index_cast %swap3A_777 : i32 to index
    %swap3A_779 = arith.constant 32 : index
    %swap3A_780 = tpu.vector_load %arg17[%swap3A_778, %swap3A_779] {strides = array<i32>} : memref<40x128xf32, #tpu.memory_space<vmem>>, vector<16xf32>,
    tpu.vector_store %arg17[%swap3A_778, %swap3A_779], %broadcast_in_dim3A_1 {strides = array<i32>} : memref<40x128xf32, #tpu.memory_space<vmem>>, vector<16xf32>,
    %swap3A_781 = arith.constant 24 : i32
    %swap3A_782 = arith.index_cast %swap3A_781 : i32 to index
    %swap3A_783 = arith.constant 48 : index
    %swap3A_784 = tpu.vector_load %arg17[%swap3A_782, %swap3A_783] {strides = array<i32>} : memref<40x128xf32, #tpu.memory_space<vmem>>, vector<16xf32>,
    tpu.vector_store %arg17[%swap3A_782, %swap3A_783], %broadcast_in_dim3A_1 {strides = array<i32>} : memref<40x128xf32, #tpu.memory_space<vmem>>, vector<16xf32>,
    %swap3A_785 = arith.constant 24 : i32
    %swap3A_786 = arith.index_cast %swap3A_785 : i32 to index
    %swap3A_787 = arith.constant 64 : index
    %swap3A_788 = tpu.vector_load %arg17[%swap3A_786, %swap3A_787] {strides = array<i32>} : memref<40x128xf32, #tpu.memory_space<vmem>>, vector<16xf32>,
    tpu.vector_store %arg17[%swap3A_786, %swap3A_787], %broadcast_in_dim3A_1 {strides = array<i32>} : memref<40x128xf32, #tpu.memory_space<vmem>>, vector<16xf32>,
    %swap3A_789 = arith.constant 24 : i32
    %swap3A_790 = arith.index_cast %swap3A_789 : i32 to index
    %swap3A_791 = arith.constant 80 : index
    %swap3A_792 = tpu.vector_load %arg17[%swap3A_790, %swap3A_791] {strides = array<i32>} : memref<40x128xf32, #tpu.memory_space<vmem>>, vector<16xf32>,
    tpu.vector_store %arg17[%swap3A_790, %swap3A_791], %broadcast_in_dim3A_1 {strides = array<i32>} : memref<40x128xf32, #tpu.memory_space<vmem>>, vector<16xf32>,
    %swap3A_793 = arith.constant 24 : i32
    %swap3A_794 = arith.index_cast %swap3A_793 : i32 to index
    %swap3A_795 = arith.constant 96 : index
    %swap3A_796 = tpu.vector_load %arg17[%swap3A_794, %swap3A_795] {strides = array<i32>} : memref<40x128xf32, #tpu.memory_space<vmem>>, vector<16xf32>,
    tpu.vector_store %arg17[%swap3A_794, %swap3A_795], %broadcast_in_dim3A_1 {strides = array<i32>} : memref<40x128xf32, #tpu.memory_space<vmem>>, vector<16xf32>,
    %swap3A_797 = arith.constant 24 : i32
    %swap3A_798 = arith.index_cast %swap3A_797 : i32 to index
    %swap3A_799 = arith.constant 112 : index
    %swap3A_800 = tpu.vector_load %arg17[%swap3A_798, %swap3A_799] {strides = array<i32>} : memref<40x128xf32, #tpu.memory_space<vmem>>, vector<16xf32>,
    tpu.vector_store %arg17[%swap3A_798, %swap3A_799], %broadcast_in_dim3A_1 {strides = array<i32>} : memref<40x128xf32, #tpu.memory_space<vmem>>, vector<16xf32>,
    %swap3A_801 = arith.constant 25 : i32
    %swap3A_802 = arith.index_cast %swap3A_801 : i32 to index
    %swap3A_803 = arith.constant 0 : index
    %swap3A_804 = tpu.vector_load %arg17[%swap3A_802, %swap3A_803] {strides = array<i32>} : memref<40x128xf32, #tpu.memory_space<vmem>>, vector<16xf32>,
    tpu.vector_store %arg17[%swap3A_802, %swap3A_803], %broadcast_in_dim3A_1 {strides = array<i32>} : memref<40x128xf32, #tpu.memory_space<vmem>>, vector<16xf32>,
    %swap3A_805 = arith.constant 25 : i32
    %swap3A_806 = arith.index_cast %swap3A_805 : i32 to index
    %swap3A_807 = arith.constant 16 : index
    %swap3A_808 = tpu.vector_load %arg17[%swap3A_806, %swap3A_807] {strides = array<i32>} : memref<40x128xf32, #tpu.memory_space<vmem>>, vector<16xf32>,
    tpu.vector_store %arg17[%swap3A_806, %swap3A_807], %broadcast_in_dim3A_1 {strides = array<i32>} : memref<40x128xf32, #tpu.memory_space<vmem>>, vector<16xf32>,
    %swap3A_809 = arith.constant 25 : i32
    %swap3A_810 = arith.index_cast %swap3A_809 : i32 to index
    %swap3A_811 = arith.constant 32 : index
    %swap3A_812 = tpu.vector_load %arg17[%swap3A_810, %swap3A_811] {strides = array<i32>} : memref<40x128xf32, #tpu.memory_space<vmem>>, vector<16xf32>,
    tpu.vector_store %arg17[%swap3A_810, %swap3A_811], %broadcast_in_dim3A_1 {strides = array<i32>} : memref<40x128xf32, #tpu.memory_space<vmem>>, vector<16xf32>,
    %swap3A_813 = arith.constant 25 : i32
    %swap3A_814 = arith.index_cast %swap3A_813 : i32 to index
    %swap3A_815 = arith.constant 48 : index
    %swap3A_816 = tpu.vector_load %arg17[%swap3A_814, %swap3A_815] {strides = array<i32>} : memref<40x128xf32, #tpu.memory_space<vmem>>, vector<16xf32>,
    tpu.vector_store %arg17[%swap3A_814, %swap3A_815], %broadcast_in_dim3A_1 {strides = array<i32>} : memref<40x128xf32, #tpu.memory_space<vmem>>, vector<16xf32>,
    %swap3A_817 = arith.constant 25 : i32
    %swap3A_818 = arith.index_cast %swap3A_817 : i32 to index
    %swap3A_819 = arith.constant 64 : index
    %swap3A_820 = tpu.vector_load %arg17[%swap3A_818, %swap3A_819] {strides = array<i32>} : memref<40x128xf32, #tpu.memory_space<vmem>>, vector<16xf32>,
    tpu.vector_store %arg17[%swap3A_818, %swap3A_819], %broadcast_in_dim3A_1 {strides = array<i32>} : memref<40x128xf32, #tpu.memory_space<vmem>>, vector<16xf32>,
    %swap3A_821 = arith.constant 25 : i32
    %swap3A_822 = arith.index_cast %swap3A_821 : i32 to index
    %swap3A_823 = arith.constant 80 : index
    %swap3A_824 = tpu.vector_load %arg17[%swap3A_822, %swap3A_823] {strides = array<i32>} : memref<40x128xf32, #tpu.memory_space<vmem>>, vector<16xf32>,
    tpu.vector_store %arg17[%swap3A_822, %swap3A_823], %broadcast_in_dim3A_1 {strides = array<i32>} : memref<40x128xf32, #tpu.memory_space<vmem>>, vector<16xf32>,
    %swap3A_825 = arith.constant 25 : i32
    %swap3A_826 = arith.index_cast %swap3A_825 : i32 to index
    %swap3A_827 = arith.constant 96 : index
    %swap3A_828 = tpu.vector_load %arg17[%swap3A_826, %swap3A_827] {strides = array<i32>} : memref<40x128xf32, #tpu.memory_space<vmem>>, vector<16xf32>,
    tpu.vector_store %arg17[%swap3A_826, %swap3A_827], %broadcast_in_dim3A_1 {strides = array<i32>} : memref<40x128xf32, #tpu.memory_space<vmem>>, vector<16xf32>,
    %swap3A_829 = arith.constant 25 : i32
    %swap3A_830 = arith.index_cast %swap3A_829 : i32 to index
    %swap3A_831 = arith.constant 112 : index
    %swap3A_832 = tpu.vector_load %arg17[%swap3A_830, %swap3A_831] {strides = array<i32>} : memref<40x128xf32, #tpu.memory_space<vmem>>, vector<16xf32>,
    tpu.vector_store %arg17[%swap3A_830, %swap3A_831], %broadcast_in_dim3A_1 {strides = array<i32>} : memref<40x128xf32, #tpu.memory_space<vmem>>, vector<16xf32>,
    %swap3A_833 = arith.constant 26 : i32
    %swap3A_834 = arith.index_cast %swap3A_833 : i32 to index
    %swap3A_835 = arith.constant 0 : index
    %swap3A_836 = tpu.vector_load %arg17[%swap3A_834, %swap3A_835] {strides = array<i32>} : memref<40x128xf32, #tpu.memory_space<vmem>>, vector<16xf32>,
    tpu.vector_store %arg17[%swap3A_834, %swap3A_835], %broadcast_in_dim3A_1 {strides = array<i32>} : memref<40x128xf32, #tpu.memory_space<vmem>>, vector<16xf32>,
    %swap3A_837 = arith.constant 26 : i32
    %swap3A_838 = arith.index_cast %swap3A_837 : i32 to index
    %swap3A_839 = arith.constant 16 : index
    %swap3A_840 = tpu.vector_load %arg17[%swap3A_838, %swap3A_839] {strides = array<i32>} : memref<40x128xf32, #tpu.memory_space<vmem>>, vector<16xf32>,
    tpu.vector_store %arg17[%swap3A_838, %swap3A_839], %broadcast_in_dim3A_1 {strides = array<i32>} : memref<40x128xf32, #tpu.memory_space<vmem>>, vector<16xf32>,
    %swap3A_841 = arith.constant 26 : i32
    %swap3A_842 = arith.index_cast %swap3A_841 : i32 to index
    %swap3A_843 = arith.constant 32 : index
    %swap3A_844 = tpu.vector_load %arg17[%swap3A_842, %swap3A_843] {strides = array<i32>} : memref<40x128xf32, #tpu.memory_space<vmem>>, vector<16xf32>,
    tpu.vector_store %arg17[%swap3A_842, %swap3A_843], %broadcast_in_dim3A_1 {strides = array<i32>} : memref<40x128xf32, #tpu.memory_space<vmem>>, vector<16xf32>,
    %swap3A_845 = arith.constant 26 : i32
    %swap3A_846 = arith.index_cast %swap3A_845 : i32 to index
    %swap3A_847 = arith.constant 48 : index
    %swap3A_848 = tpu.vector_load %arg17[%swap3A_846, %swap3A_847] {strides = array<i32>} : memref<40x128xf32, #tpu.memory_space<vmem>>, vector<16xf32>,
    tpu.vector_store %arg17[%swap3A_846, %swap3A_847], %broadcast_in_dim3A_1 {strides = array<i32>} : memref<40x128xf32, #tpu.memory_space<vmem>>, vector<16xf32>,
    %swap3A_849 = arith.constant 26 : i32
    %swap3A_850 = arith.index_cast %swap3A_849 : i32 to index
    %swap3A_851 = arith.constant 64 : index
    %swap3A_852 = tpu.vector_load %arg17[%swap3A_850, %swap3A_851] {strides = array<i32>} : memref<40x128xf32, #tpu.memory_space<vmem>>, vector<16xf32>,
    tpu.vector_store %arg17[%swap3A_850, %swap3A_851], %broadcast_in_dim3A_1 {strides = array<i32>} : memref<40x128xf32, #tpu.memory_space<vmem>>, vector<16xf32>,
    %swap3A_853 = arith.constant 26 : i32
    %swap3A_854 = arith.index_cast %swap3A_853 : i32 to index
    %swap3A_855 = arith.constant 80 : index
    %swap3A_856 = tpu.vector_load %arg17[%swap3A_854, %swap3A_855] {strides = array<i32>} : memref<40x128xf32, #tpu.memory_space<vmem>>, vector<16xf32>,
    tpu.vector_store %arg17[%swap3A_854, %swap3A_855], %broadcast_in_dim3A_1 {strides = array<i32>} : memref<40x128xf32, #tpu.memory_space<vmem>>, vector<16xf32>,
    %swap3A_857 = arith.constant 26 : i32
    %swap3A_858 = arith.index_cast %swap3A_857 : i32 to index
    %swap3A_859 = arith.constant 96 : index
    %swap3A_860 = tpu.vector_load %arg17[%swap3A_858, %swap3A_859] {strides = array<i32>} : memref<40x128xf32, #tpu.memory_space<vmem>>, vector<16xf32>,
    tpu.vector_store %arg17[%swap3A_858, %swap3A_859], %broadcast_in_dim3A_1 {strides = array<i32>} : memref<40x128xf32, #tpu.memory_space<vmem>>, vector<16xf32>,
    %swap3A_861 = arith.constant 26 : i32
    %swap3A_862 = arith.index_cast %swap3A_861 : i32 to index
    %swap3A_863 = arith.constant 112 : index
    %swap3A_864 = tpu.vector_load %arg17[%swap3A_862, %swap3A_863] {strides = array<i32>} : memref<40x128xf32, #tpu.memory_space<vmem>>, vector<16xf32>,
    tpu.vector_store %arg17[%swap3A_862, %swap3A_863], %broadcast_in_dim3A_1 {strides = array<i32>} : memref<40x128xf32, #tpu.memory_space<vmem>>, vector<16xf32>,
    %swap3A_865 = arith.constant 27 : i32
    %swap3A_866 = arith.index_cast %swap3A_865 : i32 to index
    %swap3A_867 = arith.constant 0 : index
    %swap3A_868 = tpu.vector_load %arg17[%swap3A_866, %swap3A_867] {strides = array<i32>} : memref<40x128xf32, #tpu.memory_space<vmem>>, vector<16xf32>,
    tpu.vector_store %arg17[%swap3A_866, %swap3A_867], %broadcast_in_dim3A_1 {strides = array<i32>} : memref<40x128xf32, #tpu.memory_space<vmem>>, vector<16xf32>,
    %swap3A_869 = arith.constant 27 : i32
    %swap3A_870 = arith.index_cast %swap3A_869 : i32 to index
    %swap3A_871 = arith.constant 16 : index
    %swap3A_872 = tpu.vector_load %arg17[%swap3A_870, %swap3A_871] {strides = array<i32>} : memref<40x128xf32, #tpu.memory_space<vmem>>, vector<16xf32>,
    tpu.vector_store %arg17[%swap3A_870, %swap3A_871], %broadcast_in_dim3A_1 {strides = array<i32>} : memref<40x128xf32, #tpu.memory_space<vmem>>, vector<16xf32>,
    %swap3A_873 = arith.constant 27 : i32
    %swap3A_874 = arith.index_cast %swap3A_873 : i32 to index
    %swap3A_875 = arith.constant 32 : index
    %swap3A_876 = tpu.vector_load %arg17[%swap3A_874, %swap3A_875] {strides = array<i32>} : memref<40x128xf32, #tpu.memory_space<vmem>>, vector<16xf32>,
    tpu.vector_store %arg17[%swap3A_874, %swap3A_875], %broadcast_in_dim3A_1 {strides = array<i32>} : memref<40x128xf32, #tpu.memory_space<vmem>>, vector<16xf32>,
    %swap3A_877 = arith.constant 27 : i32
    %swap3A_878 = arith.index_cast %swap3A_877 : i32 to index
    %swap3A_879 = arith.constant 48 : index
    %swap3A_880 = tpu.vector_load %arg17[%swap3A_878, %swap3A_879] {strides = array<i32>} : memref<40x128xf32, #tpu.memory_space<vmem>>, vector<16xf32>,
    tpu.vector_store %arg17[%swap3A_878, %swap3A_879], %broadcast_in_dim3A_1 {strides = array<i32>} : memref<40x128xf32, #tpu.memory_space<vmem>>, vector<16xf32>,
    %swap3A_881 = arith.constant 27 : i32
    %swap3A_882 = arith.index_cast %swap3A_881 : i32 to index
    %swap3A_883 = arith.constant 64 : index
    %swap3A_884 = tpu.vector_load %arg17[%swap3A_882, %swap3A_883] {strides = array<i32>} : memref<40x128xf32, #tpu.memory_space<vmem>>, vector<16xf32>,
    tpu.vector_store %arg17[%swap3A_882, %swap3A_883], %broadcast_in_dim3A_1 {strides = array<i32>} : memref<40x128xf32, #tpu.memory_space<vmem>>, vector<16xf32>,
    %swap3A_885 = arith.constant 27 : i32
    %swap3A_886 = arith.index_cast %swap3A_885 : i32 to index
    %swap3A_887 = arith.constant 80 : index
    %swap3A_888 = tpu.vector_load %arg17[%swap3A_886, %swap3A_887] {strides = array<i32>} : memref<40x128xf32, #tpu.memory_space<vmem>>, vector<16xf32>,
    tpu.vector_store %arg17[%swap3A_886, %swap3A_887], %broadcast_in_dim3A_1 {strides = array<i32>} : memref<40x128xf32, #tpu.memory_space<vmem>>, vector<16xf32>,
    %swap3A_889 = arith.constant 27 : i32
    %swap3A_890 = arith.index_cast %swap3A_889 : i32 to index
    %swap3A_891 = arith.constant 96 : index
    %swap3A_892 = tpu.vector_load %arg17[%swap3A_890, %swap3A_891] {strides = array<i32>} : memref<40x128xf32, #tpu.memory_space<vmem>>, vector<16xf32>,
    tpu.vector_store %arg17[%swap3A_890, %swap3A_891], %broadcast_in_dim3A_1 {strides = array<i32>} : memref<40x128xf32, #tpu.memory_space<vmem>>, vector<16xf32>,
    %swap3A_893 = arith.constant 27 : i32
    %swap3A_894 = arith.index_cast %swap3A_893 : i32 to index
    %swap3A_895 = arith.constant 112 : index
    %swap3A_896 = tpu.vector_load %arg17[%swap3A_894, %swap3A_895] {strides = array<i32>} : memref<40x128xf32, #tpu.memory_space<vmem>>, vector<16xf32>,
    tpu.vector_store %arg17[%swap3A_894, %swap3A_895], %broadcast_in_dim3A_1 {strides = array<i32>} : memref<40x128xf32, #tpu.memory_space<vmem>>, vector<16xf32>,
    %swap3A_897 = arith.constant 28 : i32
    %swap3A_898 = arith.index_cast %swap3A_897 : i32 to index
    %swap3A_899 = arith.constant 0 : index
    %swap3A_900 = tpu.vector_load %arg17[%swap3A_898, %swap3A_899] {strides = array<i32>} : memref<40x128xf32, #tpu.memory_space<vmem>>, vector<16xf32>,
    tpu.vector_store %arg17[%swap3A_898, %swap3A_899], %broadcast_in_dim3A_1 {strides = array<i32>} : memref<40x128xf32, #tpu.memory_space<vmem>>, vector<16xf32>,
    %swap3A_901 = arith.constant 28 : i32
    %swap3A_902 = arith.index_cast %swap3A_901 : i32 to index
    %swap3A_903 = arith.constant 16 : index
    %swap3A_904 = tpu.vector_load %arg17[%swap3A_902, %swap3A_903] {strides = array<i32>} : memref<40x128xf32, #tpu.memory_space<vmem>>, vector<16xf32>,
    tpu.vector_store %arg17[%swap3A_902, %swap3A_903], %broadcast_in_dim3A_1 {strides = array<i32>} : memref<40x128xf32, #tpu.memory_space<vmem>>, vector<16xf32>,
    %swap3A_905 = arith.constant 28 : i32
    %swap3A_906 = arith.index_cast %swap3A_905 : i32 to index
    %swap3A_907 = arith.constant 32 : index
    %swap3A_908 = tpu.vector_load %arg17[%swap3A_906, %swap3A_907] {strides = array<i32>} : memref<40x128xf32, #tpu.memory_space<vmem>>, vector<16xf32>,
    tpu.vector_store %arg17[%swap3A_906, %swap3A_907], %broadcast_in_dim3A_1 {strides = array<i32>} : memref<40x128xf32, #tpu.memory_space<vmem>>, vector<16xf32>,
    %swap3A_909 = arith.constant 28 : i32
    %swap3A_910 = arith.index_cast %swap3A_909 : i32 to index
    %swap3A_911 = arith.constant 48 : index
    %swap3A_912 = tpu.vector_load %arg17[%swap3A_910, %swap3A_911] {strides = array<i32>} : memref<40x128xf32, #tpu.memory_space<vmem>>, vector<16xf32>,
    tpu.vector_store %arg17[%swap3A_910, %swap3A_911], %broadcast_in_dim3A_1 {strides = array<i32>} : memref<40x128xf32, #tpu.memory_space<vmem>>, vector<16xf32>,
    %swap3A_913 = arith.constant 28 : i32
    %swap3A_914 = arith.index_cast %swap3A_913 : i32 to index
    %swap3A_915 = arith.constant 64 : index
    %swap3A_916 = tpu.vector_load %arg17[%swap3A_914, %swap3A_915] {strides = array<i32>} : memref<40x128xf32, #tpu.memory_space<vmem>>, vector<16xf32>,
    tpu.vector_store %arg17[%swap3A_914, %swap3A_915], %broadcast_in_dim3A_1 {strides = array<i32>} : memref<40x128xf32, #tpu.memory_space<vmem>>, vector<16xf32>,
    %swap3A_917 = arith.constant 28 : i32
    %swap3A_918 = arith.index_cast %swap3A_917 : i32 to index
    %swap3A_919 = arith.constant 80 : index
    %swap3A_920 = tpu.vector_load %arg17[%swap3A_918, %swap3A_919] {strides = array<i32>} : memref<40x128xf32, #tpu.memory_space<vmem>>, vector<16xf32>,
    tpu.vector_store %arg17[%swap3A_918, %swap3A_919], %broadcast_in_dim3A_1 {strides = array<i32>} : memref<40x128xf32, #tpu.memory_space<vmem>>, vector<16xf32>,
    %swap3A_921 = arith.constant 28 : i32
    %swap3A_922 = arith.index_cast %swap3A_921 : i32 to index
    %swap3A_923 = arith.constant 96 : index
    %swap3A_924 = tpu.vector_load %arg17[%swap3A_922, %swap3A_923] {strides = array<i32>} : memref<40x128xf32, #tpu.memory_space<vmem>>, vector<16xf32>,
    tpu.vector_store %arg17[%swap3A_922, %swap3A_923], %broadcast_in_dim3A_1 {strides = array<i32>} : memref<40x128xf32, #tpu.memory_space<vmem>>, vector<16xf32>,
    %swap3A_925 = arith.constant 28 : i32
    %swap3A_926 = arith.index_cast %swap3A_925 : i32 to index
    %swap3A_927 = arith.constant 112 : index
    %swap3A_928 = tpu.vector_load %arg17[%swap3A_926, %swap3A_927] {strides = array<i32>} : memref<40x128xf32, #tpu.memory_space<vmem>>, vector<16xf32>,
    tpu.vector_store %arg17[%swap3A_926, %swap3A_927], %broadcast_in_dim3A_1 {strides = array<i32>} : memref<40x128xf32, #tpu.memory_space<vmem>>, vector<16xf32>,
    %swap3A_929 = arith.constant 29 : i32
    %swap3A_930 = arith.index_cast %swap3A_929 : i32 to index
    %swap3A_931 = arith.constant 0 : index
    %swap3A_932 = tpu.vector_load %arg17[%swap3A_930, %swap3A_931] {strides = array<i32>} : memref<40x128xf32, #tpu.memory_space<vmem>>, vector<16xf32>,
    tpu.vector_store %arg17[%swap3A_930, %swap3A_931], %broadcast_in_dim3A_1 {strides = array<i32>} : memref<40x128xf32, #tpu.memory_space<vmem>>, vector<16xf32>,
    %swap3A_933 = arith.constant 29 : i32
    %swap3A_934 = arith.index_cast %swap3A_933 : i32 to index
    %swap3A_935 = arith.constant 16 : index
    %swap3A_936 = tpu.vector_load %arg17[%swap3A_934, %swap3A_935] {strides = array<i32>} : memref<40x128xf32, #tpu.memory_space<vmem>>, vector<16xf32>,
    tpu.vector_store %arg17[%swap3A_934, %swap3A_935], %broadcast_in_dim3A_1 {strides = array<i32>} : memref<40x128xf32, #tpu.memory_space<vmem>>, vector<16xf32>,
    %swap3A_937 = arith.constant 29 : i32
    %swap3A_938 = arith.index_cast %swap3A_937 : i32 to index
    %swap3A_939 = arith.constant 32 : index
    %swap3A_940 = tpu.vector_load %arg17[%swap3A_938, %swap3A_939] {strides = array<i32>} : memref<40x128xf32, #tpu.memory_space<vmem>>, vector<16xf32>,
    tpu.vector_store %arg17[%swap3A_938, %swap3A_939], %broadcast_in_dim3A_1 {strides = array<i32>} : memref<40x128xf32, #tpu.memory_space<vmem>>, vector<16xf32>,
    %swap3A_941 = arith.constant 29 : i32
    %swap3A_942 = arith.index_cast %swap3A_941 : i32 to index
    %swap3A_943 = arith.constant 48 : index
    %swap3A_944 = tpu.vector_load %arg17[%swap3A_942, %swap3A_943] {strides = array<i32>} : memref<40x128xf32, #tpu.memory_space<vmem>>, vector<16xf32>,
    tpu.vector_store %arg17[%swap3A_942, %swap3A_943], %broadcast_in_dim3A_1 {strides = array<i32>} : memref<40x128xf32, #tpu.memory_space<vmem>>, vector<16xf32>,
    %swap3A_945 = arith.constant 29 : i32
    %swap3A_946 = arith.index_cast %swap3A_945 : i32 to index
    %swap3A_947 = arith.constant 64 : index
    %swap3A_948 = tpu.vector_load %arg17[%swap3A_946, %swap3A_947] {strides = array<i32>} : memref<40x128xf32, #tpu.memory_space<vmem>>, vector<16xf32>,
    tpu.vector_store %arg17[%swap3A_946, %swap3A_947], %broadcast_in_dim3A_1 {strides = array<i32>} : memref<40x128xf32, #tpu.memory_space<vmem>>, vector<16xf32>,
    %swap3A_949 = arith.constant 29 : i32
    %swap3A_950 = arith.index_cast %swap3A_949 : i32 to index
    %swap3A_951 = arith.constant 80 : index
    %swap3A_952 = tpu.vector_load %arg17[%swap3A_950, %swap3A_951] {strides = array<i32>} : memref<40x128xf32, #tpu.memory_space<vmem>>, vector<16xf32>,
    tpu.vector_store %arg17[%swap3A_950, %swap3A_951], %broadcast_in_dim3A_1 {strides = array<i32>} : memref<40x128xf32, #tpu.memory_space<vmem>>, vector<16xf32>,
    %swap3A_953 = arith.constant 29 : i32
    %swap3A_954 = arith.index_cast %swap3A_953 : i32 to index
    %swap3A_955 = arith.constant 96 : index
    %swap3A_956 = tpu.vector_load %arg17[%swap3A_954, %swap3A_955] {strides = array<i32>} : memref<40x128xf32, #tpu.memory_space<vmem>>, vector<16xf32>,
    tpu.vector_store %arg17[%swap3A_954, %swap3A_955], %broadcast_in_dim3A_1 {strides = array<i32>} : memref<40x128xf32, #tpu.memory_space<vmem>>, vector<16xf32>,
    %swap3A_957 = arith.constant 29 : i32
    %swap3A_958 = arith.index_cast %swap3A_957 : i32 to index
    %swap3A_959 = arith.constant 112 : index
    %swap3A_960 = tpu.vector_load %arg17[%swap3A_958, %swap3A_959] {strides = array<i32>} : memref<40x128xf32, #tpu.memory_space<vmem>>, vector<16xf32>,
    tpu.vector_store %arg17[%swap3A_958, %swap3A_959], %broadcast_in_dim3A_1 {strides = array<i32>} : memref<40x128xf32, #tpu.memory_space<vmem>>, vector<16xf32>,
    %swap3A_961 = arith.constant 30 : i32
    %swap3A_962 = arith.index_cast %swap3A_961 : i32 to index
    %swap3A_963 = arith.constant 0 : index
    %swap3A_964 = tpu.vector_load %arg17[%swap3A_962, %swap3A_963] {strides = array<i32>} : memref<40x128xf32, #tpu.memory_space<vmem>>, vector<16xf32>,
    tpu.vector_store %arg17[%swap3A_962, %swap3A_963], %broadcast_in_dim3A_1 {strides = array<i32>} : memref<40x128xf32, #tpu.memory_space<vmem>>, vector<16xf32>,
    %swap3A_965 = arith.constant 30 : i32
    %swap3A_966 = arith.index_cast %swap3A_965 : i32 to index
    %swap3A_967 = arith.constant 16 : index
    %swap3A_968 = tpu.vector_load %arg17[%swap3A_966, %swap3A_967] {strides = array<i32>} : memref<40x128xf32, #tpu.memory_space<vmem>>, vector<16xf32>,
    tpu.vector_store %arg17[%swap3A_966, %swap3A_967], %broadcast_in_dim3A_1 {strides = array<i32>} : memref<40x128xf32, #tpu.memory_space<vmem>>, vector<16xf32>,
    %swap3A_969 = arith.constant 30 : i32
    %swap3A_970 = arith.index_cast %swap3A_969 : i32 to index
    %swap3A_971 = arith.constant 32 : index
    %swap3A_972 = tpu.vector_load %arg17[%swap3A_970, %swap3A_971] {strides = array<i32>} : memref<40x128xf32, #tpu.memory_space<vmem>>, vector<16xf32>,
    tpu.vector_store %arg17[%swap3A_970, %swap3A_971], %broadcast_in_dim3A_1 {strides = array<i32>} : memref<40x128xf32, #tpu.memory_space<vmem>>, vector<16xf32>,
    %swap3A_973 = arith.constant 30 : i32
    %swap3A_974 = arith.index_cast %swap3A_973 : i32 to index
    %swap3A_975 = arith.constant 48 : index
    %swap3A_976 = tpu.vector_load %arg17[%swap3A_974, %swap3A_975] {strides = array<i32>} : memref<40x128xf32, #tpu.memory_space<vmem>>, vector<16xf32>,
    tpu.vector_store %arg17[%swap3A_974, %swap3A_975], %broadcast_in_dim3A_1 {strides = array<i32>} : memref<40x128xf32, #tpu.memory_space<vmem>>, vector<16xf32>,
    %swap3A_977 = arith.constant 30 : i32
    %swap3A_978 = arith.index_cast %swap3A_977 : i32 to index
    %swap3A_979 = arith.constant 64 : index
    %swap3A_980 = tpu.vector_load %arg17[%swap3A_978, %swap3A_979] {strides = array<i32>} : memref<40x128xf32, #tpu.memory_space<vmem>>, vector<16xf32>,
    tpu.vector_store %arg17[%swap3A_978, %swap3A_979], %broadcast_in_dim3A_1 {strides = array<i32>} : memref<40x128xf32, #tpu.memory_space<vmem>>, vector<16xf32>,
    %swap3A_981 = arith.constant 30 : i32
    %swap3A_982 = arith.index_cast %swap3A_981 : i32 to index
    %swap3A_983 = arith.constant 80 : index
    %swap3A_984 = tpu.vector_load %arg17[%swap3A_982, %swap3A_983] {strides = array<i32>} : memref<40x128xf32, #tpu.memory_space<vmem>>, vector<16xf32>,
    tpu.vector_store %arg17[%swap3A_982, %swap3A_983], %broadcast_in_dim3A_1 {strides = array<i32>} : memref<40x128xf32, #tpu.memory_space<vmem>>, vector<16xf32>,
    %swap3A_985 = arith.constant 30 : i32
    %swap3A_986 = arith.index_cast %swap3A_985 : i32 to index
    %swap3A_987 = arith.constant 96 : index
    %swap3A_988 = tpu.vector_load %arg17[%swap3A_986, %swap3A_987] {strides = array<i32>} : memref<40x128xf32, #tpu.memory_space<vmem>>, vector<16xf32>,
    tpu.vector_store %arg17[%swap3A_986, %swap3A_987], %broadcast_in_dim3A_1 {strides = array<i32>} : memref<40x128xf32, #tpu.memory_space<vmem>>, vector<16xf32>,
    %swap3A_989 = arith.constant 30 : i32
    %swap3A_990 = arith.index_cast %swap3A_989 : i32 to index
    %swap3A_991 = arith.constant 112 : index
    %swap3A_992 = tpu.vector_load %arg17[%swap3A_990, %swap3A_991] {strides = array<i32>} : memref<40x128xf32, #tpu.memory_space<vmem>>, vector<16xf32>,
    tpu.vector_store %arg17[%swap3A_990, %swap3A_991], %broadcast_in_dim3A_1 {strides = array<i32>} : memref<40x128xf32, #tpu.memory_space<vmem>>, vector<16xf32>,
    %swap3A_993 = arith.constant 31 : i32
    %swap3A_994 = arith.index_cast %swap3A_993 : i32 to index
    %swap3A_995 = arith.constant 0 : index
    %swap3A_996 = tpu.vector_load %arg17[%swap3A_994, %swap3A_995] {strides = array<i32>} : memref<40x128xf32, #tpu.memory_space<vmem>>, vector<16xf32>,
    tpu.vector_store %arg17[%swap3A_994, %swap3A_995], %broadcast_in_dim3A_1 {strides = array<i32>} : memref<40x128xf32, #tpu.memory_space<vmem>>, vector<16xf32>,
    %swap3A_997 = arith.constant 31 : i32
    %swap3A_998 = arith.index_cast %swap3A_997 : i32 to index
    %swap3A_999 = arith.constant 16 : index
    %swap3A_1000 = tpu.vector_load %arg17[%swap3A_998, %swap3A_999] {strides = array<i32>} : memref<40x128xf32, #tpu.memory_space<vmem>>, vector<16xf32>,
    tpu.vector_store %arg17[%swap3A_998, %swap3A_999], %broadcast_in_dim3A_1 {strides = array<i32>} : memref<40x128xf32, #tpu.memory_space<vmem>>, vector<16xf32>,
    %swap3A_1001 = arith.constant 31 : i32
    %swap3A_1002 = arith.index_cast %swap3A_1001 : i32 to index
    %swap3A_1003 = arith.constant 32 : index
    %swap3A_1004 = tpu.vector_load %arg17[%swap3A_1002, %swap3A_1003] {strides = array<i32>} : memref<40x128xf32, #tpu.memory_space<vmem>>, vector<16xf32>,
    tpu.vector_store %arg17[%swap3A_1002, %swap3A_1003], %broadcast_in_dim3A_1 {strides = array<i32>} : memref<40x128xf32, #tpu.memory_space<vmem>>, vector<16xf32>,
    %swap3A_1005 = arith.constant 31 : i32
    %swap3A_1006 = arith.index_cast %swap3A_1005 : i32 to index
    %swap3A_1007 = arith.constant 48 : index
    %swap3A_1008 = tpu.vector_load %arg17[%swap3A_1006, %swap3A_1007] {strides = array<i32>} : memref<40x128xf32, #tpu.memory_space<vmem>>, vector<16xf32>,
    tpu.vector_store %arg17[%swap3A_1006, %swap3A_1007], %broadcast_in_dim3A_1 {strides = array<i32>} : memref<40x128xf32, #tpu.memory_space<vmem>>, vector<16xf32>,
    %swap3A_1009 = arith.constant 31 : i32
    %swap3A_1010 = arith.index_cast %swap3A_1009 : i32 to index
    %swap3A_1011 = arith.constant 64 : index
    %swap3A_1012 = tpu.vector_load %arg17[%swap3A_1010, %swap3A_1011] {strides = array<i32>} : memref<40x128xf32, #tpu.memory_space<vmem>>, vector<16xf32>,
    tpu.vector_store %arg17[%swap3A_1010, %swap3A_1011], %broadcast_in_dim3A_1 {strides = array<i32>} : memref<40x128xf32, #tpu.memory_space<vmem>>, vector<16xf32>,
    %swap3A_1013 = arith.constant 31 : i32
    %swap3A_1014 = arith.index_cast %swap3A_1013 : i32 to index
    %swap3A_1015 = arith.constant 80 : index
    %swap3A_1016 = tpu.vector_load %arg17[%swap3A_1014, %swap3A_1015] {strides = array<i32>} : memref<40x128xf32, #tpu.memory_space<vmem>>, vector<16xf32>,
    tpu.vector_store %arg17[%swap3A_1014, %swap3A_1015], %broadcast_in_dim3A_1 {strides = array<i32>} : memref<40x128xf32, #tpu.memory_space<vmem>>, vector<16xf32>,
    %swap3A_1017 = arith.constant 31 : i32
    %swap3A_1018 = arith.index_cast %swap3A_1017 : i32 to index
    %swap3A_1019 = arith.constant 96 : index
    %swap3A_1020 = tpu.vector_load %arg17[%swap3A_1018, %swap3A_1019] {strides = array<i32>} : memref<40x128xf32, #tpu.memory_space<vmem>>, vector<16xf32>,
    tpu.vector_store %arg17[%swap3A_1018, %swap3A_1019], %broadcast_in_dim3A_1 {strides = array<i32>} : memref<40x128xf32, #tpu.memory_space<vmem>>, vector<16xf32>,
    %swap3A_1021 = arith.constant 31 : i32
    %swap3A_1022 = arith.index_cast %swap3A_1021 : i32 to index
    %swap3A_1023 = arith.constant 112 : index
    %swap3A_1024 = tpu.vector_load %arg17[%swap3A_1022, %swap3A_1023] {strides = array<i32>} : memref<40x128xf32, #tpu.memory_space<vmem>>, vector<16xf32>,
    tpu.vector_store %arg17[%swap3A_1022, %swap3A_1023], %broadcast_in_dim3A_1 {strides = array<i32>} : memref<40x128xf32, #tpu.memory_space<vmem>>, vector<16xf32>,
    %swap3A_1025 = arith.constant 32 : i32
    %swap3A_1026 = arith.index_cast %swap3A_1025 : i32 to index
    %swap3A_1027 = arith.constant 0 : index
    %swap3A_1028 = tpu.vector_load %arg17[%swap3A_1026, %swap3A_1027] {strides = array<i32>} : memref<40x128xf32, #tpu.memory_space<vmem>>, vector<16xf32>,
    tpu.vector_store %arg17[%swap3A_1026, %swap3A_1027], %broadcast_in_dim3A_1 {strides = array<i32>} : memref<40x128xf32, #tpu.memory_space<vmem>>, vector<16xf32>,
    %swap3A_1029 = arith.constant 32 : i32
    %swap3A_1030 = arith.index_cast %swap3A_1029 : i32 to index
    %swap3A_1031 = arith.constant 16 : index
    %swap3A_1032 = tpu.vector_load %arg17[%swap3A_1030, %swap3A_1031] {strides = array<i32>} : memref<40x128xf32, #tpu.memory_space<vmem>>, vector<16xf32>,
    tpu.vector_store %arg17[%swap3A_1030, %swap3A_1031], %broadcast_in_dim3A_1 {strides = array<i32>} : memref<40x128xf32, #tpu.memory_space<vmem>>, vector<16xf32>,
    %swap3A_1033 = arith.constant 32 : i32
    %swap3A_1034 = arith.index_cast %swap3A_1033 : i32 to index
    %swap3A_1035 = arith.constant 32 : index
    %swap3A_1036 = tpu.vector_load %arg17[%swap3A_1034, %swap3A_1035] {strides = array<i32>} : memref<40x128xf32, #tpu.memory_space<vmem>>, vector<16xf32>,
    tpu.vector_store %arg17[%swap3A_1034, %swap3A_1035], %broadcast_in_dim3A_1 {strides = array<i32>} : memref<40x128xf32, #tpu.memory_space<vmem>>, vector<16xf32>,
    %swap3A_1037 = arith.constant 32 : i32
    %swap3A_1038 = arith.index_cast %swap3A_1037 : i32 to index
    %swap3A_1039 = arith.constant 48 : index
    %swap3A_1040 = tpu.vector_load %arg17[%swap3A_1038, %swap3A_1039] {strides = array<i32>} : memref<40x128xf32, #tpu.memory_space<vmem>>, vector<16xf32>,
    tpu.vector_store %arg17[%swap3A_1038, %swap3A_1039], %broadcast_in_dim3A_1 {strides = array<i32>} : memref<40x128xf32, #tpu.memory_space<vmem>>, vector<16xf32>,
    %swap3A_1041 = arith.constant 32 : i32
    %swap3A_1042 = arith.index_cast %swap3A_1041 : i32 to index
    %swap3A_1043 = arith.constant 64 : index
    %swap3A_1044 = tpu.vector_load %arg17[%swap3A_1042, %swap3A_1043] {strides = array<i32>} : memref<40x128xf32, #tpu.memory_space<vmem>>, vector<16xf32>,
    tpu.vector_store %arg17[%swap3A_1042, %swap3A_1043], %broadcast_in_dim3A_1 {strides = array<i32>} : memref<40x128xf32, #tpu.memory_space<vmem>>, vector<16xf32>,
    %swap3A_1045 = arith.constant 32 : i32
    %swap3A_1046 = arith.index_cast %swap3A_1045 : i32 to index
    %swap3A_1047 = arith.constant 80 : index
    %swap3A_1048 = tpu.vector_load %arg17[%swap3A_1046, %swap3A_1047] {strides = array<i32>} : memref<40x128xf32, #tpu.memory_space<vmem>>, vector<16xf32>,
    tpu.vector_store %arg17[%swap3A_1046, %swap3A_1047], %broadcast_in_dim3A_1 {strides = array<i32>} : memref<40x128xf32, #tpu.memory_space<vmem>>, vector<16xf32>,
    %swap3A_1049 = arith.constant 32 : i32
    %swap3A_1050 = arith.index_cast %swap3A_1049 : i32 to index
    %swap3A_1051 = arith.constant 96 : index
    %swap3A_1052 = tpu.vector_load %arg17[%swap3A_1050, %swap3A_1051] {strides = array<i32>} : memref<40x128xf32, #tpu.memory_space<vmem>>, vector<16xf32>,
    tpu.vector_store %arg17[%swap3A_1050, %swap3A_1051], %broadcast_in_dim3A_1 {strides = array<i32>} : memref<40x128xf32, #tpu.memory_space<vmem>>, vector<16xf32>,
    %swap3A_1053 = arith.constant 32 : i32
    %swap3A_1054 = arith.index_cast %swap3A_1053 : i32 to index
    %swap3A_1055 = arith.constant 112 : index
    %swap3A_1056 = tpu.vector_load %arg17[%swap3A_1054, %swap3A_1055] {strides = array<i32>} : memref<40x128xf32, #tpu.memory_space<vmem>>, vector<16xf32>,
    tpu.vector_store %arg17[%swap3A_1054, %swap3A_1055], %broadcast_in_dim3A_1 {strides = array<i32>} : memref<40x128xf32, #tpu.memory_space<vmem>>, vector<16xf32>,
    %swap3A_1057 = arith.constant 33 : i32
    %swap3A_1058 = arith.index_cast %swap3A_1057 : i32 to index
    %swap3A_1059 = arith.constant 0 : index
    %swap3A_1060 = tpu.vector_load %arg17[%swap3A_1058, %swap3A_1059] {strides = array<i32>} : memref<40x128xf32, #tpu.memory_space<vmem>>, vector<16xf32>,
    tpu.vector_store %arg17[%swap3A_1058, %swap3A_1059], %broadcast_in_dim3A_1 {strides = array<i32>} : memref<40x128xf32, #tpu.memory_space<vmem>>, vector<16xf32>,
    %swap3A_1061 = arith.constant 33 : i32
    %swap3A_1062 = arith.index_cast %swap3A_1061 : i32 to index
    %swap3A_1063 = arith.constant 16 : index
    %swap3A_1064 = tpu.vector_load %arg17[%swap3A_1062, %swap3A_1063] {strides = array<i32>} : memref<40x128xf32, #tpu.memory_space<vmem>>, vector<16xf32>,
    tpu.vector_store %arg17[%swap3A_1062, %swap3A_1063], %broadcast_in_dim3A_1 {strides = array<i32>} : memref<40x128xf32, #tpu.memory_space<vmem>>, vector<16xf32>,
    %swap3A_1065 = arith.constant 33 : i32
    %swap3A_1066 = arith.index_cast %swap3A_1065 : i32 to index
    %swap3A_1067 = arith.constant 32 : index
    %swap3A_1068 = tpu.vector_load %arg17[%swap3A_1066, %swap3A_1067] {strides = array<i32>} : memref<40x128xf32, #tpu.memory_space<vmem>>, vector<16xf32>,
    tpu.vector_store %arg17[%swap3A_1066, %swap3A_1067], %broadcast_in_dim3A_1 {strides = array<i32>} : memref<40x128xf32, #tpu.memory_space<vmem>>, vector<16xf32>,
    %swap3A_1069 = arith.constant 33 : i32
    %swap3A_1070 = arith.index_cast %swap3A_1069 : i32 to index
    %swap3A_1071 = arith.constant 48 : index
    %swap3A_1072 = tpu.vector_load %arg17[%swap3A_1070, %swap3A_1071] {strides = array<i32>} : memref<40x128xf32, #tpu.memory_space<vmem>>, vector<16xf32>,
    tpu.vector_store %arg17[%swap3A_1070, %swap3A_1071], %broadcast_in_dim3A_1 {strides = array<i32>} : memref<40x128xf32, #tpu.memory_space<vmem>>, vector<16xf32>,
    %swap3A_1073 = arith.constant 33 : i32
    %swap3A_1074 = arith.index_cast %swap3A_1073 : i32 to index
    %swap3A_1075 = arith.constant 64 : index
    %swap3A_1076 = tpu.vector_load %arg17[%swap3A_1074, %swap3A_1075] {strides = array<i32>} : memref<40x128xf32, #tpu.memory_space<vmem>>, vector<16xf32>,
    tpu.vector_store %arg17[%swap3A_1074, %swap3A_1075], %broadcast_in_dim3A_1 {strides = array<i32>} : memref<40x128xf32, #tpu.memory_space<vmem>>, vector<16xf32>,
    %swap3A_1077 = arith.constant 33 : i32
    %swap3A_1078 = arith.index_cast %swap3A_1077 : i32 to index
    %swap3A_1079 = arith.constant 80 : index
    %swap3A_1080 = tpu.vector_load %arg17[%swap3A_1078, %swap3A_1079] {strides = array<i32>} : memref<40x128xf32, #tpu.memory_space<vmem>>, vector<16xf32>,
    tpu.vector_store %arg17[%swap3A_1078, %swap3A_1079], %broadcast_in_dim3A_1 {strides = array<i32>} : memref<40x128xf32, #tpu.memory_space<vmem>>, vector<16xf32>,
    %swap3A_1081 = arith.constant 33 : i32
    %swap3A_1082 = arith.index_cast %swap3A_1081 : i32 to index
    %swap3A_1083 = arith.constant 96 : index
    %swap3A_1084 = tpu.vector_load %arg17[%swap3A_1082, %swap3A_1083] {strides = array<i32>} : memref<40x128xf32, #tpu.memory_space<vmem>>, vector<16xf32>,
    tpu.vector_store %arg17[%swap3A_1082, %swap3A_1083], %broadcast_in_dim3A_1 {strides = array<i32>} : memref<40x128xf32, #tpu.memory_space<vmem>>, vector<16xf32>,
    %swap3A_1085 = arith.constant 33 : i32
    %swap3A_1086 = arith.index_cast %swap3A_1085 : i32 to index
    %swap3A_1087 = arith.constant 112 : index
    %swap3A_1088 = tpu.vector_load %arg17[%swap3A_1086, %swap3A_1087] {strides = array<i32>} : memref<40x128xf32, #tpu.memory_space<vmem>>, vector<16xf32>,
    tpu.vector_store %arg17[%swap3A_1086, %swap3A_1087], %broadcast_in_dim3A_1 {strides = array<i32>} : memref<40x128xf32, #tpu.memory_space<vmem>>, vector<16xf32>,
    %swap3A_1089 = arith.constant 34 : i32
    %swap3A_1090 = arith.index_cast %swap3A_1089 : i32 to index
    %swap3A_1091 = arith.constant 0 : index
    %swap3A_1092 = tpu.vector_load %arg17[%swap3A_1090, %swap3A_1091] {strides = array<i32>} : memref<40x128xf32, #tpu.memory_space<vmem>>, vector<16xf32>,
    tpu.vector_store %arg17[%swap3A_1090, %swap3A_1091], %broadcast_in_dim3A_1 {strides = array<i32>} : memref<40x128xf32, #tpu.memory_space<vmem>>, vector<16xf32>,
    %swap3A_1093 = arith.constant 34 : i32
    %swap3A_1094 = arith.index_cast %swap3A_1093 : i32 to index
    %swap3A_1095 = arith.constant 16 : index
    %swap3A_1096 = tpu.vector_load %arg17[%swap3A_1094, %swap3A_1095] {strides = array<i32>} : memref<40x128xf32, #tpu.memory_space<vmem>>, vector<16xf32>,
    tpu.vector_store %arg17[%swap3A_1094, %swap3A_1095], %broadcast_in_dim3A_1 {strides = array<i32>} : memref<40x128xf32, #tpu.memory_space<vmem>>, vector<16xf32>,
    %swap3A_1097 = arith.constant 34 : i32
    %swap3A_1098 = arith.index_cast %swap3A_1097 : i32 to index
    %swap3A_1099 = arith.constant 32 : index
    %swap3A_1100 = tpu.vector_load %arg17[%swap3A_1098, %swap3A_1099] {strides = array<i32>} : memref<40x128xf32, #tpu.memory_space<vmem>>, vector<16xf32>,
    tpu.vector_store %arg17[%swap3A_1098, %swap3A_1099], %broadcast_in_dim3A_1 {strides = array<i32>} : memref<40x128xf32, #tpu.memory_space<vmem>>, vector<16xf32>,
    %swap3A_1101 = arith.constant 34 : i32
    %swap3A_1102 = arith.index_cast %swap3A_1101 : i32 to index
    %swap3A_1103 = arith.constant 48 : index
    %swap3A_1104 = tpu.vector_load %arg17[%swap3A_1102, %swap3A_1103] {strides = array<i32>} : memref<40x128xf32, #tpu.memory_space<vmem>>, vector<16xf32>,
    tpu.vector_store %arg17[%swap3A_1102, %swap3A_1103], %broadcast_in_dim3A_1 {strides = array<i32>} : memref<40x128xf32, #tpu.memory_space<vmem>>, vector<16xf32>,
    %swap3A_1105 = arith.constant 34 : i32
    %swap3A_1106 = arith.index_cast %swap3A_1105 : i32 to index
    %swap3A_1107 = arith.constant 64 : index
    %swap3A_1108 = tpu.vector_load %arg17[%swap3A_1106, %swap3A_1107] {strides = array<i32>} : memref<40x128xf32, #tpu.memory_space<vmem>>, vector<16xf32>,
    tpu.vector_store %arg17[%swap3A_1106, %swap3A_1107], %broadcast_in_dim3A_1 {strides = array<i32>} : memref<40x128xf32, #tpu.memory_space<vmem>>, vector<16xf32>,
    %swap3A_1109 = arith.constant 34 : i32
    %swap3A_1110 = arith.index_cast %swap3A_1109 : i32 to index
    %swap3A_1111 = arith.constant 80 : index
    %swap3A_1112 = tpu.vector_load %arg17[%swap3A_1110, %swap3A_1111] {strides = array<i32>} : memref<40x128xf32, #tpu.memory_space<vmem>>, vector<16xf32>,
    tpu.vector_store %arg17[%swap3A_1110, %swap3A_1111], %broadcast_in_dim3A_1 {strides = array<i32>} : memref<40x128xf32, #tpu.memory_space<vmem>>, vector<16xf32>,
    %swap3A_1113 = arith.constant 34 : i32
    %swap3A_1114 = arith.index_cast %swap3A_1113 : i32 to index
    %swap3A_1115 = arith.constant 96 : index
    %swap3A_1116 = tpu.vector_load %arg17[%swap3A_1114, %swap3A_1115] {strides = array<i32>} : memref<40x128xf32, #tpu.memory_space<vmem>>, vector<16xf32>,
    tpu.vector_store %arg17[%swap3A_1114, %swap3A_1115], %broadcast_in_dim3A_1 {strides = array<i32>} : memref<40x128xf32, #tpu.memory_space<vmem>>, vector<16xf32>,
    %swap3A_1117 = arith.constant 34 : i32
    %swap3A_1118 = arith.index_cast %swap3A_1117 : i32 to index
    %swap3A_1119 = arith.constant 112 : index
    %swap3A_1120 = tpu.vector_load %arg17[%swap3A_1118, %swap3A_1119] {strides = array<i32>} : memref<40x128xf32, #tpu.memory_space<vmem>>, vector<16xf32>,
    tpu.vector_store %arg17[%swap3A_1118, %swap3A_1119], %broadcast_in_dim3A_1 {strides = array<i32>} : memref<40x128xf32, #tpu.memory_space<vmem>>, vector<16xf32>,
    %swap3A_1121 = arith.constant 35 : i32
    %swap3A_1122 = arith.index_cast %swap3A_1121 : i32 to index
    %swap3A_1123 = arith.constant 0 : index
    %swap3A_1124 = tpu.vector_load %arg17[%swap3A_1122, %swap3A_1123] {strides = array<i32>} : memref<40x128xf32, #tpu.memory_space<vmem>>, vector<16xf32>,
    tpu.vector_store %arg17[%swap3A_1122, %swap3A_1123], %broadcast_in_dim3A_1 {strides = array<i32>} : memref<40x128xf32, #tpu.memory_space<vmem>>, vector<16xf32>,
    %swap3A_1125 = arith.constant 35 : i32
    %swap3A_1126 = arith.index_cast %swap3A_1125 : i32 to index
    %swap3A_1127 = arith.constant 16 : index
    %swap3A_1128 = tpu.vector_load %arg17[%swap3A_1126, %swap3A_1127] {strides = array<i32>} : memref<40x128xf32, #tpu.memory_space<vmem>>, vector<16xf32>,
    tpu.vector_store %arg17[%swap3A_1126, %swap3A_1127], %broadcast_in_dim3A_1 {strides = array<i32>} : memref<40x128xf32, #tpu.memory_space<vmem>>, vector<16xf32>,
    %swap3A_1129 = arith.constant 35 : i32
    %swap3A_1130 = arith.index_cast %swap3A_1129 : i32 to index
    %swap3A_1131 = arith.constant 32 : index
    %swap3A_1132 = tpu.vector_load %arg17[%swap3A_1130, %swap3A_1131] {strides = array<i32>} : memref<40x128xf32, #tpu.memory_space<vmem>>, vector<16xf32>,
    tpu.vector_store %arg17[%swap3A_1130, %swap3A_1131], %broadcast_in_dim3A_1 {strides = array<i32>} : memref<40x128xf32, #tpu.memory_space<vmem>>, vector<16xf32>,
    %swap3A_1133 = arith.constant 35 : i32
    %swap3A_1134 = arith.index_cast %swap3A_1133 : i32 to index
    %swap3A_1135 = arith.constant 48 : index
    %swap3A_1136 = tpu.vector_load %arg17[%swap3A_1134, %swap3A_1135] {strides = array<i32>} : memref<40x128xf32, #tpu.memory_space<vmem>>, vector<16xf32>,
    tpu.vector_store %arg17[%swap3A_1134, %swap3A_1135], %broadcast_in_dim3A_1 {strides = array<i32>} : memref<40x128xf32, #tpu.memory_space<vmem>>, vector<16xf32>,
    %swap3A_1137 = arith.constant 35 : i32
    %swap3A_1138 = arith.index_cast %swap3A_1137 : i32 to index
    %swap3A_1139 = arith.constant 64 : index
    %swap3A_1140 = tpu.vector_load %arg17[%swap3A_1138, %swap3A_1139] {strides = array<i32>} : memref<40x128xf32, #tpu.memory_space<vmem>>, vector<16xf32>,
    tpu.vector_store %arg17[%swap3A_1138, %swap3A_1139], %broadcast_in_dim3A_1 {strides = array<i32>} : memref<40x128xf32, #tpu.memory_space<vmem>>, vector<16xf32>,
    %swap3A_1141 = arith.constant 35 : i32
    %swap3A_1142 = arith.index_cast %swap3A_1141 : i32 to index
    %swap3A_1143 = arith.constant 80 : index
    %swap3A_1144 = tpu.vector_load %arg17[%swap3A_1142, %swap3A_1143] {strides = array<i32>} : memref<40x128xf32, #tpu.memory_space<vmem>>, vector<16xf32>,
    tpu.vector_store %arg17[%swap3A_1142, %swap3A_1143], %broadcast_in_dim3A_1 {strides = array<i32>} : memref<40x128xf32, #tpu.memory_space<vmem>>, vector<16xf32>,
    %swap3A_1145 = arith.constant 35 : i32
    %swap3A_1146 = arith.index_cast %swap3A_1145 : i32 to index
    %swap3A_1147 = arith.constant 96 : index
    %swap3A_1148 = tpu.vector_load %arg17[%swap3A_1146, %swap3A_1147] {strides = array<i32>} : memref<40x128xf32, #tpu.memory_space<vmem>>, vector<16xf32>,
    tpu.vector_store %arg17[%swap3A_1146, %swap3A_1147], %broadcast_in_dim3A_1 {strides = array<i32>} : memref<40x128xf32, #tpu.memory_space<vmem>>, vector<16xf32>,
    %swap3A_1149 = arith.constant 35 : i32
    %swap3A_1150 = arith.index_cast %swap3A_1149 : i32 to index
    %swap3A_1151 = arith.constant 112 : index
    %swap3A_1152 = tpu.vector_load %arg17[%swap3A_1150, %swap3A_1151] {strides = array<i32>} : memref<40x128xf32, #tpu.memory_space<vmem>>, vector<16xf32>,
    tpu.vector_store %arg17[%swap3A_1150, %swap3A_1151], %broadcast_in_dim3A_1 {strides = array<i32>} : memref<40x128xf32, #tpu.memory_space<vmem>>, vector<16xf32>,
    %swap3A_1153 = arith.constant 36 : i32
    %swap3A_1154 = arith.index_cast %swap3A_1153 : i32 to index
    %swap3A_1155 = arith.constant 0 : index
    %swap3A_1156 = tpu.vector_load %arg17[%swap3A_1154, %swap3A_1155] {strides = array<i32>} : memref<40x128xf32, #tpu.memory_space<vmem>>, vector<16xf32>,
    tpu.vector_store %arg17[%swap3A_1154, %swap3A_1155], %broadcast_in_dim3A_1 {strides = array<i32>} : memref<40x128xf32, #tpu.memory_space<vmem>>, vector<16xf32>,
    %swap3A_1157 = arith.constant 36 : i32
    %swap3A_1158 = arith.index_cast %swap3A_1157 : i32 to index
    %swap3A_1159 = arith.constant 16 : index
    %swap3A_1160 = tpu.vector_load %arg17[%swap3A_1158, %swap3A_1159] {strides = array<i32>} : memref<40x128xf32, #tpu.memory_space<vmem>>, vector<16xf32>,
    tpu.vector_store %arg17[%swap3A_1158, %swap3A_1159], %broadcast_in_dim3A_1 {strides = array<i32>} : memref<40x128xf32, #tpu.memory_space<vmem>>, vector<16xf32>,
    %swap3A_1161 = arith.constant 36 : i32
    %swap3A_1162 = arith.index_cast %swap3A_1161 : i32 to index
    %swap3A_1163 = arith.constant 32 : index
    %swap3A_1164 = tpu.vector_load %arg17[%swap3A_1162, %swap3A_1163] {strides = array<i32>} : memref<40x128xf32, #tpu.memory_space<vmem>>, vector<16xf32>,
    tpu.vector_store %arg17[%swap3A_1162, %swap3A_1163], %broadcast_in_dim3A_1 {strides = array<i32>} : memref<40x128xf32, #tpu.memory_space<vmem>>, vector<16xf32>,
    %swap3A_1165 = arith.constant 36 : i32
    %swap3A_1166 = arith.index_cast %swap3A_1165 : i32 to index
    %swap3A_1167 = arith.constant 48 : index
    %swap3A_1168 = tpu.vector_load %arg17[%swap3A_1166, %swap3A_1167] {strides = array<i32>} : memref<40x128xf32, #tpu.memory_space<vmem>>, vector<16xf32>,
    tpu.vector_store %arg17[%swap3A_1166, %swap3A_1167], %broadcast_in_dim3A_1 {strides = array<i32>} : memref<40x128xf32, #tpu.memory_space<vmem>>, vector<16xf32>,
    %swap3A_1169 = arith.constant 36 : i32
    %swap3A_1170 = arith.index_cast %swap3A_1169 : i32 to index
    %swap3A_1171 = arith.constant 64 : index
    %swap3A_1172 = tpu.vector_load %arg17[%swap3A_1170, %swap3A_1171] {strides = array<i32>} : memref<40x128xf32, #tpu.memory_space<vmem>>, vector<16xf32>,
    tpu.vector_store %arg17[%swap3A_1170, %swap3A_1171], %broadcast_in_dim3A_1 {strides = array<i32>} : memref<40x128xf32, #tpu.memory_space<vmem>>, vector<16xf32>,
    %swap3A_1173 = arith.constant 36 : i32
    %swap3A_1174 = arith.index_cast %swap3A_1173 : i32 to index
    %swap3A_1175 = arith.constant 80 : index
    %swap3A_1176 = tpu.vector_load %arg17[%swap3A_1174, %swap3A_1175] {strides = array<i32>} : memref<40x128xf32, #tpu.memory_space<vmem>>, vector<16xf32>,
    tpu.vector_store %arg17[%swap3A_1174, %swap3A_1175], %broadcast_in_dim3A_1 {strides = array<i32>} : memref<40x128xf32, #tpu.memory_space<vmem>>, vector<16xf32>,
    %swap3A_1177 = arith.constant 36 : i32
    %swap3A_1178 = arith.index_cast %swap3A_1177 : i32 to index
    %swap3A_1179 = arith.constant 96 : index
    %swap3A_1180 = tpu.vector_load %arg17[%swap3A_1178, %swap3A_1179] {strides = array<i32>} : memref<40x128xf32, #tpu.memory_space<vmem>>, vector<16xf32>,
    tpu.vector_store %arg17[%swap3A_1178, %swap3A_1179], %broadcast_in_dim3A_1 {strides = array<i32>} : memref<40x128xf32, #tpu.memory_space<vmem>>, vector<16xf32>,
    %swap3A_1181 = arith.constant 36 : i32
    %swap3A_1182 = arith.index_cast %swap3A_1181 : i32 to index
    %swap3A_1183 = arith.constant 112 : index
    %swap3A_1184 = tpu.vector_load %arg17[%swap3A_1182, %swap3A_1183] {strides = array<i32>} : memref<40x128xf32, #tpu.memory_space<vmem>>, vector<16xf32>,
    tpu.vector_store %arg17[%swap3A_1182, %swap3A_1183], %broadcast_in_dim3A_1 {strides = array<i32>} : memref<40x128xf32, #tpu.memory_space<vmem>>, vector<16xf32>,
    %swap3A_1185 = arith.constant 37 : i32
    %swap3A_1186 = arith.index_cast %swap3A_1185 : i32 to index
    %swap3A_1187 = arith.constant 0 : index
    %swap3A_1188 = tpu.vector_load %arg17[%swap3A_1186, %swap3A_1187] {strides = array<i32>} : memref<40x128xf32, #tpu.memory_space<vmem>>, vector<16xf32>,
    tpu.vector_store %arg17[%swap3A_1186, %swap3A_1187], %broadcast_in_dim3A_1 {strides = array<i32>} : memref<40x128xf32, #tpu.memory_space<vmem>>, vector<16xf32>,
    %swap3A_1189 = arith.constant 37 : i32
    %swap3A_1190 = arith.index_cast %swap3A_1189 : i32 to index
    %swap3A_1191 = arith.constant 16 : index
    %swap3A_1192 = tpu.vector_load %arg17[%swap3A_1190, %swap3A_1191] {strides = array<i32>} : memref<40x128xf32, #tpu.memory_space<vmem>>, vector<16xf32>,
    tpu.vector_store %arg17[%swap3A_1190, %swap3A_1191], %broadcast_in_dim3A_1 {strides = array<i32>} : memref<40x128xf32, #tpu.memory_space<vmem>>, vector<16xf32>,
    %swap3A_1193 = arith.constant 37 : i32
    %swap3A_1194 = arith.index_cast %swap3A_1193 : i32 to index
    %swap3A_1195 = arith.constant 32 : index
    %swap3A_1196 = tpu.vector_load %arg17[%swap3A_1194, %swap3A_1195] {strides = array<i32>} : memref<40x128xf32, #tpu.memory_space<vmem>>, vector<16xf32>,
    tpu.vector_store %arg17[%swap3A_1194, %swap3A_1195], %broadcast_in_dim3A_1 {strides = array<i32>} : memref<40x128xf32, #tpu.memory_space<vmem>>, vector<16xf32>,
    %swap3A_1197 = arith.constant 37 : i32
    %swap3A_1198 = arith.index_cast %swap3A_1197 : i32 to index
    %swap3A_1199 = arith.constant 48 : index
    %swap3A_1200 = tpu.vector_load %arg17[%swap3A_1198, %swap3A_1199] {strides = array<i32>} : memref<40x128xf32, #tpu.memory_space<vmem>>, vector<16xf32>,
    tpu.vector_store %arg17[%swap3A_1198, %swap3A_1199], %broadcast_in_dim3A_1 {strides = array<i32>} : memref<40x128xf32, #tpu.memory_space<vmem>>, vector<16xf32>,
    %swap3A_1201 = arith.constant 37 : i32
    %swap3A_1202 = arith.index_cast %swap3A_1201 : i32 to index
    %swap3A_1203 = arith.constant 64 : index
    %swap3A_1204 = tpu.vector_load %arg17[%swap3A_1202, %swap3A_1203] {strides = array<i32>} : memref<40x128xf32, #tpu.memory_space<vmem>>, vector<16xf32>,
    tpu.vector_store %arg17[%swap3A_1202, %swap3A_1203], %broadcast_in_dim3A_1 {strides = array<i32>} : memref<40x128xf32, #tpu.memory_space<vmem>>, vector<16xf32>,
    %swap3A_1205 = arith.constant 37 : i32
    %swap3A_1206 = arith.index_cast %swap3A_1205 : i32 to index
    %swap3A_1207 = arith.constant 80 : index
    %swap3A_1208 = tpu.vector_load %arg17[%swap3A_1206, %swap3A_1207] {strides = array<i32>} : memref<40x128xf32, #tpu.memory_space<vmem>>, vector<16xf32>,
    tpu.vector_store %arg17[%swap3A_1206, %swap3A_1207], %broadcast_in_dim3A_1 {strides = array<i32>} : memref<40x128xf32, #tpu.memory_space<vmem>>, vector<16xf32>,
    %swap3A_1209 = arith.constant 37 : i32
    %swap3A_1210 = arith.index_cast %swap3A_1209 : i32 to index
    %swap3A_1211 = arith.constant 96 : index
    %swap3A_1212 = tpu.vector_load %arg17[%swap3A_1210, %swap3A_1211] {strides = array<i32>} : memref<40x128xf32, #tpu.memory_space<vmem>>, vector<16xf32>,
    tpu.vector_store %arg17[%swap3A_1210, %swap3A_1211], %broadcast_in_dim3A_1 {strides = array<i32>} : memref<40x128xf32, #tpu.memory_space<vmem>>, vector<16xf32>,
    %swap3A_1213 = arith.constant 37 : i32
    %swap3A_1214 = arith.index_cast %swap3A_1213 : i32 to index
    %swap3A_1215 = arith.constant 112 : index
    %swap3A_1216 = tpu.vector_load %arg17[%swap3A_1214, %swap3A_1215] {strides = array<i32>} : memref<40x128xf32, #tpu.memory_space<vmem>>, vector<16xf32>,
    tpu.vector_store %arg17[%swap3A_1214, %swap3A_1215], %broadcast_in_dim3A_1 {strides = array<i32>} : memref<40x128xf32, #tpu.memory_space<vmem>>, vector<16xf32>,
    %swap3A_1217 = arith.constant 38 : i32
    %swap3A_1218 = arith.index_cast %swap3A_1217 : i32 to index
    %swap3A_1219 = arith.constant 0 : index
    %swap3A_1220 = tpu.vector_load %arg17[%swap3A_1218, %swap3A_1219] {strides = array<i32>} : memref<40x128xf32, #tpu.memory_space<vmem>>, vector<16xf32>,
    tpu.vector_store %arg17[%swap3A_1218, %swap3A_1219], %broadcast_in_dim3A_1 {strides = array<i32>} : memref<40x128xf32, #tpu.memory_space<vmem>>, vector<16xf32>,
    %swap3A_1221 = arith.constant 38 : i32
    %swap3A_1222 = arith.index_cast %swap3A_1221 : i32 to index
    %swap3A_1223 = arith.constant 16 : index
    %swap3A_1224 = tpu.vector_load %arg17[%swap3A_1222, %swap3A_1223] {strides = array<i32>} : memref<40x128xf32, #tpu.memory_space<vmem>>, vector<16xf32>,
    tpu.vector_store %arg17[%swap3A_1222, %swap3A_1223], %broadcast_in_dim3A_1 {strides = array<i32>} : memref<40x128xf32, #tpu.memory_space<vmem>>, vector<16xf32>,
    %swap3A_1225 = arith.constant 38 : i32
    %swap3A_1226 = arith.index_cast %swap3A_1225 : i32 to index
    %swap3A_1227 = arith.constant 32 : index
    %swap3A_1228 = tpu.vector_load %arg17[%swap3A_1226, %swap3A_1227] {strides = array<i32>} : memref<40x128xf32, #tpu.memory_space<vmem>>, vector<16xf32>,
    tpu.vector_store %arg17[%swap3A_1226, %swap3A_1227], %broadcast_in_dim3A_1 {strides = array<i32>} : memref<40x128xf32, #tpu.memory_space<vmem>>, vector<16xf32>,
    %swap3A_1229 = arith.constant 38 : i32
    %swap3A_1230 = arith.index_cast %swap3A_1229 : i32 to index
    %swap3A_1231 = arith.constant 48 : index
    %swap3A_1232 = tpu.vector_load %arg17[%swap3A_1230, %swap3A_1231] {strides = array<i32>} : memref<40x128xf32, #tpu.memory_space<vmem>>, vector<16xf32>,
    tpu.vector_store %arg17[%swap3A_1230, %swap3A_1231], %broadcast_in_dim3A_1 {strides = array<i32>} : memref<40x128xf32, #tpu.memory_space<vmem>>, vector<16xf32>,
    %swap3A_1233 = arith.constant 38 : i32
    %swap3A_1234 = arith.index_cast %swap3A_1233 : i32 to index
    %swap3A_1235 = arith.constant 64 : index
    %swap3A_1236 = tpu.vector_load %arg17[%swap3A_1234, %swap3A_1235] {strides = array<i32>} : memref<40x128xf32, #tpu.memory_space<vmem>>, vector<16xf32>,
    tpu.vector_store %arg17[%swap3A_1234, %swap3A_1235], %broadcast_in_dim3A_1 {strides = array<i32>} : memref<40x128xf32, #tpu.memory_space<vmem>>, vector<16xf32>,
    %swap3A_1237 = arith.constant 38 : i32
    %swap3A_1238 = arith.index_cast %swap3A_1237 : i32 to index
    %swap3A_1239 = arith.constant 80 : index
    %swap3A_1240 = tpu.vector_load %arg17[%swap3A_1238, %swap3A_1239] {strides = array<i32>} : memref<40x128xf32, #tpu.memory_space<vmem>>, vector<16xf32>,
    tpu.vector_store %arg17[%swap3A_1238, %swap3A_1239], %broadcast_in_dim3A_1 {strides = array<i32>} : memref<40x128xf32, #tpu.memory_space<vmem>>, vector<16xf32>,
    %swap3A_1241 = arith.constant 38 : i32
    %swap3A_1242 = arith.index_cast %swap3A_1241 : i32 to index
    %swap3A_1243 = arith.constant 96 : index
    %swap3A_1244 = tpu.vector_load %arg17[%swap3A_1242, %swap3A_1243] {strides = array<i32>} : memref<40x128xf32, #tpu.memory_space<vmem>>, vector<16xf32>,
    tpu.vector_store %arg17[%swap3A_1242, %swap3A_1243], %broadcast_in_dim3A_1 {strides = array<i32>} : memref<40x128xf32, #tpu.memory_space<vmem>>, vector<16xf32>,
    %swap3A_1245 = arith.constant 38 : i32
    %swap3A_1246 = arith.index_cast %swap3A_1245 : i32 to index
    %swap3A_1247 = arith.constant 112 : index
    %swap3A_1248 = tpu.vector_load %arg17[%swap3A_1246, %swap3A_1247] {strides = array<i32>} : memref<40x128xf32, #tpu.memory_space<vmem>>, vector<16xf32>,
    tpu.vector_store %arg17[%swap3A_1246, %swap3A_1247], %broadcast_in_dim3A_1 {strides = array<i32>} : memref<40x128xf32, #tpu.memory_space<vmem>>, vector<16xf32>,
    %swap3A_1249 = arith.constant 39 : i32
    %swap3A_1250 = arith.index_cast %swap3A_1249 : i32 to index
    %swap3A_1251 = arith.constant 0 : index
    %swap3A_1252 = tpu.vector_load %arg17[%swap3A_1250, %swap3A_1251] {strides = array<i32>} : memref<40x128xf32, #tpu.memory_space<vmem>>, vector<16xf32>,
    tpu.vector_store %arg17[%swap3A_1250, %swap3A_1251], %broadcast_in_dim3A_1 {strides = array<i32>} : memref<40x128xf32, #tpu.memory_space<vmem>>, vector<16xf32>,
    %swap3A_1253 = arith.constant 39 : i32
    %swap3A_1254 = arith.index_cast %swap3A_1253 : i32 to index
    %swap3A_1255 = arith.constant 16 : index
    %swap3A_1256 = tpu.vector_load %arg17[%swap3A_1254, %swap3A_1255] {strides = array<i32>} : memref<40x128xf32, #tpu.memory_space<vmem>>, vector<16xf32>,
    tpu.vector_store %arg17[%swap3A_1254, %swap3A_1255], %broadcast_in_dim3A_1 {strides = array<i32>} : memref<40x128xf32, #tpu.memory_space<vmem>>, vector<16xf32>,
    %swap3A_1257 = arith.constant 39 : i32
    %swap3A_1258 = arith.index_cast %swap3A_1257 : i32 to index
    %swap3A_1259 = arith.constant 32 : index
    %swap3A_1260 = tpu.vector_load %arg17[%swap3A_1258, %swap3A_1259] {strides = array<i32>} : memref<40x128xf32, #tpu.memory_space<vmem>>, vector<16xf32>,
    tpu.vector_store %arg17[%swap3A_1258, %swap3A_1259], %broadcast_in_dim3A_1 {strides = array<i32>} : memref<40x128xf32, #tpu.memory_space<vmem>>, vector<16xf32>,
    %swap3A_1261 = arith.constant 39 : i32
    %swap3A_1262 = arith.index_cast %swap3A_1261 : i32 to index
    %swap3A_1263 = arith.constant 48 : index
    %swap3A_1264 = tpu.vector_load %arg17[%swap3A_1262, %swap3A_1263] {strides = array<i32>} : memref<40x128xf32, #tpu.memory_space<vmem>>, vector<16xf32>,
    tpu.vector_store %arg17[%swap3A_1262, %swap3A_1263], %broadcast_in_dim3A_1 {strides = array<i32>} : memref<40x128xf32, #tpu.memory_space<vmem>>, vector<16xf32>,
    %swap3A_1265 = arith.constant 39 : i32
    %swap3A_1266 = arith.index_cast %swap3A_1265 : i32 to index
    %swap3A_1267 = arith.constant 64 : index
    %swap3A_1268 = tpu.vector_load %arg17[%swap3A_1266, %swap3A_1267] {strides = array<i32>} : memref<40x128xf32, #tpu.memory_space<vmem>>, vector<16xf32>,
    tpu.vector_store %arg17[%swap3A_1266, %swap3A_1267], %broadcast_in_dim3A_1 {strides = array<i32>} : memref<40x128xf32, #tpu.memory_space<vmem>>, vector<16xf32>,
    %swap3A_1269 = arith.constant 39 : i32
    %swap3A_1270 = arith.index_cast %swap3A_1269 : i32 to index
    %swap3A_1271 = arith.constant 80 : index
    %swap3A_1272 = tpu.vector_load %arg17[%swap3A_1270, %swap3A_1271] {strides = array<i32>} : memref<40x128xf32, #tpu.memory_space<vmem>>, vector<16xf32>,
    tpu.vector_store %arg17[%swap3A_1270, %swap3A_1271], %broadcast_in_dim3A_1 {strides = array<i32>} : memref<40x128xf32, #tpu.memory_space<vmem>>, vector<16xf32>,
    %swap3A_1273 = arith.constant 39 : i32
    %swap3A_1274 = arith.index_cast %swap3A_1273 : i32 to index
    %swap3A_1275 = arith.constant 96 : index
    %swap3A_1276 = tpu.vector_load %arg17[%swap3A_1274, %swap3A_1275] {strides = array<i32>} : memref<40x128xf32, #tpu.memory_space<vmem>>, vector<16xf32>,
    tpu.vector_store %arg17[%swap3A_1274, %swap3A_1275], %broadcast_in_dim3A_1 {strides = array<i32>} : memref<40x128xf32, #tpu.memory_space<vmem>>, vector<16xf32>,
    %swap3A_1277 = arith.constant 39 : i32
    %swap3A_1278 = arith.index_cast %swap3A_1277 : i32 to index
    %swap3A_1279 = arith.constant 112 : index
    %swap3A_1280 = tpu.vector_load %arg17[%swap3A_1278, %swap3A_1279] {strides = array<i32>} : memref<40x128xf32, #tpu.memory_space<vmem>>, vector<16xf32>,
    tpu.vector_store %arg17[%swap3A_1278, %swap3A_1279], %broadcast_in_dim3A_1 {strides = array<i32>} : memref<40x128xf32, #tpu.memory_space<vmem>>, vector<16xf32>,
    %lt3A = arith.constant 10 : i32
    %lt3A_1281 = arith.cmpi slt, %arg1, %lt3A : i32
    %convert_element_type3A = arith.extui %lt3A_1281 : i1 to i32
    %cond3A = arith.constant 0 : i32
    %cond3A_1282 = arith.cmpi ne, %convert_element_type3A, %cond3A : i32
    scf.if %cond3A_1282 {
      %mul3A_1295 = arith.constant 1000 : i32
      %mul3A_1296 = arith.muli %arg1, %mul3A_1295 : i32
      %add3A_1297 = arith.constant 0 : i32
      %add3A_1298 = arith.addi %mul3A_1296, %add3A_1297 : i32
      "tpu.region"() ({
        %run_scoped3A = tpu.sem_alloc : memref<!tpu.dma_semaphore, #tpu.memory_space<semaphore_mem>>
        %dma_start3A = arith.constant 0 : i32
        %dma_start3A_1395 = tpu.memref_slice %arg18[%add3A_1298, %dma_start3A] : memref<10000x128xf32, #tpu.memory_space<vmem_shared>> -> memref<40x128xf32, #tpu.memory_space<vmem_shared>>
        %dma_start3A_1396 = arith.constant 0 : i32
        %dma_start3A_1397 = tpu.memref_slice %arg18[%add3A_1298, %dma_start3A_1396] : memref<10000x128xf32, #tpu.memory_space<vmem_shared>> -> memref<40x128xf32, #tpu.memory_space<vmem_shared>>
        tpu.enqueue_dma source(%arg17 : memref<40x128xf32, #tpu.memory_space<vmem>>) target(%dma_start3A_1397 : memref<40x128xf32, #tpu.memory_space<vmem_shared>>) target_semaphore(%run_scoped3A : memref<!tpu.dma_semaphore, #tpu.memory_space<semaphore_mem>>)
        %dma_wait3A = arith.constant 0 : i32
        %dma_wait3A_1398 = tpu.memref_slice %arg18[%add3A_1298, %dma_wait3A] : memref<10000x128xf32, #tpu.memory_space<vmem_shared>> -> memref<40x128xf32, #tpu.memory_space<vmem_shared>>
        %dma_wait3A_1399 = arith.constant 0 : i32
        %dma_wait3A_1400 = tpu.memref_slice %arg18[%add3A_1298, %dma_wait3A_1399] : memref<10000x128xf32, #tpu.memory_space<vmem_shared>> -> memref<40x128xf32, #tpu.memory_space<vmem_shared>>
        tpu.wait_dma2 semaphore(%run_scoped3A : memref<!tpu.dma_semaphore, #tpu.memory_space<semaphore_mem>>) src(%arg17 : memref<40x128xf32, #tpu.memory_space<vmem>>) dst(%dma_wait3A_1400 : memref<40x128xf32, #tpu.memory_space<vmem_shared>>)
        tpu.yield
      }) : () -> ()
      %mul3A_1299 = arith.constant 1000 : i32
      %mul3A_1300 = arith.muli %arg1, %mul3A_1299 : i32
      %add3A_1301 = arith.constant 40 : i32
      %add3A_1302 = arith.addi %mul3A_1300, %add3A_1301 : i32
      "tpu.region"() ({
        %run_scoped3A = tpu.sem_alloc : memref<!tpu.dma_semaphore, #tpu.memory_space<semaphore_mem>>
        %dma_start3A = arith.constant 0 : i32
        %dma_start3A_1395 = tpu.memref_slice %arg18[%add3A_1302, %dma_start3A] : memref<10000x128xf32, #tpu.memory_space<vmem_shared>> -> memref<40x128xf32, #tpu.memory_space<vmem_shared>>
        %dma_start3A_1396 = arith.constant 0 : i32
        %dma_start3A_1397 = tpu.memref_slice %arg18[%add3A_1302, %dma_start3A_1396] : memref<10000x128xf32, #tpu.memory_space<vmem_shared>> -> memref<40x128xf32, #tpu.memory_space<vmem_shared>>
        tpu.enqueue_dma source(%arg17 : memref<40x128xf32, #tpu.memory_space<vmem>>) target(%dma_start3A_1397 : memref<40x128xf32, #tpu.memory_space<vmem_shared>>) target_semaphore(%run_scoped3A : memref<!tpu.dma_semaphore, #tpu.memory_space<semaphore_mem>>)
        %dma_wait3A = arith.constant 0 : i32
        %dma_wait3A_1398 = tpu.memref_slice %arg18[%add3A_1302, %dma_wait3A] : memref<10000x128xf32, #tpu.memory_space<vmem_shared>> -> memref<40x128xf32, #tpu.memory_space<vmem_shared>>
        %dma_wait3A_1399 = arith.constant 0 : i32
        %dma_wait3A_1400 = tpu.memref_slice %arg18[%add3A_1302, %dma_wait3A_1399] : memref<10000x128xf32, #tpu.memory_space<vmem_shared>> -> memref<40x128xf32, #tpu.memory_space<vmem_shared>>
        tpu.wait_dma2 semaphore(%run_scoped3A : memref<!tpu.dma_semaphore, #tpu.memory_space<semaphore_mem>>) src(%arg17 : memref<40x128xf32, #tpu.memory_space<vmem>>) dst(%dma_wait3A_1400 : memref<40x128xf32, #tpu.memory_space<vmem_shared>>)
        tpu.yield
      }) : () -> ()
      %mul3A_1303 = arith.constant 1000 : i32
      %mul3A_1304 = arith.muli %arg1, %mul3A_1303 : i32
      %add3A_1305 = arith.constant 80 : i32
      %add3A_1306 = arith.addi %mul3A_1304, %add3A_1305 : i32
      "tpu.region"() ({
        %run_scoped3A = tpu.sem_alloc : memref<!tpu.dma_semaphore, #tpu.memory_space<semaphore_mem>>
        %dma_start3A = arith.constant 0 : i32
        %dma_start3A_1395 = tpu.memref_slice %arg18[%add3A_1306, %dma_start3A] : memref<10000x128xf32, #tpu.memory_space<vmem_shared>> -> memref<40x128xf32, #tpu.memory_space<vmem_shared>>
        %dma_start3A_1396 = arith.constant 0 : i32
        %dma_start3A_1397 = tpu.memref_slice %arg18[%add3A_1306, %dma_start3A_1396] : memref<10000x128xf32, #tpu.memory_space<vmem_shared>> -> memref<40x128xf32, #tpu.memory_space<vmem_shared>>
        tpu.enqueue_dma source(%arg17 : memref<40x128xf32, #tpu.memory_space<vmem>>) target(%dma_start3A_1397 : memref<40x128xf32, #tpu.memory_space<vmem_shared>>) target_semaphore(%run_scoped3A : memref<!tpu.dma_semaphore, #tpu.memory_space<semaphore_mem>>)
        %dma_wait3A = arith.constant 0 : i32
        %dma_wait3A_1398 = tpu.memref_slice %arg18[%add3A_1306, %dma_wait3A] : memref<10000x128xf32, #tpu.memory_space<vmem_shared>> -> memref<40x128xf32, #tpu.memory_space<vmem_shared>>
        %dma_wait3A_1399 = arith.constant 0 : i32
        %dma_wait3A_1400 = tpu.memref_slice %arg18[%add3A_1306, %dma_wait3A_1399] : memref<10000x128xf32, #tpu.memory_space<vmem_shared>> -> memref<40x128xf32, #tpu.memory_space<vmem_shared>>
        tpu.wait_dma2 semaphore(%run_scoped3A : memref<!tpu.dma_semaphore, #tpu.memory_space<semaphore_mem>>) src(%arg17 : memref<40x128xf32, #tpu.memory_space<vmem>>) dst(%dma_wait3A_1400 : memref<40x128xf32, #tpu.memory_space<vmem_shared>>)
        tpu.yield
      }) : () -> ()
      %mul3A_1307 = arith.constant 1000 : i32
      %mul3A_1308 = arith.muli %arg1, %mul3A_1307 : i32
      %add3A_1309 = arith.constant 120 : i32
      %add3A_1310 = arith.addi %mul3A_1308, %add3A_1309 : i32
      "tpu.region"() ({
        %run_scoped3A = tpu.sem_alloc : memref<!tpu.dma_semaphore, #tpu.memory_space<semaphore_mem>>
        %dma_start3A = arith.constant 0 : i32
        %dma_start3A_1395 = tpu.memref_slice %arg18[%add3A_1310, %dma_start3A] : memref<10000x128xf32, #tpu.memory_space<vmem_shared>> -> memref<40x128xf32, #tpu.memory_space<vmem_shared>>
        %dma_start3A_1396 = arith.constant 0 : i32
        %dma_start3A_1397 = tpu.memref_slice %arg18[%add3A_1310, %dma_start3A_1396] : memref<10000x128xf32, #tpu.memory_space<vmem_shared>> -> memref<40x128xf32, #tpu.memory_space<vmem_shared>>
        tpu.enqueue_dma source(%arg17 : memref<40x128xf32, #tpu.memory_space<vmem>>) target(%dma_start3A_1397 : memref<40x128xf32, #tpu.memory_space<vmem_shared>>) target_semaphore(%run_scoped3A : memref<!tpu.dma_semaphore, #tpu.memory_space<semaphore_mem>>)
        %dma_wait3A = arith.constant 0 : i32
        %dma_wait3A_1398 = tpu.memref_slice %arg18[%add3A_1310, %dma_wait3A] : memref<10000x128xf32, #tpu.memory_space<vmem_shared>> -> memref<40x128xf32, #tpu.memory_space<vmem_shared>>
        %dma_wait3A_1399 = arith.constant 0 : i32
        %dma_wait3A_1400 = tpu.memref_slice %arg18[%add3A_1310, %dma_wait3A_1399] : memref<10000x128xf32, #tpu.memory_space<vmem_shared>> -> memref<40x128xf32, #tpu.memory_space<vmem_shared>>
        tpu.wait_dma2 semaphore(%run_scoped3A : memref<!tpu.dma_semaphore, #tpu.memory_space<semaphore_mem>>) src(%arg17 : memref<40x128xf32, #tpu.memory_space<vmem>>) dst(%dma_wait3A_1400 : memref<40x128xf32, #tpu.memory_space<vmem_shared>>)
        tpu.yield
      }) : () -> ()
      %mul3A_1311 = arith.constant 1000 : i32
      %mul3A_1312 = arith.muli %arg1, %mul3A_1311 : i32
      %add3A_1313 = arith.constant 160 : i32
      %add3A_1314 = arith.addi %mul3A_1312, %add3A_1313 : i32
      "tpu.region"() ({
        %run_scoped3A = tpu.sem_alloc : memref<!tpu.dma_semaphore, #tpu.memory_space<semaphore_mem>>
        %dma_start3A = arith.constant 0 : i32
        %dma_start3A_1395 = tpu.memref_slice %arg18[%add3A_1314, %dma_start3A] : memref<10000x128xf32, #tpu.memory_space<vmem_shared>> -> memref<40x128xf32, #tpu.memory_space<vmem_shared>>
        %dma_start3A_1396 = arith.constant 0 : i32
        %dma_start3A_1397 = tpu.memref_slice %arg18[%add3A_1314, %dma_start3A_1396] : memref<10000x128xf32, #tpu.memory_space<vmem_shared>> -> memref<40x128xf32, #tpu.memory_space<vmem_shared>>
        tpu.enqueue_dma source(%arg17 : memref<40x128xf32, #tpu.memory_space<vmem>>) target(%dma_start3A_1397 : memref<40x128xf32, #tpu.memory_space<vmem_shared>>) target_semaphore(%run_scoped3A : memref<!tpu.dma_semaphore, #tpu.memory_space<semaphore_mem>>)
        %dma_wait3A = arith.constant 0 : i32
        %dma_wait3A_1398 = tpu.memref_slice %arg18[%add3A_1314, %dma_wait3A] : memref<10000x128xf32, #tpu.memory_space<vmem_shared>> -> memref<40x128xf32, #tpu.memory_space<vmem_shared>>
        %dma_wait3A_1399 = arith.constant 0 : i32
        %dma_wait3A_1400 = tpu.memref_slice %arg18[%add3A_1314, %dma_wait3A_1399] : memref<10000x128xf32, #tpu.memory_space<vmem_shared>> -> memref<40x128xf32, #tpu.memory_space<vmem_shared>>
        tpu.wait_dma2 semaphore(%run_scoped3A : memref<!tpu.dma_semaphore, #tpu.memory_space<semaphore_mem>>) src(%arg17 : memref<40x128xf32, #tpu.memory_space<vmem>>) dst(%dma_wait3A_1400 : memref<40x128xf32, #tpu.memory_space<vmem_shared>>)
        tpu.yield
      }) : () -> ()
      %mul3A_1315 = arith.constant 1000 : i32
      %mul3A_1316 = arith.muli %arg1, %mul3A_1315 : i32
      %add3A_1317 = arith.constant 200 : i32
      %add3A_1318 = arith.addi %mul3A_1316, %add3A_1317 : i32
      "tpu.region"() ({
        %run_scoped3A = tpu.sem_alloc : memref<!tpu.dma_semaphore, #tpu.memory_space<semaphore_mem>>
        %dma_start3A = arith.constant 0 : i32
        %dma_start3A_1395 = tpu.memref_slice %arg18[%add3A_1318, %dma_start3A] : memref<10000x128xf32, #tpu.memory_space<vmem_shared>> -> memref<40x128xf32, #tpu.memory_space<vmem_shared>>
        %dma_start3A_1396 = arith.constant 0 : i32
        %dma_start3A_1397 = tpu.memref_slice %arg18[%add3A_1318, %dma_start3A_1396] : memref<10000x128xf32, #tpu.memory_space<vmem_shared>> -> memref<40x128xf32, #tpu.memory_space<vmem_shared>>
        tpu.enqueue_dma source(%arg17 : memref<40x128xf32, #tpu.memory_space<vmem>>) target(%dma_start3A_1397 : memref<40x128xf32, #tpu.memory_space<vmem_shared>>) target_semaphore(%run_scoped3A : memref<!tpu.dma_semaphore, #tpu.memory_space<semaphore_mem>>)
        %dma_wait3A = arith.constant 0 : i32
        %dma_wait3A_1398 = tpu.memref_slice %arg18[%add3A_1318, %dma_wait3A] : memref<10000x128xf32, #tpu.memory_space<vmem_shared>> -> memref<40x128xf32, #tpu.memory_space<vmem_shared>>
        %dma_wait3A_1399 = arith.constant 0 : i32
        %dma_wait3A_1400 = tpu.memref_slice %arg18[%add3A_1318, %dma_wait3A_1399] : memref<10000x128xf32, #tpu.memory_space<vmem_shared>> -> memref<40x128xf32, #tpu.memory_space<vmem_shared>>
        tpu.wait_dma2 semaphore(%run_scoped3A : memref<!tpu.dma_semaphore, #tpu.memory_space<semaphore_mem>>) src(%arg17 : memref<40x128xf32, #tpu.memory_space<vmem>>) dst(%dma_wait3A_1400 : memref<40x128xf32, #tpu.memory_space<vmem_shared>>)
        tpu.yield
      }) : () -> ()
      %mul3A_1319 = arith.constant 1000 : i32
      %mul3A_1320 = arith.muli %arg1, %mul3A_1319 : i32
      %add3A_1321 = arith.constant 240 : i32
      %add3A_1322 = arith.addi %mul3A_1320, %add3A_1321 : i32
      "tpu.region"() ({
        %run_scoped3A = tpu.sem_alloc : memref<!tpu.dma_semaphore, #tpu.memory_space<semaphore_mem>>
        %dma_start3A = arith.constant 0 : i32
        %dma_start3A_1395 = tpu.memref_slice %arg18[%add3A_1322, %dma_start3A] : memref<10000x128xf32, #tpu.memory_space<vmem_shared>> -> memref<40x128xf32, #tpu.memory_space<vmem_shared>>
        %dma_start3A_1396 = arith.constant 0 : i32
        %dma_start3A_1397 = tpu.memref_slice %arg18[%add3A_1322, %dma_start3A_1396] : memref<10000x128xf32, #tpu.memory_space<vmem_shared>> -> memref<40x128xf32, #tpu.memory_space<vmem_shared>>
        tpu.enqueue_dma source(%arg17 : memref<40x128xf32, #tpu.memory_space<vmem>>) target(%dma_start3A_1397 : memref<40x128xf32, #tpu.memory_space<vmem_shared>>) target_semaphore(%run_scoped3A : memref<!tpu.dma_semaphore, #tpu.memory_space<semaphore_mem>>)
        %dma_wait3A = arith.constant 0 : i32
        %dma_wait3A_1398 = tpu.memref_slice %arg18[%add3A_1322, %dma_wait3A] : memref<10000x128xf32, #tpu.memory_space<vmem_shared>> -> memref<40x128xf32, #tpu.memory_space<vmem_shared>>
        %dma_wait3A_1399 = arith.constant 0 : i32
        %dma_wait3A_1400 = tpu.memref_slice %arg18[%add3A_1322, %dma_wait3A_1399] : memref<10000x128xf32, #tpu.memory_space<vmem_shared>> -> memref<40x128xf32, #tpu.memory_space<vmem_shared>>
        tpu.wait_dma2 semaphore(%run_scoped3A : memref<!tpu.dma_semaphore, #tpu.memory_space<semaphore_mem>>) src(%arg17 : memref<40x128xf32, #tpu.memory_space<vmem>>) dst(%dma_wait3A_1400 : memref<40x128xf32, #tpu.memory_space<vmem_shared>>)
        tpu.yield
      }) : () -> ()
      %mul3A_1323 = arith.constant 1000 : i32
      %mul3A_1324 = arith.muli %arg1, %mul3A_1323 : i32
      %add3A_1325 = arith.constant 280 : i32
      %add3A_1326 = arith.addi %mul3A_1324, %add3A_1325 : i32
      "tpu.region"() ({
        %run_scoped3A = tpu.sem_alloc : memref<!tpu.dma_semaphore, #tpu.memory_space<semaphore_mem>>
        %dma_start3A = arith.constant 0 : i32
        %dma_start3A_1395 = tpu.memref_slice %arg18[%add3A_1326, %dma_start3A] : memref<10000x128xf32, #tpu.memory_space<vmem_shared>> -> memref<40x128xf32, #tpu.memory_space<vmem_shared>>
        %dma_start3A_1396 = arith.constant 0 : i32
        %dma_start3A_1397 = tpu.memref_slice %arg18[%add3A_1326, %dma_start3A_1396] : memref<10000x128xf32, #tpu.memory_space<vmem_shared>> -> memref<40x128xf32, #tpu.memory_space<vmem_shared>>
        tpu.enqueue_dma source(%arg17 : memref<40x128xf32, #tpu.memory_space<vmem>>) target(%dma_start3A_1397 : memref<40x128xf32, #tpu.memory_space<vmem_shared>>) target_semaphore(%run_scoped3A : memref<!tpu.dma_semaphore, #tpu.memory_space<semaphore_mem>>)
        %dma_wait3A = arith.constant 0 : i32
        %dma_wait3A_1398 = tpu.memref_slice %arg18[%add3A_1326, %dma_wait3A] : memref<10000x128xf32, #tpu.memory_space<vmem_shared>> -> memref<40x128xf32, #tpu.memory_space<vmem_shared>>
        %dma_wait3A_1399 = arith.constant 0 : i32
        %dma_wait3A_1400 = tpu.memref_slice %arg18[%add3A_1326, %dma_wait3A_1399] : memref<10000x128xf32, #tpu.memory_space<vmem_shared>> -> memref<40x128xf32, #tpu.memory_space<vmem_shared>>
        tpu.wait_dma2 semaphore(%run_scoped3A : memref<!tpu.dma_semaphore, #tpu.memory_space<semaphore_mem>>) src(%arg17 : memref<40x128xf32, #tpu.memory_space<vmem>>) dst(%dma_wait3A_1400 : memref<40x128xf32, #tpu.memory_space<vmem_shared>>)
        tpu.yield
      }) : () -> ()
      %mul3A_1327 = arith.constant 1000 : i32
      %mul3A_1328 = arith.muli %arg1, %mul3A_1327 : i32
      %add3A_1329 = arith.constant 320 : i32
      %add3A_1330 = arith.addi %mul3A_1328, %add3A_1329 : i32
      "tpu.region"() ({
        %run_scoped3A = tpu.sem_alloc : memref<!tpu.dma_semaphore, #tpu.memory_space<semaphore_mem>>
        %dma_start3A = arith.constant 0 : i32
        %dma_start3A_1395 = tpu.memref_slice %arg18[%add3A_1330, %dma_start3A] : memref<10000x128xf32, #tpu.memory_space<vmem_shared>> -> memref<40x128xf32, #tpu.memory_space<vmem_shared>>
        %dma_start3A_1396 = arith.constant 0 : i32
        %dma_start3A_1397 = tpu.memref_slice %arg18[%add3A_1330, %dma_start3A_1396] : memref<10000x128xf32, #tpu.memory_space<vmem_shared>> -> memref<40x128xf32, #tpu.memory_space<vmem_shared>>
        tpu.enqueue_dma source(%arg17 : memref<40x128xf32, #tpu.memory_space<vmem>>) target(%dma_start3A_1397 : memref<40x128xf32, #tpu.memory_space<vmem_shared>>) target_semaphore(%run_scoped3A : memref<!tpu.dma_semaphore, #tpu.memory_space<semaphore_mem>>)
        %dma_wait3A = arith.constant 0 : i32
        %dma_wait3A_1398 = tpu.memref_slice %arg18[%add3A_1330, %dma_wait3A] : memref<10000x128xf32, #tpu.memory_space<vmem_shared>> -> memref<40x128xf32, #tpu.memory_space<vmem_shared>>
        %dma_wait3A_1399 = arith.constant 0 : i32
        %dma_wait3A_1400 = tpu.memref_slice %arg18[%add3A_1330, %dma_wait3A_1399] : memref<10000x128xf32, #tpu.memory_space<vmem_shared>> -> memref<40x128xf32, #tpu.memory_space<vmem_shared>>
        tpu.wait_dma2 semaphore(%run_scoped3A : memref<!tpu.dma_semaphore, #tpu.memory_space<semaphore_mem>>) src(%arg17 : memref<40x128xf32, #tpu.memory_space<vmem>>) dst(%dma_wait3A_1400 : memref<40x128xf32, #tpu.memory_space<vmem_shared>>)
        tpu.yield
      }) : () -> ()
      %mul3A_1331 = arith.constant 1000 : i32
      %mul3A_1332 = arith.muli %arg1, %mul3A_1331 : i32
      %add3A_1333 = arith.constant 360 : i32
      %add3A_1334 = arith.addi %mul3A_1332, %add3A_1333 : i32
      "tpu.region"() ({
        %run_scoped3A = tpu.sem_alloc : memref<!tpu.dma_semaphore, #tpu.memory_space<semaphore_mem>>
        %dma_start3A = arith.constant 0 : i32
        %dma_start3A_1395 = tpu.memref_slice %arg18[%add3A_1334, %dma_start3A] : memref<10000x128xf32, #tpu.memory_space<vmem_shared>> -> memref<40x128xf32, #tpu.memory_space<vmem_shared>>
        %dma_start3A_1396 = arith.constant 0 : i32
        %dma_start3A_1397 = tpu.memref_slice %arg18[%add3A_1334, %dma_start3A_1396] : memref<10000x128xf32, #tpu.memory_space<vmem_shared>> -> memref<40x128xf32, #tpu.memory_space<vmem_shared>>
        tpu.enqueue_dma source(%arg17 : memref<40x128xf32, #tpu.memory_space<vmem>>) target(%dma_start3A_1397 : memref<40x128xf32, #tpu.memory_space<vmem_shared>>) target_semaphore(%run_scoped3A : memref<!tpu.dma_semaphore, #tpu.memory_space<semaphore_mem>>)
        %dma_wait3A = arith.constant 0 : i32
        %dma_wait3A_1398 = tpu.memref_slice %arg18[%add3A_1334, %dma_wait3A] : memref<10000x128xf32, #tpu.memory_space<vmem_shared>> -> memref<40x128xf32, #tpu.memory_space<vmem_shared>>
        %dma_wait3A_1399 = arith.constant 0 : i32
        %dma_wait3A_1400 = tpu.memref_slice %arg18[%add3A_1334, %dma_wait3A_1399] : memref<10000x128xf32, #tpu.memory_space<vmem_shared>> -> memref<40x128xf32, #tpu.memory_space<vmem_shared>>
        tpu.wait_dma2 semaphore(%run_scoped3A : memref<!tpu.dma_semaphore, #tpu.memory_space<semaphore_mem>>) src(%arg17 : memref<40x128xf32, #tpu.memory_space<vmem>>) dst(%dma_wait3A_1400 : memref<40x128xf32, #tpu.memory_space<vmem_shared>>)
        tpu.yield
      }) : () -> ()
      %mul3A_1335 = arith.constant 1000 : i32
      %mul3A_1336 = arith.muli %arg1, %mul3A_1335 : i32
      %add3A_1337 = arith.constant 400 : i32
      %add3A_1338 = arith.addi %mul3A_1336, %add3A_1337 : i32
      "tpu.region"() ({
        %run_scoped3A = tpu.sem_alloc : memref<!tpu.dma_semaphore, #tpu.memory_space<semaphore_mem>>
        %dma_start3A = arith.constant 0 : i32
        %dma_start3A_1395 = tpu.memref_slice %arg18[%add3A_1338, %dma_start3A] : memref<10000x128xf32, #tpu.memory_space<vmem_shared>> -> memref<40x128xf32, #tpu.memory_space<vmem_shared>>
        %dma_start3A_1396 = arith.constant 0 : i32
        %dma_start3A_1397 = tpu.memref_slice %arg18[%add3A_1338, %dma_start3A_1396] : memref<10000x128xf32, #tpu.memory_space<vmem_shared>> -> memref<40x128xf32, #tpu.memory_space<vmem_shared>>
        tpu.enqueue_dma source(%arg17 : memref<40x128xf32, #tpu.memory_space<vmem>>) target(%dma_start3A_1397 : memref<40x128xf32, #tpu.memory_space<vmem_shared>>) target_semaphore(%run_scoped3A : memref<!tpu.dma_semaphore, #tpu.memory_space<semaphore_mem>>)
        %dma_wait3A = arith.constant 0 : i32
        %dma_wait3A_1398 = tpu.memref_slice %arg18[%add3A_1338, %dma_wait3A] : memref<10000x128xf32, #tpu.memory_space<vmem_shared>> -> memref<40x128xf32, #tpu.memory_space<vmem_shared>>
        %dma_wait3A_1399 = arith.constant 0 : i32
        %dma_wait3A_1400 = tpu.memref_slice %arg18[%add3A_1338, %dma_wait3A_1399] : memref<10000x128xf32, #tpu.memory_space<vmem_shared>> -> memref<40x128xf32, #tpu.memory_space<vmem_shared>>
        tpu.wait_dma2 semaphore(%run_scoped3A : memref<!tpu.dma_semaphore, #tpu.memory_space<semaphore_mem>>) src(%arg17 : memref<40x128xf32, #tpu.memory_space<vmem>>) dst(%dma_wait3A_1400 : memref<40x128xf32, #tpu.memory_space<vmem_shared>>)
        tpu.yield
      }) : () -> ()
      %mul3A_1339 = arith.constant 1000 : i32
      %mul3A_1340 = arith.muli %arg1, %mul3A_1339 : i32
      %add3A_1341 = arith.constant 440 : i32
      %add3A_1342 = arith.addi %mul3A_1340, %add3A_1341 : i32
      "tpu.region"() ({
        %run_scoped3A = tpu.sem_alloc : memref<!tpu.dma_semaphore, #tpu.memory_space<semaphore_mem>>
        %dma_start3A = arith.constant 0 : i32
        %dma_start3A_1395 = tpu.memref_slice %arg18[%add3A_1342, %dma_start3A] : memref<10000x128xf32, #tpu.memory_space<vmem_shared>> -> memref<40x128xf32, #tpu.memory_space<vmem_shared>>
        %dma_start3A_1396 = arith.constant 0 : i32
        %dma_start3A_1397 = tpu.memref_slice %arg18[%add3A_1342, %dma_start3A_1396] : memref<10000x128xf32, #tpu.memory_space<vmem_shared>> -> memref<40x128xf32, #tpu.memory_space<vmem_shared>>
        tpu.enqueue_dma source(%arg17 : memref<40x128xf32, #tpu.memory_space<vmem>>) target(%dma_start3A_1397 : memref<40x128xf32, #tpu.memory_space<vmem_shared>>) target_semaphore(%run_scoped3A : memref<!tpu.dma_semaphore, #tpu.memory_space<semaphore_mem>>)
        %dma_wait3A = arith.constant 0 : i32
        %dma_wait3A_1398 = tpu.memref_slice %arg18[%add3A_1342, %dma_wait3A] : memref<10000x128xf32, #tpu.memory_space<vmem_shared>> -> memref<40x128xf32, #tpu.memory_space<vmem_shared>>
        %dma_wait3A_1399 = arith.constant 0 : i32
        %dma_wait3A_1400 = tpu.memref_slice %arg18[%add3A_1342, %dma_wait3A_1399] : memref<10000x128xf32, #tpu.memory_space<vmem_shared>> -> memref<40x128xf32, #tpu.memory_space<vmem_shared>>
        tpu.wait_dma2 semaphore(%run_scoped3A : memref<!tpu.dma_semaphore, #tpu.memory_space<semaphore_mem>>) src(%arg17 : memref<40x128xf32, #tpu.memory_space<vmem>>) dst(%dma_wait3A_1400 : memref<40x128xf32, #tpu.memory_space<vmem_shared>>)
        tpu.yield
      }) : () -> ()
      %mul3A_1343 = arith.constant 1000 : i32
      %mul3A_1344 = arith.muli %arg1, %mul3A_1343 : i32
      %add3A_1345 = arith.constant 480 : i32
      %add3A_1346 = arith.addi %mul3A_1344, %add3A_1345 : i32
      "tpu.region"() ({
        %run_scoped3A = tpu.sem_alloc : memref<!tpu.dma_semaphore, #tpu.memory_space<semaphore_mem>>
        %dma_start3A = arith.constant 0 : i32
        %dma_start3A_1395 = tpu.memref_slice %arg18[%add3A_1346, %dma_start3A] : memref<10000x128xf32, #tpu.memory_space<vmem_shared>> -> memref<40x128xf32, #tpu.memory_space<vmem_shared>>
        %dma_start3A_1396 = arith.constant 0 : i32
        %dma_start3A_1397 = tpu.memref_slice %arg18[%add3A_1346, %dma_start3A_1396] : memref<10000x128xf32, #tpu.memory_space<vmem_shared>> -> memref<40x128xf32, #tpu.memory_space<vmem_shared>>
        tpu.enqueue_dma source(%arg17 : memref<40x128xf32, #tpu.memory_space<vmem>>) target(%dma_start3A_1397 : memref<40x128xf32, #tpu.memory_space<vmem_shared>>) target_semaphore(%run_scoped3A : memref<!tpu.dma_semaphore, #tpu.memory_space<semaphore_mem>>)
        %dma_wait3A = arith.constant 0 : i32
        %dma_wait3A_1398 = tpu.memref_slice %arg18[%add3A_1346, %dma_wait3A] : memref<10000x128xf32, #tpu.memory_space<vmem_shared>> -> memref<40x128xf32, #tpu.memory_space<vmem_shared>>
        %dma_wait3A_1399 = arith.constant 0 : i32
        %dma_wait3A_1400 = tpu.memref_slice %arg18[%add3A_1346, %dma_wait3A_1399] : memref<10000x128xf32, #tpu.memory_space<vmem_shared>> -> memref<40x128xf32, #tpu.memory_space<vmem_shared>>
        tpu.wait_dma2 semaphore(%run_scoped3A : memref<!tpu.dma_semaphore, #tpu.memory_space<semaphore_mem>>) src(%arg17 : memref<40x128xf32, #tpu.memory_space<vmem>>) dst(%dma_wait3A_1400 : memref<40x128xf32, #tpu.memory_space<vmem_shared>>)
        tpu.yield
      }) : () -> ()
      %mul3A_1347 = arith.constant 1000 : i32
      %mul3A_1348 = arith.muli %arg1, %mul3A_1347 : i32
      %add3A_1349 = arith.constant 520 : i32
      %add3A_1350 = arith.addi %mul3A_1348, %add3A_1349 : i32
      "tpu.region"() ({
        %run_scoped3A = tpu.sem_alloc : memref<!tpu.dma_semaphore, #tpu.memory_space<semaphore_mem>>
        %dma_start3A = arith.constant 0 : i32
        %dma_start3A_1395 = tpu.memref_slice %arg18[%add3A_1350, %dma_start3A] : memref<10000x128xf32, #tpu.memory_space<vmem_shared>> -> memref<40x128xf32, #tpu.memory_space<vmem_shared>>
        %dma_start3A_1396 = arith.constant 0 : i32
        %dma_start3A_1397 = tpu.memref_slice %arg18[%add3A_1350, %dma_start3A_1396] : memref<10000x128xf32, #tpu.memory_space<vmem_shared>> -> memref<40x128xf32, #tpu.memory_space<vmem_shared>>
        tpu.enqueue_dma source(%arg17 : memref<40x128xf32, #tpu.memory_space<vmem>>) target(%dma_start3A_1397 : memref<40x128xf32, #tpu.memory_space<vmem_shared>>) target_semaphore(%run_scoped3A : memref<!tpu.dma_semaphore, #tpu.memory_space<semaphore_mem>>)
        %dma_wait3A = arith.constant 0 : i32
        %dma_wait3A_1398 = tpu.memref_slice %arg18[%add3A_1350, %dma_wait3A] : memref<10000x128xf32, #tpu.memory_space<vmem_shared>> -> memref<40x128xf32, #tpu.memory_space<vmem_shared>>
        %dma_wait3A_1399 = arith.constant 0 : i32
        %dma_wait3A_1400 = tpu.memref_slice %arg18[%add3A_1350, %dma_wait3A_1399] : memref<10000x128xf32, #tpu.memory_space<vmem_shared>> -> memref<40x128xf32, #tpu.memory_space<vmem_shared>>
        tpu.wait_dma2 semaphore(%run_scoped3A : memref<!tpu.dma_semaphore, #tpu.memory_space<semaphore_mem>>) src(%arg17 : memref<40x128xf32, #tpu.memory_space<vmem>>) dst(%dma_wait3A_1400 : memref<40x128xf32, #tpu.memory_space<vmem_shared>>)
        tpu.yield
      }) : () -> ()
      %mul3A_1351 = arith.constant 1000 : i32
      %mul3A_1352 = arith.muli %arg1, %mul3A_1351 : i32
      %add3A_1353 = arith.constant 560 : i32
      %add3A_1354 = arith.addi %mul3A_1352, %add3A_1353 : i32
      "tpu.region"() ({
        %run_scoped3A = tpu.sem_alloc : memref<!tpu.dma_semaphore, #tpu.memory_space<semaphore_mem>>
        %dma_start3A = arith.constant 0 : i32
        %dma_start3A_1395 = tpu.memref_slice %arg18[%add3A_1354, %dma_start3A] : memref<10000x128xf32, #tpu.memory_space<vmem_shared>> -> memref<40x128xf32, #tpu.memory_space<vmem_shared>>
        %dma_start3A_1396 = arith.constant 0 : i32
        %dma_start3A_1397 = tpu.memref_slice %arg18[%add3A_1354, %dma_start3A_1396] : memref<10000x128xf32, #tpu.memory_space<vmem_shared>> -> memref<40x128xf32, #tpu.memory_space<vmem_shared>>
        tpu.enqueue_dma source(%arg17 : memref<40x128xf32, #tpu.memory_space<vmem>>) target(%dma_start3A_1397 : memref<40x128xf32, #tpu.memory_space<vmem_shared>>) target_semaphore(%run_scoped3A : memref<!tpu.dma_semaphore, #tpu.memory_space<semaphore_mem>>)
        %dma_wait3A = arith.constant 0 : i32
        %dma_wait3A_1398 = tpu.memref_slice %arg18[%add3A_1354, %dma_wait3A] : memref<10000x128xf32, #tpu.memory_space<vmem_shared>> -> memref<40x128xf32, #tpu.memory_space<vmem_shared>>
        %dma_wait3A_1399 = arith.constant 0 : i32
        %dma_wait3A_1400 = tpu.memref_slice %arg18[%add3A_1354, %dma_wait3A_1399] : memref<10000x128xf32, #tpu.memory_space<vmem_shared>> -> memref<40x128xf32, #tpu.memory_space<vmem_shared>>
        tpu.wait_dma2 semaphore(%run_scoped3A : memref<!tpu.dma_semaphore, #tpu.memory_space<semaphore_mem>>) src(%arg17 : memref<40x128xf32, #tpu.memory_space<vmem>>) dst(%dma_wait3A_1400 : memref<40x128xf32, #tpu.memory_space<vmem_shared>>)
        tpu.yield
      }) : () -> ()
      %mul3A_1355 = arith.constant 1000 : i32
      %mul3A_1356 = arith.muli %arg1, %mul3A_1355 : i32
      %add3A_1357 = arith.constant 600 : i32
      %add3A_1358 = arith.addi %mul3A_1356, %add3A_1357 : i32
      "tpu.region"() ({
        %run_scoped3A = tpu.sem_alloc : memref<!tpu.dma_semaphore, #tpu.memory_space<semaphore_mem>>
        %dma_start3A = arith.constant 0 : i32
        %dma_start3A_1395 = tpu.memref_slice %arg18[%add3A_1358, %dma_start3A] : memref<10000x128xf32, #tpu.memory_space<vmem_shared>> -> memref<40x128xf32, #tpu.memory_space<vmem_shared>>
        %dma_start3A_1396 = arith.constant 0 : i32
        %dma_start3A_1397 = tpu.memref_slice %arg18[%add3A_1358, %dma_start3A_1396] : memref<10000x128xf32, #tpu.memory_space<vmem_shared>> -> memref<40x128xf32, #tpu.memory_space<vmem_shared>>
        tpu.enqueue_dma source(%arg17 : memref<40x128xf32, #tpu.memory_space<vmem>>) target(%dma_start3A_1397 : memref<40x128xf32, #tpu.memory_space<vmem_shared>>) target_semaphore(%run_scoped3A : memref<!tpu.dma_semaphore, #tpu.memory_space<semaphore_mem>>)
        %dma_wait3A = arith.constant 0 : i32
        %dma_wait3A_1398 = tpu.memref_slice %arg18[%add3A_1358, %dma_wait3A] : memref<10000x128xf32, #tpu.memory_space<vmem_shared>> -> memref<40x128xf32, #tpu.memory_space<vmem_shared>>
        %dma_wait3A_1399 = arith.constant 0 : i32
        %dma_wait3A_1400 = tpu.memref_slice %arg18[%add3A_1358, %dma_wait3A_1399] : memref<10000x128xf32, #tpu.memory_space<vmem_shared>> -> memref<40x128xf32, #tpu.memory_space<vmem_shared>>
        tpu.wait_dma2 semaphore(%run_scoped3A : memref<!tpu.dma_semaphore, #tpu.memory_space<semaphore_mem>>) src(%arg17 : memref<40x128xf32, #tpu.memory_space<vmem>>) dst(%dma_wait3A_1400 : memref<40x128xf32, #tpu.memory_space<vmem_shared>>)
        tpu.yield
      }) : () -> ()
      %mul3A_1359 = arith.constant 1000 : i32
      %mul3A_1360 = arith.muli %arg1, %mul3A_1359 : i32
      %add3A_1361 = arith.constant 640 : i32
      %add3A_1362 = arith.addi %mul3A_1360, %add3A_1361 : i32
      "tpu.region"() ({
        %run_scoped3A = tpu.sem_alloc : memref<!tpu.dma_semaphore, #tpu.memory_space<semaphore_mem>>
        %dma_start3A = arith.constant 0 : i32
        %dma_start3A_1395 = tpu.memref_slice %arg18[%add3A_1362, %dma_start3A] : memref<10000x128xf32, #tpu.memory_space<vmem_shared>> -> memref<40x128xf32, #tpu.memory_space<vmem_shared>>
        %dma_start3A_1396 = arith.constant 0 : i32
        %dma_start3A_1397 = tpu.memref_slice %arg18[%add3A_1362, %dma_start3A_1396] : memref<10000x128xf32, #tpu.memory_space<vmem_shared>> -> memref<40x128xf32, #tpu.memory_space<vmem_shared>>
        tpu.enqueue_dma source(%arg17 : memref<40x128xf32, #tpu.memory_space<vmem>>) target(%dma_start3A_1397 : memref<40x128xf32, #tpu.memory_space<vmem_shared>>) target_semaphore(%run_scoped3A : memref<!tpu.dma_semaphore, #tpu.memory_space<semaphore_mem>>)
        %dma_wait3A = arith.constant 0 : i32
        %dma_wait3A_1398 = tpu.memref_slice %arg18[%add3A_1362, %dma_wait3A] : memref<10000x128xf32, #tpu.memory_space<vmem_shared>> -> memref<40x128xf32, #tpu.memory_space<vmem_shared>>
        %dma_wait3A_1399 = arith.constant 0 : i32
        %dma_wait3A_1400 = tpu.memref_slice %arg18[%add3A_1362, %dma_wait3A_1399] : memref<10000x128xf32, #tpu.memory_space<vmem_shared>> -> memref<40x128xf32, #tpu.memory_space<vmem_shared>>
        tpu.wait_dma2 semaphore(%run_scoped3A : memref<!tpu.dma_semaphore, #tpu.memory_space<semaphore_mem>>) src(%arg17 : memref<40x128xf32, #tpu.memory_space<vmem>>) dst(%dma_wait3A_1400 : memref<40x128xf32, #tpu.memory_space<vmem_shared>>)
        tpu.yield
      }) : () -> ()
      %mul3A_1363 = arith.constant 1000 : i32
      %mul3A_1364 = arith.muli %arg1, %mul3A_1363 : i32
      %add3A_1365 = arith.constant 680 : i32
      %add3A_1366 = arith.addi %mul3A_1364, %add3A_1365 : i32
      "tpu.region"() ({
        %run_scoped3A = tpu.sem_alloc : memref<!tpu.dma_semaphore, #tpu.memory_space<semaphore_mem>>
        %dma_start3A = arith.constant 0 : i32
        %dma_start3A_1395 = tpu.memref_slice %arg18[%add3A_1366, %dma_start3A] : memref<10000x128xf32, #tpu.memory_space<vmem_shared>> -> memref<40x128xf32, #tpu.memory_space<vmem_shared>>
        %dma_start3A_1396 = arith.constant 0 : i32
        %dma_start3A_1397 = tpu.memref_slice %arg18[%add3A_1366, %dma_start3A_1396] : memref<10000x128xf32, #tpu.memory_space<vmem_shared>> -> memref<40x128xf32, #tpu.memory_space<vmem_shared>>
        tpu.enqueue_dma source(%arg17 : memref<40x128xf32, #tpu.memory_space<vmem>>) target(%dma_start3A_1397 : memref<40x128xf32, #tpu.memory_space<vmem_shared>>) target_semaphore(%run_scoped3A : memref<!tpu.dma_semaphore, #tpu.memory_space<semaphore_mem>>)
        %dma_wait3A = arith.constant 0 : i32
        %dma_wait3A_1398 = tpu.memref_slice %arg18[%add3A_1366, %dma_wait3A] : memref<10000x128xf32, #tpu.memory_space<vmem_shared>> -> memref<40x128xf32, #tpu.memory_space<vmem_shared>>
        %dma_wait3A_1399 = arith.constant 0 : i32
        %dma_wait3A_1400 = tpu.memref_slice %arg18[%add3A_1366, %dma_wait3A_1399] : memref<10000x128xf32, #tpu.memory_space<vmem_shared>> -> memref<40x128xf32, #tpu.memory_space<vmem_shared>>
        tpu.wait_dma2 semaphore(%run_scoped3A : memref<!tpu.dma_semaphore, #tpu.memory_space<semaphore_mem>>) src(%arg17 : memref<40x128xf32, #tpu.memory_space<vmem>>) dst(%dma_wait3A_1400 : memref<40x128xf32, #tpu.memory_space<vmem_shared>>)
        tpu.yield
      }) : () -> ()
      %mul3A_1367 = arith.constant 1000 : i32
      %mul3A_1368 = arith.muli %arg1, %mul3A_1367 : i32
      %add3A_1369 = arith.constant 720 : i32
      %add3A_1370 = arith.addi %mul3A_1368, %add3A_1369 : i32
      "tpu.region"() ({
        %run_scoped3A = tpu.sem_alloc : memref<!tpu.dma_semaphore, #tpu.memory_space<semaphore_mem>>
        %dma_start3A = arith.constant 0 : i32
        %dma_start3A_1395 = tpu.memref_slice %arg18[%add3A_1370, %dma_start3A] : memref<10000x128xf32, #tpu.memory_space<vmem_shared>> -> memref<40x128xf32, #tpu.memory_space<vmem_shared>>
        %dma_start3A_1396 = arith.constant 0 : i32
        %dma_start3A_1397 = tpu.memref_slice %arg18[%add3A_1370, %dma_start3A_1396] : memref<10000x128xf32, #tpu.memory_space<vmem_shared>> -> memref<40x128xf32, #tpu.memory_space<vmem_shared>>
        tpu.enqueue_dma source(%arg17 : memref<40x128xf32, #tpu.memory_space<vmem>>) target(%dma_start3A_1397 : memref<40x128xf32, #tpu.memory_space<vmem_shared>>) target_semaphore(%run_scoped3A : memref<!tpu.dma_semaphore, #tpu.memory_space<semaphore_mem>>)
        %dma_wait3A = arith.constant 0 : i32
        %dma_wait3A_1398 = tpu.memref_slice %arg18[%add3A_1370, %dma_wait3A] : memref<10000x128xf32, #tpu.memory_space<vmem_shared>> -> memref<40x128xf32, #tpu.memory_space<vmem_shared>>
        %dma_wait3A_1399 = arith.constant 0 : i32
        %dma_wait3A_1400 = tpu.memref_slice %arg18[%add3A_1370, %dma_wait3A_1399] : memref<10000x128xf32, #tpu.memory_space<vmem_shared>> -> memref<40x128xf32, #tpu.memory_space<vmem_shared>>
        tpu.wait_dma2 semaphore(%run_scoped3A : memref<!tpu.dma_semaphore, #tpu.memory_space<semaphore_mem>>) src(%arg17 : memref<40x128xf32, #tpu.memory_space<vmem>>) dst(%dma_wait3A_1400 : memref<40x128xf32, #tpu.memory_space<vmem_shared>>)
        tpu.yield
      }) : () -> ()
      %mul3A_1371 = arith.constant 1000 : i32
      %mul3A_1372 = arith.muli %arg1, %mul3A_1371 : i32
      %add3A_1373 = arith.constant 760 : i32
      %add3A_1374 = arith.addi %mul3A_1372, %add3A_1373 : i32
      "tpu.region"() ({
        %run_scoped3A = tpu.sem_alloc : memref<!tpu.dma_semaphore, #tpu.memory_space<semaphore_mem>>
        %dma_start3A = arith.constant 0 : i32
        %dma_start3A_1395 = tpu.memref_slice %arg18[%add3A_1374, %dma_start3A] : memref<10000x128xf32, #tpu.memory_space<vmem_shared>> -> memref<40x128xf32, #tpu.memory_space<vmem_shared>>
        %dma_start3A_1396 = arith.constant 0 : i32
        %dma_start3A_1397 = tpu.memref_slice %arg18[%add3A_1374, %dma_start3A_1396] : memref<10000x128xf32, #tpu.memory_space<vmem_shared>> -> memref<40x128xf32, #tpu.memory_space<vmem_shared>>
        tpu.enqueue_dma source(%arg17 : memref<40x128xf32, #tpu.memory_space<vmem>>) target(%dma_start3A_1397 : memref<40x128xf32, #tpu.memory_space<vmem_shared>>) target_semaphore(%run_scoped3A : memref<!tpu.dma_semaphore, #tpu.memory_space<semaphore_mem>>)
        %dma_wait3A = arith.constant 0 : i32
        %dma_wait3A_1398 = tpu.memref_slice %arg18[%add3A_1374, %dma_wait3A] : memref<10000x128xf32, #tpu.memory_space<vmem_shared>> -> memref<40x128xf32, #tpu.memory_space<vmem_shared>>
        %dma_wait3A_1399 = arith.constant 0 : i32
        %dma_wait3A_1400 = tpu.memref_slice %arg18[%add3A_1374, %dma_wait3A_1399] : memref<10000x128xf32, #tpu.memory_space<vmem_shared>> -> memref<40x128xf32, #tpu.memory_space<vmem_shared>>
        tpu.wait_dma2 semaphore(%run_scoped3A : memref<!tpu.dma_semaphore, #tpu.memory_space<semaphore_mem>>) src(%arg17 : memref<40x128xf32, #tpu.memory_space<vmem>>) dst(%dma_wait3A_1400 : memref<40x128xf32, #tpu.memory_space<vmem_shared>>)
        tpu.yield
      }) : () -> ()
      %mul3A_1375 = arith.constant 1000 : i32
      %mul3A_1376 = arith.muli %arg1, %mul3A_1375 : i32
      %add3A_1377 = arith.constant 800 : i32
      %add3A_1378 = arith.addi %mul3A_1376, %add3A_1377 : i32
      "tpu.region"() ({
        %run_scoped3A = tpu.sem_alloc : memref<!tpu.dma_semaphore, #tpu.memory_space<semaphore_mem>>
        %dma_start3A = arith.constant 0 : i32
        %dma_start3A_1395 = tpu.memref_slice %arg18[%add3A_1378, %dma_start3A] : memref<10000x128xf32, #tpu.memory_space<vmem_shared>> -> memref<40x128xf32, #tpu.memory_space<vmem_shared>>
        %dma_start3A_1396 = arith.constant 0 : i32
        %dma_start3A_1397 = tpu.memref_slice %arg18[%add3A_1378, %dma_start3A_1396] : memref<10000x128xf32, #tpu.memory_space<vmem_shared>> -> memref<40x128xf32, #tpu.memory_space<vmem_shared>>
        tpu.enqueue_dma source(%arg17 : memref<40x128xf32, #tpu.memory_space<vmem>>) target(%dma_start3A_1397 : memref<40x128xf32, #tpu.memory_space<vmem_shared>>) target_semaphore(%run_scoped3A : memref<!tpu.dma_semaphore, #tpu.memory_space<semaphore_mem>>)
        %dma_wait3A = arith.constant 0 : i32
        %dma_wait3A_1398 = tpu.memref_slice %arg18[%add3A_1378, %dma_wait3A] : memref<10000x128xf32, #tpu.memory_space<vmem_shared>> -> memref<40x128xf32, #tpu.memory_space<vmem_shared>>
        %dma_wait3A_1399 = arith.constant 0 : i32
        %dma_wait3A_1400 = tpu.memref_slice %arg18[%add3A_1378, %dma_wait3A_1399] : memref<10000x128xf32, #tpu.memory_space<vmem_shared>> -> memref<40x128xf32, #tpu.memory_space<vmem_shared>>
        tpu.wait_dma2 semaphore(%run_scoped3A : memref<!tpu.dma_semaphore, #tpu.memory_space<semaphore_mem>>) src(%arg17 : memref<40x128xf32, #tpu.memory_space<vmem>>) dst(%dma_wait3A_1400 : memref<40x128xf32, #tpu.memory_space<vmem_shared>>)
        tpu.yield
      }) : () -> ()
      %mul3A_1379 = arith.constant 1000 : i32
      %mul3A_1380 = arith.muli %arg1, %mul3A_1379 : i32
      %add3A_1381 = arith.constant 840 : i32
      %add3A_1382 = arith.addi %mul3A_1380, %add3A_1381 : i32
      "tpu.region"() ({
        %run_scoped3A = tpu.sem_alloc : memref<!tpu.dma_semaphore, #tpu.memory_space<semaphore_mem>>
        %dma_start3A = arith.constant 0 : i32
        %dma_start3A_1395 = tpu.memref_slice %arg18[%add3A_1382, %dma_start3A] : memref<10000x128xf32, #tpu.memory_space<vmem_shared>> -> memref<40x128xf32, #tpu.memory_space<vmem_shared>>
        %dma_start3A_1396 = arith.constant 0 : i32
        %dma_start3A_1397 = tpu.memref_slice %arg18[%add3A_1382, %dma_start3A_1396] : memref<10000x128xf32, #tpu.memory_space<vmem_shared>> -> memref<40x128xf32, #tpu.memory_space<vmem_shared>>
        tpu.enqueue_dma source(%arg17 : memref<40x128xf32, #tpu.memory_space<vmem>>) target(%dma_start3A_1397 : memref<40x128xf32, #tpu.memory_space<vmem_shared>>) target_semaphore(%run_scoped3A : memref<!tpu.dma_semaphore, #tpu.memory_space<semaphore_mem>>)
        %dma_wait3A = arith.constant 0 : i32
        %dma_wait3A_1398 = tpu.memref_slice %arg18[%add3A_1382, %dma_wait3A] : memref<10000x128xf32, #tpu.memory_space<vmem_shared>> -> memref<40x128xf32, #tpu.memory_space<vmem_shared>>
        %dma_wait3A_1399 = arith.constant 0 : i32
        %dma_wait3A_1400 = tpu.memref_slice %arg18[%add3A_1382, %dma_wait3A_1399] : memref<10000x128xf32, #tpu.memory_space<vmem_shared>> -> memref<40x128xf32, #tpu.memory_space<vmem_shared>>
        tpu.wait_dma2 semaphore(%run_scoped3A : memref<!tpu.dma_semaphore, #tpu.memory_space<semaphore_mem>>) src(%arg17 : memref<40x128xf32, #tpu.memory_space<vmem>>) dst(%dma_wait3A_1400 : memref<40x128xf32, #tpu.memory_space<vmem_shared>>)
        tpu.yield
      }) : () -> ()
      %mul3A_1383 = arith.constant 1000 : i32
      %mul3A_1384 = arith.muli %arg1, %mul3A_1383 : i32
      %add3A_1385 = arith.constant 880 : i32
      %add3A_1386 = arith.addi %mul3A_1384, %add3A_1385 : i32
      "tpu.region"() ({
        %run_scoped3A = tpu.sem_alloc : memref<!tpu.dma_semaphore, #tpu.memory_space<semaphore_mem>>
        %dma_start3A = arith.constant 0 : i32
        %dma_start3A_1395 = tpu.memref_slice %arg18[%add3A_1386, %dma_start3A] : memref<10000x128xf32, #tpu.memory_space<vmem_shared>> -> memref<40x128xf32, #tpu.memory_space<vmem_shared>>
        %dma_start3A_1396 = arith.constant 0 : i32
        %dma_start3A_1397 = tpu.memref_slice %arg18[%add3A_1386, %dma_start3A_1396] : memref<10000x128xf32, #tpu.memory_space<vmem_shared>> -> memref<40x128xf32, #tpu.memory_space<vmem_shared>>
        tpu.enqueue_dma source(%arg17 : memref<40x128xf32, #tpu.memory_space<vmem>>) target(%dma_start3A_1397 : memref<40x128xf32, #tpu.memory_space<vmem_shared>>) target_semaphore(%run_scoped3A : memref<!tpu.dma_semaphore, #tpu.memory_space<semaphore_mem>>)
        %dma_wait3A = arith.constant 0 : i32
        %dma_wait3A_1398 = tpu.memref_slice %arg18[%add3A_1386, %dma_wait3A] : memref<10000x128xf32, #tpu.memory_space<vmem_shared>> -> memref<40x128xf32, #tpu.memory_space<vmem_shared>>
        %dma_wait3A_1399 = arith.constant 0 : i32
        %dma_wait3A_1400 = tpu.memref_slice %arg18[%add3A_1386, %dma_wait3A_1399] : memref<10000x128xf32, #tpu.memory_space<vmem_shared>> -> memref<40x128xf32, #tpu.memory_space<vmem_shared>>
        tpu.wait_dma2 semaphore(%run_scoped3A : memref<!tpu.dma_semaphore, #tpu.memory_space<semaphore_mem>>) src(%arg17 : memref<40x128xf32, #tpu.memory_space<vmem>>) dst(%dma_wait3A_1400 : memref<40x128xf32, #tpu.memory_space<vmem_shared>>)
        tpu.yield
      }) : () -> ()
      %mul3A_1387 = arith.constant 1000 : i32
      %mul3A_1388 = arith.muli %arg1, %mul3A_1387 : i32
      %add3A_1389 = arith.constant 920 : i32
      %add3A_1390 = arith.addi %mul3A_1388, %add3A_1389 : i32
      "tpu.region"() ({
        %run_scoped3A = tpu.sem_alloc : memref<!tpu.dma_semaphore, #tpu.memory_space<semaphore_mem>>
        %dma_start3A = arith.constant 0 : i32
        %dma_start3A_1395 = tpu.memref_slice %arg18[%add3A_1390, %dma_start3A] : memref<10000x128xf32, #tpu.memory_space<vmem_shared>> -> memref<40x128xf32, #tpu.memory_space<vmem_shared>>
        %dma_start3A_1396 = arith.constant 0 : i32
        %dma_start3A_1397 = tpu.memref_slice %arg18[%add3A_1390, %dma_start3A_1396] : memref<10000x128xf32, #tpu.memory_space<vmem_shared>> -> memref<40x128xf32, #tpu.memory_space<vmem_shared>>
        tpu.enqueue_dma source(%arg17 : memref<40x128xf32, #tpu.memory_space<vmem>>) target(%dma_start3A_1397 : memref<40x128xf32, #tpu.memory_space<vmem_shared>>) target_semaphore(%run_scoped3A : memref<!tpu.dma_semaphore, #tpu.memory_space<semaphore_mem>>)
        %dma_wait3A = arith.constant 0 : i32
        %dma_wait3A_1398 = tpu.memref_slice %arg18[%add3A_1390, %dma_wait3A] : memref<10000x128xf32, #tpu.memory_space<vmem_shared>> -> memref<40x128xf32, #tpu.memory_space<vmem_shared>>
        %dma_wait3A_1399 = arith.constant 0 : i32
        %dma_wait3A_1400 = tpu.memref_slice %arg18[%add3A_1390, %dma_wait3A_1399] : memref<10000x128xf32, #tpu.memory_space<vmem_shared>> -> memref<40x128xf32, #tpu.memory_space<vmem_shared>>
        tpu.wait_dma2 semaphore(%run_scoped3A : memref<!tpu.dma_semaphore, #tpu.memory_space<semaphore_mem>>) src(%arg17 : memref<40x128xf32, #tpu.memory_space<vmem>>) dst(%dma_wait3A_1400 : memref<40x128xf32, #tpu.memory_space<vmem_shared>>)
        tpu.yield
      }) : () -> ()
      %mul3A_1391 = arith.constant 1000 : i32
      %mul3A_1392 = arith.muli %arg1, %mul3A_1391 : i32
      %add3A_1393 = arith.constant 960 : i32
      %add3A_1394 = arith.addi %mul3A_1392, %add3A_1393 : i32
      "tpu.region"() ({
        %run_scoped3A = tpu.sem_alloc : memref<!tpu.dma_semaphore, #tpu.memory_space<semaphore_mem>>
        %dma_start3A = arith.constant 0 : i32
        %dma_start3A_1395 = tpu.memref_slice %arg18[%add3A_1394, %dma_start3A] : memref<10000x128xf32, #tpu.memory_space<vmem_shared>> -> memref<40x128xf32, #tpu.memory_space<vmem_shared>>
        %dma_start3A_1396 = arith.constant 0 : i32
        %dma_start3A_1397 = tpu.memref_slice %arg18[%add3A_1394, %dma_start3A_1396] : memref<10000x128xf32, #tpu.memory_space<vmem_shared>> -> memref<40x128xf32, #tpu.memory_space<vmem_shared>>
        tpu.enqueue_dma source(%arg17 : memref<40x128xf32, #tpu.memory_space<vmem>>) target(%dma_start3A_1397 : memref<40x128xf32, #tpu.memory_space<vmem_shared>>) target_semaphore(%run_scoped3A : memref<!tpu.dma_semaphore, #tpu.memory_space<semaphore_mem>>)
        %dma_wait3A = arith.constant 0 : i32
        %dma_wait3A_1398 = tpu.memref_slice %arg18[%add3A_1394, %dma_wait3A] : memref<10000x128xf32, #tpu.memory_space<vmem_shared>> -> memref<40x128xf32, #tpu.memory_space<vmem_shared>>
        %dma_wait3A_1399 = arith.constant 0 : i32
        %dma_wait3A_1400 = tpu.memref_slice %arg18[%add3A_1394, %dma_wait3A_1399] : memref<10000x128xf32, #tpu.memory_space<vmem_shared>> -> memref<40x128xf32, #tpu.memory_space<vmem_shared>>
        tpu.wait_dma2 semaphore(%run_scoped3A : memref<!tpu.dma_semaphore, #tpu.memory_space<semaphore_mem>>) src(%arg17 : memref<40x128xf32, #tpu.memory_space<vmem>>) dst(%dma_wait3A_1400 : memref<40x128xf32, #tpu.memory_space<vmem_shared>>)
        tpu.yield
      }) : () -> ()
    } else {
    }
    %barrier3A = arith.constant 0 : index
    tpu.barrier barrier_id(%barrier3A)
    %scan3A = arith.constant 0 : i32
    %scan3A_1283 = arith.constant 0 : i32
    %scan3A_1284 = arith.constant 5 : i32
    %scan3A_1285 = arith.addi %scan3A_1283, %scan3A_1284 : i32
    %scan3A_1286 = arith.constant 1 : i32
    %scan3A_1287 = scf.for %scan3A_1295 = %scan3A_1283 to %scan3A_1285 step %scan3A_1286 iter_args(%scan3A_1296 = %scan3A) -> (i32)  : i32 {
      %mul3A_1297 = arith.constant 10000 : i32
      %mul3A_1298 = arith.muli %add3A, %mul3A_1297 : i32
      %mul3A_1299 = arith.constant 2000 : i32
      %mul3A_1300 = arith.muli %scan3A_1295, %mul3A_1299 : i32
      %add3A_1301 = arith.addi %mul3A_1298, %mul3A_1300 : i32
      %dma_start3A = tpu.memref_slice %arg2[%add3A_1301] : memref<320000xi32, #tpu.memory_space<hbm>> -> memref<2000xi32, #tpu.memory_space<hbm>>
      %dma_start3A_1302 = tpu.memref_slice %arg2[%add3A_1301] : memref<320000xi32, #tpu.memory_space<hbm>> -> memref<2000xi32, #tpu.memory_space<hbm>>
      tpu.enqueue_dma source(%dma_start3A_1302 : memref<2000xi32, #tpu.memory_space<hbm>>) target(%arg8 : memref<2000xi32, #tpu.memory_space<vmem>>) target_semaphore(%arg20 : memref<!tpu.dma_semaphore, #tpu.memory_space<semaphore_mem>>)
      %dma_start3A_1303 = tpu.memref_slice %arg3[%add3A_1301] : memref<320000xi32, #tpu.memory_space<hbm>> -> memref<2000xi32, #tpu.memory_space<hbm>>
      %dma_start3A_1304 = tpu.memref_slice %arg3[%add3A_1301] : memref<320000xi32, #tpu.memory_space<hbm>> -> memref<2000xi32, #tpu.memory_space<hbm>>
      tpu.enqueue_dma source(%dma_start3A_1304 : memref<2000xi32, #tpu.memory_space<hbm>>) target(%arg9 : memref<2000xi32, #tpu.memory_space<vmem>>) target_semaphore(%arg21 : memref<!tpu.dma_semaphore, #tpu.memory_space<semaphore_mem>>)
      %dma_start3A_1305 = tpu.memref_slice %arg4[%add3A_1301] : memref<320000xi32, #tpu.memory_space<hbm>> -> memref<2000xi32, #tpu.memory_space<hbm>>
      %dma_start3A_1306 = tpu.memref_slice %arg4[%add3A_1301] : memref<320000xi32, #tpu.memory_space<hbm>> -> memref<2000xi32, #tpu.memory_space<hbm>>
      tpu.enqueue_dma source(%dma_start3A_1306 : memref<2000xi32, #tpu.memory_space<hbm>>) target(%arg10 : memref<2000xi32, #tpu.memory_space<vmem>>) target_semaphore(%arg19 : memref<!tpu.dma_semaphore, #tpu.memory_space<semaphore_mem>>)
      %dma_wait3A = tpu.memref_slice %arg2[%add3A_1301] : memref<320000xi32, #tpu.memory_space<hbm>> -> memref<2000xi32, #tpu.memory_space<hbm>>
      %dma_wait3A_1307 = tpu.memref_slice %arg2[%add3A_1301] : memref<320000xi32, #tpu.memory_space<hbm>> -> memref<2000xi32, #tpu.memory_space<hbm>>
      tpu.wait_dma2 semaphore(%arg20 : memref<!tpu.dma_semaphore, #tpu.memory_space<semaphore_mem>>) src(%dma_wait3A_1307 : memref<2000xi32, #tpu.memory_space<hbm>>) dst(%arg8 : memref<2000xi32, #tpu.memory_space<vmem>>)
      %dma_wait3A_1308 = tpu.memref_slice %arg3[%add3A_1301] : memref<320000xi32, #tpu.memory_space<hbm>> -> memref<2000xi32, #tpu.memory_space<hbm>>
      %dma_wait3A_1309 = tpu.memref_slice %arg3[%add3A_1301] : memref<320000xi32, #tpu.memory_space<hbm>> -> memref<2000xi32, #tpu.memory_space<hbm>>
      tpu.wait_dma2 semaphore(%arg21 : memref<!tpu.dma_semaphore, #tpu.memory_space<semaphore_mem>>) src(%dma_wait3A_1309 : memref<2000xi32, #tpu.memory_space<hbm>>) dst(%arg9 : memref<2000xi32, #tpu.memory_space<vmem>>)
      %dma_wait3A_1310 = tpu.memref_slice %arg4[%add3A_1301] : memref<320000xi32, #tpu.memory_space<hbm>> -> memref<2000xi32, #tpu.memory_space<hbm>>
      %dma_wait3A_1311 = tpu.memref_slice %arg4[%add3A_1301] : memref<320000xi32, #tpu.memory_space<hbm>> -> memref<2000xi32, #tpu.memory_space<hbm>>
      tpu.wait_dma2 semaphore(%arg19 : memref<!tpu.dma_semaphore, #tpu.memory_space<semaphore_mem>>) src(%dma_wait3A_1311 : memref<2000xi32, #tpu.memory_space<hbm>>) dst(%arg10 : memref<2000xi32, #tpu.memory_space<vmem>>)
      %scan3A_1312 = arith.constant 0 : i32
      %scan3A_1313 = arith.constant 0 : i32
      %scan3A_1314 = arith.constant 25 : i32
      %scan3A_1315 = arith.addi %scan3A_1313, %scan3A_1314 : i32
      %scan3A_1316 = arith.constant 1 : i32
      %scan3A_1317 = scf.for %scan3A_1383 = %scan3A_1313 to %scan3A_1315 step %scan3A_1316 iter_args(%scan3A_1384 = %scan3A_1312) -> (i32)  : i32 {
        %scan3A_1385 = arith.constant 0 : i32
        %scan3A_1386 = arith.constant 0 : i32
        %mul3A_1387 = arith.constant 80 : i32
        %mul3A_1388 = arith.muli %scan3A_1383, %mul3A_1387 : i32
        %mul3A_1389 = arith.constant 16 : i32
        %mul3A_1390 = arith.muli %scan3A_1386, %mul3A_1389 : i32
        %add3A_1391 = arith.addi %mul3A_1388, %mul3A_1390 : i32
        %mul3A_1392 = arith.constant 16 : i32
        %mul3A_1393 = arith.muli %scan3A_1386, %mul3A_1392 : i32
        %get3A = arith.index_cast %add3A_1391 : i32 to index
        %get3A_1394 = tpu.vector_load %arg8[%get3A] {strides = array<i32>} : memref<2000xi32, #tpu.memory_space<vmem>>, vector<16xi32>,
        %get3A_1395 = arith.index_cast %add3A_1391 : i32 to index
        %get3A_1396 = tpu.vector_load %arg10[%get3A_1395] {strides = array<i32>} : memref<2000xi32, #tpu.memory_space<vmem>>, vector<16xi32>,
        %swap3A_1397 = arith.index_cast %scan3A_1383 : i32 to index
        %swap3A_1398 = arith.index_cast %mul3A_1393 : i32 to index
        %swap3A_1399 = tpu.vector_load %arg11[%swap3A_1397, %swap3A_1398] {strides = array<i32>} : memref<25x80xi32, #tpu.memory_space<vmem>>, vector<16xi32>,
        tpu.vector_store %arg11[%swap3A_1397, %swap3A_1398], %get3A_1394 {strides = array<i32>} : memref<25x80xi32, #tpu.memory_space<vmem>>, vector<16xi32>,
        %mul3A_1400 = arith.constant 10000 : i32
        %mul3A_1401 = vector.broadcast %mul3A_1400 : i32 to vector<16xi32>
        %mul3A_1402 = arith.muli %get3A_1396, %mul3A_1401 : vector<16xi32>
        %get3A_1403 = arith.index_cast %add3A_1391 : i32 to index
        %get3A_1404 = tpu.vector_load %arg9[%get3A_1403] {strides = array<i32>} : memref<2000xi32, #tpu.memory_space<vmem>>, vector<16xi32>,
        %add3A_1405 = arith.addi %mul3A_1402, %get3A_1404 : vector<16xi32>
        %swap3A_1406 = arith.index_cast %scan3A_1383 : i32 to index
        %swap3A_1407 = arith.index_cast %mul3A_1393 : i32 to index
        %swap3A_1408 = tpu.vector_load %arg12[%swap3A_1406, %swap3A_1407] {strides = array<i32>} : memref<25x80xi32, #tpu.memory_space<vmem>>, vector<16xi32>,
        tpu.vector_store %arg12[%swap3A_1406, %swap3A_1407], %add3A_1405 {strides = array<i32>} : memref<25x80xi32, #tpu.memory_space<vmem>>, vector<16xi32>,
        %mul3A_1409 = arith.constant 110000 : i32
        %mul3A_1410 = arith.muli %arg0, %mul3A_1409 : i32
        %mul3A_1411 = arith.constant 10000 : i32
        %mul3A_1412 = vector.broadcast %mul3A_1411 : i32 to vector<16xi32>
        %mul3A_1413 = arith.muli %get3A_1396, %mul3A_1412 : vector<16xi32>
        %add3A_1414 = vector.broadcast %mul3A_1410 : i32 to vector<16xi32>
        %add3A_1415 = arith.addi %add3A_1414, %mul3A_1413 : vector<16xi32>
        %add3A_1416 = arith.addi %add3A_1415, %get3A_1394 : vector<16xi32>
        %swap3A_1417 = arith.index_cast %add3A_1391 : i32 to index
        %swap3A_1418 = tpu.vector_load %arg13[%swap3A_1417] {strides = array<i32>} : memref<2000xi32, #tpu.memory_space<vmem>>, vector<16xi32>,
        tpu.vector_store %arg13[%swap3A_1417], %add3A_1416 {strides = array<i32>} : memref<2000xi32, #tpu.memory_space<vmem>>, vector<16xi32>,
        %scan3A_1419 = arith.constant 0 : i32
        %scan3A_1420 = arith.constant 1 : i32
        %mul3A_1421 = arith.constant 80 : i32
        %mul3A_1422 = arith.muli %scan3A_1383, %mul3A_1421 : i32
        %mul3A_1423 = arith.constant 16 : i32
        %mul3A_1424 = arith.muli %scan3A_1420, %mul3A_1423 : i32
        %add3A_1425 = arith.addi %mul3A_1422, %mul3A_1424 : i32
        %mul3A_1426 = arith.constant 16 : i32
        %mul3A_1427 = arith.muli %scan3A_1420, %mul3A_1426 : i32
        %get3A_1428 = arith.index_cast %add3A_1425 : i32 to index
        %get3A_1429 = tpu.vector_load %arg8[%get3A_1428] {strides = array<i32>} : memref<2000xi32, #tpu.memory_space<vmem>>, vector<16xi32>,
        %get3A_1430 = arith.index_cast %add3A_1425 : i32 to index
        %get3A_1431 = tpu.vector_load %arg10[%get3A_1430] {strides = array<i32>} : memref<2000xi32, #tpu.memory_space<vmem>>, vector<16xi32>,
        %swap3A_1432 = arith.index_cast %scan3A_1383 : i32 to index
        %swap3A_1433 = arith.index_cast %mul3A_1427 : i32 to index
        %swap3A_1434 = tpu.vector_load %arg11[%swap3A_1432, %swap3A_1433] {strides = array<i32>} : memref<25x80xi32, #tpu.memory_space<vmem>>, vector<16xi32>,
        tpu.vector_store %arg11[%swap3A_1432, %swap3A_1433], %get3A_1429 {strides = array<i32>} : memref<25x80xi32, #tpu.memory_space<vmem>>, vector<16xi32>,
        %mul3A_1435 = arith.constant 10000 : i32
        %mul3A_1436 = vector.broadcast %mul3A_1435 : i32 to vector<16xi32>
        %mul3A_1437 = arith.muli %get3A_1431, %mul3A_1436 : vector<16xi32>
        %get3A_1438 = arith.index_cast %add3A_1425 : i32 to index
        %get3A_1439 = tpu.vector_load %arg9[%get3A_1438] {strides = array<i32>} : memref<2000xi32, #tpu.memory_space<vmem>>, vector<16xi32>,
        %add3A_1440 = arith.addi %mul3A_1437, %get3A_1439 : vector<16xi32>
        %swap3A_1441 = arith.index_cast %scan3A_1383 : i32 to index
        %swap3A_1442 = arith.index_cast %mul3A_1427 : i32 to index
        %swap3A_1443 = tpu.vector_load %arg12[%swap3A_1441, %swap3A_1442] {strides = array<i32>} : memref<25x80xi32, #tpu.memory_space<vmem>>, vector<16xi32>,
        tpu.vector_store %arg12[%swap3A_1441, %swap3A_1442], %add3A_1440 {strides = array<i32>} : memref<25x80xi32, #tpu.memory_space<vmem>>, vector<16xi32>,
        %mul3A_1444 = arith.constant 110000 : i32
        %mul3A_1445 = arith.muli %arg0, %mul3A_1444 : i32
        %mul3A_1446 = arith.constant 10000 : i32
        %mul3A_1447 = vector.broadcast %mul3A_1446 : i32 to vector<16xi32>
        %mul3A_1448 = arith.muli %get3A_1431, %mul3A_1447 : vector<16xi32>
        %add3A_1449 = vector.broadcast %mul3A_1445 : i32 to vector<16xi32>
        %add3A_1450 = arith.addi %add3A_1449, %mul3A_1448 : vector<16xi32>
        %add3A_1451 = arith.addi %add3A_1450, %get3A_1429 : vector<16xi32>
        %swap3A_1452 = arith.index_cast %add3A_1425 : i32 to index
        %swap3A_1453 = tpu.vector_load %arg13[%swap3A_1452] {strides = array<i32>} : memref<2000xi32, #tpu.memory_space<vmem>>, vector<16xi32>,
        tpu.vector_store %arg13[%swap3A_1452], %add3A_1451 {strides = array<i32>} : memref<2000xi32, #tpu.memory_space<vmem>>, vector<16xi32>,
        %scan3A_1454 = arith.constant 0 : i32
        %scan3A_1455 = arith.constant 2 : i32
        %mul3A_1456 = arith.constant 80 : i32
        %mul3A_1457 = arith.muli %scan3A_1383, %mul3A_1456 : i32
        %mul3A_1458 = arith.constant 16 : i32
        %mul3A_1459 = arith.muli %scan3A_1455, %mul3A_1458 : i32
        %add3A_1460 = arith.addi %mul3A_1457, %mul3A_1459 : i32
        %mul3A_1461 = arith.constant 16 : i32
        %mul3A_1462 = arith.muli %scan3A_1455, %mul3A_1461 : i32
        %get3A_1463 = arith.index_cast %add3A_1460 : i32 to index
        %get3A_1464 = tpu.vector_load %arg8[%get3A_1463] {strides = array<i32>} : memref<2000xi32, #tpu.memory_space<vmem>>, vector<16xi32>,
        %get3A_1465 = arith.index_cast %add3A_1460 : i32 to index
        %get3A_1466 = tpu.vector_load %arg10[%get3A_1465] {strides = array<i32>} : memref<2000xi32, #tpu.memory_space<vmem>>, vector<16xi32>,
        %swap3A_1467 = arith.index_cast %scan3A_1383 : i32 to index
        %swap3A_1468 = arith.index_cast %mul3A_1462 : i32 to index
        %swap3A_1469 = tpu.vector_load %arg11[%swap3A_1467, %swap3A_1468] {strides = array<i32>} : memref<25x80xi32, #tpu.memory_space<vmem>>, vector<16xi32>,
        tpu.vector_store %arg11[%swap3A_1467, %swap3A_1468], %get3A_1464 {strides = array<i32>} : memref<25x80xi32, #tpu.memory_space<vmem>>, vector<16xi32>,
        %mul3A_1470 = arith.constant 10000 : i32
        %mul3A_1471 = vector.broadcast %mul3A_1470 : i32 to vector<16xi32>
        %mul3A_1472 = arith.muli %get3A_1466, %mul3A_1471 : vector<16xi32>
        %get3A_1473 = arith.index_cast %add3A_1460 : i32 to index
        %get3A_1474 = tpu.vector_load %arg9[%get3A_1473] {strides = array<i32>} : memref<2000xi32, #tpu.memory_space<vmem>>, vector<16xi32>,
        %add3A_1475 = arith.addi %mul3A_1472, %get3A_1474 : vector<16xi32>
        %swap3A_1476 = arith.index_cast %scan3A_1383 : i32 to index
        %swap3A_1477 = arith.index_cast %mul3A_1462 : i32 to index
        %swap3A_1478 = tpu.vector_load %arg12[%swap3A_1476, %swap3A_1477] {strides = array<i32>} : memref<25x80xi32, #tpu.memory_space<vmem>>, vector<16xi32>,
        tpu.vector_store %arg12[%swap3A_1476, %swap3A_1477], %add3A_1475 {strides = array<i32>} : memref<25x80xi32, #tpu.memory_space<vmem>>, vector<16xi32>,
        %mul3A_1479 = arith.constant 110000 : i32
        %mul3A_1480 = arith.muli %arg0, %mul3A_1479 : i32
        %mul3A_1481 = arith.constant 10000 : i32
        %mul3A_1482 = vector.broadcast %mul3A_1481 : i32 to vector<16xi32>
        %mul3A_1483 = arith.muli %get3A_1466, %mul3A_1482 : vector<16xi32>
        %add3A_1484 = vector.broadcast %mul3A_1480 : i32 to vector<16xi32>
        %add3A_1485 = arith.addi %add3A_1484, %mul3A_1483 : vector<16xi32>
        %add3A_1486 = arith.addi %add3A_1485, %get3A_1464 : vector<16xi32>
        %swap3A_1487 = arith.index_cast %add3A_1460 : i32 to index
        %swap3A_1488 = tpu.vector_load %arg13[%swap3A_1487] {strides = array<i32>} : memref<2000xi32, #tpu.memory_space<vmem>>, vector<16xi32>,
        tpu.vector_store %arg13[%swap3A_1487], %add3A_1486 {strides = array<i32>} : memref<2000xi32, #tpu.memory_space<vmem>>, vector<16xi32>,
        %scan3A_1489 = arith.constant 0 : i32
        %scan3A_1490 = arith.constant 3 : i32
        %mul3A_1491 = arith.constant 80 : i32
        %mul3A_1492 = arith.muli %scan3A_1383, %mul3A_1491 : i32
        %mul3A_1493 = arith.constant 16 : i32
        %mul3A_1494 = arith.muli %scan3A_1490, %mul3A_1493 : i32
        %add3A_1495 = arith.addi %mul3A_1492, %mul3A_1494 : i32
        %mul3A_1496 = arith.constant 16 : i32
        %mul3A_1497 = arith.muli %scan3A_1490, %mul3A_1496 : i32
        %get3A_1498 = arith.index_cast %add3A_1495 : i32 to index
        %get3A_1499 = tpu.vector_load %arg8[%get3A_1498] {strides = array<i32>} : memref<2000xi32, #tpu.memory_space<vmem>>, vector<16xi32>,
        %get3A_1500 = arith.index_cast %add3A_1495 : i32 to index
        %get3A_1501 = tpu.vector_load %arg10[%get3A_1500] {strides = array<i32>} : memref<2000xi32, #tpu.memory_space<vmem>>, vector<16xi32>,
        %swap3A_1502 = arith.index_cast %scan3A_1383 : i32 to index
        %swap3A_1503 = arith.index_cast %mul3A_1497 : i32 to index
        %swap3A_1504 = tpu.vector_load %arg11[%swap3A_1502, %swap3A_1503] {strides = array<i32>} : memref<25x80xi32, #tpu.memory_space<vmem>>, vector<16xi32>,
        tpu.vector_store %arg11[%swap3A_1502, %swap3A_1503], %get3A_1499 {strides = array<i32>} : memref<25x80xi32, #tpu.memory_space<vmem>>, vector<16xi32>,
        %mul3A_1505 = arith.constant 10000 : i32
        %mul3A_1506 = vector.broadcast %mul3A_1505 : i32 to vector<16xi32>
        %mul3A_1507 = arith.muli %get3A_1501, %mul3A_1506 : vector<16xi32>
        %get3A_1508 = arith.index_cast %add3A_1495 : i32 to index
        %get3A_1509 = tpu.vector_load %arg9[%get3A_1508] {strides = array<i32>} : memref<2000xi32, #tpu.memory_space<vmem>>, vector<16xi32>,
        %add3A_1510 = arith.addi %mul3A_1507, %get3A_1509 : vector<16xi32>
        %swap3A_1511 = arith.index_cast %scan3A_1383 : i32 to index
        %swap3A_1512 = arith.index_cast %mul3A_1497 : i32 to index
        %swap3A_1513 = tpu.vector_load %arg12[%swap3A_1511, %swap3A_1512] {strides = array<i32>} : memref<25x80xi32, #tpu.memory_space<vmem>>, vector<16xi32>,
        tpu.vector_store %arg12[%swap3A_1511, %swap3A_1512], %add3A_1510 {strides = array<i32>} : memref<25x80xi32, #tpu.memory_space<vmem>>, vector<16xi32>,
        %mul3A_1514 = arith.constant 110000 : i32
        %mul3A_1515 = arith.muli %arg0, %mul3A_1514 : i32
        %mul3A_1516 = arith.constant 10000 : i32
        %mul3A_1517 = vector.broadcast %mul3A_1516 : i32 to vector<16xi32>
        %mul3A_1518 = arith.muli %get3A_1501, %mul3A_1517 : vector<16xi32>
        %add3A_1519 = vector.broadcast %mul3A_1515 : i32 to vector<16xi32>
        %add3A_1520 = arith.addi %add3A_1519, %mul3A_1518 : vector<16xi32>
        %add3A_1521 = arith.addi %add3A_1520, %get3A_1499 : vector<16xi32>
        %swap3A_1522 = arith.index_cast %add3A_1495 : i32 to index
        %swap3A_1523 = tpu.vector_load %arg13[%swap3A_1522] {strides = array<i32>} : memref<2000xi32, #tpu.memory_space<vmem>>, vector<16xi32>,
        tpu.vector_store %arg13[%swap3A_1522], %add3A_1521 {strides = array<i32>} : memref<2000xi32, #tpu.memory_space<vmem>>, vector<16xi32>,
        %scan3A_1524 = arith.constant 0 : i32
        %scan3A_1525 = arith.constant 4 : i32
        %mul3A_1526 = arith.constant 80 : i32
        %mul3A_1527 = arith.muli %scan3A_1383, %mul3A_1526 : i32
        %mul3A_1528 = arith.constant 16 : i32
        %mul3A_1529 = arith.muli %scan3A_1525, %mul3A_1528 : i32
        %add3A_1530 = arith.addi %mul3A_1527, %mul3A_1529 : i32
        %mul3A_1531 = arith.constant 16 : i32
        %mul3A_1532 = arith.muli %scan3A_1525, %mul3A_1531 : i32
        %get3A_1533 = arith.index_cast %add3A_1530 : i32 to index
        %get3A_1534 = tpu.vector_load %arg8[%get3A_1533] {strides = array<i32>} : memref<2000xi32, #tpu.memory_space<vmem>>, vector<16xi32>,
        %get3A_1535 = arith.index_cast %add3A_1530 : i32 to index
        %get3A_1536 = tpu.vector_load %arg10[%get3A_1535] {strides = array<i32>} : memref<2000xi32, #tpu.memory_space<vmem>>, vector<16xi32>,
        %swap3A_1537 = arith.index_cast %scan3A_1383 : i32 to index
        %swap3A_1538 = arith.index_cast %mul3A_1532 : i32 to index
        %swap3A_1539 = tpu.vector_load %arg11[%swap3A_1537, %swap3A_1538] {strides = array<i32>} : memref<25x80xi32, #tpu.memory_space<vmem>>, vector<16xi32>,
        tpu.vector_store %arg11[%swap3A_1537, %swap3A_1538], %get3A_1534 {strides = array<i32>} : memref<25x80xi32, #tpu.memory_space<vmem>>, vector<16xi32>,
        %mul3A_1540 = arith.constant 10000 : i32
        %mul3A_1541 = vector.broadcast %mul3A_1540 : i32 to vector<16xi32>
        %mul3A_1542 = arith.muli %get3A_1536, %mul3A_1541 : vector<16xi32>
        %get3A_1543 = arith.index_cast %add3A_1530 : i32 to index
        %get3A_1544 = tpu.vector_load %arg9[%get3A_1543] {strides = array<i32>} : memref<2000xi32, #tpu.memory_space<vmem>>, vector<16xi32>,
        %add3A_1545 = arith.addi %mul3A_1542, %get3A_1544 : vector<16xi32>
        %swap3A_1546 = arith.index_cast %scan3A_1383 : i32 to index
        %swap3A_1547 = arith.index_cast %mul3A_1532 : i32 to index
        %swap3A_1548 = tpu.vector_load %arg12[%swap3A_1546, %swap3A_1547] {strides = array<i32>} : memref<25x80xi32, #tpu.memory_space<vmem>>, vector<16xi32>,
        tpu.vector_store %arg12[%swap3A_1546, %swap3A_1547], %add3A_1545 {strides = array<i32>} : memref<25x80xi32, #tpu.memory_space<vmem>>, vector<16xi32>,
        %mul3A_1549 = arith.constant 110000 : i32
        %mul3A_1550 = arith.muli %arg0, %mul3A_1549 : i32
        %mul3A_1551 = arith.constant 10000 : i32
        %mul3A_1552 = vector.broadcast %mul3A_1551 : i32 to vector<16xi32>
        %mul3A_1553 = arith.muli %get3A_1536, %mul3A_1552 : vector<16xi32>
        %add3A_1554 = vector.broadcast %mul3A_1550 : i32 to vector<16xi32>
        %add3A_1555 = arith.addi %add3A_1554, %mul3A_1553 : vector<16xi32>
        %add3A_1556 = arith.addi %add3A_1555, %get3A_1534 : vector<16xi32>
        %swap3A_1557 = arith.index_cast %add3A_1530 : i32 to index
        %swap3A_1558 = tpu.vector_load %arg13[%swap3A_1557] {strides = array<i32>} : memref<2000xi32, #tpu.memory_space<vmem>>, vector<16xi32>,
        tpu.vector_store %arg13[%swap3A_1557], %add3A_1556 {strides = array<i32>} : memref<2000xi32, #tpu.memory_space<vmem>>, vector<16xi32>,
        %scan3A_1559 = arith.constant 0 : i32
        %scan3A_1560 = arith.constant 5 : i32
        %scan3A_1561 = arith.constant 0 : i32
        scf.yield %scan3A_1561 : i32
      }
      %scan3A_1318 = arith.constant 25 : i32
      %dma_start3A_1319 = arith.constant 0 : i32
      %dma_start3A_1320 = arith.constant 0 : i32
      %dma_start3A_1321 = tpu.memref_slice %arg12[%dma_start3A_1319, %dma_start3A_1320] : memref<25x80xi32, #tpu.memory_space<vmem>> -> memref<1x80xi32, #tpu.memory_space<vmem>>
      %dma_start3A_1322 = tpu.memref_squeeze %dma_start3A_1321 : memref<1x80xi32, #tpu.memory_space<vmem>> -> memref<80xi32, #tpu.memory_space<vmem>>
      %dma_start3A_1323 = arith.constant 0 : i32
      %dma_start3A_1324 = arith.constant 0 : i32
      %dma_start3A_1325 = tpu.memref_slice %arg5[%dma_start3A_1323, %dma_start3A_1324] : memref<110000x128xf32, #tpu.memory_space<hbm>> -> memref<110000x128xf32, #tpu.memory_space<hbm>>
      tpu.enqueue_indirect_dma source(%dma_start3A_1325 : memref<110000x128xf32, #tpu.memory_space<hbm>>) target(%arg15 : memref<80x128xf32, #tpu.memory_space<vmem>>) offsets(%dma_start3A_1322 : memref<80xi32, #tpu.memory_space<vmem>>) semaphore(%arg20 : memref<!tpu.dma_semaphore, #tpu.memory_space<semaphore_mem>>)
      %dma_start3A_1326 = arith.constant 1 : i32
      %dma_start3A_1327 = arith.constant 0 : i32
      %dma_start3A_1328 = tpu.memref_slice %arg12[%dma_start3A_1326, %dma_start3A_1327] : memref<25x80xi32, #tpu.memory_space<vmem>> -> memref<1x80xi32, #tpu.memory_space<vmem>>
      %dma_start3A_1329 = tpu.memref_squeeze %dma_start3A_1328 : memref<1x80xi32, #tpu.memory_space<vmem>> -> memref<80xi32, #tpu.memory_space<vmem>>
      %dma_start3A_1330 = arith.constant 0 : i32
      %dma_start3A_1331 = arith.constant 0 : i32
      %dma_start3A_1332 = tpu.memref_slice %arg5[%dma_start3A_1330, %dma_start3A_1331] : memref<110000x128xf32, #tpu.memory_space<hbm>> -> memref<110000x128xf32, #tpu.memory_space<hbm>>
      tpu.enqueue_indirect_dma source(%dma_start3A_1332 : memref<110000x128xf32, #tpu.memory_space<hbm>>) target(%arg16 : memref<80x128xf32, #tpu.memory_space<vmem>>) offsets(%dma_start3A_1329 : memref<80xi32, #tpu.memory_space<vmem>>) semaphore(%arg21 : memref<!tpu.dma_semaphore, #tpu.memory_space<semaphore_mem>>)
      %scan3A_1333 = arith.constant 0 : i32
      %scan3A_1334 = arith.constant 0 : i32
      %scan3A_1335 = arith.constant 5 : i32
      %scan3A_1336 = arith.addi %scan3A_1334, %scan3A_1335 : i32
      %scan3A_1337 = arith.constant 1 : i32
      %scan3A_1338 = scf.for %scan3A_1383 = %scan3A_1334 to %scan3A_1336 step %scan3A_1337 iter_args(%scan3A_1384 = %scan3A_1333) -> (i32)  : i32 {
        %mul3A_1385 = arith.constant 5 : i32
        %mul3A_1386 = arith.muli %scan3A_1383, %mul3A_1385 : i32
        %add3A_1387 = arith.constant 0 : i32
        %add3A_1388 = arith.addi %mul3A_1386, %add3A_1387 : i32
        %mul3A_1389 = arith.constant 80 : i32
        %mul3A_1390 = arith.muli %add3A_1388, %mul3A_1389 : i32
        %mul3A_1391 = arith.constant 5 : i32
        %mul3A_1392 = arith.muli %scan3A_1383, %mul3A_1391 : i32
        %add3A_1393 = arith.constant 0 : i32
        %add3A_1394 = arith.addi %mul3A_1392, %add3A_1393 : i32
        %mul3A_1395 = arith.constant 80 : i32
        %mul3A_1396 = arith.muli %add3A_1394, %mul3A_1395 : i32
        %dma_start3A_1397 = tpu.memref_slice %arg14[%mul3A_1396] : memref<2000xf32, #tpu.memory_space<vmem>> -> memref<80xf32, #tpu.memory_space<vmem>>
        %dma_start3A_1398 = tpu.memref_slice %arg13[%mul3A_1390] : memref<2000xi32, #tpu.memory_space<vmem>> -> memref<80xi32, #tpu.memory_space<vmem>>
        %dma_start3A_1399 = arith.constant 0 : i32
        %dma_start3A_1400 = tpu.memref_slice %arg6[%dma_start3A_1399] : memref<220000xf32, #tpu.memory_space<hbm>> -> memref<220000xf32, #tpu.memory_space<hbm>>
        tpu.enqueue_indirect_dma source(%dma_start3A_1400 : memref<220000xf32, #tpu.memory_space<hbm>>) target(%dma_start3A_1397 : memref<80xf32, #tpu.memory_space<vmem>>) offsets(%dma_start3A_1398 : memref<80xi32, #tpu.memory_space<vmem>>) semaphore(%arg19 : memref<!tpu.dma_semaphore, #tpu.memory_space<semaphore_mem>>)
        %mul3A_1401 = arith.constant 5 : i32
        %mul3A_1402 = arith.muli %scan3A_1383, %mul3A_1401 : i32
        %add3A_1403 = arith.constant 1 : i32
        %add3A_1404 = arith.addi %mul3A_1402, %add3A_1403 : i32
        %mul3A_1405 = arith.constant 80 : i32
        %mul3A_1406 = arith.muli %add3A_1404, %mul3A_1405 : i32
        %mul3A_1407 = arith.constant 5 : i32
        %mul3A_1408 = arith.muli %scan3A_1383, %mul3A_1407 : i32
        %add3A_1409 = arith.constant 1 : i32
        %add3A_1410 = arith.addi %mul3A_1408, %add3A_1409 : i32
        %mul3A_1411 = arith.constant 80 : i32
        %mul3A_1412 = arith.muli %add3A_1410, %mul3A_1411 : i32
        %dma_start3A_1413 = tpu.memref_slice %arg14[%mul3A_1412] : memref<2000xf32, #tpu.memory_space<vmem>> -> memref<80xf32, #tpu.memory_space<vmem>>
        %dma_start3A_1414 = tpu.memref_slice %arg13[%mul3A_1406] : memref<2000xi32, #tpu.memory_space<vmem>> -> memref<80xi32, #tpu.memory_space<vmem>>
        %dma_start3A_1415 = arith.constant 0 : i32
        %dma_start3A_1416 = tpu.memref_slice %arg6[%dma_start3A_1415] : memref<220000xf32, #tpu.memory_space<hbm>> -> memref<220000xf32, #tpu.memory_space<hbm>>
        tpu.enqueue_indirect_dma source(%dma_start3A_1416 : memref<220000xf32, #tpu.memory_space<hbm>>) target(%dma_start3A_1413 : memref<80xf32, #tpu.memory_space<vmem>>) offsets(%dma_start3A_1414 : memref<80xi32, #tpu.memory_space<vmem>>) semaphore(%arg19 : memref<!tpu.dma_semaphore, #tpu.memory_space<semaphore_mem>>)
        %mul3A_1417 = arith.constant 5 : i32
        %mul3A_1418 = arith.muli %scan3A_1383, %mul3A_1417 : i32
        %add3A_1419 = arith.constant 2 : i32
        %add3A_1420 = arith.addi %mul3A_1418, %add3A_1419 : i32
        %mul3A_1421 = arith.constant 80 : i32
        %mul3A_1422 = arith.muli %add3A_1420, %mul3A_1421 : i32
        %mul3A_1423 = arith.constant 5 : i32
        %mul3A_1424 = arith.muli %scan3A_1383, %mul3A_1423 : i32
        %add3A_1425 = arith.constant 2 : i32
        %add3A_1426 = arith.addi %mul3A_1424, %add3A_1425 : i32
        %mul3A_1427 = arith.constant 80 : i32
        %mul3A_1428 = arith.muli %add3A_1426, %mul3A_1427 : i32
        %dma_start3A_1429 = tpu.memref_slice %arg14[%mul3A_1428] : memref<2000xf32, #tpu.memory_space<vmem>> -> memref<80xf32, #tpu.memory_space<vmem>>
        %dma_start3A_1430 = tpu.memref_slice %arg13[%mul3A_1422] : memref<2000xi32, #tpu.memory_space<vmem>> -> memref<80xi32, #tpu.memory_space<vmem>>
        %dma_start3A_1431 = arith.constant 0 : i32
        %dma_start3A_1432 = tpu.memref_slice %arg6[%dma_start3A_1431] : memref<220000xf32, #tpu.memory_space<hbm>> -> memref<220000xf32, #tpu.memory_space<hbm>>
        tpu.enqueue_indirect_dma source(%dma_start3A_1432 : memref<220000xf32, #tpu.memory_space<hbm>>) target(%dma_start3A_1429 : memref<80xf32, #tpu.memory_space<vmem>>) offsets(%dma_start3A_1430 : memref<80xi32, #tpu.memory_space<vmem>>) semaphore(%arg19 : memref<!tpu.dma_semaphore, #tpu.memory_space<semaphore_mem>>)
        %mul3A_1433 = arith.constant 5 : i32
        %mul3A_1434 = arith.muli %scan3A_1383, %mul3A_1433 : i32
        %add3A_1435 = arith.constant 3 : i32
        %add3A_1436 = arith.addi %mul3A_1434, %add3A_1435 : i32
        %mul3A_1437 = arith.constant 80 : i32
        %mul3A_1438 = arith.muli %add3A_1436, %mul3A_1437 : i32
        %mul3A_1439 = arith.constant 5 : i32
        %mul3A_1440 = arith.muli %scan3A_1383, %mul3A_1439 : i32
        %add3A_1441 = arith.constant 3 : i32
        %add3A_1442 = arith.addi %mul3A_1440, %add3A_1441 : i32
        %mul3A_1443 = arith.constant 80 : i32
        %mul3A_1444 = arith.muli %add3A_1442, %mul3A_1443 : i32
        %dma_start3A_1445 = tpu.memref_slice %arg14[%mul3A_1444] : memref<2000xf32, #tpu.memory_space<vmem>> -> memref<80xf32, #tpu.memory_space<vmem>>
        %dma_start3A_1446 = tpu.memref_slice %arg13[%mul3A_1438] : memref<2000xi32, #tpu.memory_space<vmem>> -> memref<80xi32, #tpu.memory_space<vmem>>
        %dma_start3A_1447 = arith.constant 0 : i32
        %dma_start3A_1448 = tpu.memref_slice %arg6[%dma_start3A_1447] : memref<220000xf32, #tpu.memory_space<hbm>> -> memref<220000xf32, #tpu.memory_space<hbm>>
        tpu.enqueue_indirect_dma source(%dma_start3A_1448 : memref<220000xf32, #tpu.memory_space<hbm>>) target(%dma_start3A_1445 : memref<80xf32, #tpu.memory_space<vmem>>) offsets(%dma_start3A_1446 : memref<80xi32, #tpu.memory_space<vmem>>) semaphore(%arg19 : memref<!tpu.dma_semaphore, #tpu.memory_space<semaphore_mem>>)
        %mul3A_1449 = arith.constant 5 : i32
        %mul3A_1450 = arith.muli %scan3A_1383, %mul3A_1449 : i32
        %add3A_1451 = arith.constant 4 : i32
        %add3A_1452 = arith.addi %mul3A_1450, %add3A_1451 : i32
        %mul3A_1453 = arith.constant 80 : i32
        %mul3A_1454 = arith.muli %add3A_1452, %mul3A_1453 : i32
        %mul3A_1455 = arith.constant 5 : i32
        %mul3A_1456 = arith.muli %scan3A_1383, %mul3A_1455 : i32
        %add3A_1457 = arith.constant 4 : i32
        %add3A_1458 = arith.addi %mul3A_1456, %add3A_1457 : i32
        %mul3A_1459 = arith.constant 80 : i32
        %mul3A_1460 = arith.muli %add3A_1458, %mul3A_1459 : i32
        %dma_start3A_1461 = tpu.memref_slice %arg14[%mul3A_1460] : memref<2000xf32, #tpu.memory_space<vmem>> -> memref<80xf32, #tpu.memory_space<vmem>>
        %dma_start3A_1462 = tpu.memref_slice %arg13[%mul3A_1454] : memref<2000xi32, #tpu.memory_space<vmem>> -> memref<80xi32, #tpu.memory_space<vmem>>
        %dma_start3A_1463 = arith.constant 0 : i32
        %dma_start3A_1464 = tpu.memref_slice %arg6[%dma_start3A_1463] : memref<220000xf32, #tpu.memory_space<hbm>> -> memref<220000xf32, #tpu.memory_space<hbm>>
        tpu.enqueue_indirect_dma source(%dma_start3A_1464 : memref<220000xf32, #tpu.memory_space<hbm>>) target(%dma_start3A_1461 : memref<80xf32, #tpu.memory_space<vmem>>) offsets(%dma_start3A_1462 : memref<80xi32, #tpu.memory_space<vmem>>) semaphore(%arg19 : memref<!tpu.dma_semaphore, #tpu.memory_space<semaphore_mem>>)
        %dma_wait3A_1465 = tpu.memref_slice %arg14[%mul3A_1396] : memref<2000xf32, #tpu.memory_space<vmem>> -> memref<80xf32, #tpu.memory_space<vmem>>
        %dma_wait3A_1466 = tpu.memref_slice %arg13[%mul3A_1390] : memref<2000xi32, #tpu.memory_space<vmem>> -> memref<80xi32, #tpu.memory_space<vmem>>
        %dma_wait3A_1467 = arith.constant 0 : i32
        %dma_wait3A_1468 = tpu.memref_slice %arg6[%dma_wait3A_1467] : memref<220000xf32, #tpu.memory_space<hbm>> -> memref<220000xf32, #tpu.memory_space<hbm>>
        tpu.wait_indirect_dma semaphore(%arg19 : memref<!tpu.dma_semaphore, #tpu.memory_space<semaphore_mem>>) src(%dma_wait3A_1468 : memref<220000xf32, #tpu.memory_space<hbm>>) dst(%dma_wait3A_1465 : memref<80xf32, #tpu.memory_space<vmem>>)
        %dma_wait3A_1469 = tpu.memref_slice %arg14[%mul3A_1412] : memref<2000xf32, #tpu.memory_space<vmem>> -> memref<80xf32, #tpu.memory_space<vmem>>
        %dma_wait3A_1470 = tpu.memref_slice %arg13[%mul3A_1406] : memref<2000xi32, #tpu.memory_space<vmem>> -> memref<80xi32, #tpu.memory_space<vmem>>
        %dma_wait3A_1471 = arith.constant 0 : i32
        %dma_wait3A_1472 = tpu.memref_slice %arg6[%dma_wait3A_1471] : memref<220000xf32, #tpu.memory_space<hbm>> -> memref<220000xf32, #tpu.memory_space<hbm>>
        tpu.wait_indirect_dma semaphore(%arg19 : memref<!tpu.dma_semaphore, #tpu.memory_space<semaphore_mem>>) src(%dma_wait3A_1472 : memref<220000xf32, #tpu.memory_space<hbm>>) dst(%dma_wait3A_1469 : memref<80xf32, #tpu.memory_space<vmem>>)
        %dma_wait3A_1473 = tpu.memref_slice %arg14[%mul3A_1428] : memref<2000xf32, #tpu.memory_space<vmem>> -> memref<80xf32, #tpu.memory_space<vmem>>
        %dma_wait3A_1474 = tpu.memref_slice %arg13[%mul3A_1422] : memref<2000xi32, #tpu.memory_space<vmem>> -> memref<80xi32, #tpu.memory_space<vmem>>
        %dma_wait3A_1475 = arith.constant 0 : i32
        %dma_wait3A_1476 = tpu.memref_slice %arg6[%dma_wait3A_1475] : memref<220000xf32, #tpu.memory_space<hbm>> -> memref<220000xf32, #tpu.memory_space<hbm>>
        tpu.wait_indirect_dma semaphore(%arg19 : memref<!tpu.dma_semaphore, #tpu.memory_space<semaphore_mem>>) src(%dma_wait3A_1476 : memref<220000xf32, #tpu.memory_space<hbm>>) dst(%dma_wait3A_1473 : memref<80xf32, #tpu.memory_space<vmem>>)
        %dma_wait3A_1477 = tpu.memref_slice %arg14[%mul3A_1444] : memref<2000xf32, #tpu.memory_space<vmem>> -> memref<80xf32, #tpu.memory_space<vmem>>
        %dma_wait3A_1478 = tpu.memref_slice %arg13[%mul3A_1438] : memref<2000xi32, #tpu.memory_space<vmem>> -> memref<80xi32, #tpu.memory_space<vmem>>
        %dma_wait3A_1479 = arith.constant 0 : i32
        %dma_wait3A_1480 = tpu.memref_slice %arg6[%dma_wait3A_1479] : memref<220000xf32, #tpu.memory_space<hbm>> -> memref<220000xf32, #tpu.memory_space<hbm>>
        tpu.wait_indirect_dma semaphore(%arg19 : memref<!tpu.dma_semaphore, #tpu.memory_space<semaphore_mem>>) src(%dma_wait3A_1480 : memref<220000xf32, #tpu.memory_space<hbm>>) dst(%dma_wait3A_1477 : memref<80xf32, #tpu.memory_space<vmem>>)
        %dma_wait3A_1481 = tpu.memref_slice %arg14[%mul3A_1460] : memref<2000xf32, #tpu.memory_space<vmem>> -> memref<80xf32, #tpu.memory_space<vmem>>
        %dma_wait3A_1482 = tpu.memref_slice %arg13[%mul3A_1454] : memref<2000xi32, #tpu.memory_space<vmem>> -> memref<80xi32, #tpu.memory_space<vmem>>
        %dma_wait3A_1483 = arith.constant 0 : i32
        %dma_wait3A_1484 = tpu.memref_slice %arg6[%dma_wait3A_1483] : memref<220000xf32, #tpu.memory_space<hbm>> -> memref<220000xf32, #tpu.memory_space<hbm>>
        tpu.wait_indirect_dma semaphore(%arg19 : memref<!tpu.dma_semaphore, #tpu.memory_space<semaphore_mem>>) src(%dma_wait3A_1484 : memref<220000xf32, #tpu.memory_space<hbm>>) dst(%dma_wait3A_1481 : memref<80xf32, #tpu.memory_space<vmem>>)
        %scan3A_1485 = arith.constant 0 : i32
        scf.yield %scan3A_1485 : i32
      }
      %scan3A_1339 = arith.constant 5 : i32
      %scan3A_1340 = arith.constant 0 : i32
      %scan3A_1341 = arith.constant 0 : i32
      %scan3A_1342 = arith.constant 125 : i32
      %scan3A_1343 = arith.addi %scan3A_1341, %scan3A_1342 : i32
      %scan3A_1344 = arith.constant 5 : i32
      %scan3A_1345 = scf.for %scan3A_1383 = %scan3A_1341 to %scan3A_1343 step %scan3A_1344 iter_args(%scan3A_1384 = %scan3A_1340) -> (i32)  : i32 {
        %mul3A_1385 = arith.constant 16 : i32
        %mul3A_1386 = arith.muli %scan3A_1383, %mul3A_1385 : i32
        %get3A = arith.index_cast %mul3A_1386 : i32 to index
        %get3A_1387 = tpu.vector_load %arg14[%get3A] {strides = array<i32>} : memref<2000xf32, #tpu.memory_space<vmem>>, vector<16xf32>,
        %div3A = arith.constant 1.000000e+00 : f32
        %div3A_1388 = vector.broadcast %div3A : f32 to vector<16xf32>
        %div3A_1389 = arith.divf %div3A_1388, %get3A_1387 : vector<16xf32>
        %swap3A_1390 = arith.index_cast %mul3A_1386 : i32 to index
        %swap3A_1391 = tpu.vector_load %arg14[%swap3A_1390] {strides = array<i32>} : memref<2000xf32, #tpu.memory_space<vmem>>, vector<16xf32>,
        tpu.vector_store %arg14[%swap3A_1390], %div3A_1389 {strides = array<i32>} : memref<2000xf32, #tpu.memory_space<vmem>>, vector<16xf32>,
        %scan3A_1392 = arith.constant 0 : i32
        %scan3A_1393 = arith.constant 1 : i32
        %scan3A_1394 = arith.addi %scan3A_1383, %scan3A_1393 : i32
        %mul3A_1395 = arith.constant 16 : i32
        %mul3A_1396 = arith.muli %scan3A_1394, %mul3A_1395 : i32
        %get3A_1397 = arith.index_cast %mul3A_1396 : i32 to index
        %get3A_1398 = tpu.vector_load %arg14[%get3A_1397] {strides = array<i32>} : memref<2000xf32, #tpu.memory_space<vmem>>, vector<16xf32>,
        %div3A_1399 = arith.constant 1.000000e+00 : f32
        %div3A_1400 = vector.broadcast %div3A_1399 : f32 to vector<16xf32>
        %div3A_1401 = arith.divf %div3A_1400, %get3A_1398 : vector<16xf32>
        %swap3A_1402 = arith.index_cast %mul3A_1396 : i32 to index
        %swap3A_1403 = tpu.vector_load %arg14[%swap3A_1402] {strides = array<i32>} : memref<2000xf32, #tpu.memory_space<vmem>>, vector<16xf32>,
        tpu.vector_store %arg14[%swap3A_1402], %div3A_1401 {strides = array<i32>} : memref<2000xf32, #tpu.memory_space<vmem>>, vector<16xf32>,
        %scan3A_1404 = arith.constant 0 : i32
        %scan3A_1405 = arith.constant 2 : i32
        %scan3A_1406 = arith.addi %scan3A_1383, %scan3A_1405 : i32
        %mul3A_1407 = arith.constant 16 : i32
        %mul3A_1408 = arith.muli %scan3A_1406, %mul3A_1407 : i32
        %get3A_1409 = arith.index_cast %mul3A_1408 : i32 to index
        %get3A_1410 = tpu.vector_load %arg14[%get3A_1409] {strides = array<i32>} : memref<2000xf32, #tpu.memory_space<vmem>>, vector<16xf32>,
        %div3A_1411 = arith.constant 1.000000e+00 : f32
        %div3A_1412 = vector.broadcast %div3A_1411 : f32 to vector<16xf32>
        %div3A_1413 = arith.divf %div3A_1412, %get3A_1410 : vector<16xf32>
        %swap3A_1414 = arith.index_cast %mul3A_1408 : i32 to index
        %swap3A_1415 = tpu.vector_load %arg14[%swap3A_1414] {strides = array<i32>} : memref<2000xf32, #tpu.memory_space<vmem>>, vector<16xf32>,
        tpu.vector_store %arg14[%swap3A_1414], %div3A_1413 {strides = array<i32>} : memref<2000xf32, #tpu.memory_space<vmem>>, vector<16xf32>,
        %scan3A_1416 = arith.constant 0 : i32
        %scan3A_1417 = arith.constant 3 : i32
        %scan3A_1418 = arith.addi %scan3A_1383, %scan3A_1417 : i32
        %mul3A_1419 = arith.constant 16 : i32
        %mul3A_1420 = arith.muli %scan3A_1418, %mul3A_1419 : i32
        %get3A_1421 = arith.index_cast %mul3A_1420 : i32 to index
        %get3A_1422 = tpu.vector_load %arg14[%get3A_1421] {strides = array<i32>} : memref<2000xf32, #tpu.memory_space<vmem>>, vector<16xf32>,
        %div3A_1423 = arith.constant 1.000000e+00 : f32
        %div3A_1424 = vector.broadcast %div3A_1423 : f32 to vector<16xf32>
        %div3A_1425 = arith.divf %div3A_1424, %get3A_1422 : vector<16xf32>
        %swap3A_1426 = arith.index_cast %mul3A_1420 : i32 to index
        %swap3A_1427 = tpu.vector_load %arg14[%swap3A_1426] {strides = array<i32>} : memref<2000xf32, #tpu.memory_space<vmem>>, vector<16xf32>,
        tpu.vector_store %arg14[%swap3A_1426], %div3A_1425 {strides = array<i32>} : memref<2000xf32, #tpu.memory_space<vmem>>, vector<16xf32>,
        %scan3A_1428 = arith.constant 0 : i32
        %scan3A_1429 = arith.constant 4 : i32
        %scan3A_1430 = arith.addi %scan3A_1383, %scan3A_1429 : i32
        %mul3A_1431 = arith.constant 16 : i32
        %mul3A_1432 = arith.muli %scan3A_1430, %mul3A_1431 : i32
        %get3A_1433 = arith.index_cast %mul3A_1432 : i32 to index
        %get3A_1434 = tpu.vector_load %arg14[%get3A_1433] {strides = array<i32>} : memref<2000xf32, #tpu.memory_space<vmem>>, vector<16xf32>,
        %div3A_1435 = arith.constant 1.000000e+00 : f32
        %div3A_1436 = vector.broadcast %div3A_1435 : f32 to vector<16xf32>
        %div3A_1437 = arith.divf %div3A_1436, %get3A_1434 : vector<16xf32>
        %swap3A_1438 = arith.index_cast %mul3A_1432 : i32 to index
        %swap3A_1439 = tpu.vector_load %arg14[%swap3A_1438] {strides = array<i32>} : memref<2000xf32, #tpu.memory_space<vmem>>, vector<16xf32>,
        tpu.vector_store %arg14[%swap3A_1438], %div3A_1437 {strides = array<i32>} : memref<2000xf32, #tpu.memory_space<vmem>>, vector<16xf32>,
        %scan3A_1440 = arith.constant 0 : i32
        scf.yield %scan3A_1440 : i32
      }
      %scan3A_1346 = arith.constant 125 : i32
      %scan3A_1347 = arith.constant 0 : i32
      %scan3A_1348 = arith.constant 0 : i32
      %scan3A_1349 = arith.constant 12 : i32
      %scan3A_1350 = arith.addi %scan3A_1348, %scan3A_1349 : i32
      %scan3A_1351 = arith.constant 1 : i32
      %scan3A_1352 = scf.for %scan3A_1383 = %scan3A_1348 to %scan3A_1350 step %scan3A_1351 iter_args(%scan3A_1384 = %scan3A_1347) -> (i32)  : i32 {
        %mul3A_1385 = arith.constant 2 : i32
        %mul3A_1386 = arith.muli %scan3A_1383, %mul3A_1385 : i32
        %dma_wait3A_1387 = arith.constant 0 : i32
        %dma_wait3A_1388 = tpu.memref_slice %arg12[%mul3A_1386, %dma_wait3A_1387] : memref<25x80xi32, #tpu.memory_space<vmem>> -> memref<1x80xi32, #tpu.memory_space<vmem>>
        %dma_wait3A_1389 = tpu.memref_squeeze %dma_wait3A_1388 : memref<1x80xi32, #tpu.memory_space<vmem>> -> memref<80xi32, #tpu.memory_space<vmem>>
        %dma_wait3A_1390 = arith.constant 0 : i32
        %dma_wait3A_1391 = arith.constant 0 : i32
        %dma_wait3A_1392 = tpu.memref_slice %arg5[%dma_wait3A_1390, %dma_wait3A_1391] : memref<110000x128xf32, #tpu.memory_space<hbm>> -> memref<110000x128xf32, #tpu.memory_space<hbm>>
        tpu.wait_indirect_dma semaphore(%arg20 : memref<!tpu.dma_semaphore, #tpu.memory_space<semaphore_mem>>) src(%dma_wait3A_1392 : memref<110000x128xf32, #tpu.memory_space<hbm>>) dst(%arg15 : memref<80x128xf32, #tpu.memory_space<vmem>>)
        %scan3A_1393 = arith.constant 0 : i32
        %scan3A_1394 = arith.constant 0 : i32
        %scan3A_1395 = arith.constant 80 : i32
        %scan3A_1396 = arith.addi %scan3A_1394, %scan3A_1395 : i32
        %scan3A_1397 = arith.constant 2 : i32
        %scan3A_1398 = scf.for %scan3A_1456 = %scan3A_1394 to %scan3A_1396 step %scan3A_1397 iter_args(%scan3A_1457 = %scan3A_1393) -> (i32)  : i32 {
          %mul3A_1458 = arith.constant 80 : i32
          %mul3A_1459 = arith.muli %mul3A_1386, %mul3A_1458 : i32
          %broadcast_in_dim3A_1460 = vector.broadcast %mul3A_1459 : i32 to vector<16xi32>
          %add3A_1461 = vector.broadcast %scan3A_1456 : i32 to vector<16xi32>
          %add3A_1462 = arith.addi %broadcast_in_dim3A_1460, %add3A_1461 : vector<16xi32>
          %gather3A = tpu.vector_load_idx %arg14[%add3A_1462] : memref<2000xf32, #tpu.memory_space<vmem>>[vector<16xi32>], vector<16xf32>,
          %get3A = arith.index_cast %scan3A_1456 : i32 to index
          %get3A_1463 = arith.constant 0 : index
          %get3A_1464 = tpu.vector_load %arg15[%get3A, %get3A_1463] {strides = array<i32>} : memref<80x128xf32, #tpu.memory_space<vmem>>, vector<16xf32>,
          %mul3A_1465 = arith.mulf %get3A_1464, %gather3A : vector<16xf32>
          %swap3A_1466 = arith.index_cast %scan3A_1456 : i32 to index
          %swap3A_1467 = arith.constant 0 : index
          %swap3A_1468 = tpu.vector_load %arg15[%swap3A_1466, %swap3A_1467] {strides = array<i32>} : memref<80x128xf32, #tpu.memory_space<vmem>>, vector<16xf32>,
          tpu.vector_store %arg15[%swap3A_1466, %swap3A_1467], %mul3A_1465 {strides = array<i32>} : memref<80x128xf32, #tpu.memory_space<vmem>>, vector<16xf32>,
          %get3A_1469 = arith.index_cast %scan3A_1456 : i32 to index
          %get3A_1470 = arith.constant 16 : index
          %get3A_1471 = tpu.vector_load %arg15[%get3A_1469, %get3A_1470] {strides = array<i32>} : memref<80x128xf32, #tpu.memory_space<vmem>>, vector<16xf32>,
          %mul3A_1472 = arith.mulf %get3A_1471, %gather3A : vector<16xf32>
          %swap3A_1473 = arith.index_cast %scan3A_1456 : i32 to index
          %swap3A_1474 = arith.constant 16 : index
          %swap3A_1475 = tpu.vector_load %arg15[%swap3A_1473, %swap3A_1474] {strides = array<i32>} : memref<80x128xf32, #tpu.memory_space<vmem>>, vector<16xf32>,
          tpu.vector_store %arg15[%swap3A_1473, %swap3A_1474], %mul3A_1472 {strides = array<i32>} : memref<80x128xf32, #tpu.memory_space<vmem>>, vector<16xf32>,
          %get3A_1476 = arith.index_cast %scan3A_1456 : i32 to index
          %get3A_1477 = arith.constant 32 : index
          %get3A_1478 = tpu.vector_load %arg15[%get3A_1476, %get3A_1477] {strides = array<i32>} : memref<80x128xf32, #tpu.memory_space<vmem>>, vector<16xf32>,
          %mul3A_1479 = arith.mulf %get3A_1478, %gather3A : vector<16xf32>
          %swap3A_1480 = arith.index_cast %scan3A_1456 : i32 to index
          %swap3A_1481 = arith.constant 32 : index
          %swap3A_1482 = tpu.vector_load %arg15[%swap3A_1480, %swap3A_1481] {strides = array<i32>} : memref<80x128xf32, #tpu.memory_space<vmem>>, vector<16xf32>,
          tpu.vector_store %arg15[%swap3A_1480, %swap3A_1481], %mul3A_1479 {strides = array<i32>} : memref<80x128xf32, #tpu.memory_space<vmem>>, vector<16xf32>,
          %get3A_1483 = arith.index_cast %scan3A_1456 : i32 to index
          %get3A_1484 = arith.constant 48 : index
          %get3A_1485 = tpu.vector_load %arg15[%get3A_1483, %get3A_1484] {strides = array<i32>} : memref<80x128xf32, #tpu.memory_space<vmem>>, vector<16xf32>,
          %mul3A_1486 = arith.mulf %get3A_1485, %gather3A : vector<16xf32>
          %swap3A_1487 = arith.index_cast %scan3A_1456 : i32 to index
          %swap3A_1488 = arith.constant 48 : index
          %swap3A_1489 = tpu.vector_load %arg15[%swap3A_1487, %swap3A_1488] {strides = array<i32>} : memref<80x128xf32, #tpu.memory_space<vmem>>, vector<16xf32>,
          tpu.vector_store %arg15[%swap3A_1487, %swap3A_1488], %mul3A_1486 {strides = array<i32>} : memref<80x128xf32, #tpu.memory_space<vmem>>, vector<16xf32>,
          %get3A_1490 = arith.index_cast %scan3A_1456 : i32 to index
          %get3A_1491 = arith.constant 64 : index
          %get3A_1492 = tpu.vector_load %arg15[%get3A_1490, %get3A_1491] {strides = array<i32>} : memref<80x128xf32, #tpu.memory_space<vmem>>, vector<16xf32>,
          %mul3A_1493 = arith.mulf %get3A_1492, %gather3A : vector<16xf32>
          %swap3A_1494 = arith.index_cast %scan3A_1456 : i32 to index
          %swap3A_1495 = arith.constant 64 : index
          %swap3A_1496 = tpu.vector_load %arg15[%swap3A_1494, %swap3A_1495] {strides = array<i32>} : memref<80x128xf32, #tpu.memory_space<vmem>>, vector<16xf32>,
          tpu.vector_store %arg15[%swap3A_1494, %swap3A_1495], %mul3A_1493 {strides = array<i32>} : memref<80x128xf32, #tpu.memory_space<vmem>>, vector<16xf32>,
          %get3A_1497 = arith.index_cast %scan3A_1456 : i32 to index
          %get3A_1498 = arith.constant 80 : index
          %get3A_1499 = tpu.vector_load %arg15[%get3A_1497, %get3A_1498] {strides = array<i32>} : memref<80x128xf32, #tpu.memory_space<vmem>>, vector<16xf32>,
          %mul3A_1500 = arith.mulf %get3A_1499, %gather3A : vector<16xf32>
          %swap3A_1501 = arith.index_cast %scan3A_1456 : i32 to index
          %swap3A_1502 = arith.constant 80 : index
          %swap3A_1503 = tpu.vector_load %arg15[%swap3A_1501, %swap3A_1502] {strides = array<i32>} : memref<80x128xf32, #tpu.memory_space<vmem>>, vector<16xf32>,
          tpu.vector_store %arg15[%swap3A_1501, %swap3A_1502], %mul3A_1500 {strides = array<i32>} : memref<80x128xf32, #tpu.memory_space<vmem>>, vector<16xf32>,
          %get3A_1504 = arith.index_cast %scan3A_1456 : i32 to index
          %get3A_1505 = arith.constant 96 : index
          %get3A_1506 = tpu.vector_load %arg15[%get3A_1504, %get3A_1505] {strides = array<i32>} : memref<80x128xf32, #tpu.memory_space<vmem>>, vector<16xf32>,
          %mul3A_1507 = arith.mulf %get3A_1506, %gather3A : vector<16xf32>
          %swap3A_1508 = arith.index_cast %scan3A_1456 : i32 to index
          %swap3A_1509 = arith.constant 96 : index
          %swap3A_1510 = tpu.vector_load %arg15[%swap3A_1508, %swap3A_1509] {strides = array<i32>} : memref<80x128xf32, #tpu.memory_space<vmem>>, vector<16xf32>,
          tpu.vector_store %arg15[%swap3A_1508, %swap3A_1509], %mul3A_1507 {strides = array<i32>} : memref<80x128xf32, #tpu.memory_space<vmem>>, vector<16xf32>,
          %get3A_1511 = arith.index_cast %scan3A_1456 : i32 to index
          %get3A_1512 = arith.constant 112 : index
          %get3A_1513 = tpu.vector_load %arg15[%get3A_1511, %get3A_1512] {strides = array<i32>} : memref<80x128xf32, #tpu.memory_space<vmem>>, vector<16xf32>,
          %mul3A_1514 = arith.mulf %get3A_1513, %gather3A : vector<16xf32>
          %swap3A_1515 = arith.index_cast %scan3A_1456 : i32 to index
          %swap3A_1516 = arith.constant 112 : index
          %swap3A_1517 = tpu.vector_load %arg15[%swap3A_1515, %swap3A_1516] {strides = array<i32>} : memref<80x128xf32, #tpu.memory_space<vmem>>, vector<16xf32>,
          tpu.vector_store %arg15[%swap3A_1515, %swap3A_1516], %mul3A_1514 {strides = array<i32>} : memref<80x128xf32, #tpu.memory_space<vmem>>, vector<16xf32>,
          %scan3A_1518 = arith.constant 0 : i32
          %scan3A_1519 = arith.constant 1 : i32
          %scan3A_1520 = arith.addi %scan3A_1456, %scan3A_1519 : i32
          %mul3A_1521 = arith.constant 80 : i32
          %mul3A_1522 = arith.muli %mul3A_1386, %mul3A_1521 : i32
          %broadcast_in_dim3A_1523 = vector.broadcast %mul3A_1522 : i32 to vector<16xi32>
          %add3A_1524 = vector.broadcast %scan3A_1520 : i32 to vector<16xi32>
          %add3A_1525 = arith.addi %broadcast_in_dim3A_1523, %add3A_1524 : vector<16xi32>
          %gather3A_1526 = tpu.vector_load_idx %arg14[%add3A_1525] : memref<2000xf32, #tpu.memory_space<vmem>>[vector<16xi32>], vector<16xf32>,
          %get3A_1527 = arith.index_cast %scan3A_1520 : i32 to index
          %get3A_1528 = arith.constant 0 : index
          %get3A_1529 = tpu.vector_load %arg15[%get3A_1527, %get3A_1528] {strides = array<i32>} : memref<80x128xf32, #tpu.memory_space<vmem>>, vector<16xf32>,
          %mul3A_1530 = arith.mulf %get3A_1529, %gather3A_1526 : vector<16xf32>
          %swap3A_1531 = arith.index_cast %scan3A_1520 : i32 to index
          %swap3A_1532 = arith.constant 0 : index
          %swap3A_1533 = tpu.vector_load %arg15[%swap3A_1531, %swap3A_1532] {strides = array<i32>} : memref<80x128xf32, #tpu.memory_space<vmem>>, vector<16xf32>,
          tpu.vector_store %arg15[%swap3A_1531, %swap3A_1532], %mul3A_1530 {strides = array<i32>} : memref<80x128xf32, #tpu.memory_space<vmem>>, vector<16xf32>,
          %get3A_1534 = arith.index_cast %scan3A_1520 : i32 to index
          %get3A_1535 = arith.constant 16 : index
          %get3A_1536 = tpu.vector_load %arg15[%get3A_1534, %get3A_1535] {strides = array<i32>} : memref<80x128xf32, #tpu.memory_space<vmem>>, vector<16xf32>,
          %mul3A_1537 = arith.mulf %get3A_1536, %gather3A_1526 : vector<16xf32>
          %swap3A_1538 = arith.index_cast %scan3A_1520 : i32 to index
          %swap3A_1539 = arith.constant 16 : index
          %swap3A_1540 = tpu.vector_load %arg15[%swap3A_1538, %swap3A_1539] {strides = array<i32>} : memref<80x128xf32, #tpu.memory_space<vmem>>, vector<16xf32>,
          tpu.vector_store %arg15[%swap3A_1538, %swap3A_1539], %mul3A_1537 {strides = array<i32>} : memref<80x128xf32, #tpu.memory_space<vmem>>, vector<16xf32>,
          %get3A_1541 = arith.index_cast %scan3A_1520 : i32 to index
          %get3A_1542 = arith.constant 32 : index
          %get3A_1543 = tpu.vector_load %arg15[%get3A_1541, %get3A_1542] {strides = array<i32>} : memref<80x128xf32, #tpu.memory_space<vmem>>, vector<16xf32>,
          %mul3A_1544 = arith.mulf %get3A_1543, %gather3A_1526 : vector<16xf32>
          %swap3A_1545 = arith.index_cast %scan3A_1520 : i32 to index
          %swap3A_1546 = arith.constant 32 : index
          %swap3A_1547 = tpu.vector_load %arg15[%swap3A_1545, %swap3A_1546] {strides = array<i32>} : memref<80x128xf32, #tpu.memory_space<vmem>>, vector<16xf32>,
          tpu.vector_store %arg15[%swap3A_1545, %swap3A_1546], %mul3A_1544 {strides = array<i32>} : memref<80x128xf32, #tpu.memory_space<vmem>>, vector<16xf32>,
          %get3A_1548 = arith.index_cast %scan3A_1520 : i32 to index
          %get3A_1549 = arith.constant 48 : index
          %get3A_1550 = tpu.vector_load %arg15[%get3A_1548, %get3A_1549] {strides = array<i32>} : memref<80x128xf32, #tpu.memory_space<vmem>>, vector<16xf32>,
          %mul3A_1551 = arith.mulf %get3A_1550, %gather3A_1526 : vector<16xf32>
          %swap3A_1552 = arith.index_cast %scan3A_1520 : i32 to index
          %swap3A_1553 = arith.constant 48 : index
          %swap3A_1554 = tpu.vector_load %arg15[%swap3A_1552, %swap3A_1553] {strides = array<i32>} : memref<80x128xf32, #tpu.memory_space<vmem>>, vector<16xf32>,
          tpu.vector_store %arg15[%swap3A_1552, %swap3A_1553], %mul3A_1551 {strides = array<i32>} : memref<80x128xf32, #tpu.memory_space<vmem>>, vector<16xf32>,
          %get3A_1555 = arith.index_cast %scan3A_1520 : i32 to index
          %get3A_1556 = arith.constant 64 : index
          %get3A_1557 = tpu.vector_load %arg15[%get3A_1555, %get3A_1556] {strides = array<i32>} : memref<80x128xf32, #tpu.memory_space<vmem>>, vector<16xf32>,
          %mul3A_1558 = arith.mulf %get3A_1557, %gather3A_1526 : vector<16xf32>
          %swap3A_1559 = arith.index_cast %scan3A_1520 : i32 to index
          %swap3A_1560 = arith.constant 64 : index
          %swap3A_1561 = tpu.vector_load %arg15[%swap3A_1559, %swap3A_1560] {strides = array<i32>} : memref<80x128xf32, #tpu.memory_space<vmem>>, vector<16xf32>,
          tpu.vector_store %arg15[%swap3A_1559, %swap3A_1560], %mul3A_1558 {strides = array<i32>} : memref<80x128xf32, #tpu.memory_space<vmem>>, vector<16xf32>,
          %get3A_1562 = arith.index_cast %scan3A_1520 : i32 to index
          %get3A_1563 = arith.constant 80 : index
          %get3A_1564 = tpu.vector_load %arg15[%get3A_1562, %get3A_1563] {strides = array<i32>} : memref<80x128xf32, #tpu.memory_space<vmem>>, vector<16xf32>,
          %mul3A_1565 = arith.mulf %get3A_1564, %gather3A_1526 : vector<16xf32>
          %swap3A_1566 = arith.index_cast %scan3A_1520 : i32 to index
          %swap3A_1567 = arith.constant 80 : index
          %swap3A_1568 = tpu.vector_load %arg15[%swap3A_1566, %swap3A_1567] {strides = array<i32>} : memref<80x128xf32, #tpu.memory_space<vmem>>, vector<16xf32>,
          tpu.vector_store %arg15[%swap3A_1566, %swap3A_1567], %mul3A_1565 {strides = array<i32>} : memref<80x128xf32, #tpu.memory_space<vmem>>, vector<16xf32>,
          %get3A_1569 = arith.index_cast %scan3A_1520 : i32 to index
          %get3A_1570 = arith.constant 96 : index
          %get3A_1571 = tpu.vector_load %arg15[%get3A_1569, %get3A_1570] {strides = array<i32>} : memref<80x128xf32, #tpu.memory_space<vmem>>, vector<16xf32>,
          %mul3A_1572 = arith.mulf %get3A_1571, %gather3A_1526 : vector<16xf32>
          %swap3A_1573 = arith.index_cast %scan3A_1520 : i32 to index
          %swap3A_1574 = arith.constant 96 : index
          %swap3A_1575 = tpu.vector_load %arg15[%swap3A_1573, %swap3A_1574] {strides = array<i32>} : memref<80x128xf32, #tpu.memory_space<vmem>>, vector<16xf32>,
          tpu.vector_store %arg15[%swap3A_1573, %swap3A_1574], %mul3A_1572 {strides = array<i32>} : memref<80x128xf32, #tpu.memory_space<vmem>>, vector<16xf32>,
          %get3A_1576 = arith.index_cast %scan3A_1520 : i32 to index
          %get3A_1577 = arith.constant 112 : index
          %get3A_1578 = tpu.vector_load %arg15[%get3A_1576, %get3A_1577] {strides = array<i32>} : memref<80x128xf32, #tpu.memory_space<vmem>>, vector<16xf32>,
          %mul3A_1579 = arith.mulf %get3A_1578, %gather3A_1526 : vector<16xf32>
          %swap3A_1580 = arith.index_cast %scan3A_1520 : i32 to index
          %swap3A_1581 = arith.constant 112 : index
          %swap3A_1582 = tpu.vector_load %arg15[%swap3A_1580, %swap3A_1581] {strides = array<i32>} : memref<80x128xf32, #tpu.memory_space<vmem>>, vector<16xf32>,
          tpu.vector_store %arg15[%swap3A_1580, %swap3A_1581], %mul3A_1579 {strides = array<i32>} : memref<80x128xf32, #tpu.memory_space<vmem>>, vector<16xf32>,
          %scan3A_1583 = arith.constant 0 : i32
          scf.yield %scan3A_1583 : i32
        }
        %scan3A_1399 = arith.constant 80 : i32
        %dma_start3A_1400 = arith.constant 0 : i32
        %dma_start3A_1401 = tpu.memref_slice %arg11[%mul3A_1386, %dma_start3A_1400] : memref<25x80xi32, #tpu.memory_space<vmem>> -> memref<1x80xi32, #tpu.memory_space<vmem>>
        %dma_start3A_1402 = tpu.memref_squeeze %dma_start3A_1401 : memref<1x80xi32, #tpu.memory_space<vmem>> -> memref<80xi32, #tpu.memory_space<vmem>>
        %dma_start3A_1403 = arith.constant 0 : i32
        %dma_start3A_1404 = arith.constant 0 : i32
        %dma_start3A_1405 = tpu.memref_slice %arg18[%dma_start3A_1403, %dma_start3A_1404] : memref<10000x128xf32, #tpu.memory_space<vmem_shared>> -> memref<10000x128xf32, #tpu.memory_space<vmem_shared>>
        tpu.enqueue_indirect_dma source(%arg15 : memref<80x128xf32, #tpu.memory_space<vmem>>) target(%dma_start3A_1405 : memref<10000x128xf32, #tpu.memory_space<vmem_shared>>) offsets(%dma_start3A_1402 : memref<80xi32, #tpu.memory_space<vmem>>) semaphore(%arg22 : memref<!tpu.dma_semaphore, #tpu.memory_space<semaphore_mem>>) {add = true}
        %dma_wait3A_1406 = arith.constant 0 : i32
        %dma_wait3A_1407 = tpu.memref_slice %arg11[%mul3A_1386, %dma_wait3A_1406] : memref<25x80xi32, #tpu.memory_space<vmem>> -> memref<1x80xi32, #tpu.memory_space<vmem>>
        %dma_wait3A_1408 = tpu.memref_squeeze %dma_wait3A_1407 : memref<1x80xi32, #tpu.memory_space<vmem>> -> memref<80xi32, #tpu.memory_space<vmem>>
        %dma_wait3A_1409 = arith.constant 0 : i32
        %dma_wait3A_1410 = arith.constant 0 : i32
        %dma_wait3A_1411 = tpu.memref_slice %arg18[%dma_wait3A_1409, %dma_wait3A_1410] : memref<10000x128xf32, #tpu.memory_space<vmem_shared>> -> memref<10000x128xf32, #tpu.memory_space<vmem_shared>>
        tpu.wait_indirect_dma semaphore(%arg22 : memref<!tpu.dma_semaphore, #tpu.memory_space<semaphore_mem>>) src(%arg15 : memref<80x128xf32, #tpu.memory_space<vmem>>) dst(%dma_wait3A_1411 : memref<10000x128xf32, #tpu.memory_space<vmem_shared>>)
        %add3A_1412 = arith.constant 2 : i32
        %add3A_1413 = arith.addi %mul3A_1386, %add3A_1412 : i32
        %lt3A_1414 = arith.constant 25 : i32
        %lt3A_1415 = arith.cmpi slt, %add3A_1413, %lt3A_1414 : i32
        %convert_element_type3A_1416 = arith.extui %lt3A_1415 : i1 to i32
        %cond3A_1417 = arith.constant 0 : i32
        %cond3A_1418 = arith.cmpi ne, %convert_element_type3A_1416, %cond3A_1417 : i32
        scf.if %cond3A_1418 {
          %add3A_1456 = arith.constant 2 : i32
          %add3A_1457 = arith.addi %mul3A_1386, %add3A_1456 : i32
          %dma_start3A_1458 = arith.constant 0 : i32
          %dma_start3A_1459 = tpu.memref_slice %arg12[%add3A_1457, %dma_start3A_1458] : memref<25x80xi32, #tpu.memory_space<vmem>> -> memref<1x80xi32, #tpu.memory_space<vmem>>
          %dma_start3A_1460 = tpu.memref_squeeze %dma_start3A_1459 : memref<1x80xi32, #tpu.memory_space<vmem>> -> memref<80xi32, #tpu.memory_space<vmem>>
          %dma_start3A_1461 = arith.constant 0 : i32
          %dma_start3A_1462 = arith.constant 0 : i32
          %dma_start3A_1463 = tpu.memref_slice %arg5[%dma_start3A_1461, %dma_start3A_1462] : memref<110000x128xf32, #tpu.memory_space<hbm>> -> memref<110000x128xf32, #tpu.memory_space<hbm>>
          tpu.enqueue_indirect_dma source(%dma_start3A_1463 : memref<110000x128xf32, #tpu.memory_space<hbm>>) target(%arg15 : memref<80x128xf32, #tpu.memory_space<vmem>>) offsets(%dma_start3A_1460 : memref<80xi32, #tpu.memory_space<vmem>>) semaphore(%arg20 : memref<!tpu.dma_semaphore, #tpu.memory_space<semaphore_mem>>)
        } else {
        }
        %mul3A_1419 = arith.constant 2 : i32
        %mul3A_1420 = arith.muli %scan3A_1383, %mul3A_1419 : i32
        %add3A_1421 = arith.constant 1 : i32
        %add3A_1422 = arith.addi %mul3A_1420, %add3A_1421 : i32
        %dma_wait3A_1423 = arith.constant 0 : i32
        %dma_wait3A_1424 = tpu.memref_slice %arg12[%add3A_1422, %dma_wait3A_1423] : memref<25x80xi32, #tpu.memory_space<vmem>> -> memref<1x80xi32, #tpu.memory_space<vmem>>
        %dma_wait3A_1425 = tpu.memref_squeeze %dma_wait3A_1424 : memref<1x80xi32, #tpu.memory_space<vmem>> -> memref<80xi32, #tpu.memory_space<vmem>>
        %dma_wait3A_1426 = arith.constant 0 : i32
        %dma_wait3A_1427 = arith.constant 0 : i32
        %dma_wait3A_1428 = tpu.memref_slice %arg5[%dma_wait3A_1426, %dma_wait3A_1427] : memref<110000x128xf32, #tpu.memory_space<hbm>> -> memref<110000x128xf32, #tpu.memory_space<hbm>>
        tpu.wait_indirect_dma semaphore(%arg21 : memref<!tpu.dma_semaphore, #tpu.memory_space<semaphore_mem>>) src(%dma_wait3A_1428 : memref<110000x128xf32, #tpu.memory_space<hbm>>) dst(%arg16 : memref<80x128xf32, #tpu.memory_space<vmem>>)
        %scan3A_1429 = arith.constant 0 : i32
        %scan3A_1430 = arith.constant 0 : i32
        %scan3A_1431 = arith.constant 80 : i32
        %scan3A_1432 = arith.addi %scan3A_1430, %scan3A_1431 : i32
        %scan3A_1433 = arith.constant 2 : i32
        %scan3A_1434 = scf.for %scan3A_1456 = %scan3A_1430 to %scan3A_1432 step %scan3A_1433 iter_args(%scan3A_1457 = %scan3A_1429) -> (i32)  : i32 {
          %mul3A_1458 = arith.constant 80 : i32
          %mul3A_1459 = arith.muli %add3A_1422, %mul3A_1458 : i32
          %broadcast_in_dim3A_1460 = vector.broadcast %mul3A_1459 : i32 to vector<16xi32>
          %add3A_1461 = vector.broadcast %scan3A_1456 : i32 to vector<16xi32>
          %add3A_1462 = arith.addi %broadcast_in_dim3A_1460, %add3A_1461 : vector<16xi32>
          %gather3A = tpu.vector_load_idx %arg14[%add3A_1462] : memref<2000xf32, #tpu.memory_space<vmem>>[vector<16xi32>], vector<16xf32>,
          %get3A = arith.index_cast %scan3A_1456 : i32 to index
          %get3A_1463 = arith.constant 0 : index
          %get3A_1464 = tpu.vector_load %arg16[%get3A, %get3A_1463] {strides = array<i32>} : memref<80x128xf32, #tpu.memory_space<vmem>>, vector<16xf32>,
          %mul3A_1465 = arith.mulf %get3A_1464, %gather3A : vector<16xf32>
          %swap3A_1466 = arith.index_cast %scan3A_1456 : i32 to index
          %swap3A_1467 = arith.constant 0 : index
          %swap3A_1468 = tpu.vector_load %arg16[%swap3A_1466, %swap3A_1467] {strides = array<i32>} : memref<80x128xf32, #tpu.memory_space<vmem>>, vector<16xf32>,
          tpu.vector_store %arg16[%swap3A_1466, %swap3A_1467], %mul3A_1465 {strides = array<i32>} : memref<80x128xf32, #tpu.memory_space<vmem>>, vector<16xf32>,
          %get3A_1469 = arith.index_cast %scan3A_1456 : i32 to index
          %get3A_1470 = arith.constant 16 : index
          %get3A_1471 = tpu.vector_load %arg16[%get3A_1469, %get3A_1470] {strides = array<i32>} : memref<80x128xf32, #tpu.memory_space<vmem>>, vector<16xf32>,
          %mul3A_1472 = arith.mulf %get3A_1471, %gather3A : vector<16xf32>
          %swap3A_1473 = arith.index_cast %scan3A_1456 : i32 to index
          %swap3A_1474 = arith.constant 16 : index
          %swap3A_1475 = tpu.vector_load %arg16[%swap3A_1473, %swap3A_1474] {strides = array<i32>} : memref<80x128xf32, #tpu.memory_space<vmem>>, vector<16xf32>,
          tpu.vector_store %arg16[%swap3A_1473, %swap3A_1474], %mul3A_1472 {strides = array<i32>} : memref<80x128xf32, #tpu.memory_space<vmem>>, vector<16xf32>,
          %get3A_1476 = arith.index_cast %scan3A_1456 : i32 to index
          %get3A_1477 = arith.constant 32 : index
          %get3A_1478 = tpu.vector_load %arg16[%get3A_1476, %get3A_1477] {strides = array<i32>} : memref<80x128xf32, #tpu.memory_space<vmem>>, vector<16xf32>,
          %mul3A_1479 = arith.mulf %get3A_1478, %gather3A : vector<16xf32>
          %swap3A_1480 = arith.index_cast %scan3A_1456 : i32 to index
          %swap3A_1481 = arith.constant 32 : index
          %swap3A_1482 = tpu.vector_load %arg16[%swap3A_1480, %swap3A_1481] {strides = array<i32>} : memref<80x128xf32, #tpu.memory_space<vmem>>, vector<16xf32>,
          tpu.vector_store %arg16[%swap3A_1480, %swap3A_1481], %mul3A_1479 {strides = array<i32>} : memref<80x128xf32, #tpu.memory_space<vmem>>, vector<16xf32>,
          %get3A_1483 = arith.index_cast %scan3A_1456 : i32 to index
          %get3A_1484 = arith.constant 48 : index
          %get3A_1485 = tpu.vector_load %arg16[%get3A_1483, %get3A_1484] {strides = array<i32>} : memref<80x128xf32, #tpu.memory_space<vmem>>, vector<16xf32>,
          %mul3A_1486 = arith.mulf %get3A_1485, %gather3A : vector<16xf32>
          %swap3A_1487 = arith.index_cast %scan3A_1456 : i32 to index
          %swap3A_1488 = arith.constant 48 : index
          %swap3A_1489 = tpu.vector_load %arg16[%swap3A_1487, %swap3A_1488] {strides = array<i32>} : memref<80x128xf32, #tpu.memory_space<vmem>>, vector<16xf32>,
          tpu.vector_store %arg16[%swap3A_1487, %swap3A_1488], %mul3A_1486 {strides = array<i32>} : memref<80x128xf32, #tpu.memory_space<vmem>>, vector<16xf32>,
          %get3A_1490 = arith.index_cast %scan3A_1456 : i32 to index
          %get3A_1491 = arith.constant 64 : index
          %get3A_1492 = tpu.vector_load %arg16[%get3A_1490, %get3A_1491] {strides = array<i32>} : memref<80x128xf32, #tpu.memory_space<vmem>>, vector<16xf32>,
          %mul3A_1493 = arith.mulf %get3A_1492, %gather3A : vector<16xf32>
          %swap3A_1494 = arith.index_cast %scan3A_1456 : i32 to index
          %swap3A_1495 = arith.constant 64 : index
          %swap3A_1496 = tpu.vector_load %arg16[%swap3A_1494, %swap3A_1495] {strides = array<i32>} : memref<80x128xf32, #tpu.memory_space<vmem>>, vector<16xf32>,
          tpu.vector_store %arg16[%swap3A_1494, %swap3A_1495], %mul3A_1493 {strides = array<i32>} : memref<80x128xf32, #tpu.memory_space<vmem>>, vector<16xf32>,
          %get3A_1497 = arith.index_cast %scan3A_1456 : i32 to index
          %get3A_1498 = arith.constant 80 : index
          %get3A_1499 = tpu.vector_load %arg16[%get3A_1497, %get3A_1498] {strides = array<i32>} : memref<80x128xf32, #tpu.memory_space<vmem>>, vector<16xf32>,
          %mul3A_1500 = arith.mulf %get3A_1499, %gather3A : vector<16xf32>
          %swap3A_1501 = arith.index_cast %scan3A_1456 : i32 to index
          %swap3A_1502 = arith.constant 80 : index
          %swap3A_1503 = tpu.vector_load %arg16[%swap3A_1501, %swap3A_1502] {strides = array<i32>} : memref<80x128xf32, #tpu.memory_space<vmem>>, vector<16xf32>,
          tpu.vector_store %arg16[%swap3A_1501, %swap3A_1502], %mul3A_1500 {strides = array<i32>} : memref<80x128xf32, #tpu.memory_space<vmem>>, vector<16xf32>,
          %get3A_1504 = arith.index_cast %scan3A_1456 : i32 to index
          %get3A_1505 = arith.constant 96 : index
          %get3A_1506 = tpu.vector_load %arg16[%get3A_1504, %get3A_1505] {strides = array<i32>} : memref<80x128xf32, #tpu.memory_space<vmem>>, vector<16xf32>,
          %mul3A_1507 = arith.mulf %get3A_1506, %gather3A : vector<16xf32>
          %swap3A_1508 = arith.index_cast %scan3A_1456 : i32 to index
          %swap3A_1509 = arith.constant 96 : index
          %swap3A_1510 = tpu.vector_load %arg16[%swap3A_1508, %swap3A_1509] {strides = array<i32>} : memref<80x128xf32, #tpu.memory_space<vmem>>, vector<16xf32>,
          tpu.vector_store %arg16[%swap3A_1508, %swap3A_1509], %mul3A_1507 {strides = array<i32>} : memref<80x128xf32, #tpu.memory_space<vmem>>, vector<16xf32>,
          %get3A_1511 = arith.index_cast %scan3A_1456 : i32 to index
          %get3A_1512 = arith.constant 112 : index
          %get3A_1513 = tpu.vector_load %arg16[%get3A_1511, %get3A_1512] {strides = array<i32>} : memref<80x128xf32, #tpu.memory_space<vmem>>, vector<16xf32>,
          %mul3A_1514 = arith.mulf %get3A_1513, %gather3A : vector<16xf32>
          %swap3A_1515 = arith.index_cast %scan3A_1456 : i32 to index
          %swap3A_1516 = arith.constant 112 : index
          %swap3A_1517 = tpu.vector_load %arg16[%swap3A_1515, %swap3A_1516] {strides = array<i32>} : memref<80x128xf32, #tpu.memory_space<vmem>>, vector<16xf32>,
          tpu.vector_store %arg16[%swap3A_1515, %swap3A_1516], %mul3A_1514 {strides = array<i32>} : memref<80x128xf32, #tpu.memory_space<vmem>>, vector<16xf32>,
          %scan3A_1518 = arith.constant 0 : i32
          %scan3A_1519 = arith.constant 1 : i32
          %scan3A_1520 = arith.addi %scan3A_1456, %scan3A_1519 : i32
          %mul3A_1521 = arith.constant 80 : i32
          %mul3A_1522 = arith.muli %add3A_1422, %mul3A_1521 : i32
          %broadcast_in_dim3A_1523 = vector.broadcast %mul3A_1522 : i32 to vector<16xi32>
          %add3A_1524 = vector.broadcast %scan3A_1520 : i32 to vector<16xi32>
          %add3A_1525 = arith.addi %broadcast_in_dim3A_1523, %add3A_1524 : vector<16xi32>
          %gather3A_1526 = tpu.vector_load_idx %arg14[%add3A_1525] : memref<2000xf32, #tpu.memory_space<vmem>>[vector<16xi32>], vector<16xf32>,
          %get3A_1527 = arith.index_cast %scan3A_1520 : i32 to index
          %get3A_1528 = arith.constant 0 : index
          %get3A_1529 = tpu.vector_load %arg16[%get3A_1527, %get3A_1528] {strides = array<i32>} : memref<80x128xf32, #tpu.memory_space<vmem>>, vector<16xf32>,
          %mul3A_1530 = arith.mulf %get3A_1529, %gather3A_1526 : vector<16xf32>
          %swap3A_1531 = arith.index_cast %scan3A_1520 : i32 to index
          %swap3A_1532 = arith.constant 0 : index
          %swap3A_1533 = tpu.vector_load %arg16[%swap3A_1531, %swap3A_1532] {strides = array<i32>} : memref<80x128xf32, #tpu.memory_space<vmem>>, vector<16xf32>,
          tpu.vector_store %arg16[%swap3A_1531, %swap3A_1532], %mul3A_1530 {strides = array<i32>} : memref<80x128xf32, #tpu.memory_space<vmem>>, vector<16xf32>,
          %get3A_1534 = arith.index_cast %scan3A_1520 : i32 to index
          %get3A_1535 = arith.constant 16 : index
          %get3A_1536 = tpu.vector_load %arg16[%get3A_1534, %get3A_1535] {strides = array<i32>} : memref<80x128xf32, #tpu.memory_space<vmem>>, vector<16xf32>,
          %mul3A_1537 = arith.mulf %get3A_1536, %gather3A_1526 : vector<16xf32>
          %swap3A_1538 = arith.index_cast %scan3A_1520 : i32 to index
          %swap3A_1539 = arith.constant 16 : index
          %swap3A_1540 = tpu.vector_load %arg16[%swap3A_1538, %swap3A_1539] {strides = array<i32>} : memref<80x128xf32, #tpu.memory_space<vmem>>, vector<16xf32>,
          tpu.vector_store %arg16[%swap3A_1538, %swap3A_1539], %mul3A_1537 {strides = array<i32>} : memref<80x128xf32, #tpu.memory_space<vmem>>, vector<16xf32>,
          %get3A_1541 = arith.index_cast %scan3A_1520 : i32 to index
          %get3A_1542 = arith.constant 32 : index
          %get3A_1543 = tpu.vector_load %arg16[%get3A_1541, %get3A_1542] {strides = array<i32>} : memref<80x128xf32, #tpu.memory_space<vmem>>, vector<16xf32>,
          %mul3A_1544 = arith.mulf %get3A_1543, %gather3A_1526 : vector<16xf32>
          %swap3A_1545 = arith.index_cast %scan3A_1520 : i32 to index
          %swap3A_1546 = arith.constant 32 : index
          %swap3A_1547 = tpu.vector_load %arg16[%swap3A_1545, %swap3A_1546] {strides = array<i32>} : memref<80x128xf32, #tpu.memory_space<vmem>>, vector<16xf32>,
          tpu.vector_store %arg16[%swap3A_1545, %swap3A_1546], %mul3A_1544 {strides = array<i32>} : memref<80x128xf32, #tpu.memory_space<vmem>>, vector<16xf32>,
          %get3A_1548 = arith.index_cast %scan3A_1520 : i32 to index
          %get3A_1549 = arith.constant 48 : index
          %get3A_1550 = tpu.vector_load %arg16[%get3A_1548, %get3A_1549] {strides = array<i32>} : memref<80x128xf32, #tpu.memory_space<vmem>>, vector<16xf32>,
          %mul3A_1551 = arith.mulf %get3A_1550, %gather3A_1526 : vector<16xf32>
          %swap3A_1552 = arith.index_cast %scan3A_1520 : i32 to index
          %swap3A_1553 = arith.constant 48 : index
          %swap3A_1554 = tpu.vector_load %arg16[%swap3A_1552, %swap3A_1553] {strides = array<i32>} : memref<80x128xf32, #tpu.memory_space<vmem>>, vector<16xf32>,
          tpu.vector_store %arg16[%swap3A_1552, %swap3A_1553], %mul3A_1551 {strides = array<i32>} : memref<80x128xf32, #tpu.memory_space<vmem>>, vector<16xf32>,
          %get3A_1555 = arith.index_cast %scan3A_1520 : i32 to index
          %get3A_1556 = arith.constant 64 : index
          %get3A_1557 = tpu.vector_load %arg16[%get3A_1555, %get3A_1556] {strides = array<i32>} : memref<80x128xf32, #tpu.memory_space<vmem>>, vector<16xf32>,
          %mul3A_1558 = arith.mulf %get3A_1557, %gather3A_1526 : vector<16xf32>
          %swap3A_1559 = arith.index_cast %scan3A_1520 : i32 to index
          %swap3A_1560 = arith.constant 64 : index
          %swap3A_1561 = tpu.vector_load %arg16[%swap3A_1559, %swap3A_1560] {strides = array<i32>} : memref<80x128xf32, #tpu.memory_space<vmem>>, vector<16xf32>,
          tpu.vector_store %arg16[%swap3A_1559, %swap3A_1560], %mul3A_1558 {strides = array<i32>} : memref<80x128xf32, #tpu.memory_space<vmem>>, vector<16xf32>,
          %get3A_1562 = arith.index_cast %scan3A_1520 : i32 to index
          %get3A_1563 = arith.constant 80 : index
          %get3A_1564 = tpu.vector_load %arg16[%get3A_1562, %get3A_1563] {strides = array<i32>} : memref<80x128xf32, #tpu.memory_space<vmem>>, vector<16xf32>,
          %mul3A_1565 = arith.mulf %get3A_1564, %gather3A_1526 : vector<16xf32>
          %swap3A_1566 = arith.index_cast %scan3A_1520 : i32 to index
          %swap3A_1567 = arith.constant 80 : index
          %swap3A_1568 = tpu.vector_load %arg16[%swap3A_1566, %swap3A_1567] {strides = array<i32>} : memref<80x128xf32, #tpu.memory_space<vmem>>, vector<16xf32>,
          tpu.vector_store %arg16[%swap3A_1566, %swap3A_1567], %mul3A_1565 {strides = array<i32>} : memref<80x128xf32, #tpu.memory_space<vmem>>, vector<16xf32>,
          %get3A_1569 = arith.index_cast %scan3A_1520 : i32 to index
          %get3A_1570 = arith.constant 96 : index
          %get3A_1571 = tpu.vector_load %arg16[%get3A_1569, %get3A_1570] {strides = array<i32>} : memref<80x128xf32, #tpu.memory_space<vmem>>, vector<16xf32>,
          %mul3A_1572 = arith.mulf %get3A_1571, %gather3A_1526 : vector<16xf32>
          %swap3A_1573 = arith.index_cast %scan3A_1520 : i32 to index
          %swap3A_1574 = arith.constant 96 : index
          %swap3A_1575 = tpu.vector_load %arg16[%swap3A_1573, %swap3A_1574] {strides = array<i32>} : memref<80x128xf32, #tpu.memory_space<vmem>>, vector<16xf32>,
          tpu.vector_store %arg16[%swap3A_1573, %swap3A_1574], %mul3A_1572 {strides = array<i32>} : memref<80x128xf32, #tpu.memory_space<vmem>>, vector<16xf32>,
          %get3A_1576 = arith.index_cast %scan3A_1520 : i32 to index
          %get3A_1577 = arith.constant 112 : index
          %get3A_1578 = tpu.vector_load %arg16[%get3A_1576, %get3A_1577] {strides = array<i32>} : memref<80x128xf32, #tpu.memory_space<vmem>>, vector<16xf32>,
          %mul3A_1579 = arith.mulf %get3A_1578, %gather3A_1526 : vector<16xf32>
          %swap3A_1580 = arith.index_cast %scan3A_1520 : i32 to index
          %swap3A_1581 = arith.constant 112 : index
          %swap3A_1582 = tpu.vector_load %arg16[%swap3A_1580, %swap3A_1581] {strides = array<i32>} : memref<80x128xf32, #tpu.memory_space<vmem>>, vector<16xf32>,
          tpu.vector_store %arg16[%swap3A_1580, %swap3A_1581], %mul3A_1579 {strides = array<i32>} : memref<80x128xf32, #tpu.memory_space<vmem>>, vector<16xf32>,
          %scan3A_1583 = arith.constant 0 : i32
          scf.yield %scan3A_1583 : i32
        }
        %scan3A_1435 = arith.constant 80 : i32
        %dma_start3A_1436 = arith.constant 0 : i32
        %dma_start3A_1437 = tpu.memref_slice %arg11[%add3A_1422, %dma_start3A_1436] : memref<25x80xi32, #tpu.memory_space<vmem>> -> memref<1x80xi32, #tpu.memory_space<vmem>>
        %dma_start3A_1438 = tpu.memref_squeeze %dma_start3A_1437 : memref<1x80xi32, #tpu.memory_space<vmem>> -> memref<80xi32, #tpu.memory_space<vmem>>
        %dma_start3A_1439 = arith.constant 0 : i32
        %dma_start3A_1440 = arith.constant 0 : i32
        %dma_start3A_1441 = tpu.memref_slice %arg18[%dma_start3A_1439, %dma_start3A_1440] : memref<10000x128xf32, #tpu.memory_space<vmem_shared>> -> memref<10000x128xf32, #tpu.memory_space<vmem_shared>>
        tpu.enqueue_indirect_dma source(%arg16 : memref<80x128xf32, #tpu.memory_space<vmem>>) target(%dma_start3A_1441 : memref<10000x128xf32, #tpu.memory_space<vmem_shared>>) offsets(%dma_start3A_1438 : memref<80xi32, #tpu.memory_space<vmem>>) semaphore(%arg23 : memref<!tpu.dma_semaphore, #tpu.memory_space<semaphore_mem>>) {add = true}
        %dma_wait3A_1442 = arith.constant 0 : i32
        %dma_wait3A_1443 = tpu.memref_slice %arg11[%add3A_1422, %dma_wait3A_1442] : memref<25x80xi32, #tpu.memory_space<vmem>> -> memref<1x80xi32, #tpu.memory_space<vmem>>
        %dma_wait3A_1444 = tpu.memref_squeeze %dma_wait3A_1443 : memref<1x80xi32, #tpu.memory_space<vmem>> -> memref<80xi32, #tpu.memory_space<vmem>>
        %dma_wait3A_1445 = arith.constant 0 : i32
        %dma_wait3A_1446 = arith.constant 0 : i32
        %dma_wait3A_1447 = tpu.memref_slice %arg18[%dma_wait3A_1445, %dma_wait3A_1446] : memref<10000x128xf32, #tpu.memory_space<vmem_shared>> -> memref<10000x128xf32, #tpu.memory_space<vmem_shared>>
        tpu.wait_indirect_dma semaphore(%arg23 : memref<!tpu.dma_semaphore, #tpu.memory_space<semaphore_mem>>) src(%arg16 : memref<80x128xf32, #tpu.memory_space<vmem>>) dst(%dma_wait3A_1447 : memref<10000x128xf32, #tpu.memory_space<vmem_shared>>)
        %add3A_1448 = arith.constant 2 : i32
        %add3A_1449 = arith.addi %add3A_1422, %add3A_1448 : i32
        %lt3A_1450 = arith.constant 25 : i32
        %lt3A_1451 = arith.cmpi slt, %add3A_1449, %lt3A_1450 : i32
        %convert_element_type3A_1452 = arith.extui %lt3A_1451 : i1 to i32
        %cond3A_1453 = arith.constant 0 : i32
        %cond3A_1454 = arith.cmpi ne, %convert_element_type3A_1452, %cond3A_1453 : i32
        scf.if %cond3A_1454 {
          %add3A_1456 = arith.constant 2 : i32
          %add3A_1457 = arith.addi %add3A_1422, %add3A_1456 : i32
          %dma_start3A_1458 = arith.constant 0 : i32
          %dma_start3A_1459 = tpu.memref_slice %arg12[%add3A_1457, %dma_start3A_1458] : memref<25x80xi32, #tpu.memory_space<vmem>> -> memref<1x80xi32, #tpu.memory_space<vmem>>
          %dma_start3A_1460 = tpu.memref_squeeze %dma_start3A_1459 : memref<1x80xi32, #tpu.memory_space<vmem>> -> memref<80xi32, #tpu.memory_space<vmem>>
          %dma_start3A_1461 = arith.constant 0 : i32
          %dma_start3A_1462 = arith.constant 0 : i32
          %dma_start3A_1463 = tpu.memref_slice %arg5[%dma_start3A_1461, %dma_start3A_1462] : memref<110000x128xf32, #tpu.memory_space<hbm>> -> memref<110000x128xf32, #tpu.memory_space<hbm>>
          tpu.enqueue_indirect_dma source(%dma_start3A_1463 : memref<110000x128xf32, #tpu.memory_space<hbm>>) target(%arg16 : memref<80x128xf32, #tpu.memory_space<vmem>>) offsets(%dma_start3A_1460 : memref<80xi32, #tpu.memory_space<vmem>>) semaphore(%arg21 : memref<!tpu.dma_semaphore, #tpu.memory_space<semaphore_mem>>)
        } else {
        }
        %scan3A_1455 = arith.constant 0 : i32
        scf.yield %scan3A_1455 : i32
      }
      %scan3A_1353 = arith.constant 12 : i32
      %dma_wait3A_1354 = arith.constant 24 : i32
      %dma_wait3A_1355 = arith.constant 0 : i32
      %dma_wait3A_1356 = tpu.memref_slice %arg12[%dma_wait3A_1354, %dma_wait3A_1355] : memref<25x80xi32, #tpu.memory_space<vmem>> -> memref<1x80xi32, #tpu.memory_space<vmem>>
      %dma_wait3A_1357 = tpu.memref_squeeze %dma_wait3A_1356 : memref<1x80xi32, #tpu.memory_space<vmem>> -> memref<80xi32, #tpu.memory_space<vmem>>
      %dma_wait3A_1358 = arith.constant 0 : i32
      %dma_wait3A_1359 = arith.constant 0 : i32
      %dma_wait3A_1360 = tpu.memref_slice %arg5[%dma_wait3A_1358, %dma_wait3A_1359] : memref<110000x128xf32, #tpu.memory_space<hbm>> -> memref<110000x128xf32, #tpu.memory_space<hbm>>
      tpu.wait_indirect_dma semaphore(%arg20 : memref<!tpu.dma_semaphore, #tpu.memory_space<semaphore_mem>>) src(%dma_wait3A_1360 : memref<110000x128xf32, #tpu.memory_space<hbm>>) dst(%arg15 : memref<80x128xf32, #tpu.memory_space<vmem>>)
      %scan3A_1361 = arith.constant 0 : i32
      %scan3A_1362 = arith.constant 0 : i32
      %scan3A_1363 = arith.constant 80 : i32
      %scan3A_1364 = arith.addi %scan3A_1362, %scan3A_1363 : i32
      %scan3A_1365 = arith.constant 2 : i32
      %scan3A_1366 = scf.for %scan3A_1383 = %scan3A_1362 to %scan3A_1364 step %scan3A_1365 iter_args(%scan3A_1384 = %scan3A_1361) -> (i32)  : i32 {
        %broadcast_in_dim3A_1385 = arith.constant 1920 : i32
        %broadcast_in_dim3A_1386 = vector.broadcast %broadcast_in_dim3A_1385 : i32 to vector<16xi32>
        %add3A_1387 = vector.broadcast %scan3A_1383 : i32 to vector<16xi32>
        %add3A_1388 = arith.addi %broadcast_in_dim3A_1386, %add3A_1387 : vector<16xi32>
        %gather3A = tpu.vector_load_idx %arg14[%add3A_1388] : memref<2000xf32, #tpu.memory_space<vmem>>[vector<16xi32>], vector<16xf32>,
        %get3A = arith.index_cast %scan3A_1383 : i32 to index
        %get3A_1389 = arith.constant 0 : index
        %get3A_1390 = tpu.vector_load %arg15[%get3A, %get3A_1389] {strides = array<i32>} : memref<80x128xf32, #tpu.memory_space<vmem>>, vector<16xf32>,
        %mul3A_1391 = arith.mulf %get3A_1390, %gather3A : vector<16xf32>
        %swap3A_1392 = arith.index_cast %scan3A_1383 : i32 to index
        %swap3A_1393 = arith.constant 0 : index
        %swap3A_1394 = tpu.vector_load %arg15[%swap3A_1392, %swap3A_1393] {strides = array<i32>} : memref<80x128xf32, #tpu.memory_space<vmem>>, vector<16xf32>,
        tpu.vector_store %arg15[%swap3A_1392, %swap3A_1393], %mul3A_1391 {strides = array<i32>} : memref<80x128xf32, #tpu.memory_space<vmem>>, vector<16xf32>,
        %get3A_1395 = arith.index_cast %scan3A_1383 : i32 to index
        %get3A_1396 = arith.constant 16 : index
        %get3A_1397 = tpu.vector_load %arg15[%get3A_1395, %get3A_1396] {strides = array<i32>} : memref<80x128xf32, #tpu.memory_space<vmem>>, vector<16xf32>,
        %mul3A_1398 = arith.mulf %get3A_1397, %gather3A : vector<16xf32>
        %swap3A_1399 = arith.index_cast %scan3A_1383 : i32 to index
        %swap3A_1400 = arith.constant 16 : index
        %swap3A_1401 = tpu.vector_load %arg15[%swap3A_1399, %swap3A_1400] {strides = array<i32>} : memref<80x128xf32, #tpu.memory_space<vmem>>, vector<16xf32>,
        tpu.vector_store %arg15[%swap3A_1399, %swap3A_1400], %mul3A_1398 {strides = array<i32>} : memref<80x128xf32, #tpu.memory_space<vmem>>, vector<16xf32>,
        %get3A_1402 = arith.index_cast %scan3A_1383 : i32 to index
        %get3A_1403 = arith.constant 32 : index
        %get3A_1404 = tpu.vector_load %arg15[%get3A_1402, %get3A_1403] {strides = array<i32>} : memref<80x128xf32, #tpu.memory_space<vmem>>, vector<16xf32>,
        %mul3A_1405 = arith.mulf %get3A_1404, %gather3A : vector<16xf32>
        %swap3A_1406 = arith.index_cast %scan3A_1383 : i32 to index
        %swap3A_1407 = arith.constant 32 : index
        %swap3A_1408 = tpu.vector_load %arg15[%swap3A_1406, %swap3A_1407] {strides = array<i32>} : memref<80x128xf32, #tpu.memory_space<vmem>>, vector<16xf32>,
        tpu.vector_store %arg15[%swap3A_1406, %swap3A_1407], %mul3A_1405 {strides = array<i32>} : memref<80x128xf32, #tpu.memory_space<vmem>>, vector<16xf32>,
        %get3A_1409 = arith.index_cast %scan3A_1383 : i32 to index
        %get3A_1410 = arith.constant 48 : index
        %get3A_1411 = tpu.vector_load %arg15[%get3A_1409, %get3A_1410] {strides = array<i32>} : memref<80x128xf32, #tpu.memory_space<vmem>>, vector<16xf32>,
        %mul3A_1412 = arith.mulf %get3A_1411, %gather3A : vector<16xf32>
        %swap3A_1413 = arith.index_cast %scan3A_1383 : i32 to index
        %swap3A_1414 = arith.constant 48 : index
        %swap3A_1415 = tpu.vector_load %arg15[%swap3A_1413, %swap3A_1414] {strides = array<i32>} : memref<80x128xf32, #tpu.memory_space<vmem>>, vector<16xf32>,
        tpu.vector_store %arg15[%swap3A_1413, %swap3A_1414], %mul3A_1412 {strides = array<i32>} : memref<80x128xf32, #tpu.memory_space<vmem>>, vector<16xf32>,
        %get3A_1416 = arith.index_cast %scan3A_1383 : i32 to index
        %get3A_1417 = arith.constant 64 : index
        %get3A_1418 = tpu.vector_load %arg15[%get3A_1416, %get3A_1417] {strides = array<i32>} : memref<80x128xf32, #tpu.memory_space<vmem>>, vector<16xf32>,
        %mul3A_1419 = arith.mulf %get3A_1418, %gather3A : vector<16xf32>
        %swap3A_1420 = arith.index_cast %scan3A_1383 : i32 to index
        %swap3A_1421 = arith.constant 64 : index
        %swap3A_1422 = tpu.vector_load %arg15[%swap3A_1420, %swap3A_1421] {strides = array<i32>} : memref<80x128xf32, #tpu.memory_space<vmem>>, vector<16xf32>,
        tpu.vector_store %arg15[%swap3A_1420, %swap3A_1421], %mul3A_1419 {strides = array<i32>} : memref<80x128xf32, #tpu.memory_space<vmem>>, vector<16xf32>,
        %get3A_1423 = arith.index_cast %scan3A_1383 : i32 to index
        %get3A_1424 = arith.constant 80 : index
        %get3A_1425 = tpu.vector_load %arg15[%get3A_1423, %get3A_1424] {strides = array<i32>} : memref<80x128xf32, #tpu.memory_space<vmem>>, vector<16xf32>,
        %mul3A_1426 = arith.mulf %get3A_1425, %gather3A : vector<16xf32>
        %swap3A_1427 = arith.index_cast %scan3A_1383 : i32 to index
        %swap3A_1428 = arith.constant 80 : index
        %swap3A_1429 = tpu.vector_load %arg15[%swap3A_1427, %swap3A_1428] {strides = array<i32>} : memref<80x128xf32, #tpu.memory_space<vmem>>, vector<16xf32>,
        tpu.vector_store %arg15[%swap3A_1427, %swap3A_1428], %mul3A_1426 {strides = array<i32>} : memref<80x128xf32, #tpu.memory_space<vmem>>, vector<16xf32>,
        %get3A_1430 = arith.index_cast %scan3A_1383 : i32 to index
        %get3A_1431 = arith.constant 96 : index
        %get3A_1432 = tpu.vector_load %arg15[%get3A_1430, %get3A_1431] {strides = array<i32>} : memref<80x128xf32, #tpu.memory_space<vmem>>, vector<16xf32>,
        %mul3A_1433 = arith.mulf %get3A_1432, %gather3A : vector<16xf32>
        %swap3A_1434 = arith.index_cast %scan3A_1383 : i32 to index
        %swap3A_1435 = arith.constant 96 : index
        %swap3A_1436 = tpu.vector_load %arg15[%swap3A_1434, %swap3A_1435] {strides = array<i32>} : memref<80x128xf32, #tpu.memory_space<vmem>>, vector<16xf32>,
        tpu.vector_store %arg15[%swap3A_1434, %swap3A_1435], %mul3A_1433 {strides = array<i32>} : memref<80x128xf32, #tpu.memory_space<vmem>>, vector<16xf32>,
        %get3A_1437 = arith.index_cast %scan3A_1383 : i32 to index
        %get3A_1438 = arith.constant 112 : index
        %get3A_1439 = tpu.vector_load %arg15[%get3A_1437, %get3A_1438] {strides = array<i32>} : memref<80x128xf32, #tpu.memory_space<vmem>>, vector<16xf32>,
        %mul3A_1440 = arith.mulf %get3A_1439, %gather3A : vector<16xf32>
        %swap3A_1441 = arith.index_cast %scan3A_1383 : i32 to index
        %swap3A_1442 = arith.constant 112 : index
        %swap3A_1443 = tpu.vector_load %arg15[%swap3A_1441, %swap3A_1442] {strides = array<i32>} : memref<80x128xf32, #tpu.memory_space<vmem>>, vector<16xf32>,
        tpu.vector_store %arg15[%swap3A_1441, %swap3A_1442], %mul3A_1440 {strides = array<i32>} : memref<80x128xf32, #tpu.memory_space<vmem>>, vector<16xf32>,
        %scan3A_1444 = arith.constant 0 : i32
        %scan3A_1445 = arith.constant 1 : i32
        %scan3A_1446 = arith.addi %scan3A_1383, %scan3A_1445 : i32
        %broadcast_in_dim3A_1447 = arith.constant 1920 : i32
        %broadcast_in_dim3A_1448 = vector.broadcast %broadcast_in_dim3A_1447 : i32 to vector<16xi32>
        %add3A_1449 = vector.broadcast %scan3A_1446 : i32 to vector<16xi32>
        %add3A_1450 = arith.addi %broadcast_in_dim3A_1448, %add3A_1449 : vector<16xi32>
        %gather3A_1451 = tpu.vector_load_idx %arg14[%add3A_1450] : memref<2000xf32, #tpu.memory_space<vmem>>[vector<16xi32>], vector<16xf32>,
        %get3A_1452 = arith.index_cast %scan3A_1446 : i32 to index
        %get3A_1453 = arith.constant 0 : index
        %get3A_1454 = tpu.vector_load %arg15[%get3A_1452, %get3A_1453] {strides = array<i32>} : memref<80x128xf32, #tpu.memory_space<vmem>>, vector<16xf32>,
        %mul3A_1455 = arith.mulf %get3A_1454, %gather3A_1451 : vector<16xf32>
        %swap3A_1456 = arith.index_cast %scan3A_1446 : i32 to index
        %swap3A_1457 = arith.constant 0 : index
        %swap3A_1458 = tpu.vector_load %arg15[%swap3A_1456, %swap3A_1457] {strides = array<i32>} : memref<80x128xf32, #tpu.memory_space<vmem>>, vector<16xf32>,
        tpu.vector_store %arg15[%swap3A_1456, %swap3A_1457], %mul3A_1455 {strides = array<i32>} : memref<80x128xf32, #tpu.memory_space<vmem>>, vector<16xf32>,
        %get3A_1459 = arith.index_cast %scan3A_1446 : i32 to index
        %get3A_1460 = arith.constant 16 : index
        %get3A_1461 = tpu.vector_load %arg15[%get3A_1459, %get3A_1460] {strides = array<i32>} : memref<80x128xf32, #tpu.memory_space<vmem>>, vector<16xf32>,
        %mul3A_1462 = arith.mulf %get3A_1461, %gather3A_1451 : vector<16xf32>
        %swap3A_1463 = arith.index_cast %scan3A_1446 : i32 to index
        %swap3A_1464 = arith.constant 16 : index
        %swap3A_1465 = tpu.vector_load %arg15[%swap3A_1463, %swap3A_1464] {strides = array<i32>} : memref<80x128xf32, #tpu.memory_space<vmem>>, vector<16xf32>,
        tpu.vector_store %arg15[%swap3A_1463, %swap3A_1464], %mul3A_1462 {strides = array<i32>} : memref<80x128xf32, #tpu.memory_space<vmem>>, vector<16xf32>,
        %get3A_1466 = arith.index_cast %scan3A_1446 : i32 to index
        %get3A_1467 = arith.constant 32 : index
        %get3A_1468 = tpu.vector_load %arg15[%get3A_1466, %get3A_1467] {strides = array<i32>} : memref<80x128xf32, #tpu.memory_space<vmem>>, vector<16xf32>,
        %mul3A_1469 = arith.mulf %get3A_1468, %gather3A_1451 : vector<16xf32>
        %swap3A_1470 = arith.index_cast %scan3A_1446 : i32 to index
        %swap3A_1471 = arith.constant 32 : index
        %swap3A_1472 = tpu.vector_load %arg15[%swap3A_1470, %swap3A_1471] {strides = array<i32>} : memref<80x128xf32, #tpu.memory_space<vmem>>, vector<16xf32>,
        tpu.vector_store %arg15[%swap3A_1470, %swap3A_1471], %mul3A_1469 {strides = array<i32>} : memref<80x128xf32, #tpu.memory_space<vmem>>, vector<16xf32>,
        %get3A_1473 = arith.index_cast %scan3A_1446 : i32 to index
        %get3A_1474 = arith.constant 48 : index
        %get3A_1475 = tpu.vector_load %arg15[%get3A_1473, %get3A_1474] {strides = array<i32>} : memref<80x128xf32, #tpu.memory_space<vmem>>, vector<16xf32>,
        %mul3A_1476 = arith.mulf %get3A_1475, %gather3A_1451 : vector<16xf32>
        %swap3A_1477 = arith.index_cast %scan3A_1446 : i32 to index
        %swap3A_1478 = arith.constant 48 : index
        %swap3A_1479 = tpu.vector_load %arg15[%swap3A_1477, %swap3A_1478] {strides = array<i32>} : memref<80x128xf32, #tpu.memory_space<vmem>>, vector<16xf32>,
        tpu.vector_store %arg15[%swap3A_1477, %swap3A_1478], %mul3A_1476 {strides = array<i32>} : memref<80x128xf32, #tpu.memory_space<vmem>>, vector<16xf32>,
        %get3A_1480 = arith.index_cast %scan3A_1446 : i32 to index
        %get3A_1481 = arith.constant 64 : index
        %get3A_1482 = tpu.vector_load %arg15[%get3A_1480, %get3A_1481] {strides = array<i32>} : memref<80x128xf32, #tpu.memory_space<vmem>>, vector<16xf32>,
        %mul3A_1483 = arith.mulf %get3A_1482, %gather3A_1451 : vector<16xf32>
        %swap3A_1484 = arith.index_cast %scan3A_1446 : i32 to index
        %swap3A_1485 = arith.constant 64 : index
        %swap3A_1486 = tpu.vector_load %arg15[%swap3A_1484, %swap3A_1485] {strides = array<i32>} : memref<80x128xf32, #tpu.memory_space<vmem>>, vector<16xf32>,
        tpu.vector_store %arg15[%swap3A_1484, %swap3A_1485], %mul3A_1483 {strides = array<i32>} : memref<80x128xf32, #tpu.memory_space<vmem>>, vector<16xf32>,
        %get3A_1487 = arith.index_cast %scan3A_1446 : i32 to index
        %get3A_1488 = arith.constant 80 : index
        %get3A_1489 = tpu.vector_load %arg15[%get3A_1487, %get3A_1488] {strides = array<i32>} : memref<80x128xf32, #tpu.memory_space<vmem>>, vector<16xf32>,
        %mul3A_1490 = arith.mulf %get3A_1489, %gather3A_1451 : vector<16xf32>
        %swap3A_1491 = arith.index_cast %scan3A_1446 : i32 to index
        %swap3A_1492 = arith.constant 80 : index
        %swap3A_1493 = tpu.vector_load %arg15[%swap3A_1491, %swap3A_1492] {strides = array<i32>} : memref<80x128xf32, #tpu.memory_space<vmem>>, vector<16xf32>,
        tpu.vector_store %arg15[%swap3A_1491, %swap3A_1492], %mul3A_1490 {strides = array<i32>} : memref<80x128xf32, #tpu.memory_space<vmem>>, vector<16xf32>,
        %get3A_1494 = arith.index_cast %scan3A_1446 : i32 to index
        %get3A_1495 = arith.constant 96 : index
        %get3A_1496 = tpu.vector_load %arg15[%get3A_1494, %get3A_1495] {strides = array<i32>} : memref<80x128xf32, #tpu.memory_space<vmem>>, vector<16xf32>,
        %mul3A_1497 = arith.mulf %get3A_1496, %gather3A_1451 : vector<16xf32>
        %swap3A_1498 = arith.index_cast %scan3A_1446 : i32 to index
        %swap3A_1499 = arith.constant 96 : index
        %swap3A_1500 = tpu.vector_load %arg15[%swap3A_1498, %swap3A_1499] {strides = array<i32>} : memref<80x128xf32, #tpu.memory_space<vmem>>, vector<16xf32>,
        tpu.vector_store %arg15[%swap3A_1498, %swap3A_1499], %mul3A_1497 {strides = array<i32>} : memref<80x128xf32, #tpu.memory_space<vmem>>, vector<16xf32>,
        %get3A_1501 = arith.index_cast %scan3A_1446 : i32 to index
        %get3A_1502 = arith.constant 112 : index
        %get3A_1503 = tpu.vector_load %arg15[%get3A_1501, %get3A_1502] {strides = array<i32>} : memref<80x128xf32, #tpu.memory_space<vmem>>, vector<16xf32>,
        %mul3A_1504 = arith.mulf %get3A_1503, %gather3A_1451 : vector<16xf32>
        %swap3A_1505 = arith.index_cast %scan3A_1446 : i32 to index
        %swap3A_1506 = arith.constant 112 : index
        %swap3A_1507 = tpu.vector_load %arg15[%swap3A_1505, %swap3A_1506] {strides = array<i32>} : memref<80x128xf32, #tpu.memory_space<vmem>>, vector<16xf32>,
        tpu.vector_store %arg15[%swap3A_1505, %swap3A_1506], %mul3A_1504 {strides = array<i32>} : memref<80x128xf32, #tpu.memory_space<vmem>>, vector<16xf32>,
        %scan3A_1508 = arith.constant 0 : i32
        scf.yield %scan3A_1508 : i32
      }
      %scan3A_1367 = arith.constant 80 : i32
      %dma_start3A_1368 = arith.constant 24 : i32
      %dma_start3A_1369 = arith.constant 0 : i32
      %dma_start3A_1370 = tpu.memref_slice %arg11[%dma_start3A_1368, %dma_start3A_1369] : memref<25x80xi32, #tpu.memory_space<vmem>> -> memref<1x80xi32, #tpu.memory_space<vmem>>
      %dma_start3A_1371 = tpu.memref_squeeze %dma_start3A_1370 : memref<1x80xi32, #tpu.memory_space<vmem>> -> memref<80xi32, #tpu.memory_space<vmem>>
      %dma_start3A_1372 = arith.constant 0 : i32
      %dma_start3A_1373 = arith.constant 0 : i32
      %dma_start3A_1374 = tpu.memref_slice %arg18[%dma_start3A_1372, %dma_start3A_1373] : memref<10000x128xf32, #tpu.memory_space<vmem_shared>> -> memref<10000x128xf32, #tpu.memory_space<vmem_shared>>
      tpu.enqueue_indirect_dma source(%arg15 : memref<80x128xf32, #tpu.memory_space<vmem>>) target(%dma_start3A_1374 : memref<10000x128xf32, #tpu.memory_space<vmem_shared>>) offsets(%dma_start3A_1371 : memref<80xi32, #tpu.memory_space<vmem>>) semaphore(%arg22 : memref<!tpu.dma_semaphore, #tpu.memory_space<semaphore_mem>>) {add = true}
      %dma_wait3A_1375 = arith.constant 24 : i32
      %dma_wait3A_1376 = arith.constant 0 : i32
      %dma_wait3A_1377 = tpu.memref_slice %arg11[%dma_wait3A_1375, %dma_wait3A_1376] : memref<25x80xi32, #tpu.memory_space<vmem>> -> memref<1x80xi32, #tpu.memory_space<vmem>>
      %dma_wait3A_1378 = tpu.memref_squeeze %dma_wait3A_1377 : memref<1x80xi32, #tpu.memory_space<vmem>> -> memref<80xi32, #tpu.memory_space<vmem>>
      %dma_wait3A_1379 = arith.constant 0 : i32
      %dma_wait3A_1380 = arith.constant 0 : i32
      %dma_wait3A_1381 = tpu.memref_slice %arg18[%dma_wait3A_1379, %dma_wait3A_1380] : memref<10000x128xf32, #tpu.memory_space<vmem_shared>> -> memref<10000x128xf32, #tpu.memory_space<vmem_shared>>
      tpu.wait_indirect_dma semaphore(%arg22 : memref<!tpu.dma_semaphore, #tpu.memory_space<semaphore_mem>>) src(%arg15 : memref<80x128xf32, #tpu.memory_space<vmem>>) dst(%dma_wait3A_1381 : memref<10000x128xf32, #tpu.memory_space<vmem_shared>>)
      %scan3A_1382 = arith.constant 0 : i32
      scf.yield %scan3A_1382 : i32
    }
    %scan3A_1288 = arith.constant 5 : i32
    %barrier3A_1289 = arith.constant 0 : index
    tpu.barrier barrier_id(%barrier3A_1289)
    %lt3A_1290 = arith.constant 10 : i32
    %lt3A_1291 = arith.cmpi slt, %arg1, %lt3A_1290 : i32
    %convert_element_type3A_1292 = arith.extui %lt3A_1291 : i1 to i32
    %cond3A_1293 = arith.constant 0 : i32
    %cond3A_1294 = arith.cmpi ne, %convert_element_type3A_1292, %cond3A_1293 : i32
    scf.if %cond3A_1294 {
      %mul3A_1295 = arith.constant 1000 : i32
      %mul3A_1296 = arith.muli %arg1, %mul3A_1295 : i32
      %mul3A_1297 = arith.constant 1000 : i32
      %mul3A_1298 = arith.muli %arg1, %mul3A_1297 : i32
      "tpu.region"() ({
        %run_scoped3A = tpu.sem_alloc : memref<!tpu.dma_semaphore, #tpu.memory_space<semaphore_mem>>
        %dma_start3A = arith.constant 0 : i32
        %dma_start3A_1299 = tpu.memref_slice %arg7[%arg0, %mul3A_1298, %dma_start3A] : memref<2x10000x128xf32, #tpu.memory_space<hbm>> -> memref<1x1000x128xf32, #tpu.memory_space<hbm>>
        %dma_start3A_1300 = tpu.memref_squeeze %dma_start3A_1299 : memref<1x1000x128xf32, #tpu.memory_space<hbm>> -> memref<1000x128xf32, #tpu.memory_space<hbm>>
        %dma_start3A_1301 = arith.constant 0 : i32
        %dma_start3A_1302 = tpu.memref_slice %arg18[%mul3A_1296, %dma_start3A_1301] : memref<10000x128xf32, #tpu.memory_space<vmem_shared>> -> memref<1000x128xf32, #tpu.memory_space<vmem_shared>>
        tpu.enqueue_dma source(%dma_start3A_1302 : memref<1000x128xf32, #tpu.memory_space<vmem_shared>>) target(%dma_start3A_1300 : memref<1000x128xf32, #tpu.memory_space<hbm>>) target_semaphore(%run_scoped3A : memref<!tpu.dma_semaphore, #tpu.memory_space<semaphore_mem>>)
        %dma_wait3A = arith.constant 0 : i32
        %dma_wait3A_1303 = tpu.memref_slice %arg7[%arg0, %mul3A_1298, %dma_wait3A] : memref<2x10000x128xf32, #tpu.memory_space<hbm>> -> memref<1x1000x128xf32, #tpu.memory_space<hbm>>
        %dma_wait3A_1304 = tpu.memref_squeeze %dma_wait3A_1303 : memref<1x1000x128xf32, #tpu.memory_space<hbm>> -> memref<1000x128xf32, #tpu.memory_space<hbm>>
        %dma_wait3A_1305 = arith.constant 0 : i32
        %dma_wait3A_1306 = tpu.memref_slice %arg18[%mul3A_1296, %dma_wait3A_1305] : memref<10000x128xf32, #tpu.memory_space<vmem_shared>> -> memref<1000x128xf32, #tpu.memory_space<vmem_shared>>
        tpu.wait_dma2 semaphore(%run_scoped3A : memref<!tpu.dma_semaphore, #tpu.memory_space<semaphore_mem>>) src(%dma_wait3A_1306 : memref<1000x128xf32, #tpu.memory_space<vmem_shared>>) dst(%dma_wait3A_1304 : memref<1000x128xf32, #tpu.memory_space<hbm>>)
        tpu.yield
      }) : () -> ()
    } else {
    }
    return
  }
}

module attributes {stable_mosaic.version = 14 : i64} {
  func.func @_combine_body(%arg0: i32, %arg1: memref<2x2000x128xf32, #tpu.memory_space<vmem>>, %arg2: memref<1x2000x128xf32, #tpu.memory_space<vmem>>, %arg3: memref<1x128xf32, #tpu.memory_space<vmem>>, %arg4: memref<2000x128xf32, #tpu.memory_space<vmem>>) attributes {dimension_semantics = [#tpu.dimension_semantics<arbitrary>], iteration_bounds = array<i64: 5>, scalar_prefetch = 0 : i64, scratch_operands = 0 : i64, tpu.core_type = #tpu.core_type<tc>, window_params = [{transform_indices = @transform_0, window_bounds = array<i64: 2, 2000, 128>}, {transform_indices = @transform_1, window_bounds = array<i64: 1, 2000, 128>}, {pipeline_mode = #tpu.pipeline_mode<synchronous>, transform_indices = @transform_2, window_bounds = array<i64: 1, 128>}, {transform_indices = @transform_3, window_bounds = array<i64: 2000, 128>}]} {
    %get3A = arith.constant 0 : index
    %get3A_0 = arith.constant 0 : index
    %get3A_1 = arith.constant 0 : index
    %get3A_2 = vector.load %arg1[%get3A, %get3A_0, %get3A_1] : memref<2x2000x128xf32, #tpu.memory_space<vmem>>, vector<1x2000x128xf32>
    %get3A_3 = vector.shape_cast %get3A_2 : vector<1x2000x128xf32> to vector<2000x128xf32>
    %get3A_4 = arith.constant 1 : index
    %get3A_5 = arith.constant 0 : index
    %get3A_6 = arith.constant 0 : index
    %get3A_7 = vector.load %arg1[%get3A_4, %get3A_5, %get3A_6] : memref<2x2000x128xf32, #tpu.memory_space<vmem>>, vector<1x2000x128xf32>
    %get3A_8 = vector.shape_cast %get3A_7 : vector<1x2000x128xf32> to vector<2000x128xf32>
    %add3A = arith.addf %get3A_3, %get3A_8 : vector<2000x128xf32>
    %get3A_9 = arith.constant 0 : index
    %get3A_10 = arith.constant 0 : index
    %get3A_11 = arith.constant 0 : index
    %get3A_12 = vector.load %arg2[%get3A_9, %get3A_10, %get3A_11] : memref<1x2000x128xf32, #tpu.memory_space<vmem>>, vector<1x2000x128xf32>
    %get3A_13 = vector.shape_cast %get3A_12 : vector<1x2000x128xf32> to vector<2000x128xf32>
    %add3A_14 = arith.addf %add3A, %get3A_13 : vector<2000x128xf32>
    %get3A_15 = arith.constant 0 : index
    %get3A_16 = arith.constant 0 : index
    %get3A_17 = vector.load %arg3[%get3A_15, %get3A_16] : memref<1x128xf32, #tpu.memory_space<vmem>>, vector<1x128xf32>
    %add3A_18 = vector.broadcast %get3A_17 : vector<1x128xf32> to vector<2000x128xf32>
    %add3A_19 = arith.addf %add3A_14, %add3A_18 : vector<2000x128xf32>
    %swap3A = arith.constant 0 : index
    %swap3A_20 = arith.constant 0 : index
    %swap3A_21 = vector.load %arg4[%swap3A, %swap3A_20] : memref<2000x128xf32, #tpu.memory_space<vmem>>, vector<2000x128xf32>
    tpu.vector_store %arg4[%swap3A, %swap3A_20], %add3A_19 {strides = array<i32>} : memref<2000x128xf32, #tpu.memory_space<vmem>>, vector<2000x128xf32>,
    return
  }
  func.func @transform_0(%arg0: i32) -> (i32, i32, i32) {
    %c0_i32 = arith.constant 0 : i32
    %c0_i32_0 = arith.constant 0 : i32
    %c0_i32_1 = arith.constant 0 : i32
    return %c0_i32, %arg0, %c0_i32_0 : i32, i32, i32
  }
  func.func @transform_1(%arg0: i32) -> (i32, i32, i32) {
    %c10_i32 = arith.constant 10 : i32
    %c0_i32 = arith.constant 0 : i32
    %c0_i32_0 = arith.constant 0 : i32
    return %c10_i32, %arg0, %c0_i32 : i32, i32, i32
  }
  func.func @transform_2(%arg0: i32) -> (i32, i32) {
    %c0_i32 = arith.constant 0 : i32
    %c0_i32_0 = arith.constant 0 : i32
    %c0_i32_1 = arith.constant 0 : i32
    return %c0_i32, %c0_i32_0 : i32, i32
  }
  func.func @transform_3(%arg0: i32) -> (i32, i32) {
    %c0_i32 = arith.constant 0 : i32
    %c0_i32_0 = arith.constant 0 : i32
    return %arg0, %c0_i32 : i32, i32
  }
}

module attributes {stable_mosaic.version = 14 : i64} {
  func.func @_xw_body(%arg0: i32, %arg1: i32, %arg2: memref<2000x128xf32, #tpu.memory_space<vmem>>, %arg3: memref<1x128x128xf32, #tpu.memory_space<vmem>>, %arg4: memref<1x2000x128xf32, #tpu.memory_space<vmem>>) attributes {dimension_semantics = [#tpu.dimension_semantics<arbitrary>, #tpu.dimension_semantics<arbitrary>], iteration_bounds = array<i64: 11, 5>, scalar_prefetch = 0 : i64, scratch_operands = 0 : i64, tpu.core_type = #tpu.core_type<tc>, window_params = [{transform_indices = @transform_0, window_bounds = array<i64: 2000, 128>}, {transform_indices = @transform_1, window_bounds = array<i64: 1, 128, 128>}, {transform_indices = @transform_2, window_bounds = array<i64: 1, 2000, 128>}]} {
    %get3A = arith.constant 0 : index
    %get3A_0 = arith.constant 0 : index
    %get3A_1 = vector.load %arg2[%get3A, %get3A_0] : memref<2000x128xf32, #tpu.memory_space<vmem>>, vector<2000x128xf32>
    %get3A_2 = arith.constant 0 : index
    %get3A_3 = arith.constant 0 : index
    %get3A_4 = arith.constant 0 : index
    %get3A_5 = vector.load %arg3[%get3A_2, %get3A_3, %get3A_4] : memref<1x128x128xf32, #tpu.memory_space<vmem>>, vector<1x128x128xf32>
    %get3A_6 = vector.shape_cast %get3A_5 : vector<1x128x128xf32> to vector<128x128xf32>
    %dot_general3A = arith.constant dense<0.000000e+00> : vector<2000x128xf32>
    %dot_general3A_7 = tpu.matmul %get3A_1, %get3A_6, %dot_general3A {dimension_numbers = #tpu.dot_dimension_numbers<[1], [0], [0], [1], [0, 0, 1, 1], [], []>, transpose_lhs_hint = false} : vector<2000x128xf32>, vector<128x128xf32>, vector<2000x128xf32> -> vector<2000x128xf32>
    %swap3A = arith.constant 0 : index
    %swap3A_8 = arith.constant 0 : index
    %swap3A_9 = arith.constant 0 : index
    %swap3A_10 = vector.load %arg4[%swap3A, %swap3A_8, %swap3A_9] : memref<1x2000x128xf32, #tpu.memory_space<vmem>>, vector<1x2000x128xf32>
    %swap3A_11 = vector.shape_cast %swap3A_10 : vector<1x2000x128xf32> to vector<2000x128xf32>
    %swap3A_12 = vector.shape_cast %dot_general3A_7 : vector<2000x128xf32> to vector<1x2000x128xf32>
    tpu.vector_store %arg4[%swap3A, %swap3A_8, %swap3A_9], %swap3A_12 {strides = array<i32>} : memref<1x2000x128xf32, #tpu.memory_space<vmem>>, vector<1x2000x128xf32>,
    return
  }
  func.func @transform_0(%arg0: i32, %arg1: i32) -> (i32, i32) {
    %c0_i32 = arith.constant 0 : i32
    %c0_i32_0 = arith.constant 0 : i32
    return %arg1, %c0_i32 : i32, i32
  }
  func.func @transform_1(%arg0: i32, %arg1: i32) -> (i32, i32, i32) {
    %c0_i32 = arith.constant 0 : i32
    %c0_i32_0 = arith.constant 0 : i32
    %c0_i32_1 = arith.constant 0 : i32
    return %arg0, %c0_i32, %c0_i32_0 : i32, i32, i32
  }
  func.func @transform_2(%arg0: i32, %arg1: i32) -> (i32, i32, i32) {
    %c0_i32 = arith.constant 0 : i32
    %c0_i32_0 = arith.constant 0 : i32
    return %arg0, %arg1, %c0_i32 : i32, i32, i32
  }
}

</mosaic_0001>

<sc_bundles>
// kernel: kernel.6.cloned.1.call-start
scs
__scs_entry_jumppad:
0x0: {  	(pc) =	sbr.rel $0x88, $3  }
0x1: {  	(tag) =	ssettag $0x0;
	lr =	simm.s32 $0x1  }
0x2: {  	[smem:$0x3F9B] =	sst lr;
	_ =	strace $0xD0000000  }
0x3: {  	_ = 	snop  }
0x4: {  	_ = 	snop  }
0x5: {  	_ = 	snop  }
0x6: {  	_ = 	snop  }
0x7: {  	_ = 	snop  }
__scs_overlays_trampoline_lowered:
0x8: {  	[smem:$0x3FAA] =	sst s0  }
0x9: {  	[smem:$0x3FAB] =	sst s1  }
0xa: {  	[smem:$0x3FAC] =	sst s2  }
0xb: {  	[smem:$0x3FAD] =	sst s3  }
0xc: {  	[smem:$0x3FAE] =	sst s4  }
0xd: {  	[smem:$0x3FAF] =	sst s5  }
0xe: {  	[smem:$0x3FB0] =	sst s6  }
0xf: {  	[smem:$0x3FB1] =	sst s7  }
0x10: {  	[smem:$0x3FB2] =	sst s8  }
0x11: {  	[smem:$0x3FB3] =	sst s9;
	s0 =	simm.s32 @!p0 $0x0  }
0x12: {  	s1 =	sld [smem:$0x3F99];
	s0 =	simm.s32 @p0 $0x1  }
0x13: {  	[smem:$0x3FB4] =	sst s0;
	s0 =	simm.s32 @!p1 $0x0  }
0x14: {  	s2 =	sld [smem:$0x3F98];
	s0 =	simm.s32 @p1 $0x1  }
0x15: {  	[smem:$0x3FB5] =	sst s0;
	s0 =	simm.s32 @!p2 $0x0  }
0x16: {  	s3 =	sld [smem:$0x3FDB];
	s0 =	simm.s32 @p2 $0x1  }
0x17: {  	s4 =	simm.s32 $0x1BF5;
	[smem:$0x3FB7] =	sst s0  }
0x18: {  	s0 =	sld [smem:$0x3F9A];
	_ =	swait.ge [sflag:s4], $0x0  }
0x19: {  	s7 =	sld [smem:$0x3F9B]  }
0x1a: {  	s8 =	sadd.s32 $0xFFFFE003, lr  }
0x1b: {  	s9 =	sadd.s32 $0xFFFFFEF7, lr;
	s5 =	simm.s32 $0xFFFFFFFF;
	p2 =	slt.u32 s8, $0xFFFFF086  }
0x1c: {  	p1 =	slt.u32 s9, $0xF7A;
	s5 =	simm.s32 @!p2 $0x0  }
0x1d: {  	s5 =	simm.s32 @p1 $0x1;
	p0 =	seq.s32 s7, s2  }
0x1e: {  	s7 =	smul.u32 @!p0 $0xF7A, s2;
	p2 =	seq.s32 @!p0 s5, $0x0  }
0x1f: {  	s9 =	smul.u32 $0xF7A, s1;
	s8 =	simm.s32 @!p0 $0x1BF5;
	p2 =	por !p2, p0  }
0x20: {  	[sflag:s8] =	ssyncset.s32 @!p0 $0xFFFFF086;
	s6 =	sadd.s32 @!p0 s3, s7;
	s7 =	simm.s32 @!p0 $0x108  }
0x21: {  	s3 =	sadd.s32 s3, s9;
	s6 =	sadd.s32 @!p0 $0x88, s6;
	s7 =	simm.s32 @p2 $0x1082  }
0x22: {  	[simem:s7], [sflag:s8] =	dma.local @!p0 [hbm:s6], $0xF7A  }
0x23: {  	s9 =	sor.u32 $0xD0000000, s2;
	s6 =	simm.s32 $0x108;
	_ =	swait.ge @!p0 [sflag:s8], $0x0  }
0x24: {  	s3 =	sadd.s32 $0x88, s3;
	s6 =	simm.s32 @!p1 $0x1082;
	[sflag:s4] =	ssyncset.s32 $0xFFFFF086  }
0x25: {  	[simem:s6], [sflag:s4] =	dma.local [hbm:s3], $0xF7A  }
0x26: {  	[smem:$0x3F9B] =	sst s1;
	(tag) =	ssettag s2;
	_ =	strace s9  }
0x27: {  	s1 =	sld [smem:$0x3FAB]  }
0x28: {  	s2 =	sld [smem:$0x3FAC]  }
0x29: {  	s4 =	sld [smem:$0x3FAE]  }
0x2a: {  	p0 =	seq.s32 s5, $0x0;
	s5 =	sld [smem:$0x3FAF]  }
0x2b: {  	s6 =	sld [smem:$0x3FB0]  }
0x2c: {  	s7 =	sld [smem:$0x3FB1]  }
0x2d: {  	s3 =	simm.s32 $0x108;
	s8 =	sld [smem:$0x3FB2]  }
0x2e: {  	s3 =	simm.s32 @!p0 $0x1082;
	s9 =	sld [smem:$0x3FB3]  }
0x2f: {  	lr =	sadd.s32 s0, s3;
	s0 =	sld [smem:$0x3FAA]  }
0x30: {  	s3 =	sld [smem:$0x3FAD]  }
0x31: {  	[smem:$0x3FB6] =	sst s10  }
0x32: {  	s10 =	sld [smem:$0x3FB4];
	_ =	sdelay $0x3  }
0x33: {  	p0 =	seq.s32 s10, $0x1;
	s10 =	sld [smem:$0x3FB6];
	_ =	sdelay $0x3  }
0x34: {  	[smem:$0x3FB6] =	sst s10  }
0x35: {  	s10 =	sld [smem:$0x3FB5];
	_ =	sdelay $0x3  }
0x36: {  	p1 =	seq.s32 s10, $0x1;
	s10 =	sld [smem:$0x3FB6];
	_ =	sdelay $0x3  }
0x37: {  	[smem:$0x3FB6] =	sst s10  }
0x38: {  	s10 =	sld [smem:$0x3FB7]  }
0x39: {  	_ = 	snop;
	(pc) =	sbr.ind lr, $3  }
0x3a: {  	_ = 	snop  }
0x3b: {  	_ = 	snop  }
0x3c: {  	p2 =	seq.s32 s10, $0x1;
	s10 =	sld [smem:$0x3FB6]  }
0x3d: {  	_ =	shalt  }
0x3e: {  	_ =	shalt  }
0x3f: {  	_ =	shalt  }
0x40: {  	_ =	shalt  }
0x41: {  	_ =	shalt  }
0x42: {  	_ =	shalt  }
0x43: {  	_ =	shalt  }
0x44: {  	_ =	shalt  }
0x45: {  	_ =	shalt  }
0x46: {  	_ =	shalt  }
0x47: {  	_ =	shalt  }
0x48: {  	_ =	shalt  }
0x49: {  	_ =	shalt  }
0x4a: {  	_ =	shalt  }
0x4b: {  	_ =	shalt  }
0x4c: {  	_ =	shalt  }
0x4d: {  	_ =	shalt  }
0x4e: {  	_ =	shalt  }
0x4f: {  	_ =	shalt  }
0x50: {  	_ =	shalt  }
0x51: {  	_ =	shalt  }
0x52: {  	_ =	shalt  }
0x53: {  	_ =	shalt  }
0x54: {  	_ =	shalt  }
0x55: {  	_ =	shalt  }
0x56: {  	_ =	shalt  }
0x57: {  	_ =	shalt  }
0x58: {  	_ =	shalt  }
0x59: {  	_ =	shalt  }
0x5a: {  	_ =	shalt  }
0x5b: {  	_ =	shalt  }
0x5c: {  	_ =	shalt  }
0x5d: {  	_ =	shalt  }
0x5e: {  	_ =	shalt  }
0x5f: {  	_ =	shalt  }
0x60: {  	_ =	shalt  }
0x61: {  	_ =	shalt  }
0x62: {  	_ =	shalt  }
0x63: {  	_ =	shalt  }
0x64: {  	_ =	shalt  }
0x65: {  	_ =	shalt  }
0x66: {  	_ =	shalt  }
0x67: {  	_ =	shalt  }
0x68: {  	_ =	shalt  }
0x69: {  	_ =	shalt  }
0x6a: {  	_ =	shalt  }
0x6b: {  	_ =	shalt  }
0x6c: {  	_ =	shalt  }
0x6d: {  	_ =	shalt  }
0x6e: {  	_ =	shalt  }
0x6f: {  	_ =	shalt  }
0x70: {  	_ =	shalt  }
0x71: {  	_ =	shalt  }
0x72: {  	_ =	shalt  }
0x73: {  	_ =	shalt  }
0x74: {  	_ =	shalt  }
0x75: {  	_ =	shalt  }
0x76: {  	_ =	shalt  }
0x77: {  	_ =	shalt  }
0x78: {  	_ =	shalt  }
0x79: {  	_ =	shalt  }
0x7a: {  	_ =	shalt  }
0x7b: {  	_ =	shalt  }
0x7c: {  	_ =	shalt  }
0x7d: {  	_ =	shalt  }
0x7e: {  	_ =	shalt  }
0x7f: {  	_ =	shalt  }
0x80: {  	_ =	shalt  }
0x81: {  	_ =	shalt  }
0x82: {  	_ =	shalt  }
0x83: {  	_ =	shalt  }
0x84: {  	_ =	shalt  }
0x85: {  	_ =	shalt  }
0x86: {  	_ =	shalt  }
0x87: {  	_ =	shalt  }
.Lfunc_end0:
.L_simem_size_0:
called_computation_lowered:
.L_overlay_start_0:
0x88: {  	s2 =	sld [smem:$0x3FD9]  }
0x89: {  	s3 =	sld [smem:$0x3FFE];
	_ =	sdelay $0x1  }
0x8a: {  	s1 =	srdreg.scid  }
0x8b: {  	s0 =	sand.u32 $0x1, s1  }
0x8c: {  	s17 =	sshll.u32 s0, $0xA;
	s2 =	sadd.s32 s3, s2  }
0x8d: {  	s2 =	sadd.s32 s2, s17  }
0x8e: {  	[smem:$0x3FC2] =	sst s2  }
0x8f: {  	_ = 	snop  }
0x90: {  	s2 =	sld [smem:$0x3FC6];
	(tm) =	ssettm $0x1  }
0x91: {  	s18 =	sld [smem:$0x3FFB];
	_ =	sdelay $0x3  }
0x92: {  	_ =	strace s18  }
0x93: {  	s3 =	sld [smem:$0x3FFC];
	_ =	sdelay $0x3  }
0x94: {  	_ =	strace s3  }
0x95: {  	s3 =	sld [smem:$0x3FFD];
	_ =	sdelay $0x3  }
0x96: {  	_ =	strace s3  }
0x97: {  	_ =	strace $0x8FFFFFFF  }
0x98: {  	s19 =	sld [smem:$0x3FDB];
	_ =	sdelay $0x1  }
0x99: {  	s4 =	simm.s32 $_scs_section_size  }
0x9a: {  	s5 =	simm.s32 $_size__tile_overlayer_lowered;
	s6 =	simm.s32 $_tile_overlayer_lowered  }
0x9b: {  	s22 =	simm.s32 $0x1BFF;
	s21 =	sshll.u32 s6, $0x1;
	s3 =	sadd.s32 s4, s19  }
0x9c: {  	s7 =	simm.s32 $0x0;
	s20 =	sshll.u32 s5, $0x1;
	s5 =	sadd.s32 s21, s3  }
0x9d: {  	[timem:s7], [sflag:s22] =	dma.local [hbm:s5], s20  }
0x9e: {  	_ =	swait.ge [sflag:s22], s20  }
0x9f: {  	s4 =	ssub.s32 $0x0, s20;
	[sflag:s22] =	ssyncset.done $0x0  }
0xa0: {  	[sflag:s22] =	ssyncadd.s32 s4;
	_ =	sdelay $0x1  }
0xa1: {  	s23 =	simm.s32 $0x1B8B  }
0xa2: {  	_ =	swait.ge [sflag:s23], $0x1  }
0xa3: {  	[sflag:s23] =	ssyncset.done $0x0  }
0xa4: {  	s25 =	simm.s32 $0x1B8E;
	s24 =	sld [smem:$0x3FFE];
	[sflag:s23] =	ssyncadd.s32 $0xFFFFFFFF  }
0xa5: {  	s26 =	simm.s32 $execute0_lowered;
	[smem:$0x3FD2] =	sst s25  }
0xa6: {  	s5 =	sshll.u32 s26, $0x1;
	_ =	strace $0x80000046;
	[dreg:$0x1] =	wrdreg $0xFFFFFFFF  }
0xa7: {  	s28 =	simm.s32 $_size_execute0_lowered;
	s3 =	sadd.s32 s3, s5;
	[dreg:$0x0] =	wrdreg $0x0  }
0xa8: {  	s5 =	sshll.u32 s28, $0x1;
	[dreg:$0x2] =	wrdreg s3  }
0xa9: {  	[dreg:$0x3] =	wrdreg s5  }
0xaa: {  	[dreg:$0x4] =	wrdreg $0xC0  }
0xab: {  	_ =	task [dreg:s7], $0x5FFFF  }
0xac: {  	[dreg:$0x1] =	wrdreg $0xFFFFFFFF  }
0xad: {  	[dreg:$0x0] =	wrdreg $0x60  }
0xae: {  	[dreg:$0x2] =	wrdreg s24  }
0xaf: {  	[dreg:$0x3] =	wrdreg s2  }
0xb0: {  	[dreg:$0x4] =	wrdreg $0x28800  }
0xb1: {  	[dreg:$0x5] =	wrdreg $0x9  }
0xb2: {  	_ =	task.clear_ibuf [dreg:s7], $0x6FFFF;
	_ =	strace $0x90000046  }
0xb3: {  	s29 =	simm.s32 $0x9;
	_ =	strace $0x80000048  }
0xb4: {  	_ =	swait.ge [sflag:s29], $0x1  }
0xb5: {  	[sflag:s29] =	ssyncadd.s32 $0xFFFFFFFF  }
0xb6: {  	_ =	strace $0x90000048  }
0xb7: {  	_ =	sfence  }
0xb8: {  	s30 =	sld [smem:$0x0];
	_ =	sdelay $0x2  }
0xb9: {  	s31 =	sshll.u32 s1, $0xD;
	s1 =	sshrl.u32 s1, $0x2  }
0xba: {  	s3 =	sand.u32 $0x4000, s31;
	s1 =	sadd.s32 s1, s30  }
0xbb: {  	s0 =	sor.u32 s3, s0;
	s1 =	sshll.u32 s1, $0x11  }
0xbc: {  	s0 =	sor.u32 s1, s0  }
0xbd: {  	s0 =	sadd.s32 $0x8F2B, s0  }
0xbe: {  	[sflag:s0] =	ssyncadd.remote.s32 $0x1  }
0xbf: {  	_ =	sfence.sel $0xFFFF  }
0xc0: {  	[dreg:$0x0] =	wrdreg $0xFFFFFFFF;
	(pc) =	sbr.abs _section_cstart, $3  }
0xc1: {  	[dreg:$0x1] =	wrdreg $0xFFFFFFFF  }
0xc2: {  	_ =	task.clear_ibuf [dreg:s7], $0x2FFFF;
	_ =	strace $0x9FFFFFFF  }
0xc3: {  	(tm) =	ssettm $0x7FFFFFFF  }
tec
execute0_lowered:
.L_overlay_start_1:
0x0: {  	(tag) =	ssettag $0x1  }
0x1: {  	s0 =	rddreg [dreg:$0x0]  }
0x2: {  	s3 =	rddreg [dreg:$0x2]  }
0x3: {  	s1 =	srdreg.scid;
	s8 =	stileid.u32;
	s31 =	simm.s32 $0x0  }
0x4: {  	s29 =	simm.s32 $0x2800;
	s9 =	simm.s32 $0x1300;
	s10 =	simm.s32 $0x1380  }
0x5: {  	s13 =	simm.s32 $0x1400;
	s14 =	simm.s32 $0x1480;
	s15 =	simm.s32 $0x1500  }
0x6: {  	s12 =	simm.s32 $0x1980;
	s28 =	simm.s32 $0x1B80;
	s6 =	smul.u32 $0x9C40, s8  }
0x7: {  	s30 =	simm.s32 $0x1C00;
	s1 =	sand.u32 $0x1, s1;
	s2 =	smul.u32 $0x2710, s8  }
0x8: {  	[smem:$0x7FF] =	sst s31;
	s4 =	smul.u32 $0x1ADB0, s1;
	s6 =	sshrl.u32 s6, $0x2  }
0x9: {  	s5 =	sadd.s32 $0x1000, s0;
	_ =	strace $0x80000047;
	s16 =	sadd.s32 s6, s3  }
0xa: {  	s4 =	sadd.s32 s2, s4;
	s2 =	sadd.s32 s2, s3;
	[dreg:$0x5] =	wrdreg s16  }
0xb: {  	s11 =	smul.u32 $0x4E20, s8;
	s6 =	sadd.s32 $0x7D0, s16;
	[dreg:$0xa] =	wrdreg s2  }
0xc: {  	p0 =	sgt.u32 s8, $0xA;
	s17 =	sadd.s32 $0xFA0, s16;
	[dreg:$0x6] =	wrdreg s6  }
0xd: {  	s1 =	ssub.s32 $0x2, s1;
	s18 =	sadd.s32 $0x1770, s16;
	[dreg:$0x7] =	wrdreg s17  }
0xe: {  	s7 =	sshrl.u32 s1, $0x1;
	s20 =	sadd.s32 $0x7D0, s2;
	[dreg:$0x8] =	wrdreg s18  }
0xf: {  	s1 =	ssub.s32 s1, s7;
	s22 =	sadd.s32 $0xFA0, s2;
	[dreg:$0xc] =	wrdreg s20  }
0x10: {  	s7 =	simm.s32 $0x3;
	s24 =	sadd.s32 $0x1770, s2;
	[dreg:$0xe] =	wrdreg s22  }
0x11: {  	s4 =	sshrl.u32 s4, $0x3;
	s2 =	sadd.s32 $0x1F40, s2;
	[dreg:$0x10] =	wrdreg s24  }
0x12: {  	s26 =	smax.u32 s1, $0x1;
	s0 =	sadd.s32 s4, s0;
	[dreg:$0x12] =	wrdreg s2  }
0x13: {  	s4 =	sadd.s32 $0x1F40, s16;
	[dreg:$0x14] =	wrdreg s26;
	s24 =	simm.s32 $0x1  }
0x14: {  	s26 =	simm.s32 $0x50;
	s16 =	simm.s32 $0x1580;
	s17 =	simm.s32 $0x1600  }
0x15: {  	s18 =	simm.s32 $0x1680;
	[dreg:$0x9] =	wrdreg s4;
	s19 =	sadd.s32 $0xAE00, s0  }
0x16: {  	s20 =	simm.s32 $0x1780;
	s21 =	sadd.s32 $0xAEFA, s0;
	[dreg:$0xb] =	wrdreg s19  }
0x17: {  	s22 =	simm.s32 $0x1880;
	s23 =	sadd.s32 $0xAFF4, s0;
	[dreg:$0xd] =	wrdreg s21  }
0x18: {  	s6 =	simm.s32 $0x1900;
	s25 =	sadd.s32 $0xB0EE, s0;
	[dreg:$0xf] =	wrdreg s23  }
0x19: {  	s2 =	simm.s32 $0x1A80;
	s0 =	sadd.s32 $0xB1E8, s0;
	[dreg:$0x11] =	wrdreg s25  }
0x1a: {  	s4 =	simm.s32 $0x1A00;
	[dreg:$0x13] =	wrdreg s0;
	s25 =	simm.s32 $0x2  }
0x1b: {  	v0 =	vimm.f32 $0.0e+00;
	v1 =	vimm.f32 $1.000000000e+00;
	s19 =	simm.s32 $0x1700;
	s21 =	simm.s32 $0x1800;
	s23 =	simm.s32 $0x1B00  }
.LBB2_1:
0x1c: {  	[tilespmem:$0x2000] =	vst v0  }
0x1d: {  	[tilespmem:$0x2010] =	vst v0  }
0x1e: {  	[tilespmem:$0x2020] =	vst v0  }
0x1f: {  	[tilespmem:$0x2030] =	vst v0  }
0x20: {  	[tilespmem:$0x2040] =	vst v0  }
0x21: {  	[tilespmem:$0x2050] =	vst v0  }
0x22: {  	[tilespmem:$0x2060] =	vst v0  }
0x23: {  	[tilespmem:$0x2070] =	vst v0  }
0x24: {  	[tilespmem:$0x2080] =	vst v0  }
0x25: {  	[tilespmem:$0x2090] =	vst v0  }
0x26: {  	[tilespmem:$0x20A0] =	vst v0  }
0x27: {  	[tilespmem:$0x20B0] =	vst v0  }
0x28: {  	[tilespmem:$0x20C0] =	vst v0  }
0x29: {  	[tilespmem:$0x20D0] =	vst v0  }
0x2a: {  	[tilespmem:$0x20E0] =	vst v0  }
0x2b: {  	[tilespmem:$0x20F0] =	vst v0  }
0x2c: {  	[tilespmem:$0x2100] =	vst v0  }
0x2d: {  	[tilespmem:$0x2110] =	vst v0  }
0x2e: {  	[tilespmem:$0x2120] =	vst v0  }
0x2f: {  	[tilespmem:$0x2130] =	vst v0  }
0x30: {  	[tilespmem:$0x2140] =	vst v0  }
0x31: {  	[tilespmem:$0x2150] =	vst v0  }
0x32: {  	[tilespmem:$0x2160] =	vst v0  }
0x33: {  	[tilespmem:$0x2170] =	vst v0  }
0x34: {  	[tilespmem:$0x2180] =	vst v0  }
0x35: {  	[tilespmem:$0x2190] =	vst v0  }
0x36: {  	[tilespmem:$0x21A0] =	vst v0  }
0x37: {  	[tilespmem:$0x21B0] =	vst v0  }
0x38: {  	[tilespmem:$0x21C0] =	vst v0  }
0x39: {  	[tilespmem:$0x21D0] =	vst v0  }
0x3a: {  	[tilespmem:$0x21E0] =	vst v0  }
0x3b: {  	[tilespmem:$0x21F0] =	vst v0  }
0x3c: {  	[tilespmem:$0x2200] =	vst v0  }
0x3d: {  	[tilespmem:$0x2210] =	vst v0  }
0x3e: {  	[tilespmem:$0x2220] =	vst v0  }
0x3f: {  	[tilespmem:$0x2230] =	vst v0  }
0x40: {  	[tilespmem:$0x2240] =	vst v0  }
0x41: {  	[tilespmem:$0x2250] =	vst v0  }
0x42: {  	[tilespmem:$0x2260] =	vst v0  }
0x43: {  	[tilespmem:$0x2270] =	vst v0  }
0x44: {  	[tilespmem:$0x2280] =	vst v0  }
0x45: {  	[tilespmem:$0x2290] =	vst v0  }
0x46: {  	[tilespmem:$0x22A0] =	vst v0  }
0x47: {  	[tilespmem:$0x22B0] =	vst v0  }
0x48: {  	[tilespmem:$0x22C0] =	vst v0  }
0x49: {  	[tilespmem:$0x22D0] =	vst v0  }
0x4a: {  	[tilespmem:$0x22E0] =	vst v0  }
0x4b: {  	[tilespmem:$0x22F0] =	vst v0  }
0x4c: {  	[tilespmem:$0x2300] =	vst v0  }
0x4d: {  	[tilespmem:$0x2310] =	vst v0  }
0x4e: {  	[tilespmem:$0x2320] =	vst v0  }
0x4f: {  	[tilespmem:$0x2330] =	vst v0  }
0x50: {  	[tilespmem:$0x2340] =	vst v0  }
0x51: {  	[tilespmem:$0x2350] =	vst v0  }
0x52: {  	[tilespmem:$0x2360] =	vst v0  }
0x53: {  	[tilespmem:$0x2370] =	vst v0  }
0x54: {  	[tilespmem:$0x2380] =	vst v0  }
0x55: {  	[tilespmem:$0x2390] =	vst v0  }
0x56: {  	[tilespmem:$0x23A0] =	vst v0  }
0x57: {  	[tilespmem:$0x23B0] =	vst v0  }
0x58: {  	[tilespmem:$0x23C0] =	vst v0  }
0x59: {  	[tilespmem:$0x23D0] =	vst v0  }
0x5a: {  	[tilespmem:$0x23E0] =	vst v0  }
0x5b: {  	[tilespmem:$0x23F0] =	vst v0  }
0x5c: {  	[tilespmem:$0x2400] =	vst v0  }
0x5d: {  	[tilespmem:$0x2410] =	vst v0  }
0x5e: {  	[tilespmem:$0x2420] =	vst v0  }
0x5f: {  	[tilespmem:$0x2430] =	vst v0  }
0x60: {  	[tilespmem:$0x2440] =	vst v0  }
0x61: {  	[tilespmem:$0x2450] =	vst v0  }
0x62: {  	[tilespmem:$0x2460] =	vst v0  }
0x63: {  	[tilespmem:$0x2470] =	vst v0  }
0x64: {  	[tilespmem:$0x2480] =	vst v0  }
0x65: {  	[tilespmem:$0x2490] =	vst v0  }
0x66: {  	[tilespmem:$0x24A0] =	vst v0  }
0x67: {  	[tilespmem:$0x24B0] =	vst v0  }
0x68: {  	[tilespmem:$0x24C0] =	vst v0  }
0x69: {  	[tilespmem:$0x24D0] =	vst v0  }
0x6a: {  	[tilespmem:$0x24E0] =	vst v0  }
0x6b: {  	[tilespmem:$0x24F0] =	vst v0  }
0x6c: {  	[tilespmem:$0x2500] =	vst v0  }
0x6d: {  	[tilespmem:$0x2510] =	vst v0  }
0x6e: {  	[tilespmem:$0x2520] =	vst v0  }
0x6f: {  	[tilespmem:$0x2530] =	vst v0  }
0x70: {  	[tilespmem:$0x2540] =	vst v0  }
0x71: {  	[tilespmem:$0x2550] =	vst v0  }
0x72: {  	[tilespmem:$0x2560] =	vst v0  }
0x73: {  	[tilespmem:$0x2570] =	vst v0  }
0x74: {  	[tilespmem:$0x2580] =	vst v0  }
0x75: {  	[tilespmem:$0x2590] =	vst v0  }
0x76: {  	[tilespmem:$0x25A0] =	vst v0  }
0x77: {  	[tilespmem:$0x25B0] =	vst v0  }
0x78: {  	[tilespmem:$0x25C0] =	vst v0  }
0x79: {  	[tilespmem:$0x25D0] =	vst v0  }
0x7a: {  	[tilespmem:$0x25E0] =	vst v0  }
0x7b: {  	[tilespmem:$0x25F0] =	vst v0  }
0x7c: {  	[tilespmem:$0x2600] =	vst v0  }
0x7d: {  	[tilespmem:$0x2610] =	vst v0  }
0x7e: {  	[tilespmem:$0x2620] =	vst v0  }
0x7f: {  	[tilespmem:$0x2630] =	vst v0  }
0x80: {  	[tilespmem:$0x2640] =	vst v0  }
0x81: {  	[tilespmem:$0x2650] =	vst v0  }
0x82: {  	[tilespmem:$0x2660] =	vst v0  }
0x83: {  	[tilespmem:$0x2670] =	vst v0  }
0x84: {  	[tilespmem:$0x2680] =	vst v0  }
0x85: {  	[tilespmem:$0x2690] =	vst v0  }
0x86: {  	[tilespmem:$0x26A0] =	vst v0  }
0x87: {  	[tilespmem:$0x26B0] =	vst v0  }
0x88: {  	[tilespmem:$0x26C0] =	vst v0  }
0x89: {  	[tilespmem:$0x26D0] =	vst v0  }
0x8a: {  	[tilespmem:$0x26E0] =	vst v0  }
0x8b: {  	[tilespmem:$0x26F0] =	vst v0  }
0x8c: {  	[tilespmem:$0x2700] =	vst v0  }
0x8d: {  	[tilespmem:$0x2710] =	vst v0  }
0x8e: {  	[tilespmem:$0x2720] =	vst v0  }
0x8f: {  	[tilespmem:$0x2730] =	vst v0  }
0x90: {  	[tilespmem:$0x2740] =	vst v0  }
0x91: {  	[tilespmem:$0x2750] =	vst v0  }
0x92: {  	[tilespmem:$0x2760] =	vst v0  }
0x93: {  	[tilespmem:$0x2770] =	vst v0  }
0x94: {  	[tilespmem:$0x2780] =	vst v0  }
0x95: {  	[tilespmem:$0x2790] =	vst v0  }
0x96: {  	[tilespmem:$0x27A0] =	vst v0  }
0x97: {  	[tilespmem:$0x27B0] =	vst v0  }
0x98: {  	[tilespmem:$0x27C0] =	vst v0  }
0x99: {  	[tilespmem:$0x2800] =	vst v1  }
0x9a: {  	[tilespmem:$0x2810] =	vst v1  }
0x9b: {  	[tilespmem:$0x2820] =	vst v1  }
0x9c: {  	[tilespmem:$0x2830] =	vst v1  }
0x9d: {  	[tilespmem:$0x2840] =	vst v1;
	s0 =	simm.s32 @!p0 $0x2000;
	s1 =	rddreg [dreg:$0x5]  }
0x9e: {  	[spmem:s1] =	stream.linear.scatter @!p0 [tilespmem:s0], [sflag:$0x4], $0x7D0, $0x38;
	[tilespmem:$0x4360] =	vst v63  }
0x9f: {  	[dreg:$0x4] =	wrdreg s31;
	s1 =	simm.s32 @!p0 $0x4  }
0xa0: {  	_ =	swait.ge @!p0 [sflag:s1], $0x7D0  }
0xa1: {  	[sflag:s1] =	ssyncset.done @!p0 $0x0  }
0xa2: {  	s8 =	rddreg [dreg:$0x6];
	[sflag:s1] =	ssyncadd.s32 @!p0 $0xFFFFF830  }
0xa3: {  	[spmem:s8] =	stream.linear.scatter @!p0 [tilespmem:s0], [sflag:$0x4], $0x7D0, $0x38;
	[tilespmem:$0x4360] =	vst v63  }
0xa4: {  	_ =	swait.ge @!p0 [sflag:s1], $0x7D0  }
0xa5: {  	[sflag:s1] =	ssyncset.done @!p0 $0x0  }
0xa6: {  	s8 =	rddreg [dreg:$0x7];
	[sflag:s1] =	ssyncadd.s32 @!p0 $0xFFFFF830  }
0xa7: {  	[spmem:s8] =	stream.linear.scatter @!p0 [tilespmem:s0], [sflag:$0x4], $0x7D0, $0x38;
	[tilespmem:$0x4360] =	vst v63  }
0xa8: {  	_ =	swait.ge @!p0 [sflag:s1], $0x7D0  }
0xa9: {  	[sflag:s1] =	ssyncset.done @!p0 $0x0  }
0xaa: {  	s8 =	rddreg [dreg:$0x8];
	[sflag:s1] =	ssyncadd.s32 @!p0 $0xFFFFF830  }
0xab: {  	[spmem:s8] =	stream.linear.scatter @!p0 [tilespmem:s0], [sflag:$0x4], $0x7D0, $0x38;
	[tilespmem:$0x4360] =	vst v63  }
0xac: {  	_ =	swait.ge @!p0 [sflag:s1], $0x7D0  }
0xad: {  	[sflag:s1] =	ssyncset.done @!p0 $0x0  }
0xae: {  	s8 =	rddreg [dreg:$0x9];
	[sflag:s1] =	ssyncadd.s32 @!p0 $0xFFFFF830  }
0xaf: {  	[spmem:s8] =	stream.linear.scatter @!p0 [tilespmem:s0], [sflag:$0x4], $0x7D0, $0x38;
	[tilespmem:$0x4360] =	vst v63  }
0xb0: {  	_ =	swait.ge @!p0 [sflag:s1], $0x7D0  }
0xb1: {  	[sflag:s1] =	ssyncset.done @!p0 $0x0  }
0xb2: {  	[sflag:s1] =	ssyncadd.s32 @!p0 $0xFFFFF830  }
0xb3: {  	s31 =	simm.s32 $0x0;
	[bflag:$0x0] =	sbarrier.arrive $0xFFFF  }
.LBB2_2:
0xb4: {  	s0 =	smul.u32 $0x7D0, s31;
	_ =	sdelay $0x1  }
0xb5: {  	s0 =	sadd.s32 s11, s0  }
0xb6: {  	s0 =	sshrl.u32 s0, $0x3  }
0xb7: {  	s8 =	simm.s32 $0x0;
	s1 =	sadd.s32 s5, s0  }
0xb8: {  	[tilespmem:s8], [sflag:$0x1] =	stream.linear.gather [hbm4b:s1+s8], $0x7D0, $0x38;
	[tilespmem:$0x4360] =	vst v63  }
0xb9: {  	s1 =	rddreg [dreg:$0x1]  }
0xba: {  	s0 =	sadd.s32 s1, s0;
	s1 =	simm.s32 $0x800  }
0xbb: {  	[tilespmem:s1], [sflag:$0x2] =	stream.linear.gather [hbm4b:s0+s8], $0x7D0, $0x38;
	[tilespmem:$0x4360] =	vst v63  }
0xbc: {  	_ =	swait.ge [sflag:s24], $0x7D0  }
0xbd: {  	[sflag:s24] =	ssyncset.done $0x0  }
0xbe: {  	[sflag:s24] =	ssyncadd.s32 $0xFFFFF830  }
0xbf: {  	_ =	swait.ge [sflag:s25], $0x7D0  }
0xc0: {  	[sflag:s25] =	ssyncset.done $0x0  }
0xc1: {  	s8 =	simm.s32 $0x0;
	[sflag:s25] =	ssyncadd.s32 $0xFFFFF830  }
0xc2: {  	v2 =	vld [tilespmem:s8+$0x800];
	_ =	sdelay $0x1  }
0xc3: {  	v3 =	vld [tilespmem:s8+$0x0];
	_ =	sdelay $0x2  }
0xc4: {  	v2 =	vmul.u32 $0x2710, v2;
	_ =	sdelay $0x1  }
0xc5: {  	s0 =	simm.s32 $0x1020;
	v2 =	vadd.s32 v3, v2  }
0xc6: {  	[tilespmem:s0+$0xFFFFFFE0] =	vst v2  }
0xc7: {  	v2 =	vld [tilespmem:s8+$0x810];
	_ =	sdelay $0x1  }
0xc8: {  	v3 =	vld [tilespmem:s8+$0x10];
	_ =	sdelay $0x2  }
0xc9: {  	v2 =	vmul.u32 $0x2710, v2;
	_ =	sdelay $0x1  }
0xca: {  	v2 =	vadd.s32 v3, v2  }
0xcb: {  	[tilespmem:s0+$0xFFFFFFF0] =	vst v2  }
0xcc: {  	v2 =	vld [tilespmem:s8+$0x820];
	_ =	sdelay $0x1  }
0xcd: {  	v3 =	vld [tilespmem:s8+$0x20];
	_ =	sdelay $0x2  }
0xce: {  	v2 =	vmul.u32 $0x2710, v2;
	_ =	sdelay $0x1  }
0xcf: {  	v2 =	vadd.s32 v3, v2  }
0xd0: {  	[tilespmem:s0+$0x0] =	vst v2  }
0xd1: {  	v2 =	vld [tilespmem:s8+$0x830];
	_ =	sdelay $0x1  }
0xd2: {  	v3 =	vld [tilespmem:s8+$0x30];
	_ =	sdelay $0x2  }
0xd3: {  	v2 =	vmul.u32 $0x2710, v2;
	_ =	sdelay $0x1  }
0xd4: {  	v2 =	vadd.s32 v3, v2  }
0xd5: {  	[tilespmem:s0+$0x10] =	vst v2  }
0xd6: {  	v2 =	vld [tilespmem:s8+$0x840];
	_ =	sdelay $0x1  }
0xd7: {  	v3 =	vld [tilespmem:s8+$0x40];
	_ =	sdelay $0x2  }
0xd8: {  	v2 =	vmul.u32 $0x2710, v2;
	_ =	sdelay $0x1  }
0xd9: {  	v2 =	vadd.s32 v3, v2  }
0xda: {  	s1 =	simm.s32 $0x50;
	s8 =	simm.s32 $0x280;
	[tilespmem:s0+$0x20] =	vst v2  }
.LBB2_3:
0xdb: {  	p1 =	sne.s32 s8, $0x1E00;
	v2 =	vld [tilespmem:s1+$0x800]  }
0xdc: {  	v3 =	vld [tilespmem:s1+$0x0];
	_ =	sdelay $0x3  }
0xdd: {  	v2 =	vmul.u32 $0x2710, v2;
	_ =	sdelay $0x1  }
0xde: {  	s0 =	sadd.s32 $0x80, s0;
	v2 =	vadd.s32 v3, v2  }
0xdf: {  	[tilespmem:s0+$0xFFFFFFE0] =	vst v2  }
0xe0: {  	v2 =	vld [tilespmem:s1+$0x810];
	_ =	sdelay $0x1  }
0xe1: {  	v3 =	vld [tilespmem:s1+$0x10];
	_ =	sdelay $0x2  }
0xe2: {  	v2 =	vmul.u32 $0x2710, v2;
	_ =	sdelay $0x1  }
0xe3: {  	v2 =	vadd.s32 v3, v2  }
0xe4: {  	[tilespmem:s0+$0xFFFFFFF0] =	vst v2  }
0xe5: {  	v2 =	vld [tilespmem:s1+$0x820];
	_ =	sdelay $0x1  }
0xe6: {  	v3 =	vld [tilespmem:s1+$0x20];
	_ =	sdelay $0x2  }
0xe7: {  	v2 =	vmul.u32 $0x2710, v2;
	_ =	sdelay $0x1  }
0xe8: {  	v2 =	vadd.s32 v3, v2  }
0xe9: {  	[tilespmem:s0+$0x0] =	vst v2  }
0xea: {  	v2 =	vld [tilespmem:s1+$0x830];
	_ =	sdelay $0x1  }
0xeb: {  	v3 =	vld [tilespmem:s1+$0x30];
	_ =	sdelay $0x2  }
0xec: {  	v2 =	vmul.u32 $0x2710, v2;
	_ =	sdelay $0x1  }
0xed: {  	v2 =	vadd.s32 v3, v2  }
0xee: {  	[tilespmem:s0+$0x10] =	vst v2  }
0xef: {  	v2 =	vld [tilespmem:s1+$0x840]  }
0xf0: {  	v3 =	vld [tilespmem:s1+$0x40];
	_ =	sdelay $0x2  }
.Ltmp0:
0xf1: {  	(pc) =	sbr.rel @p1 .LBB2_3-.Ltmp0, $3  }
0xf2: {  	v2 =	vmul.u32 $0x2710, v2;
	_ =	sdelay $0x1  }
0xf3: {  	v2 =	vadd.s32 v3, v2  }
0xf4: {  	s1 =	sshra.s32 s8, $0x2;
	s8 =	sadd.s32 $0x140, s8;
	[tilespmem:s0+$0x20] =	vst v2  }
0xf5: {  	v2 =	vld [tilespmem:s1+$0x800];
	_ =	sdelay $0x1  }
0xf6: {  	v3 =	vld [tilespmem:s1+$0x0];
	_ =	sdelay $0x2  }
0xf7: {  	v2 =	vmul.u32 $0x2710, v2;
	_ =	sdelay $0x1  }
0xf8: {  	s0 =	sadd.s32 $0x80, s0;
	v2 =	vadd.s32 v3, v2  }
0xf9: {  	[tilespmem:s0+$0xFFFFFFE0] =	vst v2  }
0xfa: {  	v2 =	vld [tilespmem:s1+$0x810];
	_ =	sdelay $0x1  }
0xfb: {  	v3 =	vld [tilespmem:s1+$0x10];
	_ =	sdelay $0x2  }
0xfc: {  	v2 =	vmul.u32 $0x2710, v2;
	_ =	sdelay $0x1  }
0xfd: {  	v2 =	vadd.s32 v3, v2  }
0xfe: {  	[tilespmem:s0+$0xFFFFFFF0] =	vst v2  }
0xff: {  	v2 =	vld [tilespmem:s1+$0x820];
	_ =	sdelay $0x1  }
0x100: {  	v3 =	vld [tilespmem:s1+$0x20];
	_ =	sdelay $0x2  }
0x101: {  	v2 =	vmul.u32 $0x2710, v2;
	_ =	sdelay $0x1  }
0x102: {  	v2 =	vadd.s32 v3, v2  }
0x103: {  	[tilespmem:s0+$0x0] =	vst v2  }
0x104: {  	v2 =	vld [tilespmem:s1+$0x830];
	_ =	sdelay $0x1  }
0x105: {  	v3 =	vld [tilespmem:s1+$0x30];
	_ =	sdelay $0x2  }
0x106: {  	v2 =	vmul.u32 $0x2710, v2;
	_ =	sdelay $0x1  }
0x107: {  	v2 =	vadd.s32 v3, v2  }
0x108: {  	[tilespmem:s0+$0x10] =	vst v2  }
0x109: {  	v2 =	vld [tilespmem:s1+$0x840];
	_ =	sdelay $0x1  }
0x10a: {  	v3 =	vld [tilespmem:s1+$0x40];
	_ =	sdelay $0x2  }
0x10b: {  	v2 =	vmul.u32 $0x2710, v2;
	_ =	sdelay $0x1  }
0x10c: {  	v2 =	vadd.s32 v3, v2  }
0x10d: {  	s1 =	simm.s32 $0x1000;
	[tilespmem:s0+$0x20] =	vst v2  }
0x10e: {  	[spmem:s3] =	stream.indirect.scatter.add.f32 [tilespmem:s29], [sflag:$0x3], $0x1, s1, s26, $0xb8;
	[tilespmem:$0x4360] =	vst v63  }
0x10f: {  	s8 =	simm.s32 $0x1080  }
0x110: {  	[spmem:s3] =	stream.indirect.scatter.add.f32 [tilespmem:s29], [sflag:$0x3], $0x1, s8, s26, $0xb8;
	[tilespmem:$0x4360] =	vst v63  }
0x111: {  	s1 =	simm.s32 $0x1100  }
0x112: {  	[spmem:s3] =	stream.indirect.scatter.add.f32 [tilespmem:s29], [sflag:$0x3], $0x1, s1, s26, $0xb8;
	[tilespmem:$0x4360] =	vst v63  }
0x113: {  	s8 =	simm.s32 $0x1180  }
0x114: {  	[spmem:s3] =	stream.indirect.scatter.add.f32 [tilespmem:s29], [sflag:$0x3], $0x1, s8, s26, $0xb8;
	[tilespmem:$0x4360] =	vst v63  }
0x115: {  	s1 =	simm.s32 $0x1200  }
0x116: {  	[spmem:s3] =	stream.indirect.scatter.add.f32 [tilespmem:s29], [sflag:$0x3], $0x1, s1, s26, $0xb8;
	[tilespmem:$0x4360] =	vst v63  }
0x117: {  	_ =	swait.ge [sflag:s7], $0x50  }
0x118: {  	[sflag:s7] =	ssyncset.done $0x0  }
0x119: {  	[sflag:s7] =	ssyncadd.s32 $0xFFFFFFB0  }
0x11a: {  	_ =	swait.ge [sflag:s7], $0x50  }
0x11b: {  	[sflag:s7] =	ssyncset.done $0x0  }
0x11c: {  	[sflag:s7] =	ssyncadd.s32 $0xFFFFFFB0  }
0x11d: {  	_ =	swait.ge [sflag:s7], $0x50  }
0x11e: {  	[sflag:s7] =	ssyncset.done $0x0  }
0x11f: {  	[sflag:s7] =	ssyncadd.s32 $0xFFFFFFB0  }
0x120: {  	_ =	swait.ge [sflag:s7], $0x50  }
0x121: {  	[sflag:s7] =	ssyncset.done $0x0  }
0x122: {  	[sflag:s7] =	ssyncadd.s32 $0xFFFFFFB0  }
0x123: {  	_ =	swait.ge [sflag:s7], $0x50  }
0x124: {  	[sflag:s7] =	ssyncset.done $0x0  }
0x125: {  	s8 =	simm.s32 $0x1280;
	[sflag:s7] =	ssyncadd.s32 $0xFFFFFFB0  }
0x126: {  	[spmem:s3] =	stream.indirect.scatter.add.f32 [tilespmem:s29], [sflag:$0x3], $0x1, s8, s26, $0xb8;
	[tilespmem:$0x4360] =	vst v63  }
0x127: {  	_ = 	snop  }
0x128: {  	[spmem:s3] =	stream.indirect.scatter.add.f32 [tilespmem:s29], [sflag:$0x3], $0x1, s9, s26, $0xb8;
	[tilespmem:$0x4360] =	vst v63  }
0x129: {  	_ = 	snop  }
0x12a: {  	[spmem:s3] =	stream.indirect.scatter.add.f32 [tilespmem:s29], [sflag:$0x3], $0x1, s10, s26, $0xb8;
	[tilespmem:$0x4360] =	vst v63  }
0x12b: {  	_ = 	snop  }
0x12c: {  	[spmem:s3] =	stream.indirect.scatter.add.f32 [tilespmem:s29], [sflag:$0x3], $0x1, s13, s26, $0xb8;
	[tilespmem:$0x4360] =	vst v63  }
0x12d: {  	_ = 	snop  }
0x12e: {  	[spmem:s3] =	stream.indirect.scatter.add.f32 [tilespmem:s29], [sflag:$0x3], $0x1, s14, s26, $0xb8;
	[tilespmem:$0x4360] =	vst v63  }
0x12f: {  	_ =	swait.ge [sflag:s7], $0x50  }
0x130: {  	[sflag:s7] =	ssyncset.done $0x0  }
0x131: {  	[sflag:s7] =	ssyncadd.s32 $0xFFFFFFB0  }
0x132: {  	_ =	swait.ge [sflag:s7], $0x50  }
0x133: {  	[sflag:s7] =	ssyncset.done $0x0  }
0x134: {  	[sflag:s7] =	ssyncadd.s32 $0xFFFFFFB0  }
0x135: {  	_ =	swait.ge [sflag:s7], $0x50  }
0x136: {  	[sflag:s7] =	ssyncset.done $0x0  }
0x137: {  	[sflag:s7] =	ssyncadd.s32 $0xFFFFFFB0  }
0x138: {  	_ =	swait.ge [sflag:s7], $0x50  }
0x139: {  	[sflag:s7] =	ssyncset.done $0x0  }
0x13a: {  	[sflag:s7] =	ssyncadd.s32 $0xFFFFFFB0  }
0x13b: {  	_ =	swait.ge [sflag:s7], $0x50  }
0x13c: {  	[sflag:s7] =	ssyncset.done $0x0  }
0x13d: {  	[sflag:s7] =	ssyncadd.s32 $0xFFFFFFB0  }
0x13e: {  	[spmem:s3] =	stream.indirect.scatter.add.f32 [tilespmem:s29], [sflag:$0x3], $0x1, s15, s26, $0xb8;
	[tilespmem:$0x4360] =	vst v63  }
0x13f: {  	_ = 	snop  }
0x140: {  	[spmem:s3] =	stream.indirect.scatter.add.f32 [tilespmem:s29], [sflag:$0x3], $0x1, s16, s26, $0xb8;
	[tilespmem:$0x4360] =	vst v63  }
0x141: {  	_ = 	snop  }
0x142: {  	[spmem:s3] =	stream.indirect.scatter.add.f32 [tilespmem:s29], [sflag:$0x3], $0x1, s17, s26, $0xb8;
	[tilespmem:$0x4360] =	vst v63  }
0x143: {  	_ = 	snop  }
0x144: {  	[spmem:s3] =	stream.indirect.scatter.add.f32 [tilespmem:s29], [sflag:$0x3], $0x1, s18, s26, $0xb8;
	[tilespmem:$0x4360] =	vst v63  }
0x145: {  	_ = 	snop  }
0x146: {  	[spmem:s3] =	stream.indirect.scatter.add.f32 [tilespmem:s29], [sflag:$0x3], $0x1, s19, s26, $0xb8;
	[tilespmem:$0x4360] =	vst v63  }
0x147: {  	_ =	swait.ge [sflag:s7], $0x50  }
0x148: {  	[sflag:s7] =	ssyncset.done $0x0  }
0x149: {  	[sflag:s7] =	ssyncadd.s32 $0xFFFFFFB0  }
0x14a: {  	_ =	swait.ge [sflag:s7], $0x50  }
0x14b: {  	[sflag:s7] =	ssyncset.done $0x0  }
0x14c: {  	[sflag:s7] =	ssyncadd.s32 $0xFFFFFFB0  }
0x14d: {  	_ =	swait.ge [sflag:s7], $0x50  }
0x14e: {  	[sflag:s7] =	ssyncset.done $0x0  }
0x14f: {  	[sflag:s7] =	ssyncadd.s32 $0xFFFFFFB0  }
0x150: {  	_ =	swait.ge [sflag:s7], $0x50  }
0x151: {  	[sflag:s7] =	ssyncset.done $0x0  }
0x152: {  	[sflag:s7] =	ssyncadd.s32 $0xFFFFFFB0  }
0x153: {  	_ =	swait.ge [sflag:s7], $0x50  }
0x154: {  	[sflag:s7] =	ssyncset.done $0x0  }
0x155: {  	[sflag:s7] =	ssyncadd.s32 $0xFFFFFFB0  }
0x156: {  	[spmem:s3] =	stream.indirect.scatter.add.f32 [tilespmem:s29], [sflag:$0x3], $0x1, s20, s26, $0xb8;
	[tilespmem:$0x4360] =	vst v63  }
0x157: {  	_ = 	snop  }
0x158: {  	[spmem:s3] =	stream.indirect.scatter.add.f32 [tilespmem:s29], [sflag:$0x3], $0x1, s21, s26, $0xb8;
	[tilespmem:$0x4360] =	vst v63  }
0x159: {  	_ = 	snop  }
0x15a: {  	[spmem:s3] =	stream.indirect.scatter.add.f32 [tilespmem:s29], [sflag:$0x3], $0x1, s22, s26, $0xb8;
	[tilespmem:$0x4360] =	vst v63  }
0x15b: {  	_ = 	snop  }
0x15c: {  	[spmem:s3] =	stream.indirect.scatter.add.f32 [tilespmem:s29], [sflag:$0x3], $0x1, s6, s26, $0xb8;
	[tilespmem:$0x4360] =	vst v63  }
0x15d: {  	_ = 	snop  }
0x15e: {  	[spmem:s3] =	stream.indirect.scatter.add.f32 [tilespmem:s29], [sflag:$0x3], $0x1, s12, s26, $0xb8;
	[tilespmem:$0x4360] =	vst v63  }
0x15f: {  	_ =	swait.ge [sflag:s7], $0x50  }
0x160: {  	[sflag:s7] =	ssyncset.done $0x0  }
0x161: {  	[sflag:s7] =	ssyncadd.s32 $0xFFFFFFB0  }
0x162: {  	_ =	swait.ge [sflag:s7], $0x50  }
0x163: {  	[sflag:s7] =	ssyncset.done $0x0  }
0x164: {  	[sflag:s7] =	ssyncadd.s32 $0xFFFFFFB0  }
0x165: {  	_ =	swait.ge [sflag:s7], $0x50  }
0x166: {  	[sflag:s7] =	ssyncset.done $0x0  }
0x167: {  	[sflag:s7] =	ssyncadd.s32 $0xFFFFFFB0  }
0x168: {  	_ =	swait.ge [sflag:s7], $0x50  }
0x169: {  	[sflag:s7] =	ssyncset.done $0x0  }
0x16a: {  	[sflag:s7] =	ssyncadd.s32 $0xFFFFFFB0  }
0x16b: {  	_ =	swait.ge [sflag:s7], $0x50  }
0x16c: {  	[sflag:s7] =	ssyncset.done $0x0  }
0x16d: {  	[sflag:s7] =	ssyncadd.s32 $0xFFFFFFB0  }
0x16e: {  	[spmem:s3] =	stream.indirect.scatter.add.f32 [tilespmem:s29], [sflag:$0x3], $0x1, s4, s26, $0xb8;
	[tilespmem:$0x4360] =	vst v63  }
0x16f: {  	_ = 	snop  }
0x170: {  	[spmem:s3] =	stream.indirect.scatter.add.f32 [tilespmem:s29], [sflag:$0x3], $0x1, s2, s26, $0xb8;
	[tilespmem:$0x4360] =	vst v63  }
0x171: {  	_ = 	snop  }
0x172: {  	[spmem:s3] =	stream.indirect.scatter.add.f32 [tilespmem:s29], [sflag:$0x3], $0x1, s23, s26, $0xb8;
	[tilespmem:$0x4360] =	vst v63  }
0x173: {  	_ = 	snop  }
0x174: {  	[spmem:s3] =	stream.indirect.scatter.add.f32 [tilespmem:s29], [sflag:$0x3], $0x1, s28, s26, $0xb8;
	[tilespmem:$0x4360] =	vst v63  }
0x175: {  	_ = 	snop  }
0x176: {  	[spmem:s3] =	stream.indirect.scatter.add.f32 [tilespmem:s29], [sflag:$0x3], $0x1, s30, s26, $0xb8;
	[tilespmem:$0x4360] =	vst v63  }
0x177: {  	_ =	swait.ge [sflag:s7], $0x50  }
0x178: {  	[sflag:s7] =	ssyncset.done $0x0  }
0x179: {  	[sflag:s7] =	ssyncadd.s32 $0xFFFFFFB0  }
0x17a: {  	_ =	swait.ge [sflag:s7], $0x50  }
0x17b: {  	[sflag:s7] =	ssyncset.done $0x0  }
0x17c: {  	[sflag:s7] =	ssyncadd.s32 $0xFFFFFFB0  }
0x17d: {  	_ =	swait.ge [sflag:s7], $0x50  }
0x17e: {  	[sflag:s7] =	ssyncset.done $0x0  }
0x17f: {  	s31 =	sadd.s32 $0x1, s31;
	[sflag:s7] =	ssyncadd.s32 $0xFFFFFFB0  }
0x180: {  	p1 =	sne.s32 s31, $0xA;
	_ =	swait.ge [sflag:s7], $0x50  }
.Ltmp1:
0x181: {  	[sflag:s7] =	ssyncset.done $0x0;
	(pc) =	sbr.rel @p1 .LBB2_2-.Ltmp1, $4  }
0x182: {  	[sflag:s7] =	ssyncadd.s32 $0xFFFFFFB0  }
0x183: {  	_ =	swait.ge [sflag:s7], $0x50  }
0x184: {  	[sflag:s7] =	ssyncset.done $0x0  }
0x185: {  	[sflag:s7] =	ssyncadd.s32 $0xFFFFFFB0  }
0x186: {  	[bflag:$0x0] =	sbarrier.arrive $0xFFFF  }
0x187: {  	s0 =	simm.s32 @!p0 $0x2000;
	s1 =	rddreg [dreg:$0xa]  }
0x188: {  	[tilespmem:s0], [sflag:$0x4] =	stream.linear.gather @!p0 [spmem:s1], $0x7D0, $0x38;
	[tilespmem:$0x4360] =	vst v63  }
0x189: {  	s1 =	simm.s32 @!p0 $0x4  }
0x18a: {  	_ =	swait.ge @!p0 [sflag:s1], $0x7D0  }
0x18b: {  	[sflag:s1] =	ssyncset.done @!p0 $0x0  }
0x18c: {  	s8 =	simm.s32 @!p0 $0x0;
	s31 =	rddreg [dreg:$0xb];
	[sflag:s1] =	ssyncadd.s32 @!p0 $0xFFFFF830  }
0x18d: {  	[hbm4b:s31+s8] =	stream.linear.scatter @!p0 [tilespmem:s0], [sflag:$0x4], $0x7D0, $0x38;
	[tilespmem:$0x4360] =	vst v63  }
0x18e: {  	_ =	swait.ge @!p0 [sflag:s1], $0x7D0  }
0x18f: {  	[sflag:s1] =	ssyncset.done @!p0 $0x0  }
0x190: {  	s31 =	rddreg [dreg:$0xc];
	[sflag:s1] =	ssyncadd.s32 @!p0 $0xFFFFF830  }
0x191: {  	[tilespmem:s0], [sflag:$0x4] =	stream.linear.gather @!p0 [spmem:s31], $0x7D0, $0x38;
	[tilespmem:$0x4360] =	vst v63  }
0x192: {  	_ =	swait.ge @!p0 [sflag:s1], $0x7D0  }
0x193: {  	[sflag:s1] =	ssyncset.done @!p0 $0x0  }
0x194: {  	s31 =	rddreg [dreg:$0xd];
	[sflag:s1] =	ssyncadd.s32 @!p0 $0xFFFFF830  }
0x195: {  	[hbm4b:s31+s8] =	stream.linear.scatter @!p0 [tilespmem:s0], [sflag:$0x4], $0x7D0, $0x38;
	[tilespmem:$0x4360] =	vst v63  }
0x196: {  	_ =	swait.ge @!p0 [sflag:s1], $0x7D0  }
0x197: {  	[sflag:s1] =	ssyncset.done @!p0 $0x0  }
0x198: {  	s31 =	rddreg [dreg:$0xe];
	[sflag:s1] =	ssyncadd.s32 @!p0 $0xFFFFF830  }
0x199: {  	[tilespmem:s0], [sflag:$0x4] =	stream.linear.gather @!p0 [spmem:s31], $0x7D0, $0x38;
	[tilespmem:$0x4360] =	vst v63  }
0x19a: {  	_ =	swait.ge @!p0 [sflag:s1], $0x7D0  }
0x19b: {  	[sflag:s1] =	ssyncset.done @!p0 $0x0  }
0x19c: {  	s31 =	rddreg [dreg:$0xf];
	[sflag:s1] =	ssyncadd.s32 @!p0 $0xFFFFF830  }
0x19d: {  	[hbm4b:s31+s8] =	stream.linear.scatter @!p0 [tilespmem:s0], [sflag:$0x4], $0x7D0, $0x38;
	[tilespmem:$0x4360] =	vst v63  }
0x19e: {  	_ =	swait.ge @!p0 [sflag:s1], $0x7D0  }
0x19f: {  	[sflag:s1] =	ssyncset.done @!p0 $0x0  }
0x1a0: {  	s31 =	rddreg [dreg:$0x10];
	[sflag:s1] =	ssyncadd.s32 @!p0 $0xFFFFF830  }
0x1a1: {  	[tilespmem:s0], [sflag:$0x4] =	stream.linear.gather @!p0 [spmem:s31], $0x7D0, $0x38;
	[tilespmem:$0x4360] =	vst v63  }
0x1a2: {  	_ =	swait.ge @!p0 [sflag:s1], $0x7D0  }
0x1a3: {  	[sflag:s1] =	ssyncset.done @!p0 $0x0  }
0x1a4: {  	s31 =	rddreg [dreg:$0x11];
	[sflag:s1] =	ssyncadd.s32 @!p0 $0xFFFFF830  }
0x1a5: {  	[hbm4b:s31+s8] =	stream.linear.scatter @!p0 [tilespmem:s0], [sflag:$0x4], $0x7D0, $0x38;
	[tilespmem:$0x4360] =	vst v63  }
0x1a6: {  	_ =	swait.ge @!p0 [sflag:s1], $0x7D0  }
0x1a7: {  	[sflag:s1] =	ssyncset.done @!p0 $0x0  }
0x1a8: {  	s31 =	rddreg [dreg:$0x12];
	[sflag:s1] =	ssyncadd.s32 @!p0 $0xFFFFF830  }
0x1a9: {  	[tilespmem:s0], [sflag:$0x4] =	stream.linear.gather @!p0 [spmem:s31], $0x7D0, $0x38;
	[tilespmem:$0x4360] =	vst v63  }
0x1aa: {  	_ =	swait.ge @!p0 [sflag:s1], $0x7D0  }
0x1ab: {  	[sflag:s1] =	ssyncset.done @!p0 $0x0  }
0x1ac: {  	s31 =	rddreg [dreg:$0x13];
	[sflag:s1] =	ssyncadd.s32 @!p0 $0xFFFFF830  }
0x1ad: {  	[hbm4b:s31+s8] =	stream.linear.scatter @!p0 [tilespmem:s0], [sflag:$0x4], $0x7D0, $0x38;
	[tilespmem:$0x4360] =	vst v63  }
0x1ae: {  	_ =	swait.ge @!p0 [sflag:s1], $0x7D0  }
0x1af: {  	s31 =	rddreg [dreg:$0x4]  }
0x1b0: {  	s8 =	rddreg [dreg:$0x14];
	s31 =	sadd.s32 $0x1, s31  }
0x1b1: {  	p1 =	sne.s32 s31, s8  }
.Ltmp2:
0x1b2: {  	_ = 	snop;
	(pc) =	sbr.rel @p1 .LBB2_1-.Ltmp2, $3  }
0x1b3: {  	_ =	sdelay $0x1  }
0x1b4: {  	[sflag:s1] =	ssyncset.done @!p0 $0x0  }
0x1b5: {  	[sflag:s1] =	ssyncadd.s32 @!p0 $0xFFFFF830  }
0x1b6: {  	_ =	sfence.sel $0x180000  }
0x1b7: {  	[bflag:$0x0] =	sbarrier.arrive $0xFFFF  }
0x1b8: {  	_ =	strace $0x90000047  }
0x1b9: {  	s0 =	stileid.u32;
	[bflag:$0x2] =	sbarrier.arrive $0xFFFF  }
0x1ba: {  	p0 =	sne.s32 s0, $0x0;
	s0 =	rddreg [dreg:$0x3]  }
0x1bb: {  	s0 =	sadd.s32 @!p0 $0x100000, s0  }
0x1bc: {  	[sflag:s0] =	ssyncadd.tile.s32 @!p0 $0x1;
	_ =	shalt  }
.Lfunc_end2:
_tile_overlayer_lowered:
.L_overlay_start_2:
0x1bd: {  	(tag) =	ssettag $0x2  }
0x1be: {  	s0 =	rddreg [dreg:$0x0];
	s2 =	stileid.u32  }
0x1bf: {  	s1 =	rddreg [dreg:$0x1];
	p0 =	sne.s32 s2, $0x0  }
0x1c0: {  	s3 =	rddreg [dreg:$0x2];
	[bflag:$0x3] =	sbarrier.arrive $0xFFFF;
	s2 =	simm.s32 @!p0 $0x1C04  }
0x1c1: {  	[timem:s3], [sflag:s2] =	dma.local @!p0 [hbm:s0], s1  }
0x1c2: {  	s0 =	simm.s32 @!p0 $0x4  }
0x1c3: {  	_ =	swait.ge @!p0 [sflag:s0], s1  }
0x1c4: {  	s1 =	ssub.s32 @!p0 $0x0, s1;
	[sflag:s0] =	ssyncset.done @!p0 $0x0  }
0x1c5: {  	[sflag:s0] =	ssyncadd.s32 @!p0 s1  }
0x1c6: {  	[bflag:$0x3] =	sbarrier.arrive $0xFFFF  }
0x1c7: {  	_ =	shalt  }

// kernel: kernel.9.cloned.1.call-start
scs
__scs_entry_jumppad:
0x0: {  	(pc) =	sbr.rel $0x88, $3  }
0x1: {  	(tag) =	ssettag $0x0;
	lr =	simm.s32 $0x1  }
0x2: {  	[smem:$0x3F9B] =	sst lr;
	_ =	strace $0xD0000000  }
0x3: {  	_ = 	snop  }
0x4: {  	_ = 	snop  }
0x5: {  	_ = 	snop  }
0x6: {  	_ = 	snop  }
0x7: {  	_ = 	snop  }
__scs_overlays_trampoline_lowered:
0x8: {  	[smem:$0x3FAA] =	sst s0  }
0x9: {  	[smem:$0x3FAB] =	sst s1  }
0xa: {  	[smem:$0x3FAC] =	sst s2  }
0xb: {  	[smem:$0x3FAD] =	sst s3  }
0xc: {  	[smem:$0x3FAE] =	sst s4  }
0xd: {  	[smem:$0x3FAF] =	sst s5  }
0xe: {  	[smem:$0x3FB0] =	sst s6  }
0xf: {  	[smem:$0x3FB1] =	sst s7  }
0x10: {  	[smem:$0x3FB2] =	sst s8  }
0x11: {  	[smem:$0x3FB3] =	sst s9;
	s0 =	simm.s32 @!p0 $0x0  }
0x12: {  	s1 =	sld [smem:$0x3F99];
	s0 =	simm.s32 @p0 $0x1  }
0x13: {  	[smem:$0x3FB4] =	sst s0;
	s0 =	simm.s32 @!p1 $0x0  }
0x14: {  	s2 =	sld [smem:$0x3F98];
	s0 =	simm.s32 @p1 $0x1  }
0x15: {  	[smem:$0x3FB5] =	sst s0;
	s0 =	simm.s32 @!p2 $0x0  }
0x16: {  	s3 =	sld [smem:$0x3FDB];
	s0 =	simm.s32 @p2 $0x1  }
0x17: {  	s4 =	simm.s32 $0x1BF5;
	[smem:$0x3FB7] =	sst s0  }
0x18: {  	s0 =	sld [smem:$0x3F9A];
	_ =	swait.ge [sflag:s4], $0x0  }
0x19: {  	s7 =	sld [smem:$0x3F9B]  }
0x1a: {  	s8 =	sadd.s32 $0xFFFFE003, lr  }
0x1b: {  	s9 =	sadd.s32 $0xFFFFFEF7, lr;
	s5 =	simm.s32 $0xFFFFFFFF;
	p2 =	slt.u32 s8, $0xFFFFF086  }
0x1c: {  	p1 =	slt.u32 s9, $0xF7A;
	s5 =	simm.s32 @!p2 $0x0  }
0x1d: {  	s5 =	simm.s32 @p1 $0x1;
	p0 =	seq.s32 s7, s2  }
0x1e: {  	s7 =	smul.u32 @!p0 $0xF7A, s2;
	p2 =	seq.s32 @!p0 s5, $0x0  }
0x1f: {  	s9 =	smul.u32 $0xF7A, s1;
	s8 =	simm.s32 @!p0 $0x1BF5;
	p2 =	por !p2, p0  }
0x20: {  	[sflag:s8] =	ssyncset.s32 @!p0 $0xFFFFF086;
	s6 =	sadd.s32 @!p0 s3, s7;
	s7 =	simm.s32 @!p0 $0x108  }
0x21: {  	s3 =	sadd.s32 s3, s9;
	s6 =	sadd.s32 @!p0 $0x88, s6;
	s7 =	simm.s32 @p2 $0x1082  }
0x22: {  	[simem:s7], [sflag:s8] =	dma.local @!p0 [hbm:s6], $0xF7A  }
0x23: {  	s9 =	sor.u32 $0xD0000000, s2;
	s6 =	simm.s32 $0x108;
	_ =	swait.ge @!p0 [sflag:s8], $0x0  }
0x24: {  	s3 =	sadd.s32 $0x88, s3;
	s6 =	simm.s32 @!p1 $0x1082;
	[sflag:s4] =	ssyncset.s32 $0xFFFFF086  }
0x25: {  	[simem:s6], [sflag:s4] =	dma.local [hbm:s3], $0xF7A  }
0x26: {  	[smem:$0x3F9B] =	sst s1;
	(tag) =	ssettag s2;
	_ =	strace s9  }
0x27: {  	s1 =	sld [smem:$0x3FAB]  }
0x28: {  	s2 =	sld [smem:$0x3FAC]  }
0x29: {  	s4 =	sld [smem:$0x3FAE]  }
0x2a: {  	p0 =	seq.s32 s5, $0x0;
	s5 =	sld [smem:$0x3FAF]  }
0x2b: {  	s6 =	sld [smem:$0x3FB0]  }
0x2c: {  	s7 =	sld [smem:$0x3FB1]  }
0x2d: {  	s3 =	simm.s32 $0x108;
	s8 =	sld [smem:$0x3FB2]  }
0x2e: {  	s3 =	simm.s32 @!p0 $0x1082;
	s9 =	sld [smem:$0x3FB3]  }
0x2f: {  	lr =	sadd.s32 s0, s3;
	s0 =	sld [smem:$0x3FAA]  }
0x30: {  	s3 =	sld [smem:$0x3FAD]  }
0x31: {  	[smem:$0x3FB6] =	sst s10  }
0x32: {  	s10 =	sld [smem:$0x3FB4];
	_ =	sdelay $0x3  }
0x33: {  	p0 =	seq.s32 s10, $0x1;
	s10 =	sld [smem:$0x3FB6];
	_ =	sdelay $0x3  }
0x34: {  	[smem:$0x3FB6] =	sst s10  }
0x35: {  	s10 =	sld [smem:$0x3FB5];
	_ =	sdelay $0x3  }
0x36: {  	p1 =	seq.s32 s10, $0x1;
	s10 =	sld [smem:$0x3FB6];
	_ =	sdelay $0x3  }
0x37: {  	[smem:$0x3FB6] =	sst s10  }
0x38: {  	s10 =	sld [smem:$0x3FB7]  }
0x39: {  	_ = 	snop;
	(pc) =	sbr.ind lr, $3  }
0x3a: {  	_ = 	snop  }
0x3b: {  	_ = 	snop  }
0x3c: {  	p2 =	seq.s32 s10, $0x1;
	s10 =	sld [smem:$0x3FB6]  }
0x3d: {  	_ =	shalt  }
0x3e: {  	_ =	shalt  }
0x3f: {  	_ =	shalt  }
0x40: {  	_ =	shalt  }
0x41: {  	_ =	shalt  }
0x42: {  	_ =	shalt  }
0x43: {  	_ =	shalt  }
0x44: {  	_ =	shalt  }
0x45: {  	_ =	shalt  }
0x46: {  	_ =	shalt  }
0x47: {  	_ =	shalt  }
0x48: {  	_ =	shalt  }
0x49: {  	_ =	shalt  }
0x4a: {  	_ =	shalt  }
0x4b: {  	_ =	shalt  }
0x4c: {  	_ =	shalt  }
0x4d: {  	_ =	shalt  }
0x4e: {  	_ =	shalt  }
0x4f: {  	_ =	shalt  }
0x50: {  	_ =	shalt  }
0x51: {  	_ =	shalt  }
0x52: {  	_ =	shalt  }
0x53: {  	_ =	shalt  }
0x54: {  	_ =	shalt  }
0x55: {  	_ =	shalt  }
0x56: {  	_ =	shalt  }
0x57: {  	_ =	shalt  }
0x58: {  	_ =	shalt  }
0x59: {  	_ =	shalt  }
0x5a: {  	_ =	shalt  }
0x5b: {  	_ =	shalt  }
0x5c: {  	_ =	shalt  }
0x5d: {  	_ =	shalt  }
0x5e: {  	_ =	shalt  }
0x5f: {  	_ =	shalt  }
0x60: {  	_ =	shalt  }
0x61: {  	_ =	shalt  }
0x62: {  	_ =	shalt  }
0x63: {  	_ =	shalt  }
0x64: {  	_ =	shalt  }
0x65: {  	_ =	shalt  }
0x66: {  	_ =	shalt  }
0x67: {  	_ =	shalt  }
0x68: {  	_ =	shalt  }
0x69: {  	_ =	shalt  }
0x6a: {  	_ =	shalt  }
0x6b: {  	_ =	shalt  }
0x6c: {  	_ =	shalt  }
0x6d: {  	_ =	shalt  }
0x6e: {  	_ =	shalt  }
0x6f: {  	_ =	shalt  }
0x70: {  	_ =	shalt  }
0x71: {  	_ =	shalt  }
0x72: {  	_ =	shalt  }
0x73: {  	_ =	shalt  }
0x74: {  	_ =	shalt  }
0x75: {  	_ =	shalt  }
0x76: {  	_ =	shalt  }
0x77: {  	_ =	shalt  }
0x78: {  	_ =	shalt  }
0x79: {  	_ =	shalt  }
0x7a: {  	_ =	shalt  }
0x7b: {  	_ =	shalt  }
0x7c: {  	_ =	shalt  }
0x7d: {  	_ =	shalt  }
0x7e: {  	_ =	shalt  }
0x7f: {  	_ =	shalt  }
0x80: {  	_ =	shalt  }
0x81: {  	_ =	shalt  }
0x82: {  	_ =	shalt  }
0x83: {  	_ =	shalt  }
0x84: {  	_ =	shalt  }
0x85: {  	_ =	shalt  }
0x86: {  	_ =	shalt  }
0x87: {  	_ =	shalt  }
.Lfunc_end0:
.L_simem_size_0:
called_computation.1_lowered:
.L_overlay_start_0:
0x88: {  	s2 =	sld [smem:$0x3FD9]  }
0x89: {  	s3 =	sld [smem:$0x3FFE];
	_ =	sdelay $0x1  }
0x8a: {  	s1 =	srdreg.scid  }
0x8b: {  	s0 =	sand.u32 $0x1, s1  }
0x8c: {  	s14 =	sshll.u32 s0, $0xA;
	s2 =	sadd.s32 s3, s2  }
0x8d: {  	s2 =	sadd.s32 s2, s14  }
0x8e: {  	[smem:$0x3FC2] =	sst s2  }
0x8f: {  	_ = 	snop  }
0x90: {  	s2 =	sld [smem:$0x3FD0];
	_ =	sdelay $0x2  }
0x91: {  	s4 =	simm.s32 $0xA;
	s5 =	simm.s32 $0x10;
	s15 =	sld [smem:$0x3FC6]  }
0x92: {  	[smem:s5], [sflag:s4] =	dma.local [hbm:s2], $0x1  }
0x93: {  	_ =	swait.eq [sflag:s4], $0x1  }
0x94: {  	[sflag:s4] =	ssyncset.done $0x0  }
0x95: {  	[sflag:s4] =	ssyncadd.s32 $0xFFFFFFFF  }
0x96: {  	s16 =	sld [smem:$0x10];
	(tm) =	ssettm $0x1  }
0x97: {  	s17 =	sld [smem:$0x3FFB];
	_ =	sdelay $0x3  }
0x98: {  	_ =	strace s17  }
0x99: {  	s4 =	sld [smem:$0x3FFC];
	_ =	sdelay $0x3  }
0x9a: {  	_ =	strace s4  }
0x9b: {  	s4 =	sld [smem:$0x3FFD];
	_ =	sdelay $0x3  }
0x9c: {  	_ =	strace s4  }
0x9d: {  	_ =	strace $0x8FFFFFFF  }
0x9e: {  	s18 =	sld [smem:$0x3FDB];
	_ =	sdelay $0x1  }
0x9f: {  	s19 =	simm.s32 $_scs_section_size  }
0xa0: {  	s6 =	simm.s32 $_size__tile_overlayer_lowered;
	s7 =	simm.s32 $_tile_overlayer_lowered  }
0xa1: {  	s22 =	simm.s32 $0x1BFF;
	s21 =	sshll.u32 s7, $0x1;
	s4 =	sadd.s32 s19, s18  }
0xa2: {  	s8 =	simm.s32 $0x0;
	s20 =	sshll.u32 s6, $0x1;
	s6 =	sadd.s32 s21, s4  }
0xa3: {  	[timem:s8], [sflag:s22] =	dma.local [hbm:s6], s20  }
0xa4: {  	_ =	swait.ge [sflag:s22], s20  }
0xa5: {  	s5 =	ssub.s32 $0x0, s20;
	[sflag:s22] =	ssyncset.done $0x0  }
0xa6: {  	[sflag:s22] =	ssyncadd.s32 s5;
	_ =	sdelay $0x1  }
0xa7: {  	s23 =	simm.s32 $0x1B8B  }
0xa8: {  	_ =	swait.ge [sflag:s23], $0x1  }
0xa9: {  	[sflag:s23] =	ssyncset.done $0x0  }
0xaa: {  	s25 =	simm.s32 $0x1B8E;
	s24 =	sld [smem:$0x3FFE];
	[sflag:s23] =	ssyncadd.s32 $0xFFFFFFFF  }
0xab: {  	s26 =	simm.s32 $execute0_lowered;
	[smem:$0x3FD2] =	sst s25  }
0xac: {  	s6 =	sshll.u32 s26, $0x1;
	_ =	strace $0x80000049;
	[dreg:$0x1] =	wrdreg $0xFFFFFFFF  }
0xad: {  	s28 =	simm.s32 $_size_execute0_lowered;
	s4 =	sadd.s32 s4, s6;
	[dreg:$0x0] =	wrdreg $0x0  }
0xae: {  	s6 =	sshll.u32 s28, $0x1;
	[dreg:$0x2] =	wrdreg s4  }
0xaf: {  	[dreg:$0x3] =	wrdreg s6  }
0xb0: {  	[dreg:$0x4] =	wrdreg $0xC0  }
0xb1: {  	_ =	task [dreg:s8], $0x5FFFF  }
0xb2: {  	[dreg:$0x1] =	wrdreg $0xFFFFFFFF  }
0xb3: {  	[dreg:$0x0] =	wrdreg $0x60  }
0xb4: {  	[dreg:$0x2] =	wrdreg s24  }
0xb5: {  	[dreg:$0x3] =	wrdreg s16  }
0xb6: {  	[dreg:$0x4] =	wrdreg s15  }
0xb7: {  	[dreg:$0x5] =	wrdreg $0xAC000  }
0xb8: {  	[dreg:$0x6] =	wrdreg $0x9  }
0xb9: {  	_ =	task.clear_ibuf [dreg:s8], $0x7FFFF;
	_ =	strace $0x90000049  }
0xba: {  	s29 =	simm.s32 $0x9;
	_ =	strace $0x8000004B  }
0xbb: {  	_ =	swait.ge [sflag:s29], $0x1  }
0xbc: {  	[sflag:s29] =	ssyncadd.s32 $0xFFFFFFFF  }
0xbd: {  	_ =	strace $0x9000004B  }
0xbe: {  	_ =	sfence  }
0xbf: {  	s30 =	sld [smem:$0x0];
	_ =	sdelay $0x2  }
0xc0: {  	s31 =	sshll.u32 s1, $0xD;
	s1 =	sshrl.u32 s1, $0x2  }
0xc1: {  	s3 =	sand.u32 $0x4000, s31;
	s1 =	sadd.s32 s1, s30  }
0xc2: {  	s0 =	sor.u32 s3, s0;
	s1 =	sshll.u32 s1, $0x11  }
0xc3: {  	s0 =	sor.u32 s1, s0  }
0xc4: {  	s0 =	sadd.s32 $0x8F2B, s0  }
0xc5: {  	[sflag:s0] =	ssyncadd.remote.s32 $0x1  }
0xc6: {  	_ =	sfence.sel $0xFFFF  }
0xc7: {  	[dreg:$0x0] =	wrdreg $0xFFFFFFFF;
	(pc) =	sbr.abs _section_cstart, $3  }
0xc8: {  	[dreg:$0x1] =	wrdreg $0xFFFFFFFF  }
0xc9: {  	_ =	task.clear_ibuf [dreg:s8], $0x2FFFF;
	_ =	strace $0x9FFFFFFF  }
0xca: {  	(tm) =	ssettm $0x7FFFFFFF  }
0xcb: {  	_ =	shalt  }
tec
execute0_lowered:
.L_overlay_start_1:
0x0: {  	(tag) =	ssettag $0x1  }
0x1: {  	s1 =	srdreg.scid;
	s10 =	stileid.u32  }
0x2: {  	s0 =	rddreg [dreg:$0x0];
	s1 =	sand.u32 $0x1, s1;
	s4 =	smul.u32 $0x1F400, s10  }
0x3: {  	s3 =	rddreg [dreg:$0x3];
	s15 =	smul.u32 $0x7D000, s10;
	s16 =	ssub.s32 $0x2, s1  }
0x4: {  	s11 =	simm.s32 $0x0;
	s2 =	smul.u32 $0x138800, s1;
	s5 =	sshrl.u32 s16, $0x1  }
0x5: {  	[smem:$0x7FF] =	sst s11;
	s17 =	ssub.s32 s16, s5  }
0x6: {  	s2 =	sadd.s32 s4, s2;
	s4 =	sshrl.u32 s15, $0x2;
	s15 =	smax.u32 s17, $0x1  }
0x7: {  	_ =	strace $0x8000004A;
	s12 =	sadd.s32 s4, s3;
	[dreg:$0x14] =	wrdreg s15  }
0x8: {  	s19 =	sadd.s32 $0x1400, s12;
	[dreg:$0x6] =	wrdreg s12  }
0x9: {  	s20 =	sadd.s32 $0x2800, s12;
	[dreg:$0x7] =	wrdreg s19  }
0xa: {  	s21 =	sadd.s32 $0x3C00, s12;
	[dreg:$0x8] =	wrdreg s20  }
0xb: {  	s22 =	sadd.s32 $0x5000, s12;
	[dreg:$0x9] =	wrdreg s21  }
0xc: {  	s23 =	sadd.s32 $0x6400, s12;
	[dreg:$0xa] =	wrdreg s22  }
0xd: {  	s24 =	sadd.s32 $0x7800, s12;
	[dreg:$0xb] =	wrdreg s23  }
0xe: {  	s28 =	simm.s32 $0x4800;
	s25 =	sadd.s32 $0x8C00, s12;
	[dreg:$0xc] =	wrdreg s24  }
0xf: {  	s6 =	sadd.s32 $0x1000, s0;
	s26 =	sadd.s32 $0xA000, s12;
	[dreg:$0xd] =	wrdreg s25  }
0x10: {  	s7 =	sadd.s32 $0x11A00, s0;
	s29 =	sadd.s32 $0xB400, s12;
	[dreg:$0xe] =	wrdreg s26  }
0x11: {  	s9 =	sshll.u32 s1, $0x4;
	s31 =	sadd.s32 $0xC800, s12;
	[dreg:$0xf] =	wrdreg s29  }
0x12: {  	s18 =	sor.u32 s10, s9;
	s9 =	sadd.s32 $0xDC00, s12;
	[dreg:$0x10] =	wrdreg s31  }
0x13: {  	s8 =	sadd.s32 $0xAE00, s0;
	s13 =	sadd.s32 $0xF000, s12;
	[dreg:$0x11] =	wrdreg s9  }
0x14: {  	s2 =	sshrl.u32 s2, $0x3;
	s16 =	sadd.s32 $0x10400, s12;
	[dreg:$0x12] =	wrdreg s13  }
0x15: {  	s0 =	sadd.s32 s2, s0;
	s17 =	sadd.s32 $0x11800, s12;
	[dreg:$0x15] =	wrdreg s16  }
0x16: {  	s30 =	simm.s32 $0x7000;
	s0 =	sadd.s32 $0x1BF600, s0;
	[dreg:$0x16] =	wrdreg s17  }
0x17: {  	s22 =	smul.u32 $0x2710, s18;
	s18 =	sadd.s32 $0x12C00, s12;
	[dreg:$0x13] =	wrdreg s0  }
0x18: {  	p0 =	sgt.u32 s10, $0x9;
	s19 =	sadd.s32 $0x14000, s12;
	[dreg:$0x17] =	wrdreg s18  }
0x19: {  	s14 =	smul.u32 $0x1ADB0, s1;
	s20 =	sadd.s32 $0x15400, s12;
	[dreg:$0x18] =	wrdreg s19  }
0x1a: {  	s1 =	simm.s32 $0x4780;
	s21 =	sadd.s32 $0x16800, s12;
	[dreg:$0x19] =	wrdreg s20  }
0x1b: {  	s5 =	simm.s32 $0x3F80;
	s23 =	sadd.s32 $0x17C00, s12;
	[dreg:$0x1a] =	wrdreg s21  }
0x1c: {  	s15 =	simm.s32 $0x4730;
	s24 =	sadd.s32 $0x19000, s12;
	[dreg:$0x1b] =	wrdreg s23  }
0x1d: {  	s2 =	simm.s32 $0x4;
	s25 =	sadd.s32 $0x1A400, s12;
	[dreg:$0x1c] =	wrdreg s24  }
0x1e: {  	s26 =	sadd.s32 $0x1B800, s12;
	s29 =	sadd.s32 $0x1CC00, s12;
	[dreg:$0x1d] =	wrdreg s25  }
0x1f: {  	s31 =	sadd.s32 $0x1E000, s12;
	s16 =	simm.s32 $0x6;
	[dreg:$0x1e] =	wrdreg s26  }
0x20: {  	s9 =	simm.s32 $0x3F30;
	s17 =	simm.s32 $0x5;
	[dreg:$0x1f] =	wrdreg s29  }
0x21: {  	[smem:$0x7FD] =	sst s31;
	s19 =	simm.s32 $0x2;
	s20 =	simm.s32 $0x3  }
0x22: {  	s21 =	simm.s32 $0x1;
	s25 =	simm.s32 $0x50;
	s0 =	simm.s32 $0x4000  }
0x23: {  	v1 =	vimm.f32 $0.0e+00;
	v0 =	vmov s14;
	s24 =	simm.s32 $0x46E0;
	s18 =	simm.s32 $0x2400;
	s26 =	simm.s32 $0x0  }
.LBB2_1:
0x24: {  	[tilespmem:$0x9800] =	vst v1  }
0x25: {  	[tilespmem:$0x9810] =	vst v1  }
0x26: {  	[tilespmem:$0x9820] =	vst v1  }
0x27: {  	[tilespmem:$0x9830] =	vst v1  }
0x28: {  	[tilespmem:$0x9840] =	vst v1  }
0x29: {  	[tilespmem:$0x9850] =	vst v1  }
0x2a: {  	[tilespmem:$0x9860] =	vst v1  }
0x2b: {  	[tilespmem:$0x9870] =	vst v1  }
0x2c: {  	[tilespmem:$0x9880] =	vst v1  }
0x2d: {  	[tilespmem:$0x9890] =	vst v1  }
0x2e: {  	[tilespmem:$0x98A0] =	vst v1  }
0x2f: {  	[tilespmem:$0x98B0] =	vst v1  }
0x30: {  	[tilespmem:$0x98C0] =	vst v1  }
0x31: {  	[tilespmem:$0x98D0] =	vst v1  }
0x32: {  	[tilespmem:$0x98E0] =	vst v1  }
0x33: {  	[tilespmem:$0x98F0] =	vst v1  }
0x34: {  	[tilespmem:$0x9900] =	vst v1  }
0x35: {  	[tilespmem:$0x9910] =	vst v1  }
0x36: {  	[tilespmem:$0x9920] =	vst v1  }
0x37: {  	[tilespmem:$0x9930] =	vst v1  }
0x38: {  	[tilespmem:$0x9940] =	vst v1  }
0x39: {  	[tilespmem:$0x9950] =	vst v1  }
0x3a: {  	[tilespmem:$0x9960] =	vst v1  }
0x3b: {  	[tilespmem:$0x9970] =	vst v1  }
0x3c: {  	[tilespmem:$0x9980] =	vst v1  }
0x3d: {  	[tilespmem:$0x9990] =	vst v1  }
0x3e: {  	[tilespmem:$0x99A0] =	vst v1  }
0x3f: {  	[tilespmem:$0x99B0] =	vst v1  }
0x40: {  	[tilespmem:$0x99C0] =	vst v1  }
0x41: {  	[tilespmem:$0x99D0] =	vst v1  }
0x42: {  	[tilespmem:$0x99E0] =	vst v1  }
0x43: {  	[tilespmem:$0x99F0] =	vst v1  }
0x44: {  	[tilespmem:$0x9A00] =	vst v1  }
0x45: {  	[tilespmem:$0x9A10] =	vst v1  }
0x46: {  	[tilespmem:$0x9A20] =	vst v1  }
0x47: {  	[tilespmem:$0x9A30] =	vst v1  }
0x48: {  	[tilespmem:$0x9A40] =	vst v1  }
0x49: {  	[tilespmem:$0x9A50] =	vst v1  }
0x4a: {  	[tilespmem:$0x9A60] =	vst v1  }
0x4b: {  	[tilespmem:$0x9A70] =	vst v1  }
0x4c: {  	[tilespmem:$0x9A80] =	vst v1  }
0x4d: {  	[tilespmem:$0x9A90] =	vst v1  }
0x4e: {  	[tilespmem:$0x9AA0] =	vst v1  }
0x4f: {  	[tilespmem:$0x9AB0] =	vst v1  }
0x50: {  	[tilespmem:$0x9AC0] =	vst v1  }
0x51: {  	[tilespmem:$0x9AD0] =	vst v1  }
0x52: {  	[tilespmem:$0x9AE0] =	vst v1  }
0x53: {  	[tilespmem:$0x9AF0] =	vst v1  }
0x54: {  	[tilespmem:$0x9B00] =	vst v1  }
0x55: {  	[tilespmem:$0x9B10] =	vst v1  }
0x56: {  	[tilespmem:$0x9B20] =	vst v1  }
0x57: {  	[tilespmem:$0x9B30] =	vst v1  }
0x58: {  	[tilespmem:$0x9B40] =	vst v1  }
0x59: {  	[tilespmem:$0x9B50] =	vst v1  }
0x5a: {  	[tilespmem:$0x9B60] =	vst v1  }
0x5b: {  	[tilespmem:$0x9B70] =	vst v1  }
0x5c: {  	[tilespmem:$0x9B80] =	vst v1  }
0x5d: {  	[tilespmem:$0x9B90] =	vst v1  }
0x5e: {  	[tilespmem:$0x9BA0] =	vst v1  }
0x5f: {  	[tilespmem:$0x9BB0] =	vst v1  }
0x60: {  	[tilespmem:$0x9BC0] =	vst v1  }
0x61: {  	[tilespmem:$0x9BD0] =	vst v1  }
0x62: {  	[tilespmem:$0x9BE0] =	vst v1  }
0x63: {  	[tilespmem:$0x9BF0] =	vst v1  }
0x64: {  	[tilespmem:$0x9C00] =	vst v1  }
0x65: {  	[tilespmem:$0x9C10] =	vst v1  }
0x66: {  	[tilespmem:$0x9C20] =	vst v1  }
0x67: {  	[tilespmem:$0x9C30] =	vst v1  }
0x68: {  	[tilespmem:$0x9C40] =	vst v1  }
0x69: {  	[tilespmem:$0x9C50] =	vst v1  }
0x6a: {  	[tilespmem:$0x9C60] =	vst v1  }
0x6b: {  	[tilespmem:$0x9C70] =	vst v1  }
0x6c: {  	[tilespmem:$0x9C80] =	vst v1  }
0x6d: {  	[tilespmem:$0x9C90] =	vst v1  }
0x6e: {  	[tilespmem:$0x9CA0] =	vst v1  }
0x6f: {  	[tilespmem:$0x9CB0] =	vst v1  }
0x70: {  	[tilespmem:$0x9CC0] =	vst v1  }
0x71: {  	[tilespmem:$0x9CD0] =	vst v1  }
0x72: {  	[tilespmem:$0x9CE0] =	vst v1  }
0x73: {  	[tilespmem:$0x9CF0] =	vst v1  }
0x74: {  	[tilespmem:$0x9D00] =	vst v1  }
0x75: {  	[tilespmem:$0x9D10] =	vst v1  }
0x76: {  	[tilespmem:$0x9D20] =	vst v1  }
0x77: {  	[tilespmem:$0x9D30] =	vst v1  }
0x78: {  	[tilespmem:$0x9D40] =	vst v1  }
0x79: {  	[tilespmem:$0x9D50] =	vst v1  }
0x7a: {  	[tilespmem:$0x9D60] =	vst v1  }
0x7b: {  	[tilespmem:$0x9D70] =	vst v1  }
0x7c: {  	[tilespmem:$0x9D80] =	vst v1  }
0x7d: {  	[tilespmem:$0x9D90] =	vst v1  }
0x7e: {  	[tilespmem:$0x9DA0] =	vst v1  }
0x7f: {  	[tilespmem:$0x9DB0] =	vst v1  }
0x80: {  	[tilespmem:$0x9DC0] =	vst v1  }
0x81: {  	[tilespmem:$0x9DD0] =	vst v1  }
0x82: {  	[tilespmem:$0x9DE0] =	vst v1  }
0x83: {  	[tilespmem:$0x9DF0] =	vst v1  }
0x84: {  	[tilespmem:$0x9E00] =	vst v1  }
0x85: {  	[tilespmem:$0x9E10] =	vst v1  }
0x86: {  	[tilespmem:$0x9E20] =	vst v1  }
0x87: {  	[tilespmem:$0x9E30] =	vst v1  }
0x88: {  	[tilespmem:$0x9E40] =	vst v1  }
0x89: {  	[tilespmem:$0x9E50] =	vst v1  }
0x8a: {  	[tilespmem:$0x9E60] =	vst v1  }
0x8b: {  	[tilespmem:$0x9E70] =	vst v1  }
0x8c: {  	[tilespmem:$0x9E80] =	vst v1  }
0x8d: {  	[tilespmem:$0x9E90] =	vst v1  }
0x8e: {  	[tilespmem:$0x9EA0] =	vst v1  }
0x8f: {  	[tilespmem:$0x9EB0] =	vst v1  }
0x90: {  	[tilespmem:$0x9EC0] =	vst v1  }
0x91: {  	[tilespmem:$0x9ED0] =	vst v1  }
0x92: {  	[tilespmem:$0x9EE0] =	vst v1  }
0x93: {  	[tilespmem:$0x9EF0] =	vst v1  }
0x94: {  	[tilespmem:$0x9F00] =	vst v1  }
0x95: {  	[tilespmem:$0x9F10] =	vst v1  }
0x96: {  	[tilespmem:$0x9F20] =	vst v1  }
0x97: {  	[tilespmem:$0x9F30] =	vst v1  }
0x98: {  	[tilespmem:$0x9F40] =	vst v1  }
0x99: {  	[tilespmem:$0x9F50] =	vst v1  }
0x9a: {  	[tilespmem:$0x9F60] =	vst v1  }
0x9b: {  	[tilespmem:$0x9F70] =	vst v1  }
0x9c: {  	[tilespmem:$0x9F80] =	vst v1  }
0x9d: {  	[tilespmem:$0x9F90] =	vst v1  }
0x9e: {  	[tilespmem:$0x9FA0] =	vst v1  }
0x9f: {  	[tilespmem:$0x9FB0] =	vst v1  }
0xa0: {  	[tilespmem:$0x9FC0] =	vst v1  }
0xa1: {  	[tilespmem:$0x9FD0] =	vst v1  }
0xa2: {  	[tilespmem:$0x9FE0] =	vst v1  }
0xa3: {  	[tilespmem:$0x9FF0] =	vst v1  }
0xa4: {  	[tilespmem:$0xA000] =	vst v1  }
0xa5: {  	[tilespmem:$0xA010] =	vst v1  }
0xa6: {  	[tilespmem:$0xA020] =	vst v1  }
0xa7: {  	[tilespmem:$0xA030] =	vst v1  }
0xa8: {  	[tilespmem:$0xA040] =	vst v1  }
0xa9: {  	[tilespmem:$0xA050] =	vst v1  }
0xaa: {  	[tilespmem:$0xA060] =	vst v1  }
0xab: {  	[tilespmem:$0xA070] =	vst v1  }
0xac: {  	[tilespmem:$0xA080] =	vst v1  }
0xad: {  	[tilespmem:$0xA090] =	vst v1  }
0xae: {  	[tilespmem:$0xA0A0] =	vst v1  }
0xaf: {  	[tilespmem:$0xA0B0] =	vst v1  }
0xb0: {  	[tilespmem:$0xA0C0] =	vst v1  }
0xb1: {  	[tilespmem:$0xA0D0] =	vst v1  }
0xb2: {  	[tilespmem:$0xA0E0] =	vst v1  }
0xb3: {  	[tilespmem:$0xA0F0] =	vst v1  }
0xb4: {  	[tilespmem:$0xA100] =	vst v1  }
0xb5: {  	[tilespmem:$0xA110] =	vst v1  }
0xb6: {  	[tilespmem:$0xA120] =	vst v1  }
0xb7: {  	[tilespmem:$0xA130] =	vst v1  }
0xb8: {  	[tilespmem:$0xA140] =	vst v1  }
0xb9: {  	[tilespmem:$0xA150] =	vst v1  }
0xba: {  	[tilespmem:$0xA160] =	vst v1  }
0xbb: {  	[tilespmem:$0xA170] =	vst v1  }
0xbc: {  	[tilespmem:$0xA180] =	vst v1  }
0xbd: {  	[tilespmem:$0xA190] =	vst v1  }
0xbe: {  	[tilespmem:$0xA1A0] =	vst v1  }
0xbf: {  	[tilespmem:$0xA1B0] =	vst v1  }
0xc0: {  	[tilespmem:$0xA1C0] =	vst v1  }
0xc1: {  	[tilespmem:$0xA1D0] =	vst v1  }
0xc2: {  	[tilespmem:$0xA1E0] =	vst v1  }
0xc3: {  	[tilespmem:$0xA1F0] =	vst v1  }
0xc4: {  	[tilespmem:$0xA200] =	vst v1  }
0xc5: {  	[tilespmem:$0xA210] =	vst v1  }
0xc6: {  	[tilespmem:$0xA220] =	vst v1  }
0xc7: {  	[tilespmem:$0xA230] =	vst v1  }
0xc8: {  	[tilespmem:$0xA240] =	vst v1  }
0xc9: {  	[tilespmem:$0xA250] =	vst v1  }
0xca: {  	[tilespmem:$0xA260] =	vst v1  }
0xcb: {  	[tilespmem:$0xA270] =	vst v1  }
0xcc: {  	[tilespmem:$0xA280] =	vst v1  }
0xcd: {  	[tilespmem:$0xA290] =	vst v1  }
0xce: {  	[tilespmem:$0xA2A0] =	vst v1  }
0xcf: {  	[tilespmem:$0xA2B0] =	vst v1  }
0xd0: {  	[tilespmem:$0xA2C0] =	vst v1  }
0xd1: {  	[tilespmem:$0xA2D0] =	vst v1  }
0xd2: {  	[tilespmem:$0xA2E0] =	vst v1  }
0xd3: {  	[tilespmem:$0xA2F0] =	vst v1  }
0xd4: {  	[tilespmem:$0xA300] =	vst v1  }
0xd5: {  	[tilespmem:$0xA310] =	vst v1  }
0xd6: {  	[tilespmem:$0xA320] =	vst v1  }
0xd7: {  	[tilespmem:$0xA330] =	vst v1  }
0xd8: {  	[tilespmem:$0xA340] =	vst v1  }
0xd9: {  	[tilespmem:$0xA350] =	vst v1  }
0xda: {  	[tilespmem:$0xA360] =	vst v1  }
0xdb: {  	[tilespmem:$0xA370] =	vst v1  }
0xdc: {  	[tilespmem:$0xA380] =	vst v1  }
0xdd: {  	[tilespmem:$0xA390] =	vst v1  }
0xde: {  	[tilespmem:$0xA3A0] =	vst v1  }
0xdf: {  	[tilespmem:$0xA3B0] =	vst v1  }
0xe0: {  	[tilespmem:$0xA3C0] =	vst v1  }
0xe1: {  	[tilespmem:$0xA3D0] =	vst v1  }
0xe2: {  	[tilespmem:$0xA3E0] =	vst v1  }
0xe3: {  	[tilespmem:$0xA3F0] =	vst v1  }
0xe4: {  	[tilespmem:$0xA400] =	vst v1  }
0xe5: {  	[tilespmem:$0xA410] =	vst v1  }
0xe6: {  	[tilespmem:$0xA420] =	vst v1  }
0xe7: {  	[tilespmem:$0xA430] =	vst v1  }
0xe8: {  	[tilespmem:$0xA440] =	vst v1  }
0xe9: {  	[tilespmem:$0xA450] =	vst v1  }
0xea: {  	[tilespmem:$0xA460] =	vst v1  }
0xeb: {  	[tilespmem:$0xA470] =	vst v1  }
0xec: {  	[tilespmem:$0xA480] =	vst v1  }
0xed: {  	[tilespmem:$0xA490] =	vst v1  }
0xee: {  	[tilespmem:$0xA4A0] =	vst v1  }
0xef: {  	[tilespmem:$0xA4B0] =	vst v1  }
0xf0: {  	[tilespmem:$0xA4C0] =	vst v1  }
0xf1: {  	[tilespmem:$0xA4D0] =	vst v1  }
0xf2: {  	[tilespmem:$0xA4E0] =	vst v1  }
0xf3: {  	[tilespmem:$0xA4F0] =	vst v1  }
0xf4: {  	[tilespmem:$0xA500] =	vst v1  }
0xf5: {  	[tilespmem:$0xA510] =	vst v1  }
0xf6: {  	[tilespmem:$0xA520] =	vst v1  }
0xf7: {  	[tilespmem:$0xA530] =	vst v1  }
0xf8: {  	[tilespmem:$0xA540] =	vst v1  }
0xf9: {  	[tilespmem:$0xA550] =	vst v1  }
0xfa: {  	[tilespmem:$0xA560] =	vst v1  }
0xfb: {  	[tilespmem:$0xA570] =	vst v1  }
0xfc: {  	[tilespmem:$0xA580] =	vst v1  }
0xfd: {  	[tilespmem:$0xA590] =	vst v1  }
0xfe: {  	[tilespmem:$0xA5A0] =	vst v1  }
0xff: {  	[tilespmem:$0xA5B0] =	vst v1  }
0x100: {  	[tilespmem:$0xA5C0] =	vst v1  }
0x101: {  	[tilespmem:$0xA5D0] =	vst v1  }
0x102: {  	[tilespmem:$0xA5E0] =	vst v1  }
0x103: {  	[tilespmem:$0xA5F0] =	vst v1  }
0x104: {  	[tilespmem:$0xA600] =	vst v1  }
0x105: {  	[tilespmem:$0xA610] =	vst v1  }
0x106: {  	[tilespmem:$0xA620] =	vst v1  }
0x107: {  	[tilespmem:$0xA630] =	vst v1  }
0x108: {  	[tilespmem:$0xA640] =	vst v1  }
0x109: {  	[tilespmem:$0xA650] =	vst v1  }
0x10a: {  	[tilespmem:$0xA660] =	vst v1  }
0x10b: {  	[tilespmem:$0xA670] =	vst v1  }
0x10c: {  	[tilespmem:$0xA680] =	vst v1  }
0x10d: {  	[tilespmem:$0xA690] =	vst v1  }
0x10e: {  	[tilespmem:$0xA6A0] =	vst v1  }
0x10f: {  	[tilespmem:$0xA6B0] =	vst v1  }
0x110: {  	[tilespmem:$0xA6C0] =	vst v1  }
0x111: {  	[tilespmem:$0xA6D0] =	vst v1  }
0x112: {  	[tilespmem:$0xA6E0] =	vst v1  }
0x113: {  	[tilespmem:$0xA6F0] =	vst v1  }
0x114: {  	[tilespmem:$0xA700] =	vst v1  }
0x115: {  	[tilespmem:$0xA710] =	vst v1  }
0x116: {  	[tilespmem:$0xA720] =	vst v1  }
0x117: {  	[tilespmem:$0xA730] =	vst v1  }
0x118: {  	[tilespmem:$0xA740] =	vst v1  }
0x119: {  	[tilespmem:$0xA750] =	vst v1  }
0x11a: {  	[tilespmem:$0xA760] =	vst v1  }
0x11b: {  	[tilespmem:$0xA770] =	vst v1  }
0x11c: {  	[tilespmem:$0xA780] =	vst v1  }
0x11d: {  	[tilespmem:$0xA790] =	vst v1  }
0x11e: {  	[tilespmem:$0xA7A0] =	vst v1  }
0x11f: {  	[tilespmem:$0xA7B0] =	vst v1  }
0x120: {  	[tilespmem:$0xA7C0] =	vst v1  }
0x121: {  	[tilespmem:$0xA7D0] =	vst v1  }
0x122: {  	[tilespmem:$0xA7F0] =	vst v1  }
0x123: {  	[tilespmem:$0xA800] =	vst v1  }
0x124: {  	[tilespmem:$0xA810] =	vst v1  }
0x125: {  	[tilespmem:$0xA820] =	vst v1  }
0x126: {  	[tilespmem:$0xA830] =	vst v1  }
0x127: {  	[tilespmem:$0xA840] =	vst v1  }
0x128: {  	[tilespmem:$0xA850] =	vst v1  }
0x129: {  	[tilespmem:$0xA860] =	vst v1  }
0x12a: {  	[tilespmem:$0xA870] =	vst v1  }
0x12b: {  	[tilespmem:$0xA880] =	vst v1  }
0x12c: {  	[tilespmem:$0xA890] =	vst v1  }
0x12d: {  	[tilespmem:$0xA8A0] =	vst v1  }
0x12e: {  	[tilespmem:$0xA8B0] =	vst v1  }
0x12f: {  	[tilespmem:$0xA8C0] =	vst v1  }
0x130: {  	[tilespmem:$0xA8D0] =	vst v1  }
0x131: {  	[tilespmem:$0xA8E0] =	vst v1  }
0x132: {  	[tilespmem:$0xA8F0] =	vst v1  }
0x133: {  	[tilespmem:$0xA900] =	vst v1  }
0x134: {  	[tilespmem:$0xA910] =	vst v1  }
0x135: {  	[tilespmem:$0xA920] =	vst v1  }
0x136: {  	[tilespmem:$0xA930] =	vst v1  }
0x137: {  	[tilespmem:$0xA940] =	vst v1  }
0x138: {  	[tilespmem:$0xA950] =	vst v1  }
0x139: {  	[tilespmem:$0xA960] =	vst v1  }
0x13a: {  	[tilespmem:$0xA970] =	vst v1  }
0x13b: {  	[tilespmem:$0xA980] =	vst v1  }
0x13c: {  	[tilespmem:$0xA990] =	vst v1  }
0x13d: {  	[tilespmem:$0xA9A0] =	vst v1  }
0x13e: {  	[tilespmem:$0xA9B0] =	vst v1  }
0x13f: {  	[tilespmem:$0xA9C0] =	vst v1  }
0x140: {  	[tilespmem:$0xA9D0] =	vst v1  }
0x141: {  	[tilespmem:$0xA9E0] =	vst v1  }
0x142: {  	[tilespmem:$0xA9F0] =	vst v1  }
0x143: {  	[tilespmem:$0xAA00] =	vst v1  }
0x144: {  	[tilespmem:$0xAA10] =	vst v1  }
0x145: {  	[tilespmem:$0xAA20] =	vst v1  }
0x146: {  	[tilespmem:$0xAA30] =	vst v1  }
0x147: {  	[tilespmem:$0xAA40] =	vst v1  }
0x148: {  	[tilespmem:$0xAA50] =	vst v1  }
0x149: {  	[tilespmem:$0xAA60] =	vst v1  }
0x14a: {  	[tilespmem:$0xAA70] =	vst v1  }
0x14b: {  	[tilespmem:$0xAA80] =	vst v1  }
0x14c: {  	[tilespmem:$0xAA90] =	vst v1  }
0x14d: {  	[tilespmem:$0xAAA0] =	vst v1  }
0x14e: {  	[tilespmem:$0xAAB0] =	vst v1  }
0x14f: {  	[tilespmem:$0xAAC0] =	vst v1  }
0x150: {  	[tilespmem:$0xAAD0] =	vst v1  }
0x151: {  	[tilespmem:$0xAAE0] =	vst v1  }
0x152: {  	[tilespmem:$0xAAF0] =	vst v1  }
0x153: {  	[tilespmem:$0xAB00] =	vst v1  }
0x154: {  	[tilespmem:$0xAB10] =	vst v1  }
0x155: {  	[tilespmem:$0xAB20] =	vst v1  }
0x156: {  	[tilespmem:$0xAB30] =	vst v1  }
0x157: {  	[tilespmem:$0xAB40] =	vst v1  }
0x158: {  	[tilespmem:$0xAB50] =	vst v1  }
0x159: {  	[tilespmem:$0xAB60] =	vst v1  }
0x15a: {  	[tilespmem:$0xAB70] =	vst v1  }
0x15b: {  	[tilespmem:$0xAB80] =	vst v1  }
0x15c: {  	[tilespmem:$0xAB90] =	vst v1  }
0x15d: {  	[tilespmem:$0xABA0] =	vst v1  }
0x15e: {  	[tilespmem:$0xABB0] =	vst v1  }
.Ltmp0:
0x15f: {  	[tilespmem:$0xABC0] =	vst v1;
	(pc) =	sbr.rel @p0 .LBB2_3-.Ltmp0, $4  }
0x160: {  	[tilespmem:$0xABD0] =	vst v1  }
0x161: {  	[tilespmem:$0xABE0] =	vst v1  }
0x162: {  	[tilespmem:$0xABF0] =	vst v1  }
0x163: {  	[dreg:$0x5] =	wrdreg s11;
	[tilespmem:$0xA7E0] =	vst v1  }
0x164: {  	s4 =	rddreg [dreg:$0x6];
	s10 =	simm.s32 $0x9800  }
0x165: {  	[spmem:s4] =	stream.linear.scatter [tilespmem:s10], [sflag:$0x6], $0x1400, $0x38;
	[tilespmem:$0x1E480] =	vst v63  }
0x166: {  	_ =	swait.ge [sflag:s16], $0x1400  }
0x167: {  	[sflag:s16] =	ssyncset.done $0x0  }
0x168: {  	s23 =	rddreg [dreg:$0x7];
	[sflag:s16] =	ssyncadd.s32 $0xFFFFEC00  }
0x169: {  	[spmem:s23] =	stream.linear.scatter [tilespmem:s10], [sflag:$0x6], $0x1400, $0x38;
	[tilespmem:$0x1E480] =	vst v63  }
0x16a: {  	_ =	swait.ge [sflag:s16], $0x1400  }
0x16b: {  	[sflag:s16] =	ssyncset.done $0x0  }
0x16c: {  	s29 =	rddreg [dreg:$0x8];
	[sflag:s16] =	ssyncadd.s32 $0xFFFFEC00  }
0x16d: {  	[spmem:s29] =	stream.linear.scatter [tilespmem:s10], [sflag:$0x6], $0x1400, $0x38;
	[tilespmem:$0x1E480] =	vst v63  }
0x16e: {  	_ =	swait.ge [sflag:s16], $0x1400  }
0x16f: {  	[sflag:s16] =	ssyncset.done $0x0  }
0x170: {  	s31 =	rddreg [dreg:$0x9];
	[sflag:s16] =	ssyncadd.s32 $0xFFFFEC00  }
0x171: {  	[spmem:s31] =	stream.linear.scatter [tilespmem:s10], [sflag:$0x6], $0x1400, $0x38;
	[tilespmem:$0x1E480] =	vst v63  }
0x172: {  	_ =	swait.ge [sflag:s16], $0x1400  }
0x173: {  	[sflag:s16] =	ssyncset.done $0x0  }
0x174: {  	s11 =	rddreg [dreg:$0xa];
	[sflag:s16] =	ssyncadd.s32 $0xFFFFEC00  }
0x175: {  	[spmem:s11] =	stream.linear.scatter [tilespmem:s10], [sflag:$0x6], $0x1400, $0x38;
	[tilespmem:$0x1E480] =	vst v63  }
0x176: {  	_ =	swait.ge [sflag:s16], $0x1400  }
0x177: {  	[sflag:s16] =	ssyncset.done $0x0  }
0x178: {  	s12 =	rddreg [dreg:$0xb];
	[sflag:s16] =	ssyncadd.s32 $0xFFFFEC00  }
0x179: {  	[spmem:s12] =	stream.linear.scatter [tilespmem:s10], [sflag:$0x6], $0x1400, $0x38;
	[tilespmem:$0x1E480] =	vst v63  }
0x17a: {  	_ =	swait.ge [sflag:s16], $0x1400  }
0x17b: {  	[sflag:s16] =	ssyncset.done $0x0  }
0x17c: {  	s13 =	rddreg [dreg:$0xc];
	[sflag:s16] =	ssyncadd.s32 $0xFFFFEC00  }
0x17d: {  	[spmem:s13] =	stream.linear.scatter [tilespmem:s10], [sflag:$0x6], $0x1400, $0x38;
	[tilespmem:$0x1E480] =	vst v63  }
0x17e: {  	_ =	swait.ge [sflag:s16], $0x1400  }
0x17f: {  	[sflag:s16] =	ssyncset.done $0x0  }
0x180: {  	s14 =	rddreg [dreg:$0xd];
	[sflag:s16] =	ssyncadd.s32 $0xFFFFEC00  }
0x181: {  	[spmem:s14] =	stream.linear.scatter [tilespmem:s10], [sflag:$0x6], $0x1400, $0x38;
	[tilespmem:$0x1E480] =	vst v63  }
0x182: {  	_ =	swait.ge [sflag:s16], $0x1400  }
0x183: {  	[sflag:s16] =	ssyncset.done $0x0  }
0x184: {  	s23 =	rddreg [dreg:$0xe];
	[sflag:s16] =	ssyncadd.s32 $0xFFFFEC00  }
0x185: {  	[spmem:s23] =	stream.linear.scatter [tilespmem:s10], [sflag:$0x6], $0x1400, $0x38;
	[tilespmem:$0x1E480] =	vst v63  }
0x186: {  	_ =	swait.ge [sflag:s16], $0x1400  }
0x187: {  	[sflag:s16] =	ssyncset.done $0x0  }
0x188: {  	s29 =	rddreg [dreg:$0xf];
	[sflag:s16] =	ssyncadd.s32 $0xFFFFEC00  }
0x189: {  	[spmem:s29] =	stream.linear.scatter [tilespmem:s10], [sflag:$0x6], $0x1400, $0x38;
	[tilespmem:$0x1E480] =	vst v63  }
0x18a: {  	_ =	swait.ge [sflag:s16], $0x1400  }
0x18b: {  	[sflag:s16] =	ssyncset.done $0x0  }
0x18c: {  	s31 =	rddreg [dreg:$0x10];
	[sflag:s16] =	ssyncadd.s32 $0xFFFFEC00  }
0x18d: {  	[spmem:s31] =	stream.linear.scatter [tilespmem:s10], [sflag:$0x6], $0x1400, $0x38;
	[tilespmem:$0x1E480] =	vst v63  }
0x18e: {  	_ =	swait.ge [sflag:s16], $0x1400  }
0x18f: {  	[sflag:s16] =	ssyncset.done $0x0  }
0x190: {  	s11 =	rddreg [dreg:$0x11];
	[sflag:s16] =	ssyncadd.s32 $0xFFFFEC00  }
0x191: {  	[spmem:s11] =	stream.linear.scatter [tilespmem:s10], [sflag:$0x6], $0x1400, $0x38;
	[tilespmem:$0x1E480] =	vst v63  }
0x192: {  	_ =	swait.ge [sflag:s16], $0x1400  }
0x193: {  	[sflag:s16] =	ssyncset.done $0x0  }
0x194: {  	s12 =	rddreg [dreg:$0x12];
	[sflag:s16] =	ssyncadd.s32 $0xFFFFEC00  }
0x195: {  	[spmem:s12] =	stream.linear.scatter [tilespmem:s10], [sflag:$0x6], $0x1400, $0x38;
	[tilespmem:$0x1E480] =	vst v63  }
0x196: {  	_ =	swait.ge [sflag:s16], $0x1400  }
0x197: {  	[sflag:s16] =	ssyncset.done $0x0  }
0x198: {  	s13 =	rddreg [dreg:$0x15];
	[sflag:s16] =	ssyncadd.s32 $0xFFFFEC00  }
0x199: {  	[spmem:s13] =	stream.linear.scatter [tilespmem:s10], [sflag:$0x6], $0x1400, $0x38;
	[tilespmem:$0x1E480] =	vst v63  }
0x19a: {  	_ =	swait.ge [sflag:s16], $0x1400  }
0x19b: {  	[sflag:s16] =	ssyncset.done $0x0  }
0x19c: {  	s14 =	rddreg [dreg:$0x16];
	[sflag:s16] =	ssyncadd.s32 $0xFFFFEC00  }
0x19d: {  	[spmem:s14] =	stream.linear.scatter [tilespmem:s10], [sflag:$0x6], $0x1400, $0x38;
	[tilespmem:$0x1E480] =	vst v63  }
0x19e: {  	_ =	swait.ge [sflag:s16], $0x1400  }
0x19f: {  	[sflag:s16] =	ssyncset.done $0x0  }
0x1a0: {  	s23 =	rddreg [dreg:$0x17];
	[sflag:s16] =	ssyncadd.s32 $0xFFFFEC00  }
0x1a1: {  	[spmem:s23] =	stream.linear.scatter [tilespmem:s10], [sflag:$0x6], $0x1400, $0x38;
	[tilespmem:$0x1E480] =	vst v63  }
0x1a2: {  	_ =	swait.ge [sflag:s16], $0x1400  }
0x1a3: {  	[sflag:s16] =	ssyncset.done $0x0  }
0x1a4: {  	s29 =	rddreg [dreg:$0x18];
	[sflag:s16] =	ssyncadd.s32 $0xFFFFEC00  }
0x1a5: {  	[spmem:s29] =	stream.linear.scatter [tilespmem:s10], [sflag:$0x6], $0x1400, $0x38;
	[tilespmem:$0x1E480] =	vst v63  }
0x1a6: {  	_ =	swait.ge [sflag:s16], $0x1400  }
0x1a7: {  	[sflag:s16] =	ssyncset.done $0x0  }
0x1a8: {  	s31 =	rddreg [dreg:$0x19];
	[sflag:s16] =	ssyncadd.s32 $0xFFFFEC00  }
0x1a9: {  	[spmem:s31] =	stream.linear.scatter [tilespmem:s10], [sflag:$0x6], $0x1400, $0x38;
	[tilespmem:$0x1E480] =	vst v63  }
0x1aa: {  	_ =	swait.ge [sflag:s16], $0x1400  }
0x1ab: {  	[sflag:s16] =	ssyncset.done $0x0  }
0x1ac: {  	s11 =	rddreg [dreg:$0x1a];
	[sflag:s16] =	ssyncadd.s32 $0xFFFFEC00  }
0x1ad: {  	[spmem:s11] =	stream.linear.scatter [tilespmem:s10], [sflag:$0x6], $0x1400, $0x38;
	[tilespmem:$0x1E480] =	vst v63  }
0x1ae: {  	_ =	swait.ge [sflag:s16], $0x1400  }
0x1af: {  	[sflag:s16] =	ssyncset.done $0x0  }
0x1b0: {  	s12 =	rddreg [dreg:$0x1b];
	[sflag:s16] =	ssyncadd.s32 $0xFFFFEC00  }
0x1b1: {  	[spmem:s12] =	stream.linear.scatter [tilespmem:s10], [sflag:$0x6], $0x1400, $0x38;
	[tilespmem:$0x1E480] =	vst v63  }
0x1b2: {  	_ =	swait.ge [sflag:s16], $0x1400  }
0x1b3: {  	[sflag:s16] =	ssyncset.done $0x0  }
0x1b4: {  	s13 =	rddreg [dreg:$0x1c];
	[sflag:s16] =	ssyncadd.s32 $0xFFFFEC00  }
0x1b5: {  	[spmem:s13] =	stream.linear.scatter [tilespmem:s10], [sflag:$0x6], $0x1400, $0x38;
	[tilespmem:$0x1E480] =	vst v63  }
0x1b6: {  	_ =	swait.ge [sflag:s16], $0x1400  }
0x1b7: {  	[sflag:s16] =	ssyncset.done $0x0  }
0x1b8: {  	s14 =	rddreg [dreg:$0x1d];
	[sflag:s16] =	ssyncadd.s32 $0xFFFFEC00  }
0x1b9: {  	[spmem:s14] =	stream.linear.scatter [tilespmem:s10], [sflag:$0x6], $0x1400, $0x38;
	[tilespmem:$0x1E480] =	vst v63  }
0x1ba: {  	_ =	swait.ge [sflag:s16], $0x1400  }
0x1bb: {  	[sflag:s16] =	ssyncset.done $0x0  }
0x1bc: {  	s23 =	rddreg [dreg:$0x1e];
	[sflag:s16] =	ssyncadd.s32 $0xFFFFEC00  }
0x1bd: {  	[spmem:s23] =	stream.linear.scatter [tilespmem:s10], [sflag:$0x6], $0x1400, $0x38;
	[tilespmem:$0x1E480] =	vst v63  }
0x1be: {  	_ =	swait.ge [sflag:s16], $0x1400  }
0x1bf: {  	[sflag:s16] =	ssyncset.done $0x0  }
0x1c0: {  	s29 =	rddreg [dreg:$0x1f];
	[sflag:s16] =	ssyncadd.s32 $0xFFFFEC00  }
0x1c1: {  	[spmem:s29] =	stream.linear.scatter [tilespmem:s10], [sflag:$0x6], $0x1400, $0x38;
	[tilespmem:$0x1E480] =	vst v63  }
0x1c2: {  	_ =	swait.ge [sflag:s16], $0x1400  }
0x1c3: {  	s31 =	sld [smem:$0x7FD]  }
0x1c4: {  	[sflag:s16] =	ssyncset.done $0x0  }
0x1c5: {  	[sflag:s16] =	ssyncadd.s32 $0xFFFFEC00  }
0x1c6: {  	[spmem:s31] =	stream.linear.scatter [tilespmem:s10], [sflag:$0x6], $0x1400, $0x38;
	[tilespmem:$0x1E480] =	vst v63  }
0x1c7: {  	_ =	swait.ge [sflag:s16], $0x1400  }
0x1c8: {  	[sflag:s16] =	ssyncset.done $0x0  }
0x1c9: {  	[sflag:s16] =	ssyncadd.s32 $0xFFFFEC00  }
.LBB2_3:
0x1ca: {  	[bflag:$0x0] =	sbarrier.arrive $0xFFFF;
	s29 =	simm.s32 $0x0  }
.LBB2_4:
0x1cb: {  	s4 =	smul.u32 $0x7D0, s29;
	_ =	sdelay $0x1  }
0x1cc: {  	s4 =	sadd.s32 s22, s4  }
0x1cd: {  	s4 =	sshrl.u32 s4, $0x3  }
0x1ce: {  	s12 =	rddreg [dreg:$0x1];
	s10 =	sadd.s32 s6, s4  }
0x1cf: {  	[tilespmem:s26], [sflag:$0x2] =	stream.linear.gather [hbm4b:s10+s26], $0x7D0, $0x38;
	[tilespmem:$0x1E480] =	vst v63  }
0x1d0: {  	s11 =	simm.s32 $0x800;
	s13 =	rddreg [dreg:$0x2];
	s10 =	sadd.s32 s12, s4  }
0x1d1: {  	[tilespmem:s11], [sflag:$0x3] =	stream.linear.gather [hbm4b:s10+s26], $0x7D0, $0x38;
	[tilespmem:$0x1E480] =	vst v63  }
0x1d2: {  	s14 =	simm.s32 $0x1000;
	s4 =	sadd.s32 s13, s4  }
0x1d3: {  	[tilespmem:s14], [sflag:$0x1] =	stream.linear.gather [hbm4b:s4+s26], $0x7D0, $0x38;
	[tilespmem:$0x1E480] =	vst v63  }
0x1d4: {  	_ =	swait.ge [sflag:s19], $0x7D0  }
0x1d5: {  	[sflag:s19] =	ssyncset.done $0x0  }
0x1d6: {  	[sflag:s19] =	ssyncadd.s32 $0xFFFFF830  }
0x1d7: {  	_ =	swait.ge [sflag:s20], $0x7D0  }
0x1d8: {  	[sflag:s20] =	ssyncset.done $0x0  }
0x1d9: {  	[sflag:s20] =	ssyncadd.s32 $0xFFFFF830  }
0x1da: {  	_ =	swait.ge [sflag:s21], $0x7D0  }
0x1db: {  	[sflag:s21] =	ssyncset.done $0x0  }
0x1dc: {  	s23 =	simm.s32 $0x0;
	[sflag:s21] =	ssyncadd.s32 $0xFFFFF830  }
0x1dd: {  	v2 =	vld [tilespmem:s23+$0x0];
	_ =	sdelay $0x3  }
0x1de: {  	s31 =	simm.s32 $0x1820;
	v3 =	vld [tilespmem:s23+$0x1000]  }
0x1df: {  	[tilespmem:s31+$0xFFFFFFE0] =	vst v2  }
0x1e0: {  	v4 =	vld [tilespmem:s23+$0x800];
	_ =	sdelay $0x2  }
0x1e1: {  	v3 =	vmul.u32 $0x2710, v3;
	_ =	sdelay $0x1  }
0x1e2: {  	s11 =	simm.s32 $0x2820;
	v4 =	vadd.s32 v3, v4  }
0x1e3: {  	[tilespmem:s11+$0xFFFFFFE0] =	vst v4  }
0x1e4: {  	v4 =	vld [tilespmem:s23+$0x10];
	_ =	sdelay $0x1  }
0x1e5: {  	v2 =	vadd.s32 v0, v2  }
0x1e6: {  	v2 =	vadd.s32 v3, v2  }
0x1e7: {  	[tilespmem:s23+$0x3800] =	vst v2;
	v2 =	vld [tilespmem:s23+$0x1010]  }
0x1e8: {  	[tilespmem:s31+$0xFFFFFFF0] =	vst v4  }
0x1e9: {  	v3 =	vld [tilespmem:s23+$0x810];
	_ =	sdelay $0x2  }
0x1ea: {  	v2 =	vmul.u32 $0x2710, v2;
	_ =	sdelay $0x1  }
0x1eb: {  	v3 =	vadd.s32 v2, v3  }
0x1ec: {  	[tilespmem:s11+$0xFFFFFFF0] =	vst v3  }
0x1ed: {  	v3 =	vld [tilespmem:s23+$0x20];
	_ =	sdelay $0x1  }
0x1ee: {  	v4 =	vadd.s32 v0, v4  }
0x1ef: {  	v2 =	vadd.s32 v2, v4  }
0x1f0: {  	v62 =	vld [tilespmem:s23+$0x1020];
	[tilespmem:s23+$0x3810] =	vst v2  }
0x1f1: {  	[tilespmem:s31+$0x0] =	vst v3  }
0x1f2: {  	v2 =	vld [tilespmem:s23+$0x820];
	_ =	sdelay $0x2  }
0x1f3: {  	v4 =	vmul.u32 $0x2710, v62;
	_ =	sdelay $0x1  }
0x1f4: {  	v2 =	vadd.s32 v4, v2  }
0x1f5: {  	[tilespmem:s11+$0x0] =	vst v2  }
0x1f6: {  	v2 =	vld [tilespmem:s23+$0x30];
	_ =	sdelay $0x1  }
0x1f7: {  	v3 =	vadd.s32 v0, v3  }
0x1f8: {  	v3 =	vadd.s32 v4, v3  }
0x1f9: {  	[tilespmem:s23+$0x3820] =	vst v3;
	v3 =	vld [tilespmem:s23+$0x1030]  }
0x1fa: {  	[tilespmem:s31+$0x10] =	vst v2  }
0x1fb: {  	v63 =	vld [tilespmem:s23+$0x830];
	_ =	sdelay $0x2  }
0x1fc: {  	v3 =	vmul.u32 $0x2710, v3;
	_ =	sdelay $0x1  }
0x1fd: {  	v4 =	vadd.s32 v3, v63  }
0x1fe: {  	[tilespmem:s11+$0x10] =	vst v4  }
0x1ff: {  	v4 =	vld [tilespmem:s23+$0x40];
	_ =	sdelay $0x1  }
0x200: {  	v2 =	vadd.s32 v0, v2  }
0x201: {  	v2 =	vadd.s32 v3, v2  }
0x202: {  	[tilespmem:s23+$0x3830] =	vst v2;
	v2 =	vld [tilespmem:s23+$0x1040]  }
0x203: {  	[tilespmem:s31+$0x20] =	vst v4  }
0x204: {  	v3 =	vld [tilespmem:s23+$0x840];
	_ =	sdelay $0x2  }
0x205: {  	v2 =	vmul.u32 $0x2710, v2;
	_ =	sdelay $0x1  }
0x206: {  	v4 =	vadd.s32 v0, v4;
	v3 =	vadd.s32 v2, v3  }
0x207: {  	s10 =	simm.s32 $0x50;
	[tilespmem:s11+$0x20] =	vst v3;
	v3 =	vadd.s32 v2, v4  }
0x208: {  	s12 =	simm.s32 $0x280;
	v2 =	vld [tilespmem:s10+$0x0];
	[tilespmem:s23+$0x3840] =	vst v3  }
.LBB2_5:
0x209: {  	p1 =	sne.s32 s12, $0x1E00;
	v3 =	vld [tilespmem:s10+$0x1000];
	_ =	sdelay $0x2  }
0x20a: {  	s31 =	sadd.s32 $0x80, s31  }
0x20b: {  	[tilespmem:s31+$0xFFFFFFE0] =	vst v2  }
0x20c: {  	v4 =	vld [tilespmem:s10+$0x800];
	_ =	sdelay $0x2  }
0x20d: {  	v3 =	vmul.u32 $0x2710, v3;
	_ =	sdelay $0x1  }
0x20e: {  	s11 =	sadd.s32 $0x80, s11;
	v4 =	vadd.s32 v3, v4  }
0x20f: {  	[tilespmem:s11+$0xFFFFFFE0] =	vst v4  }
0x210: {  	v4 =	vld [tilespmem:s10+$0x10];
	_ =	sdelay $0x1  }
0x211: {  	v2 =	vadd.s32 v0, v2  }
0x212: {  	v2 =	vadd.s32 v3, v2  }
0x213: {  	[tilespmem:s10+$0x3800] =	vst v2;
	v2 =	vld [tilespmem:s10+$0x1010]  }
0x214: {  	[tilespmem:s31+$0xFFFFFFF0] =	vst v4  }
0x215: {  	v3 =	vld [tilespmem:s10+$0x810];
	_ =	sdelay $0x2  }
0x216: {  	v2 =	vmul.u32 $0x2710, v2;
	_ =	sdelay $0x1  }
0x217: {  	v3 =	vadd.s32 v2, v3  }
0x218: {  	[tilespmem:s11+$0xFFFFFFF0] =	vst v3  }
0x219: {  	v3 =	vld [tilespmem:s10+$0x20]  }
0x21a: {  	v5 =	vld [tilespmem:s10+$0x1020]  }
0x21b: {  	v4 =	vadd.s32 v0, v4  }
0x21c: {  	v2 =	vadd.s32 v2, v4  }
0x21d: {  	[tilespmem:s10+$0x3810] =	vst v2  }
0x21e: {  	[tilespmem:s31+$0x0] =	vst v3  }
0x21f: {  	v2 =	vld [tilespmem:s10+$0x820];
	_ =	sdelay $0x2  }
0x220: {  	v4 =	vmul.u32 $0x2710, v5;
	_ =	sdelay $0x1  }
0x221: {  	v2 =	vadd.s32 v4, v2  }
0x222: {  	[tilespmem:s11+$0x0] =	vst v2  }
0x223: {  	v2 =	vld [tilespmem:s10+$0x30];
	_ =	sdelay $0x1  }
0x224: {  	v3 =	vadd.s32 v0, v3  }
0x225: {  	v3 =	vadd.s32 v4, v3  }
0x226: {  	[tilespmem:s10+$0x3820] =	vst v3;
	v3 =	vld [tilespmem:s10+$0x1030]  }
0x227: {  	[tilespmem:s31+$0x10] =	vst v2  }
0x228: {  	v4 =	vld [tilespmem:s10+$0x830];
	_ =	sdelay $0x2  }
0x229: {  	v3 =	vmul.u32 $0x2710, v3;
	_ =	sdelay $0x1  }
0x22a: {  	v4 =	vadd.s32 v3, v4  }
0x22b: {  	[tilespmem:s11+$0x10] =	vst v4  }
0x22c: {  	v4 =	vld [tilespmem:s10+$0x40];
	_ =	sdelay $0x1  }
0x22d: {  	v2 =	vadd.s32 v0, v2  }
0x22e: {  	v2 =	vadd.s32 v3, v2  }
0x22f: {  	[tilespmem:s10+$0x3830] =	vst v2;
	v2 =	vld [tilespmem:s10+$0x1040]  }
0x230: {  	[tilespmem:s31+$0x20] =	vst v4  }
0x231: {  	v3 =	vld [tilespmem:s10+$0x840];
	_ =	sdelay $0x2  }
.Ltmp1:
0x232: {  	v2 =	vmul.u32 $0x2710, v2;
	(pc) =	sbr.rel @p1 .LBB2_5-.Ltmp1, $4  }
0x233: {  	_ = 	snop  }
0x234: {  	v4 =	vadd.s32 v0, v4;
	v3 =	vadd.s32 v2, v3  }
0x235: {  	s4 =	sshra.s32 s12, $0x2;
	[tilespmem:s11+$0x20] =	vst v3;
	v3 =	vadd.s32 v2, v4  }
0x236: {  	s12 =	sadd.s32 $0x140, s12;
	v2 =	vld [tilespmem:s4+$0x0];
	[tilespmem:s10+$0x3840] =	vst v3;
	s10 =	smov.u32 s4  }
0x237: {  	_ =	sdelay $0x2  }
0x238: {  	v3 =	vld [tilespmem:s10+$0x1000];
	s4 =	sadd.s32 $0x80, s31  }
0x239: {  	[tilespmem:s4+$0xFFFFFFE0] =	vst v2  }
0x23a: {  	v4 =	vld [tilespmem:s10+$0x800];
	_ =	sdelay $0x2  }
0x23b: {  	v3 =	vmul.u32 $0x2710, v3;
	_ =	sdelay $0x1  }
0x23c: {  	s11 =	sadd.s32 $0x80, s11;
	v4 =	vadd.s32 v3, v4  }
0x23d: {  	[tilespmem:s11+$0xFFFFFFE0] =	vst v4  }
0x23e: {  	v4 =	vld [tilespmem:s10+$0x10];
	_ =	sdelay $0x1  }
0x23f: {  	v2 =	vadd.s32 v0, v2  }
0x240: {  	v2 =	vadd.s32 v3, v2  }
0x241: {  	[tilespmem:s10+$0x3800] =	vst v2;
	v2 =	vld [tilespmem:s10+$0x1010]  }
0x242: {  	[tilespmem:s4+$0xFFFFFFF0] =	vst v4  }
0x243: {  	v3 =	vld [tilespmem:s10+$0x810];
	_ =	sdelay $0x2  }
0x244: {  	v2 =	vmul.u32 $0x2710, v2;
	_ =	sdelay $0x1  }
0x245: {  	v3 =	vadd.s32 v2, v3  }
0x246: {  	[tilespmem:s11+$0xFFFFFFF0] =	vst v3  }
0x247: {  	v3 =	vld [tilespmem:s10+$0x20];
	_ =	sdelay $0x1  }
0x248: {  	v4 =	vadd.s32 v0, v4  }
0x249: {  	v2 =	vadd.s32 v2, v4  }
0x24a: {  	v5 =	vld [tilespmem:s10+$0x1020];
	[tilespmem:s10+$0x3810] =	vst v2  }
0x24b: {  	[tilespmem:s4+$0x0] =	vst v3  }
0x24c: {  	v2 =	vld [tilespmem:s10+$0x820];
	_ =	sdelay $0x2  }
0x24d: {  	v61 =	vmul.u32 $0x2710, v5;
	_ =	sdelay $0x1  }
0x24e: {  	v2 =	vadd.s32 v61, v2  }
0x24f: {  	[tilespmem:s11+$0x0] =	vst v2  }
0x250: {  	v2 =	vld [tilespmem:s10+$0x30];
	_ =	sdelay $0x1  }
0x251: {  	v3 =	vadd.s32 v0, v3  }
0x252: {  	v3 =	vadd.s32 v61, v3  }
0x253: {  	[tilespmem:s10+$0x3820] =	vst v3;
	v3 =	vld [tilespmem:s10+$0x1030]  }
0x254: {  	[tilespmem:s4+$0x10] =	vst v2  }
0x255: {  	v62 =	vld [tilespmem:s10+$0x830];
	_ =	sdelay $0x2  }
0x256: {  	v3 =	vmul.u32 $0x2710, v3;
	_ =	sdelay $0x1  }
0x257: {  	v4 =	vadd.s32 v3, v62  }
0x258: {  	[tilespmem:s11+$0x10] =	vst v4  }
0x259: {  	v4 =	vld [tilespmem:s10+$0x40];
	_ =	sdelay $0x1  }
0x25a: {  	v2 =	vadd.s32 v0, v2  }
0x25b: {  	v2 =	vadd.s32 v3, v2  }
0x25c: {  	[tilespmem:s10+$0x3830] =	vst v2;
	v2 =	vld [tilespmem:s10+$0x1040]  }
0x25d: {  	[tilespmem:s4+$0x20] =	vst v4  }
0x25e: {  	v3 =	vld [tilespmem:s10+$0x840];
	_ =	sdelay $0x2  }
0x25f: {  	v2 =	vmul.u32 $0x2710, v2;
	_ =	sdelay $0x1  }
0x260: {  	v4 =	vadd.s32 v0, v4;
	v3 =	vadd.s32 v2, v3  }
0x261: {  	v2 =	vadd.s32 v2, v4;
	[tilespmem:s11+$0x20] =	vst v3  }
0x262: {  	s23 =	simm.s32 $0x2800;
	[tilespmem:s10+$0x3840] =	vst v2  }
0x263: {  	[tilespmem:s28], [sflag:$0x2] =	stream.indirect.gather [hbm4b:s7+s25], $0x80, s23, s25, $0xb8;
	[tilespmem:$0x1E480] =	vst v63  }
0x264: {  	s31 =	simm.s32 $0x2880  }
0x265: {  	[tilespmem:s30], [sflag:$0x3] =	stream.indirect.gather [hbm4b:s7+s25], $0x80, s31, s25, $0xb8;
	[tilespmem:$0x1E480] =	vst v63  }
0x266: {  	s10 =	simm.s32 $0x3800  }
0x267: {  	[tilespmem:s0], [sflag:$0x1] =	stream.indirect.gather [hbm4b:s8+s25], $0x1, s10, s25, $0xb8;
	[tilespmem:$0x1E480] =	vst v63  }
0x268: {  	s12 =	simm.s32 $0x4050;
	s11 =	simm.s32 $0x3850  }
0x269: {  	[tilespmem:s12], [sflag:$0x1] =	stream.indirect.gather [hbm4b:s8+s25], $0x1, s11, s25, $0xb8;
	[tilespmem:$0x1E480] =	vst v63  }
0x26a: {  	s13 =	simm.s32 $0x38A0;
	s14 =	simm.s32 $0x40A0  }
0x26b: {  	[tilespmem:s14], [sflag:$0x1] =	stream.indirect.gather [hbm4b:s8+s25], $0x1, s13, s25, $0xb8;
	[tilespmem:$0x1E480] =	vst v63  }
0x26c: {  	s23 =	simm.s32 $0x38F0;
	s31 =	simm.s32 $0x40F0  }
0x26d: {  	[tilespmem:s31], [sflag:$0x1] =	stream.indirect.gather [hbm4b:s8+s25], $0x1, s23, s25, $0xb8;
	[tilespmem:$0x1E480] =	vst v63  }
0x26e: {  	s11 =	simm.s32 $0x3940;
	s12 =	simm.s32 $0x4140  }
0x26f: {  	[tilespmem:s12], [sflag:$0x1] =	stream.indirect.gather [hbm4b:s8+s25], $0x1, s11, s25, $0xb8;
	[tilespmem:$0x1E480] =	vst v63  }
0x270: {  	_ =	swait.ge [sflag:s21], $0x50  }
0x271: {  	[sflag:s21] =	ssyncset.done $0x0  }
0x272: {  	[sflag:s21] =	ssyncadd.s32 $0xFFFFFFB0  }
0x273: {  	_ =	swait.ge [sflag:s21], $0x50  }
0x274: {  	[sflag:s21] =	ssyncset.done $0x0  }
0x275: {  	[sflag:s21] =	ssyncadd.s32 $0xFFFFFFB0  }
0x276: {  	_ =	swait.ge [sflag:s21], $0x50  }
0x277: {  	[sflag:s21] =	ssyncset.done $0x0  }
0x278: {  	[sflag:s21] =	ssyncadd.s32 $0xFFFFFFB0  }
0x279: {  	_ =	swait.ge [sflag:s21], $0x50  }
0x27a: {  	[sflag:s21] =	ssyncset.done $0x0  }
0x27b: {  	[sflag:s21] =	ssyncadd.s32 $0xFFFFFFB0  }
0x27c: {  	_ =	swait.ge [sflag:s21], $0x50  }
0x27d: {  	[sflag:s21] =	ssyncset.done $0x0  }
0x27e: {  	s13 =	simm.s32 $0x3990;
	s14 =	simm.s32 $0x4190;
	[sflag:s21] =	ssyncadd.s32 $0xFFFFFFB0  }
0x27f: {  	[tilespmem:s14], [sflag:$0x1] =	stream.indirect.gather [hbm4b:s8+s25], $0x1, s13, s25, $0xb8;
	[tilespmem:$0x1E480] =	vst v63  }
0x280: {  	s23 =	simm.s32 $0x39E0;
	s31 =	simm.s32 $0x41E0  }
0x281: {  	[tilespmem:s31], [sflag:$0x1] =	stream.indirect.gather [hbm4b:s8+s25], $0x1, s23, s25, $0xb8;
	[tilespmem:$0x1E480] =	vst v63  }
0x282: {  	s11 =	simm.s32 $0x3A30;
	s12 =	simm.s32 $0x4230  }
0x283: {  	[tilespmem:s12], [sflag:$0x1] =	stream.indirect.gather [hbm4b:s8+s25], $0x1, s11, s25, $0xb8;
	[tilespmem:$0x1E480] =	vst v63  }
0x284: {  	s13 =	simm.s32 $0x3A80;
	s14 =	simm.s32 $0x4280  }
0x285: {  	[tilespmem:s14], [sflag:$0x1] =	stream.indirect.gather [hbm4b:s8+s25], $0x1, s13, s25, $0xb8;
	[tilespmem:$0x1E480] =	vst v63  }
0x286: {  	s23 =	simm.s32 $0x3AD0;
	s31 =	simm.s32 $0x42D0  }
0x287: {  	[tilespmem:s31], [sflag:$0x1] =	stream.indirect.gather [hbm4b:s8+s25], $0x1, s23, s25, $0xb8;
	[tilespmem:$0x1E480] =	vst v63  }
0x288: {  	_ =	swait.ge [sflag:s21], $0x50  }
0x289: {  	[sflag:s21] =	ssyncset.done $0x0  }
0x28a: {  	[sflag:s21] =	ssyncadd.s32 $0xFFFFFFB0  }
0x28b: {  	_ =	swait.ge [sflag:s21], $0x50  }
0x28c: {  	[sflag:s21] =	ssyncset.done $0x0  }
0x28d: {  	[sflag:s21] =	ssyncadd.s32 $0xFFFFFFB0  }
0x28e: {  	_ =	swait.ge [sflag:s21], $0x50  }
0x28f: {  	[sflag:s21] =	ssyncset.done $0x0  }
0x290: {  	[sflag:s21] =	ssyncadd.s32 $0xFFFFFFB0  }
0x291: {  	_ =	swait.ge [sflag:s21], $0x50  }
0x292: {  	[sflag:s21] =	ssyncset.done $0x0  }
0x293: {  	[sflag:s21] =	ssyncadd.s32 $0xFFFFFFB0  }
0x294: {  	_ =	swait.ge [sflag:s21], $0x50  }
0x295: {  	[sflag:s21] =	ssyncset.done $0x0  }
0x296: {  	s11 =	simm.s32 $0x3B20;
	s12 =	simm.s32 $0x4320;
	[sflag:s21] =	ssyncadd.s32 $0xFFFFFFB0  }
0x297: {  	[tilespmem:s12], [sflag:$0x1] =	stream.indirect.gather [hbm4b:s8+s25], $0x1, s11, s25, $0xb8;
	[tilespmem:$0x1E480] =	vst v63  }
0x298: {  	s13 =	simm.s32 $0x3B70;
	s14 =	simm.s32 $0x4370  }
0x299: {  	[tilespmem:s14], [sflag:$0x1] =	stream.indirect.gather [hbm4b:s8+s25], $0x1, s13, s25, $0xb8;
	[tilespmem:$0x1E480] =	vst v63  }
0x29a: {  	s23 =	simm.s32 $0x3BC0;
	s31 =	simm.s32 $0x43C0  }
0x29b: {  	[tilespmem:s31], [sflag:$0x1] =	stream.indirect.gather [hbm4b:s8+s25], $0x1, s23, s25, $0xb8;
	[tilespmem:$0x1E480] =	vst v63  }
0x29c: {  	s11 =	simm.s32 $0x3C10;
	s12 =	simm.s32 $0x4410  }
0x29d: {  	[tilespmem:s12], [sflag:$0x1] =	stream.indirect.gather [hbm4b:s8+s25], $0x1, s11, s25, $0xb8;
	[tilespmem:$0x1E480] =	vst v63  }
0x29e: {  	s13 =	simm.s32 $0x3C60;
	s14 =	simm.s32 $0x4460  }
0x29f: {  	[tilespmem:s14], [sflag:$0x1] =	stream.indirect.gather [hbm4b:s8+s25], $0x1, s13, s25, $0xb8;
	[tilespmem:$0x1E480] =	vst v63  }
0x2a0: {  	_ =	swait.ge [sflag:s21], $0x50  }
0x2a1: {  	[sflag:s21] =	ssyncset.done $0x0  }
0x2a2: {  	[sflag:s21] =	ssyncadd.s32 $0xFFFFFFB0  }
0x2a3: {  	_ =	swait.ge [sflag:s21], $0x50  }
0x2a4: {  	[sflag:s21] =	ssyncset.done $0x0  }
0x2a5: {  	[sflag:s21] =	ssyncadd.s32 $0xFFFFFFB0  }
0x2a6: {  	_ =	swait.ge [sflag:s21], $0x50  }
0x2a7: {  	[sflag:s21] =	ssyncset.done $0x0  }
0x2a8: {  	[sflag:s21] =	ssyncadd.s32 $0xFFFFFFB0  }
0x2a9: {  	_ =	swait.ge [sflag:s21], $0x50  }
0x2aa: {  	[sflag:s21] =	ssyncset.done $0x0  }
0x2ab: {  	[sflag:s21] =	ssyncadd.s32 $0xFFFFFFB0  }
0x2ac: {  	_ =	swait.ge [sflag:s21], $0x50  }
0x2ad: {  	[sflag:s21] =	ssyncset.done $0x0  }
0x2ae: {  	s23 =	simm.s32 $0x3CB0;
	s31 =	simm.s32 $0x44B0;
	[sflag:s21] =	ssyncadd.s32 $0xFFFFFFB0  }
0x2af: {  	[tilespmem:s31], [sflag:$0x1] =	stream.indirect.gather [hbm4b:s8+s25], $0x1, s23, s25, $0xb8;
	[tilespmem:$0x1E480] =	vst v63  }
0x2b0: {  	s11 =	simm.s32 $0x3D00;
	s12 =	simm.s32 $0x4500  }
0x2b1: {  	[tilespmem:s12], [sflag:$0x1] =	stream.indirect.gather [hbm4b:s8+s25], $0x1, s11, s25, $0xb8;
	[tilespmem:$0x1E480] =	vst v63  }
0x2b2: {  	s13 =	simm.s32 $0x3D50;
	s14 =	simm.s32 $0x4550  }
0x2b3: {  	[tilespmem:s14], [sflag:$0x1] =	stream.indirect.gather [hbm4b:s8+s25], $0x1, s13, s25, $0xb8;
	[tilespmem:$0x1E480] =	vst v63  }
0x2b4: {  	s23 =	simm.s32 $0x3DA0;
	s31 =	simm.s32 $0x45A0  }
0x2b5: {  	[tilespmem:s31], [sflag:$0x1] =	stream.indirect.gather [hbm4b:s8+s25], $0x1, s23, s25, $0xb8;
	[tilespmem:$0x1E480] =	vst v63  }
0x2b6: {  	s10 =	simm.s32 $0x3DF0;
	s11 =	simm.s32 $0x45F0  }
0x2b7: {  	[tilespmem:s11], [sflag:$0x1] =	stream.indirect.gather [hbm4b:s8+s25], $0x1, s10, s25, $0xb8;
	[tilespmem:$0x1E480] =	vst v63  }
0x2b8: {  	_ =	swait.ge [sflag:s21], $0x50  }
0x2b9: {  	[sflag:s21] =	ssyncset.done $0x0  }
0x2ba: {  	[sflag:s21] =	ssyncadd.s32 $0xFFFFFFB0  }
0x2bb: {  	_ =	swait.ge [sflag:s21], $0x50  }
0x2bc: {  	[sflag:s21] =	ssyncset.done $0x0  }
0x2bd: {  	[sflag:s21] =	ssyncadd.s32 $0xFFFFFFB0  }
0x2be: {  	_ =	swait.ge [sflag:s21], $0x50  }
0x2bf: {  	[sflag:s21] =	ssyncset.done $0x0  }
0x2c0: {  	[sflag:s21] =	ssyncadd.s32 $0xFFFFFFB0  }
0x2c1: {  	_ =	swait.ge [sflag:s21], $0x50  }
0x2c2: {  	[sflag:s21] =	ssyncset.done $0x0  }
0x2c3: {  	[sflag:s21] =	ssyncadd.s32 $0xFFFFFFB0  }
0x2c4: {  	_ =	swait.ge [sflag:s21], $0x50  }
0x2c5: {  	[sflag:s21] =	ssyncset.done $0x0  }
0x2c6: {  	s12 =	simm.s32 $0x3E40;
	s13 =	simm.s32 $0x4640;
	[sflag:s21] =	ssyncadd.s32 $0xFFFFFFB0  }
0x2c7: {  	[tilespmem:s13], [sflag:$0x1] =	stream.indirect.gather [hbm4b:s8+s25], $0x1, s12, s25, $0xb8;
	[tilespmem:$0x1E480] =	vst v63  }
0x2c8: {  	s14 =	simm.s32 $0x3E90;
	s23 =	simm.s32 $0x4690  }
0x2c9: {  	[tilespmem:s23], [sflag:$0x1] =	stream.indirect.gather [hbm4b:s8+s25], $0x1, s14, s25, $0xb8;
	[tilespmem:$0x1E480] =	vst v63  }
0x2ca: {  	s31 =	simm.s32 $0x3EE0  }
0x2cb: {  	[tilespmem:s24], [sflag:$0x1] =	stream.indirect.gather [hbm4b:s8+s25], $0x1, s31, s25, $0xb8;
	[tilespmem:$0x1E480] =	vst v63  }
0x2cc: {  	_ = 	snop  }
0x2cd: {  	[tilespmem:s15], [sflag:$0x1] =	stream.indirect.gather [hbm4b:s8+s25], $0x1, s9, s25, $0xb8;
	[tilespmem:$0x1E480] =	vst v63  }
0x2ce: {  	_ = 	snop  }
0x2cf: {  	[tilespmem:s1], [sflag:$0x1] =	stream.indirect.gather [hbm4b:s8+s25], $0x1, s5, s25, $0xb8;
	[tilespmem:$0x1E480] =	vst v63  }
0x2d0: {  	_ =	swait.ge [sflag:s21], $0x50  }
0x2d1: {  	[sflag:s21] =	ssyncset.done $0x0  }
0x2d2: {  	[sflag:s21] =	ssyncadd.s32 $0xFFFFFFB0  }
0x2d3: {  	_ =	swait.ge [sflag:s21], $0x50  }
0x2d4: {  	[sflag:s21] =	ssyncset.done $0x0  }
0x2d5: {  	[sflag:s21] =	ssyncadd.s32 $0xFFFFFFB0  }
0x2d6: {  	_ =	swait.ge [sflag:s21], $0x50  }
0x2d7: {  	[sflag:s21] =	ssyncset.done $0x0  }
0x2d8: {  	[sflag:s21] =	ssyncadd.s32 $0xFFFFFFB0  }
0x2d9: {  	_ =	swait.ge [sflag:s21], $0x50  }
0x2da: {  	[sflag:s21] =	ssyncset.done $0x0  }
0x2db: {  	[sflag:s21] =	ssyncadd.s32 $0xFFFFFFB0  }
0x2dc: {  	_ =	swait.ge [sflag:s21], $0x50  }
0x2dd: {  	[sflag:s21] =	ssyncset.done $0x0  }
0x2de: {  	s4 =	simm.s32 $0x4020;
	[sflag:s21] =	ssyncadd.s32 $0xFFFFFFB0  }
0x2df: {  	v2 =	vld [tilespmem:s4+$0xFFFFFFE0];
	_ =	sdelay $0x2  }
0x2e0: {  	v3 =	vld [tilespmem:s4+$0x0];
	_ =	sdelay $0x1  }
0x2e1: {  	(erf) = vrcp.f32 v2;
	_ =	sdelay $0x1  }
0x2e2: {  	v2 =	vld [tilespmem:s4+$0x10]  }
0x2e3: {  	(erf) = vrcp.f32 v3;
	v3 =	vld [tilespmem:s4+$0x20]  }
0x2e4: {  	v63 =	vld [tilespmem:s4+$0xFFFFFFF0];
	_ =	sdelay $0x2  }
0x2e5: {  	(erf) = vrcp.f32 v2  }
0x2e6: {  	(erf) = vrcp.f32 v3  }
0x2e7: {  	v2 =	vpop (erf);
	(erf) = vrcp.f32 v63;
	_ =	sdelay $0x5  }
0x2e8: {  	s10 =	simm.s32 $0x0;
	s11 =	simm.s32 $0x4070;
	[tilespmem:s4+$0xFFFFFFE0] =	vst v2;
	v2 =	vpop (erf)  }
.LBB2_7:
0x2e9: {  	v3 =	vld [tilespmem:s11+$0xFFFFFFE0];
	[tilespmem:s4+$0x0] =	vst v2;
	v2 =	vpop (erf)  }
0x2ea: {  	v4 =	vld [tilespmem:s11+$0x0];
	[tilespmem:s4+$0x10] =	vst v2;
	v2 =	vpop (erf)  }
0x2eb: {  	v5 =	vld [tilespmem:s11+$0x10];
	[tilespmem:s4+$0x20] =	vst v2;
	v2 =	vpop (erf)  }
0x2ec: {  	s10 =	sadd.s32 $0x5, s10;
	v6 =	vld [tilespmem:s11+$0x20];
	[tilespmem:s4+$0xFFFFFFF0] =	vst v2;
	s4 =	smov.u32 s11  }
0x2ed: {  	p1 =	slt.u32 s10, $0x78;
	v2 =	vld [tilespmem:s11+$0xFFFFFFF0]  }
0x2ee: {  	(erf) = vrcp.f32 v3  }
0x2ef: {  	(erf) = vrcp.f32 v4  }
0x2f0: {  	(erf) = vrcp.f32 v5  }
0x2f1: {  	(erf) = vrcp.f32 v6  }
0x2f2: {  	(erf) = vrcp.f32 v2;
	_ =	sdelay $0x1  }
.Ltmp2:
0x2f3: {  	(pc) =	sbr.rel @p1 .LBB2_7-.Ltmp2, $3  }
0x2f4: {  	_ =	sdelay $0x1  }
0x2f5: {  	v2 =	vpop (erf)  }
0x2f6: {  	s11 =	sadd.s32 $0x50, s11;
	[tilespmem:s4+$0xFFFFFFE0] =	vst v2;
	v2 =	vpop (erf)  }
0x2f7: {  	[tilespmem:s4+$0x0] =	vst v2;
	v2 =	vpop (erf)  }
0x2f8: {  	[tilespmem:s4+$0x10] =	vst v2;
	v2 =	vpop (erf)  }
0x2f9: {  	[tilespmem:s4+$0x20] =	vst v2;
	v2 =	vpop (erf)  }
0x2fa: {  	s31 =	simm.s32 $0x0;
	[tilespmem:s4+$0xFFFFFFF0] =	vst v2  }
.LBB2_9:
0x2fb: {  	s10 =	smul.u32 $0xA0, s31;
	_ =	sdelay $0x1  }
0x2fc: {  	s4 =	sadd.s32 $0x0, s10  }
0x2fd: {  	v2 =	vmov s4  }
0x2fe: {  	v2 =	vand.u32 $0xFFFFFFFE, v2  }
0x2ff: {  	v3 =	vbroadcast v2, $0x0;
	_ =	sdelay $0x1  }
0x300: {  	_ =	swait.ge [sflag:s19], $0x2800  }
0x301: {  	[sflag:s19] =	ssyncset.done $0x0  }
0x302: {  	s11 =	simm.s32 $0x4880;
	[sflag:s19] =	ssyncadd.s32 $0xFFFFD800  }
0x303: {  	v6 =	vld [tilespmem:s11+$0xFFFFFFF0]  }
0x304: {  	v7 =	vld.idx.msk [tilespmem:v3+s0+$0x0], $0xffff  }
0x305: {  	v8 =	vld [tilespmem:s11+$0xFFFFFF80]  }
0x306: {  	v9 =	vld [tilespmem:s11+$0xFFFFFFA0]  }
0x307: {  	v5 =	vld [tilespmem:s11+$0xFFFFFFB0]  }
0x308: {  	v4 =	vld [tilespmem:s11+$0xFFFFFFD0]  }
0x309: {  	v11 =	vld [tilespmem:s11+$0xFFFFFF90];
	v6 =	vmul.f32 v6, v7  }
0x30a: {  	v10 =	vld [tilespmem:s11+$0xFFFFFFE0];
	v8 =	vmul.f32 v8, v7  }
0x30b: {  	v12 =	vld [tilespmem:s11+$0xFFFFFFC0];
	v9 =	vmul.f32 v9, v7;
	[tilespmem:s11+$0xFFFFFFF0] =	vst v6  }
0x30c: {  	v5 =	vmul.f32 v5, v7;
	[tilespmem:s11+$0xFFFFFF80] =	vst v8  }
0x30d: {  	s4 =	sadd.s32 $0x1, s4;
	v4 =	vmul.f32 v4, v7;
	[tilespmem:s11+$0xFFFFFFA0] =	vst v9  }
0x30e: {  	v6 =	vmul.f32 v11, v7;
	[tilespmem:s11+$0xFFFFFFB0] =	vst v5;
	v8 =	vmov s4  }
0x30f: {  	v2 =	vld [tilespmem:s11+$0x0];
	v5 =	vmul.f32 v10, v7;
	[tilespmem:s11+$0xFFFFFFD0] =	vst v4  }
0x310: {  	v3 =	vld [tilespmem:s11+$0x10];
	v4 =	vmul.f32 v12, v7;
	[tilespmem:s11+$0xFFFFFF90] =	vst v6  }
0x311: {  	[tilespmem:s11+$0xFFFFFFE0] =	vst v5;
	v6 =	vld [tilespmem:s11+$0x30]  }
0x312: {  	[tilespmem:s11+$0xFFFFFFC0] =	vst v4;
	v5 =	vld [tilespmem:s11+$0x70]  }
0x313: {  	s12 =	simm.s32 $0x2;
	s13 =	simm.s32 $0x4880;
	v4 =	vld.idx.msk [tilespmem:v8+s0+$0x0], $0xffff  }
.LBB2_10:
0x314: {  	p1 =	slt.u32 s12, $0x4E  }
0x315: {  	v7 =	vld [tilespmem:s11+$0x20];
	s13 =	sadd.s32 $0x100, s13;
	s4 =	smov.u32 s12;
	s12 =	sadd.s32 $0x2, s12  }
0x316: {  	v8 =	vld [tilespmem:s11+$0x40]  }
0x317: {  	v9 =	vld [tilespmem:s11+$0x50]  }
0x318: {  	v10 =	vld [tilespmem:s11+$0x60];
	_ =	sdelay $0x1  }
0x319: {  	v2 =	vmul.f32 v2, v4;
	v3 =	vmul.f32 v3, v4  }
0x31a: {  	s4 =	sadd.s32 s10, s4;
	v6 =	vmul.f32 v6, v4;
	v7 =	vmul.f32 v7, v4  }
0x31b: {  	v11 =	vmov s4;
	s4 =	sadd.s32 $0x1, s4;
	v8 =	vmul.f32 v8, v4;
	[tilespmem:s11+$0x0] =	vst v2;
	v9 =	vmul.f32 v9, v4  }
0x31c: {  	v11 =	vand.u32 $0xFFFFFFFE, v11;
	v2 =	vld [tilespmem:s13+$0x0];
	[tilespmem:s11+$0x30] =	vst v6;
	v6 =	vmul.f32 v10, v4;
	v4 =	vmul.f32 v5, v4  }
0x31d: {  	v5 =	vbroadcast v11, $0x0;
	[tilespmem:s11+$0x10] =	vst v3  }
0x31e: {  	[tilespmem:s11+$0x70] =	vst v4  }
0x31f: {  	v4 =	vld [tilespmem:s13+$0xFFFFFFD0];
	[tilespmem:s11+$0x20] =	vst v7  }
0x320: {  	v7 =	vld [tilespmem:s13+$0xFFFFFFB0];
	[tilespmem:s11+$0x60] =	vst v6  }
0x321: {  	v6 =	vld [tilespmem:s13+$0xFFFFFFE0];
	[tilespmem:s11+$0x40] =	vst v8  }
0x322: {  	v8 =	vld [tilespmem:s13+$0xFFFFFFF0];
	[tilespmem:s11+$0x50] =	vst v9;
	s11 =	smov.u32 s13  }
0x323: {  	v5 =	vld.idx.msk [tilespmem:v5+s0+$0x0], $0xffff  }
0x324: {  	v9 =	vld [tilespmem:s13+$0xFFFFFF80]  }
0x325: {  	v10 =	vld [tilespmem:s13+$0xFFFFFFA0]  }
0x326: {  	v11 =	vld [tilespmem:s13+$0xFFFFFF90]  }
0x327: {  	v12 =	vld [tilespmem:s13+$0xFFFFFFC0]  }
0x328: {  	v3 =	vld [tilespmem:s13+$0x10]  }
0x329: {  	v8 =	vmul.f32 v8, v5;
	v9 =	vmul.f32 v9, v5  }
0x32a: {  	v6 =	vmul.f32 v6, v5;
	v10 =	vmul.f32 v10, v5  }
0x32b: {  	v7 =	vmul.f32 v7, v5;
	v11 =	vmul.f32 v11, v5;
	[tilespmem:s13+$0xFFFFFFF0] =	vst v8  }
0x32c: {  	v4 =	vmul.f32 v4, v5;
	[tilespmem:s13+$0xFFFFFF80] =	vst v9;
	v8 =	vmul.f32 v12, v5  }
0x32d: {  	[tilespmem:s13+$0xFFFFFFA0] =	vst v10  }
0x32e: {  	[tilespmem:s13+$0xFFFFFFB0] =	vst v7;
	v7 =	vmov s4  }
.Ltmp3:
0x32f: {  	[tilespmem:s13+$0xFFFFFFD0] =	vst v4;
	(pc) =	sbr.rel @p1 .LBB2_10-.Ltmp3, $4  }
0x330: {  	[tilespmem:s13+$0xFFFFFF90] =	vst v11  }
0x331: {  	[tilespmem:s13+$0xFFFFFFE0] =	vst v6;
	v6 =	vld [tilespmem:s13+$0x30]  }
0x332: {  	[tilespmem:s13+$0xFFFFFFC0] =	vst v8;
	v5 =	vld [tilespmem:s13+$0x70]  }
0x333: {  	v4 =	vld.idx.msk [tilespmem:v7+s0+$0x0], $0xffff  }
0x334: {  	_ =	sdelay $0x2  }
0x335: {  	v7 =	vld [tilespmem:s11+$0x20]  }
0x336: {  	v8 =	vld [tilespmem:s11+$0x60];
	v2 =	vmul.f32 v2, v4  }
0x337: {  	v9 =	vld [tilespmem:s11+$0x40];
	v6 =	vmul.f32 v6, v4  }
0x338: {  	v10 =	vld [tilespmem:s11+$0x50];
	v3 =	vmul.f32 v3, v4;
	[tilespmem:s11+$0x0] =	vst v2  }
0x339: {  	[tilespmem:s11+$0x30] =	vst v6;
	v2 =	vmul.f32 v5, v4  }
0x33a: {  	v5 =	vmul.f32 v7, v4;
	[tilespmem:s11+$0x10] =	vst v3  }
0x33b: {  	v3 =	vmul.f32 v8, v4;
	[tilespmem:s11+$0x70] =	vst v2  }
0x33c: {  	v2 =	vmul.f32 v9, v4;
	[tilespmem:s11+$0x20] =	vst v5  }
0x33d: {  	v4 =	vmul.f32 v10, v4;
	[tilespmem:s11+$0x60] =	vst v3  }
0x33e: {  	s4 =	sshll.u32 s31, $0x8;
	[tilespmem:s11+$0x40] =	vst v2  }
0x33f: {  	s10 =	sand.u32 $0x3FFFFF00, s4;
	[tilespmem:s11+$0x50] =	vst v4;
	s11 =	sshllo.u32 s31, $0x1  }
0x340: {  	s4 =	sadd.s32 $0x1800, s10;
	s13 =	smul.u32 $0x50, s11  }
0x341: {  	[spmem:s3] =	stream.indirect.scatter.add.f32 [tilespmem:s28], [sflag:$0x4], $0x80, s4, s25, $0xb8;
	[tilespmem:$0x1E480] =	vst v63  }
0x342: {  	s14 =	sadd.s32 $0x0, s13  }
0x343: {  	_ =	swait.ge [sflag:s2], $0x2800;
	v2 =	vmov s14  }
0x344: {  	[sflag:s2] =	ssyncset.done $0x0;
	v2 =	vand.u32 $0xFFFFFFFE, v2  }
0x345: {  	s12 =	sadd.s32 $0x2900, s10;
	[sflag:s2] =	ssyncadd.s32 $0xFFFFD800;
	v3 =	vbroadcast v2, $0x0  }
0x346: {  	[tilespmem:s28], [sflag:$0x2] =	stream.indirect.gather [hbm4b:s7+s25], $0x80, s12, s25, $0xb8;
	[tilespmem:$0x1E480] =	vst v63  }
0x347: {  	_ =	swait.ge [sflag:s20], $0x2800  }
0x348: {  	[sflag:s20] =	ssyncset.done $0x0  }
0x349: {  	s12 =	simm.s32 $0x7080;
	[sflag:s20] =	ssyncadd.s32 $0xFFFFD800  }
0x34a: {  	v6 =	vld [tilespmem:s12+$0xFFFFFFF0]  }
0x34b: {  	v7 =	vld.idx.msk [tilespmem:v3+s0+$0x0], $0xffff  }
0x34c: {  	v8 =	vld [tilespmem:s12+$0xFFFFFF80]  }
0x34d: {  	v62 =	vld [tilespmem:s12+$0xFFFFFFA0]  }
0x34e: {  	v5 =	vld [tilespmem:s12+$0xFFFFFFB0]  }
0x34f: {  	v4 =	vld [tilespmem:s12+$0xFFFFFFD0]  }
0x350: {  	v11 =	vld [tilespmem:s12+$0xFFFFFF90];
	v6 =	vmul.f32 v6, v7  }
0x351: {  	v63 =	vld [tilespmem:s12+$0xFFFFFFE0];
	v8 =	vmul.f32 v8, v7  }
0x352: {  	v12 =	vld [tilespmem:s12+$0xFFFFFFC0];
	v9 =	vmul.f32 v62, v7;
	[tilespmem:s12+$0xFFFFFFF0] =	vst v6  }
0x353: {  	v5 =	vmul.f32 v5, v7;
	[tilespmem:s12+$0xFFFFFF80] =	vst v8  }
0x354: {  	s23 =	sadd.s32 $0x1, s14;
	v4 =	vmul.f32 v4, v7;
	[tilespmem:s12+$0xFFFFFFA0] =	vst v9  }
0x355: {  	v6 =	vmul.f32 v11, v7;
	[tilespmem:s12+$0xFFFFFFB0] =	vst v5;
	v8 =	vmov s23  }
0x356: {  	v2 =	vld [tilespmem:s12+$0x0];
	v5 =	vmul.f32 v63, v7;
	[tilespmem:s12+$0xFFFFFFD0] =	vst v4  }
0x357: {  	v3 =	vld [tilespmem:s12+$0x10];
	v4 =	vmul.f32 v12, v7;
	[tilespmem:s12+$0xFFFFFF90] =	vst v6  }
0x358: {  	[tilespmem:s12+$0xFFFFFFE0] =	vst v5;
	v6 =	vld [tilespmem:s12+$0x30]  }
0x359: {  	[tilespmem:s12+$0xFFFFFFC0] =	vst v4;
	v5 =	vld [tilespmem:s12+$0x70]  }
0x35a: {  	s4 =	simm.s32 $0x7080;
	s14 =	simm.s32 $0x2;
	v4 =	vld.idx.msk [tilespmem:v8+s0+$0x0], $0xffff  }
.LBB2_12:
0x35b: {  	p1 =	slt.u32 s14, $0x4E  }
0x35c: {  	v7 =	vld [tilespmem:s12+$0x20];
	s4 =	sadd.s32 $0x100, s4;
	s23 =	smov.u32 s14;
	s14 =	sadd.s32 $0x2, s14  }
0x35d: {  	v8 =	vld [tilespmem:s12+$0x40]  }
0x35e: {  	v9 =	vld [tilespmem:s12+$0x50]  }
0x35f: {  	v10 =	vld [tilespmem:s12+$0x60];
	_ =	sdelay $0x1  }
0x360: {  	v2 =	vmul.f32 v2, v4;
	v3 =	vmul.f32 v3, v4  }
0x361: {  	s23 =	sadd.s32 s13, s23;
	v6 =	vmul.f32 v6, v4;
	v7 =	vmul.f32 v7, v4  }
0x362: {  	v11 =	vmov s23;
	s23 =	sadd.s32 $0x1, s23;
	v8 =	vmul.f32 v8, v4;
	[tilespmem:s12+$0x0] =	vst v2;
	v9 =	vmul.f32 v9, v4  }
0x363: {  	v11 =	vand.u32 $0xFFFFFFFE, v11;
	v2 =	vld [tilespmem:s4+$0x0];
	[tilespmem:s12+$0x30] =	vst v6;
	v6 =	vmul.f32 v10, v4;
	v4 =	vmul.f32 v5, v4  }
0x364: {  	v5 =	vbroadcast v11, $0x0;
	[tilespmem:s12+$0x10] =	vst v3  }
0x365: {  	[tilespmem:s12+$0x70] =	vst v4  }
0x366: {  	v4 =	vld [tilespmem:s4+$0xFFFFFFD0];
	[tilespmem:s12+$0x20] =	vst v7  }
0x367: {  	v7 =	vld [tilespmem:s4+$0xFFFFFFB0];
	[tilespmem:s12+$0x60] =	vst v6  }
0x368: {  	v6 =	vld [tilespmem:s4+$0xFFFFFFE0];
	[tilespmem:s12+$0x40] =	vst v8  }
0x369: {  	v8 =	vld [tilespmem:s4+$0xFFFFFFF0];
	[tilespmem:s12+$0x50] =	vst v9;
	s12 =	smov.u32 s4  }
0x36a: {  	v5 =	vld.idx.msk [tilespmem:v5+s0+$0x0], $0xffff  }
0x36b: {  	v9 =	vld [tilespmem:s4+$0xFFFFFF80]  }
0x36c: {  	v10 =	vld [tilespmem:s4+$0xFFFFFFA0]  }
0x36d: {  	v11 =	vld [tilespmem:s4+$0xFFFFFF90]  }
0x36e: {  	v12 =	vld [tilespmem:s4+$0xFFFFFFC0]  }
0x36f: {  	v3 =	vld [tilespmem:s4+$0x10]  }
0x370: {  	v8 =	vmul.f32 v8, v5;
	v9 =	vmul.f32 v9, v5  }
0x371: {  	v6 =	vmul.f32 v6, v5;
	v10 =	vmul.f32 v10, v5  }
0x372: {  	v7 =	vmul.f32 v7, v5;
	v11 =	vmul.f32 v11, v5;
	[tilespmem:s4+$0xFFFFFFF0] =	vst v8  }
0x373: {  	v4 =	vmul.f32 v4, v5;
	[tilespmem:s4+$0xFFFFFF80] =	vst v9;
	v8 =	vmul.f32 v12, v5  }
0x374: {  	[tilespmem:s4+$0xFFFFFFA0] =	vst v10  }
0x375: {  	[tilespmem:s4+$0xFFFFFFB0] =	vst v7;
	v7 =	vmov s23  }
.Ltmp4:
0x376: {  	[tilespmem:s4+$0xFFFFFFD0] =	vst v4;
	(pc) =	sbr.rel @p1 .LBB2_12-.Ltmp4, $4  }
0x377: {  	[tilespmem:s4+$0xFFFFFF90] =	vst v11  }
0x378: {  	[tilespmem:s4+$0xFFFFFFE0] =	vst v6;
	v6 =	vld [tilespmem:s4+$0x30]  }
0x379: {  	[tilespmem:s4+$0xFFFFFFC0] =	vst v8;
	v5 =	vld [tilespmem:s4+$0x70]  }
0x37a: {  	v4 =	vld.idx.msk [tilespmem:v7+s0+$0x0], $0xffff  }
0x37b: {  	_ =	sdelay $0x1  }
0x37c: {  	v7 =	vld [tilespmem:s12+$0x20]  }
0x37d: {  	v10 =	vld [tilespmem:s12+$0x50]  }
0x37e: {  	v2 =	vmul.f32 v2, v4  }
0x37f: {  	v8 =	vld [tilespmem:s12+$0x60];
	v6 =	vmul.f32 v6, v4  }
0x380: {  	v9 =	vld [tilespmem:s12+$0x40];
	v3 =	vmul.f32 v3, v4;
	[tilespmem:s12+$0x0] =	vst v2  }
0x381: {  	v62 =	vmul.f32 v7, v4;
	[tilespmem:s12+$0x30] =	vst v6  }
0x382: {  	v63 =	vmul.f32 v10, v4;
	[tilespmem:s12+$0x10] =	vst v3  }
0x383: {  	v2 =	vmul.f32 v5, v4;
	[tilespmem:s12+$0x20] =	vst v62  }
0x384: {  	v3 =	vmul.f32 v8, v4;
	[tilespmem:s12+$0x50] =	vst v63  }
0x385: {  	s4 =	sshll.u32 s11, $0x7;
	[tilespmem:s12+$0x70] =	vst v2;
	v2 =	vmul.f32 v9, v4  }
0x386: {  	p1 =	seq.s32 s31, $0xB;
	s4 =	sand.u32 $0x3FFFFF80, s4;
	[tilespmem:s12+$0x60] =	vst v3  }
.Ltmp5:
0x387: {  	s4 =	sadd.s32 $0x1800, s4;
	[tilespmem:s12+$0x40] =	vst v2;
	(pc) =	sbr.rel @p1 .LBB2_15-.Ltmp5, $4  }
0x388: {  	[spmem:s3] =	stream.indirect.scatter.add.f32 [tilespmem:s30], [sflag:$0x5], $0x80, s4, s25, $0xb8;
	[tilespmem:$0x1E480] =	vst v63  }
0x389: {  	_ =	swait.ge [sflag:s17], $0x2800  }
0x38a: {  	[sflag:s17] =	ssyncset.done $0x0  }
0x38b: {  	[sflag:s17] =	ssyncadd.s32 $0xFFFFD800  }
.Ltmp6:
0x38c: {  	(pc) =	sbr.rel .LBB2_9-.Ltmp6, $3  }
0x38d: {  	_ =	sdelay $0x1  }
0x38e: {  	s4 =	sadd.s32 $0x2980, s10;
	s31 =	sadd.s32 $0x1, s31  }
0x38f: {  	[tilespmem:s30], [sflag:$0x3] =	stream.indirect.gather [hbm4b:s7+s25], $0x80, s4, s25, $0xb8;
	[tilespmem:$0x1E480] =	vst v63  }
.LBB2_15:
0x390: {  	s4 =	simm.s32 $0x0  }
0x391: {  	v2 =	vmov s4  }
0x392: {  	v2 =	vadd.s32 $0x780, v2  }
0x393: {  	v2 =	vand.u32 $0xFFFFFFFE, v2  }
0x394: {  	v3 =	vbroadcast v2, $0x0;
	_ =	sdelay $0x1  }
0x395: {  	_ =	swait.ge [sflag:s19], $0x2800  }
0x396: {  	[sflag:s19] =	ssyncset.done $0x0  }
0x397: {  	s10 =	simm.s32 $0x4880;
	[sflag:s19] =	ssyncadd.s32 $0xFFFFD800  }
0x398: {  	v6 =	vld [tilespmem:s10+$0xFFFFFFF0]  }
0x399: {  	v7 =	vld.idx.msk [tilespmem:v3+s0+$0x0], $0xffff  }
0x39a: {  	v8 =	vld [tilespmem:s10+$0xFFFFFF80]  }
0x39b: {  	v9 =	vld [tilespmem:s10+$0xFFFFFFA0]  }
0x39c: {  	v10 =	vld [tilespmem:s10+$0xFFFFFFB0]  }
0x39d: {  	v4 =	vld [tilespmem:s10+$0xFFFFFFD0]  }
0x39e: {  	v11 =	vld [tilespmem:s10+$0xFFFFFFE0];
	v6 =	vmul.f32 v6, v7  }
0x39f: {  	s31 =	simm.s32 $0x1;
	v5 =	vld [tilespmem:s10+$0xFFFFFFC0];
	v8 =	vmul.f32 v8, v7  }
0x3a0: {  	v12 =	vld [tilespmem:s10+$0xFFFFFF90];
	v9 =	vmul.f32 v9, v7;
	[tilespmem:s10+$0xFFFFFFF0] =	vst v6;
	v6 =	vmov s31  }
0x3a1: {  	v10 =	vmul.f32 v10, v7;
	[tilespmem:s10+$0xFFFFFF80] =	vst v8;
	v6 =	vadd.s32 $0x780, v6  }
0x3a2: {  	v4 =	vmul.f32 v4, v7;
	[tilespmem:s10+$0xFFFFFFA0] =	vst v9;
	v8 =	vbroadcast v6, $0x0  }
0x3a3: {  	v63 =	vmul.f32 v11, v7;
	[tilespmem:s10+$0xFFFFFFB0] =	vst v10  }
0x3a4: {  	v2 =	vld [tilespmem:s10+$0x0];
	[tilespmem:s10+$0xFFFFFFD0] =	vst v4;
	v4 =	vmul.f32 v5, v7  }
0x3a5: {  	v3 =	vld [tilespmem:s10+$0x10];
	[tilespmem:s10+$0xFFFFFFE0] =	vst v63;
	v6 =	vmul.f32 v12, v7  }
0x3a6: {  	v5 =	vld [tilespmem:s10+$0x70];
	[tilespmem:s10+$0xFFFFFFC0] =	vst v4  }
0x3a7: {  	[tilespmem:s10+$0xFFFFFF90] =	vst v6;
	v6 =	vld [tilespmem:s10+$0x50]  }
0x3a8: {  	s11 =	simm.s32 $0x2;
	s12 =	simm.s32 $0x4880;
	v4 =	vld.idx.msk [tilespmem:v8+s0+$0x0], $0xffff  }
.LBB2_16:
0x3a9: {  	p1 =	slt.u32 s11, $0x4E  }
0x3aa: {  	v7 =	vld [tilespmem:s10+$0x30];
	s12 =	sadd.s32 $0x100, s12;
	s4 =	smov.u32 s11;
	s11 =	sadd.s32 $0x2, s11  }
0x3ab: {  	v8 =	vld [tilespmem:s10+$0x20]  }
0x3ac: {  	v9 =	vld [tilespmem:s10+$0x40]  }
0x3ad: {  	v10 =	vld [tilespmem:s10+$0x60];
	_ =	sdelay $0x1  }
0x3ae: {  	v2 =	vmul.f32 v2, v4;
	v3 =	vmul.f32 v3, v4  }
0x3af: {  	v11 =	vmov s4;
	v7 =	vmul.f32 v7, v4;
	v8 =	vmul.f32 v8, v4  }
0x3b0: {  	v11 =	vadd.s32 $0x780, v11;
	v6 =	vmul.f32 v6, v4;
	[tilespmem:s10+$0x0] =	vst v2;
	v9 =	vmul.f32 v9, v4  }
0x3b1: {  	v11 =	vand.u32 $0xFFFFFFFE, v11;
	v2 =	vld [tilespmem:s12+$0x0];
	[tilespmem:s10+$0x30] =	vst v7;
	v7 =	vmul.f32 v10, v4;
	v4 =	vmul.f32 v5, v4  }
0x3b2: {  	v5 =	vbroadcast v11, $0x0;
	[tilespmem:s10+$0x40] =	vst v9  }
0x3b3: {  	v9 =	vld [tilespmem:s12+$0xFFFFFFD0];
	[tilespmem:s10+$0x50] =	vst v6  }
0x3b4: {  	v6 =	vld [tilespmem:s12+$0xFFFFFFC0];
	[tilespmem:s10+$0x20] =	vst v8  }
0x3b5: {  	v8 =	vld [tilespmem:s12+$0xFFFFFFB0];
	[tilespmem:s10+$0x70] =	vst v4  }
0x3b6: {  	v4 =	vld [tilespmem:s12+$0xFFFFFFE0];
	[tilespmem:s10+$0x10] =	vst v3  }
0x3b7: {  	v10 =	vld [tilespmem:s12+$0xFFFFFFF0];
	[tilespmem:s10+$0x60] =	vst v7;
	s10 =	smov.u32 s12  }
0x3b8: {  	v5 =	vld.idx.msk [tilespmem:v5+s0+$0x0], $0xffff  }
0x3b9: {  	v7 =	vld [tilespmem:s12+$0xFFFFFF80]  }
0x3ba: {  	v11 =	vld [tilespmem:s12+$0xFFFFFFA0]  }
0x3bb: {  	v12 =	vld [tilespmem:s12+$0xFFFFFF90]  }
0x3bc: {  	v3 =	vld [tilespmem:s12+$0x10];
	_ =	sdelay $0x1  }
0x3bd: {  	v10 =	vmul.f32 v10, v5;
	v7 =	vmul.f32 v7, v5  }
0x3be: {  	s4 =	sadd.s32 $0x1, s4;
	v4 =	vmul.f32 v4, v5;
	v11 =	vmul.f32 v11, v5  }
0x3bf: {  	v8 =	vmul.f32 v8, v5;
	v12 =	vmul.f32 v12, v5;
	[tilespmem:s12+$0xFFFFFFF0] =	vst v10;
	v10 =	vmov s4  }
0x3c0: {  	[tilespmem:s12+$0xFFFFFF80] =	vst v7;
	v7 =	vmul.f32 v6, v5;
	v5 =	vmul.f32 v9, v5;
	v6 =	vadd.s32 $0x780, v10  }
0x3c1: {  	[tilespmem:s12+$0xFFFFFFA0] =	vst v11;
	v9 =	vbroadcast v6, $0x0  }
0x3c2: {  	[tilespmem:s12+$0xFFFFFFB0] =	vst v8  }
.Ltmp7:
0x3c3: {  	[tilespmem:s12+$0xFFFFFFD0] =	vst v5;
	(pc) =	sbr.rel @p1 .LBB2_16-.Ltmp7, $4  }
0x3c4: {  	[tilespmem:s12+$0xFFFFFF90] =	vst v12  }
0x3c5: {  	[tilespmem:s12+$0xFFFFFFE0] =	vst v4;
	v6 =	vld [tilespmem:s12+$0x50]  }
0x3c6: {  	[tilespmem:s12+$0xFFFFFFC0] =	vst v7;
	v5 =	vld [tilespmem:s12+$0x70]  }
0x3c7: {  	v4 =	vld.idx.msk [tilespmem:v9+s0+$0x0], $0xffff  }
0x3c8: {  	_ =	sdelay $0x1  }
0x3c9: {  	v7 =	vld [tilespmem:s10+$0x30]  }
0x3ca: {  	v9 =	vld [tilespmem:s10+$0x20]  }
0x3cb: {  	v8 =	vld [tilespmem:s10+$0x40];
	v2 =	vmul.f32 v2, v4  }
0x3cc: {  	v10 =	vld [tilespmem:s10+$0x60];
	v6 =	vmul.f32 v6, v4  }
0x3cd: {  	v3 =	vmul.f32 v3, v4;
	[tilespmem:s10+$0x0] =	vst v2  }
0x3ce: {  	v7 =	vmul.f32 v7, v4;
	[tilespmem:s10+$0x50] =	vst v6  }
0x3cf: {  	v62 =	vmul.f32 v9, v4;
	[tilespmem:s10+$0x10] =	vst v3  }
0x3d0: {  	v2 =	vmul.f32 v8, v4;
	[tilespmem:s10+$0x30] =	vst v7  }
0x3d1: {  	v63 =	vmul.f32 v10, v4;
	[tilespmem:s10+$0x20] =	vst v62  }
0x3d2: {  	s29 =	sadd.s32 $0x1, s29;
	[tilespmem:s10+$0x40] =	vst v2;
	v2 =	vmul.f32 v5, v4  }
0x3d3: {  	p1 =	sne.s32 s29, $0x5;
	[tilespmem:s10+$0x60] =	vst v63  }
.Ltmp8:
0x3d4: {  	[tilespmem:s10+$0x70] =	vst v2;
	(pc) =	sbr.rel @p1 .LBB2_4-.Ltmp8, $4  }
0x3d5: {  	[spmem:s3] =	stream.indirect.scatter.add.f32 [tilespmem:s28], [sflag:$0x4], $0x80, s18, s25, $0xb8;
	[tilespmem:$0x1E480] =	vst v63  }
0x3d6: {  	_ =	swait.ge [sflag:s2], $0x2800  }
0x3d7: {  	[sflag:s2] =	ssyncset.done $0x0  }
0x3d8: {  	[sflag:s2] =	ssyncadd.s32 $0xFFFFD800  }
0x3d9: {  	s4 =	stileid.u32;
	[bflag:$0x0] =	sbarrier.arrive $0xFFFF  }
0x3da: {  	s4 =	sshll.u32 @!p0 s4, $0x6;
	s10 =	rddreg [dreg:$0x6]  }
0x3db: {  	s11 =	rddreg [dreg:$0x13];
	s4 =	sor.u32 @!p0 $0x1C06, s4;
	s10 =	sshrl.u32 @!p0 s10, $0x3  }
0x3dc: {  	[hbm:s11], [sflag:s4] =	dma.local @!p0 [spmem:s10], $0x3E80  }
0x3dd: {  	s4 =	simm.s32 @!p0 $0x6  }
0x3de: {  	_ =	swait.ge @!p0 [sflag:s4], $0x3E80  }
0x3df: {  	s29 =	rddreg [dreg:$0x5]  }
0x3e0: {  	s31 =	rddreg [dreg:$0x14];
	s11 =	sadd.s32 $0x1, s29  }
0x3e1: {  	p1 =	sne.s32 s11, s31  }
.Ltmp9:
0x3e2: {  	_ = 	snop;
	(pc) =	sbr.rel @p1 .LBB2_1-.Ltmp9, $3  }
0x3e3: {  	_ =	sdelay $0x1  }
0x3e4: {  	[sflag:s4] =	ssyncset.done @!p0 $0x0  }
0x3e5: {  	[sflag:s4] =	ssyncadd.s32 @!p0 $0xFFFFC180  }
0x3e6: {  	_ =	sfence.sel $0x180000  }
0x3e7: {  	[bflag:$0x0] =	sbarrier.arrive $0xFFFF  }
0x3e8: {  	_ =	strace $0x9000004A  }
0x3e9: {  	s0 =	stileid.u32;
	[bflag:$0x2] =	sbarrier.arrive $0xFFFF  }
0x3ea: {  	p0 =	sne.s32 s0, $0x0;
	s0 =	rddreg [dreg:$0x4]  }
0x3eb: {  	s0 =	sadd.s32 @!p0 $0x100000, s0  }
0x3ec: {  	[sflag:s0] =	ssyncadd.tile.s32 @!p0 $0x1;
	_ =	shalt  }
.Lfunc_end2:
_tile_overlayer_lowered:
.L_overlay_start_2:
0x3ed: {  	(tag) =	ssettag $0x2  }
0x3ee: {  	s0 =	rddreg [dreg:$0x0];
	s2 =	stileid.u32  }
0x3ef: {  	s1 =	rddreg [dreg:$0x1];
	p0 =	sne.s32 s2, $0x0  }
0x3f0: {  	s3 =	rddreg [dreg:$0x2];
	[bflag:$0x3] =	sbarrier.arrive $0xFFFF;
	s2 =	simm.s32 @!p0 $0x1C06  }
0x3f1: {  	[timem:s3], [sflag:s2] =	dma.local @!p0 [hbm:s0], s1  }
0x3f2: {  	s0 =	simm.s32 @!p0 $0x6  }
0x3f3: {  	_ =	swait.ge @!p0 [sflag:s0], s1  }
0x3f4: {  	s1 =	ssub.s32 @!p0 $0x0, s1;
	[sflag:s0] =	ssyncset.done @!p0 $0x0  }
0x3f5: {  	[sflag:s0] =	ssyncadd.s32 @!p0 s1  }
0x3f6: {  	[bflag:$0x3] =	sbarrier.arrive $0xFFFF  }
0x3f7: {  	_ =	shalt  }

</sc_bundles>
